<compile_context>
chip_gen: v7x
topology: tpu7x:2x2x1
jax: 0.10.2.dev20260603
libtpu: 0.0.44.dev20260713+nightly
codegen_flags: <defaults>
</compile_context>

<pallas_src>
import functools

import jax
import jax.numpy as jnp
from jax import lax
from jax.experimental import pallas as pl
from jax.experimental.pallas import tpu as pltpu
from jax.experimental.pallas import tpu_sc as plsc

N = 10000
NP = 10240
E = 320000
DIN = 128
H = 128
F1 = 64
G = 64
NW = 32
C = 80
K = 128
EP = NW * C * K
HC = C // 2
RPT = NP // 16
BLK = 2560
NBLK = NP // BLK

_mesh = plsc.VectorSubcoreMesh(core_axis_name="c", subcore_axis_name="s",
                               num_cores=2, num_subcores=16)


def _leaky(v):
    return jnp.where(v >= 0, v, 0.01 * v)


@functools.partial(
    pl.kernel,
    out_type=jax.ShapeDtypeStruct((2, NP, H), jnp.float32),
    mesh=_mesh,
    scratch_types=[
        pltpu.VMEM((C, K), jnp.int32),
        pltpu.VMEM((K, H), jnp.float32),
        pltpu.VMEM_SHARED((NP, H), jnp.float32),
        pltpu.SemaphoreType.DMA,
    ],
)
def _deg_kernel(dst_hbm, zeros_hbm, out_hbm, dst_v, ones_v, acc_sh, ssem):
    cid = lax.axis_index("c")
    sid = lax.axis_index("s")
    wid = sid * 2 + cid
    pltpu.sync_copy(dst_hbm.at[wid], dst_v)
    ones16 = jnp.ones((16,), jnp.float32)

    def fill(i, carry):
        def inner(j, carry2):
            ones_v[i, pl.ds(j * 16, 16)] = ones16
            return carry2
        return lax.fori_loop(0, H // 16, inner, carry)

    lax.fori_loop(0, K, fill, 0)
    r0 = sid * RPT
    pltpu.sync_copy(zeros_hbm.at[pl.ds(r0, RPT)], acc_sh.at[pl.ds(r0, RPT)])
    plsc.subcore_barrier()

    def body(i, carry):
        pltpu.async_copy(ones_v, acc_sh.at[dst_v.at[i]], ssem, add=True)
        return carry

    lax.fori_loop(0, C, body, 0)

    def drain(i, carry):
        pltpu.make_async_copy(ones_v, acc_sh.at[dst_v.at[0]], ssem).wait()
        return carry

    lax.fori_loop(0, C, drain, 0)
    plsc.subcore_barrier()
    pltpu.sync_copy(acc_sh.at[pl.ds(r0, RPT)], out_hbm.at[cid, pl.ds(r0, RPT)])


def _segs(Cn):
    out = []
    left = Cn
    while left > 0:
        s = min(48, left)
        out.append(s)
        left -= s
    return out


def _make_edge_kernel(C0, C1):
    HM = max(max(_segs(C0)), max(_segs(C1)))

    @functools.partial(
        pl.kernel,
        out_type=jax.ShapeDtypeStruct((2, NP, H), jnp.float32),
        mesh=_mesh,
        scratch_types=[
            pltpu.VMEM((HM, K), jnp.int32),
            pltpu.VMEM((HM, K), jnp.int32),
            pltpu.VMEM((2, K, H), jnp.float32),
            pltpu.VMEM_SHARED((NP, H), jnp.float32),
            [pltpu.SemaphoreType.DMA] * 2,
            [pltpu.SemaphoreType.DMA] * 2,
        ],
    )
    def edge_kernel(z_hbm, zeros_hbm, src0_hbm, dst0_hbm, src1_hbm, dst1_hbm,
                    out_hbm, src_v, dst_v, rows_v, acc_sh, gsem, ssem):
        cid = lax.axis_index("c")
        sid = lax.axis_index("s")
        r0 = sid * RPT
        pltpu.sync_copy(zeros_hbm.at[pl.ds(r0, RPT)],
                        acc_sh.at[pl.ds(r0, RPT)])
        plsc.subcore_barrier()

        def gather(j, b):
            pltpu.async_copy(z_hbm.at[src_v.at[j]], rows_v.at[b], gsem[b])

        def gwait(b):
            pltpu.make_async_copy(z_hbm.at[src_v.at[0]], rows_v.at[b],
                                  gsem[b]).wait()

        def scat(j, b):
            pltpu.async_copy(rows_v.at[b], acc_sh.at[dst_v.at[j]], ssem[b],
                             add=True)

        def swait(b):
            pltpu.make_async_copy(rows_v.at[b], acc_sh.at[dst_v.at[0]],
                                  ssem[b]).wait()

        def half(src_hbm, dst_hbm, base, HC):
            pltpu.sync_copy(src_hbm.at[sid, pl.ds(base, HC)],
                            src_v.at[pl.ds(0, HC)])
            pltpu.sync_copy(dst_hbm.at[sid, pl.ds(base, HC)],
                            dst_v.at[pl.ds(0, HC)])
            gather(0, 0)

            def body(t, carry):
                for b in range(2):
                    j = t * 2 + b
                    gwait(b)
                    scat(j, b)
                    nb = 1 - b

                    @pl.when(j + 1 < HC)
                    def _():
                        @pl.when(j >= 1)
                        def _():
                            swait(nb)
                        gather(j + 1, nb)
                return carry

            lax.fori_loop(0, HC // 2, body, 0)
            swait(0)
            swait(1)

        @pl.when(cid == 0)
        def _():
            base = 0
            for s in _segs(C0):
                half(src0_hbm, dst0_hbm, base, s)
                base += s

        @pl.when(cid == 1)
        def _():
            base = 0
            for s in _segs(C1):
                half(src1_hbm, dst1_hbm, base, s)
                base += s

        plsc.subcore_barrier()
        pltpu.sync_copy(acc_sh.at[pl.ds(r0, RPT)],
                        out_hbm.at[cid, pl.ds(r0, RPT)])

    return edge_kernel


C0 = 144
C1 = 2 * C - C0
_edge_kernel = _make_edge_kernel(C0, C1)


def _tc0_body(x_ref, w_ref, xw_ref):
    xw_ref[...] = jnp.dot(x_ref[...], w_ref[...],
                          preferred_element_type=jnp.float32)


_tc0 = pl.pallas_call(
    _tc0_body,
    grid=(NBLK,),
    in_specs=[
        pl.BlockSpec((BLK, DIN), lambda i: (i, 0)),
        pl.BlockSpec((DIN, H), lambda i: (0, 0)),
    ],
    out_specs=pl.BlockSpec((BLK, H), lambda i: (i, 0)),
    out_shape=jax.ShapeDtypeStruct((NP, H), jnp.float32),
)


def _tc1_body(xw_ref, degp_ref, z0_ref, dis_ref):
    deg = (degp_ref[0] + degp_ref[1])[:, 0:1] + 1.0
    dis = lax.rsqrt(deg)
    z0_ref[...] = dis * xw_ref[...]
    dis_ref[...] = dis


_tc1 = pl.pallas_call(
    _tc1_body,
    grid=(NBLK,),
    in_specs=[
        pl.BlockSpec((BLK, H), lambda i: (i, 0)),
        pl.BlockSpec((2, BLK, H), lambda i: (0, i, 0)),
    ],
    out_specs=[
        pl.BlockSpec((BLK, H), lambda i: (i, 0)),
        pl.BlockSpec((BLK, 1), lambda i: (i, 0)),
    ],
    out_shape=[
        jax.ShapeDtypeStruct((NP, H), jnp.float32),
        jax.ShapeDtypeStruct((NP, 1), jnp.float32),
    ],
)


def _tc2_body(p_ref, z0_ref, dis_ref, w_ref, z1_ref):
    s = p_ref[0] + p_ref[1] + z0_ref[...]
    h = _leaky(dis_ref[...] * s)
    hw = jnp.dot(h, w_ref[...],
                 preferred_element_type=jnp.float32)
    z1_ref[...] = dis_ref[...] * hw


_tc2 = pl.pallas_call(
    _tc2_body,
    grid=(NBLK,),
    in_specs=[
        pl.BlockSpec((2, BLK, H), lambda i: (0, i, 0)),
        pl.BlockSpec((BLK, H), lambda i: (i, 0)),
        pl.BlockSpec((BLK, 1), lambda i: (i, 0)),
        pl.BlockSpec((H, H), lambda i: (0, 0)),
    ],
    out_specs=pl.BlockSpec((BLK, H), lambda i: (i, 0)),
    out_shape=jax.ShapeDtypeStruct((NP, H), jnp.float32),
)


def _tc3_body(p_ref, z1_ref, dis_ref, wf1_ref, wf2_ref, batch_ref,
              out_ref, sums, cnts):
    i = pl.program_id(0)
    s = p_ref[0] + p_ref[1] + z1_ref[...]
    h = _leaky(dis_ref[...] * s)
    y1 = _leaky(jnp.dot(h, wf1_ref[...],
                        preferred_element_type=jnp.float32))
    y2 = _leaky(jnp.dot(y1, wf2_ref[...],
                        preferred_element_type=jnp.float32))
    gi = lax.broadcasted_iota(jnp.int32, (BLK, G), 1)
    mask = (batch_ref[...] == gi).astype(jnp.float32)
    dims = (((0,), (0,)), ((), ()))
    ps = lax.dot_general(mask, y2, dims,
                         preferred_element_type=jnp.float32)
    pc = lax.dot_general(mask, jnp.ones((BLK, 1), jnp.float32), dims,
                         preferred_element_type=jnp.float32)

    @pl.when(i == 0)
    def _():
        sums[...] = jnp.zeros((G, 1), jnp.float32)
        cnts[...] = jnp.zeros((G, 1), jnp.float32)

    sums[...] += ps
    cnts[...] += pc

    @pl.when(i == NBLK - 1)
    def _():
        out_ref[...] = sums[...] / jnp.maximum(cnts[...], 1.0)


_tc3 = pl.pallas_call(
    _tc3_body,
    grid=(NBLK,),
    in_specs=[
        pl.BlockSpec((2, BLK, H), lambda i: (0, i, 0)),
        pl.BlockSpec((BLK, H), lambda i: (i, 0)),
        pl.BlockSpec((BLK, 1), lambda i: (i, 0)),
        pl.BlockSpec((H, F1), lambda i: (0, 0)),
        pl.BlockSpec((F1, 1), lambda i: (0, 0)),
        pl.BlockSpec((BLK, 1), lambda i: (i, 0)),
    ],
    out_specs=pl.BlockSpec((G, 1), lambda i: (0, 0)),
    out_shape=jax.ShapeDtypeStruct((G, 1), jnp.float32),
    scratch_shapes=[
        pltpu.VMEM((G, 1), jnp.float32),
        pltpu.VMEM((G, 1), jnp.float32),
    ],
)


def kernel(x, edge_index, batch, W_gcn0, W_gcn1, W_fc1, W_fc2):
    x_pad = jnp.zeros((NP, DIN), jnp.float32).at[:N].set(x)
    pad = jnp.full((EP - E,), N, jnp.int32)
    src_f = jnp.concatenate([edge_index[0], pad]).reshape(NW * C, K)
    dst_f = jnp.concatenate([edge_index[1], pad]).reshape(NW * C, K)
    src0 = src_f[:16 * C0].reshape(16, C0, K)
    dst0 = dst_f[:16 * C0].reshape(16, C0, K)
    src1 = src_f[16 * C0:].reshape(16, C1, K)
    dst1 = dst_f[16 * C0:].reshape(16, C1, K)
    dst_p = dst_f.reshape(NW, C, K)
    batch_p = jnp.concatenate(
        [batch, jnp.full((NP - N,), G, jnp.int32)]).reshape(NP, 1)
    zeros_np = jnp.zeros((NP, H), jnp.float32)
    degp = _deg_kernel(dst_p, zeros_np)
    xw0 = _tc0(x_pad, W_gcn0)
    z0, dis = _tc1(xw0, degp)
    p1 = _edge_kernel(z0, zeros_np, src0, dst0, src1, dst1)
    z1 = _tc2(p1, z0, dis, W_gcn1)
    p2 = _edge_kernel(z1, zeros_np, src0, dst0, src1, dst1)
    return _tc3(p2, z1, dis, W_fc1, W_fc2, batch_p)

# --- scband reference (transcript-rebuilt; emitter-appended) ---
"""Pipeline reference for scband-critic-7971459301587 (READ-ONLY COPY).

The authoritative reference and input builder live on the scoring server;
editing this copy changes nothing except your own understanding.
"""

import jax, jax.numpy as jnp
import numpy as np

N = 10000
E = 320000
DIN = 128
H = 128
F1 = 64
OUT = 1
G = 64


def setup_inputs(seed: int = 0) -> dict:
    key = jax.random.key(seed)
    ks = jax.random.split(key, 8)
    x = jax.random.normal(ks[0], (N, DIN), dtype=jnp.float32)
    edge_index = jax.random.randint(ks[1], (2, E), 0, N, dtype=jnp.int32)
    batch = jnp.sort(jax.random.randint(ks[2], (N,), 0, G, dtype=jnp.int32))
    # GCNConv weights (stored as [in, out] so forward is x @ W), glorot-ish scale
    W_gcn0 = jax.random.normal(ks[3], (DIN, H), dtype=jnp.float32) * (1.0 / np.sqrt(DIN))
    W_gcn1 = jax.random.normal(ks[4], (H, H), dtype=jnp.float32) * (1.0 / np.sqrt(H))
    W_fc1 = jax.random.normal(ks[5], (H, F1), dtype=jnp.float32) * (1.0 / np.sqrt(H))
    W_fc2 = jax.random.normal(ks[6], (F1, OUT), dtype=jnp.float32) * (1.0 / np.sqrt(F1))
    return {"x": x, "edge_index": edge_index, "batch": batch,
            "W_gcn0": W_gcn0, "W_gcn1": W_gcn1, "W_fc1": W_fc1, "W_fc2": W_fc2}


def _gcn_conv(x, edge_index, W):
    # PyG GCNConv (bias=False): add self loops, symmetric deg normalization,
    # linear transform then scatter-add aggregation to dst nodes.
    n = x.shape[0]
    loop = jnp.arange(n, dtype=edge_index.dtype)
    src = jnp.concatenate([edge_index[0], loop])
    dst = jnp.concatenate([edge_index[1], loop])
    xw = x @ W
    deg = jnp.zeros((n,), dtype=x.dtype).at[dst].add(1.0)
    deg_inv_sqrt = jnp.where(deg > 0, jax.lax.rsqrt(jnp.maximum(deg, 1e-12)), 0.0)
    norm = deg_inv_sqrt[src] * deg_inv_sqrt[dst]
    out = jnp.zeros_like(xw).at[dst].add(norm[:, None] * xw[src])
    return out


def reference(x, edge_index, batch, W_gcn0, W_gcn1, W_fc1, W_fc2):
    h = jax.nn.leaky_relu(_gcn_conv(x, edge_index, W_gcn0), negative_slope=0.01)
    h = jax.nn.leaky_relu(_gcn_conv(h, edge_index, W_gcn1), negative_slope=0.01)
    y = jax.nn.leaky_relu(h @ W_fc1, negative_slope=0.01)
    y = jax.nn.leaky_relu(y @ W_fc2, negative_slope=0.01)
    # avg_pool_x(batch, y, batch): mean of node features per graph id
    sums = jax.ops.segment_sum(y, batch, num_segments=G)
    cnts = jax.ops.segment_sum(jnp.ones((y.shape[0], 1), dtype=y.dtype), batch, num_segments=G)
    value = sums / jnp.maximum(cnts, 1.0)
    return value

if __name__ == "__main__":
    import jax
    _d = setup_inputs()
    print(jax.jit(kernel)(*tuple(_d.values())))

</pallas_src>

<mosaic_0001>
#map = affine_map<(d0, d1) -> (0, 0, 0)>
#map1 = affine_map<(d0, d1) -> (0, 0)>
module attributes {stable_mosaic.version = 14 : i64} {
  func.func @_deg_kernel(%arg0: i32, %arg1: i32, %arg2: memref<32x80x128xi32, #tpu.memory_space<hbm>>, %arg3: memref<10240x128xf32, #tpu.memory_space<hbm>>, %arg4: memref<2x10240x128xf32, #tpu.memory_space<hbm>>, %arg5: memref<80x128xi32, #tpu.memory_space<vmem>>, %arg6: memref<128x128xf32, #tpu.memory_space<vmem>>, %arg7: memref<10240x128xf32, #tpu.memory_space<vmem_shared>>, %arg8: memref<!tpu.dma_semaphore, #tpu.memory_space<semaphore_mem>>) attributes {dimension_semantics = [#tpu.dimension_semantics<core_parallel>, #tpu.dimension_semantics<subcore_parallel>], iteration_bounds = array<i64: 2, 16>, scalar_prefetch = 0 : i64, scratch_operands = 4 : i64, tpu.core_type = #tpu.core_type<sc_vector_subcore>, window_params = [{transform_indices = #map}, {transform_indices = #map1}, {transform_indices = #map}]} {
    %mul3A = arith.constant 2 : i32
    %mul3A_0 = arith.muli %arg1, %mul3A : i32
    %add3A = arith.addi %mul3A_0, %arg0 : i32
    "tpu.region"() ({
      %run_scoped3A = tpu.sem_alloc : memref<!tpu.dma_semaphore, #tpu.memory_space<semaphore_mem>>
      %dma_start3A = arith.constant 0 : i32
      %dma_start3A_22 = arith.constant 0 : i32
      %dma_start3A_23 = tpu.memref_slice %arg2[%add3A, %dma_start3A, %dma_start3A_22] : memref<32x80x128xi32, #tpu.memory_space<hbm>> -> memref<1x80x128xi32, #tpu.memory_space<hbm>>
      %dma_start3A_24 = tpu.memref_squeeze %dma_start3A_23 : memref<1x80x128xi32, #tpu.memory_space<hbm>> -> memref<80x128xi32, #tpu.memory_space<hbm>>
      %dma_start3A_25 = arith.constant 0 : i32
      %dma_start3A_26 = arith.constant 0 : i32
      %dma_start3A_27 = tpu.memref_slice %arg2[%add3A, %dma_start3A_25, %dma_start3A_26] : memref<32x80x128xi32, #tpu.memory_space<hbm>> -> memref<1x80x128xi32, #tpu.memory_space<hbm>>
      %dma_start3A_28 = tpu.memref_squeeze %dma_start3A_27 : memref<1x80x128xi32, #tpu.memory_space<hbm>> -> memref<80x128xi32, #tpu.memory_space<hbm>>
      tpu.enqueue_dma source(%dma_start3A_28 : memref<80x128xi32, #tpu.memory_space<hbm>>) target(%arg5 : memref<80x128xi32, #tpu.memory_space<vmem>>) target_semaphore(%run_scoped3A : memref<!tpu.dma_semaphore, #tpu.memory_space<semaphore_mem>>)
      %dma_wait3A = arith.constant 0 : i32
      %dma_wait3A_29 = arith.constant 0 : i32
      %dma_wait3A_30 = tpu.memref_slice %arg2[%add3A, %dma_wait3A, %dma_wait3A_29] : memref<32x80x128xi32, #tpu.memory_space<hbm>> -> memref<1x80x128xi32, #tpu.memory_space<hbm>>
      %dma_wait3A_31 = tpu.memref_squeeze %dma_wait3A_30 : memref<1x80x128xi32, #tpu.memory_space<hbm>> -> memref<80x128xi32, #tpu.memory_space<hbm>>
      %dma_wait3A_32 = arith.constant 0 : i32
      %dma_wait3A_33 = arith.constant 0 : i32
      %dma_wait3A_34 = tpu.memref_slice %arg2[%add3A, %dma_wait3A_32, %dma_wait3A_33] : memref<32x80x128xi32, #tpu.memory_space<hbm>> -> memref<1x80x128xi32, #tpu.memory_space<hbm>>
      %dma_wait3A_35 = tpu.memref_squeeze %dma_wait3A_34 : memref<1x80x128xi32, #tpu.memory_space<hbm>> -> memref<80x128xi32, #tpu.memory_space<hbm>>
      tpu.wait_dma2 semaphore(%run_scoped3A : memref<!tpu.dma_semaphore, #tpu.memory_space<semaphore_mem>>) src(%dma_wait3A_35 : memref<80x128xi32, #tpu.memory_space<hbm>>) dst(%arg5 : memref<80x128xi32, #tpu.memory_space<vmem>>)
      tpu.yield
    }) : () -> ()
    %broadcast_in_dim3A = arith.constant 1.000000e+00 : f32
    %broadcast_in_dim3A_1 = vector.broadcast %broadcast_in_dim3A : f32 to vector<16xf32>
    %scan3A = arith.constant 0 : i32
    %scan3A_2 = arith.constant 0 : i32
    %scan3A_3 = arith.constant 128 : i32
    %scan3A_4 = arith.addi %scan3A_2, %scan3A_3 : i32
    %scan3A_5 = arith.constant 1 : i32
    scf.for %scan3A_22 = %scan3A_2 to %scan3A_4 step %scan3A_5  : i32 {
      %scan3A_23 = arith.constant 0 : i32
      %scan3A_24 = arith.constant 8 : i32
      %scan3A_25 = arith.addi %scan3A_23, %scan3A_24 : i32
      %scan3A_26 = arith.constant 1 : i32
      scf.for %scan3A_28 = %scan3A_23 to %scan3A_25 step %scan3A_26  : i32 {
        %mul3A_29 = arith.constant 16 : i32
        %mul3A_30 = arith.muli %scan3A_28, %mul3A_29 : i32
        %swap3A = arith.index_cast %scan3A_22 : i32 to index
        %swap3A_31 = arith.index_cast %mul3A_30 : i32 to index
        %swap3A_32 = tpu.vector_load %arg6[%swap3A, %swap3A_31] {strides = array<i32>} : memref<128x128xf32, #tpu.memory_space<vmem>>, vector<1x16xf32>,
        %swap3A_33 = vector.shape_cast %swap3A_32 : vector<1x16xf32> to vector<16xf32>
        %swap3A_34 = vector.shape_cast %broadcast_in_dim3A_1 : vector<16xf32> to vector<1x16xf32>
        tpu.vector_store %arg6[%swap3A, %swap3A_31], %swap3A_34 {strides = array<i32>} : memref<128x128xf32, #tpu.memory_space<vmem>>, vector<1x16xf32>,
      }
      %scan3A_27 = arith.constant 8 : i32
    }
    %scan3A_6 = arith.constant 128 : i32
    %mul3A_7 = arith.constant 640 : i32
    %mul3A_8 = arith.muli %arg1, %mul3A_7 : i32
    "tpu.region"() ({
      %run_scoped3A = tpu.sem_alloc : memref<!tpu.dma_semaphore, #tpu.memory_space<semaphore_mem>>
      %dma_start3A = arith.constant 0 : i32
      %dma_start3A_22 = tpu.memref_slice %arg7[%mul3A_8, %dma_start3A] : memref<10240x128xf32, #tpu.memory_space<vmem_shared>> -> memref<640x128xf32, #tpu.memory_space<vmem_shared>>
      %dma_start3A_23 = arith.constant 0 : i32
      %dma_start3A_24 = tpu.memref_slice %arg3[%mul3A_8, %dma_start3A_23] : memref<10240x128xf32, #tpu.memory_space<hbm>> -> memref<640x128xf32, #tpu.memory_space<hbm>>
      tpu.enqueue_dma source(%dma_start3A_24 : memref<640x128xf32, #tpu.memory_space<hbm>>) target(%dma_start3A_22 : memref<640x128xf32, #tpu.memory_space<vmem_shared>>) target_semaphore(%run_scoped3A : memref<!tpu.dma_semaphore, #tpu.memory_space<semaphore_mem>>)
      %dma_wait3A = arith.constant 0 : i32
      %dma_wait3A_25 = tpu.memref_slice %arg7[%mul3A_8, %dma_wait3A] : memref<10240x128xf32, #tpu.memory_space<vmem_shared>> -> memref<640x128xf32, #tpu.memory_space<vmem_shared>>
      %dma_wait3A_26 = arith.constant 0 : i32
      %dma_wait3A_27 = tpu.memref_slice %arg3[%mul3A_8, %dma_wait3A_26] : memref<10240x128xf32, #tpu.memory_space<hbm>> -> memref<640x128xf32, #tpu.memory_space<hbm>>
      tpu.wait_dma2 semaphore(%run_scoped3A : memref<!tpu.dma_semaphore, #tpu.memory_space<semaphore_mem>>) src(%dma_wait3A_27 : memref<640x128xf32, #tpu.memory_space<hbm>>) dst(%dma_wait3A_25 : memref<640x128xf32, #tpu.memory_space<vmem_shared>>)
      tpu.yield
    }) : () -> ()
    %barrier3A = arith.constant 0 : index
    tpu.barrier barrier_id(%barrier3A)
    %scan3A_9 = arith.constant 0 : i32
    %scan3A_10 = arith.constant 0 : i32
    %scan3A_11 = arith.constant 80 : i32
    %scan3A_12 = arith.addi %scan3A_10, %scan3A_11 : i32
    %scan3A_13 = arith.constant 1 : i32
    scf.for %scan3A_22 = %scan3A_10 to %scan3A_12 step %scan3A_13  : i32 {
      %dma_start3A = arith.constant 0 : i32
      %dma_start3A_23 = tpu.memref_slice %arg5[%scan3A_22, %dma_start3A] : memref<80x128xi32, #tpu.memory_space<vmem>> -> memref<1x128xi32, #tpu.memory_space<vmem>>
      %dma_start3A_24 = tpu.memref_squeeze %dma_start3A_23 : memref<1x128xi32, #tpu.memory_space<vmem>> -> memref<128xi32, #tpu.memory_space<vmem>>
      %dma_start3A_25 = arith.constant 0 : i32
      %dma_start3A_26 = arith.constant 0 : i32
      %dma_start3A_27 = tpu.memref_slice %arg7[%dma_start3A_25, %dma_start3A_26] : memref<10240x128xf32, #tpu.memory_space<vmem_shared>> -> memref<10240x128xf32, #tpu.memory_space<vmem_shared>>
      tpu.enqueue_indirect_dma source(%arg6 : memref<128x128xf32, #tpu.memory_space<vmem>>) target(%dma_start3A_27 : memref<10240x128xf32, #tpu.memory_space<vmem_shared>>) offsets(%dma_start3A_24 : memref<128xi32, #tpu.memory_space<vmem>>) semaphore(%arg8 : memref<!tpu.dma_semaphore, #tpu.memory_space<semaphore_mem>>) {add = true}
    }
    %scan3A_14 = arith.constant 80 : i32
    %scan3A_15 = arith.constant 0 : i32
    %scan3A_16 = arith.constant 0 : i32
    %scan3A_17 = arith.constant 80 : i32
    %scan3A_18 = arith.addi %scan3A_16, %scan3A_17 : i32
    %scan3A_19 = arith.constant 1 : i32
    scf.for %scan3A_22 = %scan3A_16 to %scan3A_18 step %scan3A_19  : i32 {
      %dma_wait3A = arith.constant 0 : i32
      %dma_wait3A_23 = arith.constant 0 : i32
      %dma_wait3A_24 = tpu.memref_slice %arg5[%dma_wait3A, %dma_wait3A_23] : memref<80x128xi32, #tpu.memory_space<vmem>> -> memref<1x128xi32, #tpu.memory_space<vmem>>
      %dma_wait3A_25 = tpu.memref_squeeze %dma_wait3A_24 : memref<1x128xi32, #tpu.memory_space<vmem>> -> memref<128xi32, #tpu.memory_space<vmem>>
      %dma_wait3A_26 = arith.constant 0 : i32
      %dma_wait3A_27 = arith.constant 0 : i32
      %dma_wait3A_28 = tpu.memref_slice %arg7[%dma_wait3A_26, %dma_wait3A_27] : memref<10240x128xf32, #tpu.memory_space<vmem_shared>> -> memref<10240x128xf32, #tpu.memory_space<vmem_shared>>
      tpu.wait_indirect_dma semaphore(%arg8 : memref<!tpu.dma_semaphore, #tpu.memory_space<semaphore_mem>>) src(%arg6 : memref<128x128xf32, #tpu.memory_space<vmem>>) dst(%dma_wait3A_28 : memref<10240x128xf32, #tpu.memory_space<vmem_shared>>)
    }
    %scan3A_20 = arith.constant 80 : i32
    %barrier3A_21 = arith.constant 0 : index
    tpu.barrier barrier_id(%barrier3A_21)
    "tpu.region"() ({
      %run_scoped3A = tpu.sem_alloc : memref<!tpu.dma_semaphore, #tpu.memory_space<semaphore_mem>>
      %dma_start3A = arith.constant 0 : i32
      %dma_start3A_22 = tpu.memref_slice %arg4[%arg0, %mul3A_8, %dma_start3A] : memref<2x10240x128xf32, #tpu.memory_space<hbm>> -> memref<1x640x128xf32, #tpu.memory_space<hbm>>
      %dma_start3A_23 = tpu.memref_squeeze %dma_start3A_22 : memref<1x640x128xf32, #tpu.memory_space<hbm>> -> memref<640x128xf32, #tpu.memory_space<hbm>>
      %dma_start3A_24 = arith.constant 0 : i32
      %dma_start3A_25 = tpu.memref_slice %arg7[%mul3A_8, %dma_start3A_24] : memref<10240x128xf32, #tpu.memory_space<vmem_shared>> -> memref<640x128xf32, #tpu.memory_space<vmem_shared>>
      tpu.enqueue_dma source(%dma_start3A_25 : memref<640x128xf32, #tpu.memory_space<vmem_shared>>) target(%dma_start3A_23 : memref<640x128xf32, #tpu.memory_space<hbm>>) target_semaphore(%run_scoped3A : memref<!tpu.dma_semaphore, #tpu.memory_space<semaphore_mem>>)
      %dma_wait3A = arith.constant 0 : i32
      %dma_wait3A_26 = tpu.memref_slice %arg4[%arg0, %mul3A_8, %dma_wait3A] : memref<2x10240x128xf32, #tpu.memory_space<hbm>> -> memref<1x640x128xf32, #tpu.memory_space<hbm>>
      %dma_wait3A_27 = tpu.memref_squeeze %dma_wait3A_26 : memref<1x640x128xf32, #tpu.memory_space<hbm>> -> memref<640x128xf32, #tpu.memory_space<hbm>>
      %dma_wait3A_28 = arith.constant 0 : i32
      %dma_wait3A_29 = tpu.memref_slice %arg7[%mul3A_8, %dma_wait3A_28] : memref<10240x128xf32, #tpu.memory_space<vmem_shared>> -> memref<640x128xf32, #tpu.memory_space<vmem_shared>>
      tpu.wait_dma2 semaphore(%run_scoped3A : memref<!tpu.dma_semaphore, #tpu.memory_space<semaphore_mem>>) src(%dma_wait3A_29 : memref<640x128xf32, #tpu.memory_space<vmem_shared>>) dst(%dma_wait3A_27 : memref<640x128xf32, #tpu.memory_space<hbm>>)
      tpu.yield
    }) : () -> ()
    return
  }
}

#map = affine_map<(d0, d1) -> (0, 0)>
#map1 = affine_map<(d0, d1) -> (0, 0, 0)>
module attributes {stable_mosaic.version = 14 : i64} {
  func.func @edge_kernel(%arg0: i32, %arg1: i32, %arg2: memref<10240x128xf32, #tpu.memory_space<hbm>>, %arg3: memref<10240x128xf32, #tpu.memory_space<hbm>>, %arg4: memref<16x144x128xi32, #tpu.memory_space<hbm>>, %arg5: memref<16x144x128xi32, #tpu.memory_space<hbm>>, %arg6: memref<16x16x128xi32, #tpu.memory_space<hbm>>, %arg7: memref<16x16x128xi32, #tpu.memory_space<hbm>>, %arg8: memref<2x10240x128xf32, #tpu.memory_space<hbm>>, %arg9: memref<48x128xi32, #tpu.memory_space<vmem>>, %arg10: memref<48x128xi32, #tpu.memory_space<vmem>>, %arg11: memref<2x128x128xf32, #tpu.memory_space<vmem>>, %arg12: memref<10240x128xf32, #tpu.memory_space<vmem_shared>>, %arg13: memref<!tpu.dma_semaphore, #tpu.memory_space<semaphore_mem>>, %arg14: memref<!tpu.dma_semaphore, #tpu.memory_space<semaphore_mem>>, %arg15: memref<!tpu.dma_semaphore, #tpu.memory_space<semaphore_mem>>, %arg16: memref<!tpu.dma_semaphore, #tpu.memory_space<semaphore_mem>>) attributes {dimension_semantics = [#tpu.dimension_semantics<core_parallel>, #tpu.dimension_semantics<subcore_parallel>], iteration_bounds = array<i64: 2, 16>, scalar_prefetch = 0 : i64, scratch_operands = 8 : i64, tpu.core_type = #tpu.core_type<sc_vector_subcore>, window_params = [{transform_indices = #map}, {transform_indices = #map}, {transform_indices = #map1}, {transform_indices = #map1}, {transform_indices = #map1}, {transform_indices = #map1}, {transform_indices = #map1}]} {
    %mul3A = arith.constant 640 : i32
    %mul3A_0 = arith.muli %arg1, %mul3A : i32
    "tpu.region"() ({
      %run_scoped3A = tpu.sem_alloc : memref<!tpu.dma_semaphore, #tpu.memory_space<semaphore_mem>>
      %dma_start3A = arith.constant 0 : i32
      %dma_start3A_9 = tpu.memref_slice %arg12[%mul3A_0, %dma_start3A] : memref<10240x128xf32, #tpu.memory_space<vmem_shared>> -> memref<640x128xf32, #tpu.memory_space<vmem_shared>>
      %dma_start3A_10 = arith.constant 0 : i32
      %dma_start3A_11 = tpu.memref_slice %arg3[%mul3A_0, %dma_start3A_10] : memref<10240x128xf32, #tpu.memory_space<hbm>> -> memref<640x128xf32, #tpu.memory_space<hbm>>
      tpu.enqueue_dma source(%dma_start3A_11 : memref<640x128xf32, #tpu.memory_space<hbm>>) target(%dma_start3A_9 : memref<640x128xf32, #tpu.memory_space<vmem_shared>>) target_semaphore(%run_scoped3A : memref<!tpu.dma_semaphore, #tpu.memory_space<semaphore_mem>>)
      %dma_wait3A = arith.constant 0 : i32
      %dma_wait3A_12 = tpu.memref_slice %arg12[%mul3A_0, %dma_wait3A] : memref<10240x128xf32, #tpu.memory_space<vmem_shared>> -> memref<640x128xf32, #tpu.memory_space<vmem_shared>>
      %dma_wait3A_13 = arith.constant 0 : i32
      %dma_wait3A_14 = tpu.memref_slice %arg3[%mul3A_0, %dma_wait3A_13] : memref<10240x128xf32, #tpu.memory_space<hbm>> -> memref<640x128xf32, #tpu.memory_space<hbm>>
      tpu.wait_dma2 semaphore(%run_scoped3A : memref<!tpu.dma_semaphore, #tpu.memory_space<semaphore_mem>>) src(%dma_wait3A_14 : memref<640x128xf32, #tpu.memory_space<hbm>>) dst(%dma_wait3A_12 : memref<640x128xf32, #tpu.memory_space<vmem_shared>>)
      tpu.yield
    }) : () -> ()
    %barrier3A = arith.constant 0 : index
    tpu.barrier barrier_id(%barrier3A)
    %eq3A = arith.constant 0 : i32
    %eq3A_1 = arith.cmpi eq, %arg0, %eq3A : i32
    %convert_element_type3A = arith.extui %eq3A_1 : i1 to i32
    %cond3A = arith.constant 0 : i32
    %cond3A_2 = arith.cmpi ne, %convert_element_type3A, %cond3A : i32
    scf.if %cond3A_2 {
      "tpu.region"() ({
        %run_scoped3A = tpu.sem_alloc : memref<!tpu.dma_semaphore, #tpu.memory_space<semaphore_mem>>
        %dma_start3A_132 = arith.constant 0 : i32
        %dma_start3A_133 = arith.constant 0 : i32
        %dma_start3A_134 = tpu.memref_slice %arg9[%dma_start3A_132, %dma_start3A_133] : memref<48x128xi32, #tpu.memory_space<vmem>> -> memref<48x128xi32, #tpu.memory_space<vmem>>
        %dma_start3A_135 = arith.constant 0 : i32
        %dma_start3A_136 = arith.constant 0 : i32
        %dma_start3A_137 = tpu.memref_slice %arg4[%arg1, %dma_start3A_135, %dma_start3A_136] : memref<16x144x128xi32, #tpu.memory_space<hbm>> -> memref<1x48x128xi32, #tpu.memory_space<hbm>>
        %dma_start3A_138 = tpu.memref_squeeze %dma_start3A_137 : memref<1x48x128xi32, #tpu.memory_space<hbm>> -> memref<48x128xi32, #tpu.memory_space<hbm>>
        %dma_start3A_139 = arith.constant 0 : i32
        %dma_start3A_140 = arith.constant 0 : i32
        %dma_start3A_141 = tpu.memref_slice %arg9[%dma_start3A_139, %dma_start3A_140] : memref<48x128xi32, #tpu.memory_space<vmem>> -> memref<48x128xi32, #tpu.memory_space<vmem>>
        %dma_start3A_142 = arith.constant 0 : i32
        %dma_start3A_143 = arith.constant 0 : i32
        %dma_start3A_144 = tpu.memref_slice %arg4[%arg1, %dma_start3A_142, %dma_start3A_143] : memref<16x144x128xi32, #tpu.memory_space<hbm>> -> memref<1x48x128xi32, #tpu.memory_space<hbm>>
        %dma_start3A_145 = tpu.memref_squeeze %dma_start3A_144 : memref<1x48x128xi32, #tpu.memory_space<hbm>> -> memref<48x128xi32, #tpu.memory_space<hbm>>
        tpu.enqueue_dma source(%dma_start3A_145 : memref<48x128xi32, #tpu.memory_space<hbm>>) target(%dma_start3A_141 : memref<48x128xi32, #tpu.memory_space<vmem>>) target_semaphore(%run_scoped3A : memref<!tpu.dma_semaphore, #tpu.memory_space<semaphore_mem>>)
        %dma_wait3A_146 = arith.constant 0 : i32
        %dma_wait3A_147 = arith.constant 0 : i32
        %dma_wait3A_148 = tpu.memref_slice %arg9[%dma_wait3A_146, %dma_wait3A_147] : memref<48x128xi32, #tpu.memory_space<vmem>> -> memref<48x128xi32, #tpu.memory_space<vmem>>
        %dma_wait3A_149 = arith.constant 0 : i32
        %dma_wait3A_150 = arith.constant 0 : i32
        %dma_wait3A_151 = tpu.memref_slice %arg4[%arg1, %dma_wait3A_149, %dma_wait3A_150] : memref<16x144x128xi32, #tpu.memory_space<hbm>> -> memref<1x48x128xi32, #tpu.memory_space<hbm>>
        %dma_wait3A_152 = tpu.memref_squeeze %dma_wait3A_151 : memref<1x48x128xi32, #tpu.memory_space<hbm>> -> memref<48x128xi32, #tpu.memory_space<hbm>>
        %dma_wait3A_153 = arith.constant 0 : i32
        %dma_wait3A_154 = arith.constant 0 : i32
        %dma_wait3A_155 = tpu.memref_slice %arg9[%dma_wait3A_153, %dma_wait3A_154] : memref<48x128xi32, #tpu.memory_space<vmem>> -> memref<48x128xi32, #tpu.memory_space<vmem>>
        %dma_wait3A_156 = arith.constant 0 : i32
        %dma_wait3A_157 = arith.constant 0 : i32
        %dma_wait3A_158 = tpu.memref_slice %arg4[%arg1, %dma_wait3A_156, %dma_wait3A_157] : memref<16x144x128xi32, #tpu.memory_space<hbm>> -> memref<1x48x128xi32, #tpu.memory_space<hbm>>
        %dma_wait3A_159 = tpu.memref_squeeze %dma_wait3A_158 : memref<1x48x128xi32, #tpu.memory_space<hbm>> -> memref<48x128xi32, #tpu.memory_space<hbm>>
        tpu.wait_dma2 semaphore(%run_scoped3A : memref<!tpu.dma_semaphore, #tpu.memory_space<semaphore_mem>>) src(%dma_wait3A_159 : memref<48x128xi32, #tpu.memory_space<hbm>>) dst(%dma_wait3A_155 : memref<48x128xi32, #tpu.memory_space<vmem>>)
        tpu.yield
      }) : () -> ()
      "tpu.region"() ({
        %run_scoped3A = tpu.sem_alloc : memref<!tpu.dma_semaphore, #tpu.memory_space<semaphore_mem>>
        %dma_start3A_132 = arith.constant 0 : i32
        %dma_start3A_133 = arith.constant 0 : i32
        %dma_start3A_134 = tpu.memref_slice %arg10[%dma_start3A_132, %dma_start3A_133] : memref<48x128xi32, #tpu.memory_space<vmem>> -> memref<48x128xi32, #tpu.memory_space<vmem>>
        %dma_start3A_135 = arith.constant 0 : i32
        %dma_start3A_136 = arith.constant 0 : i32
        %dma_start3A_137 = tpu.memref_slice %arg5[%arg1, %dma_start3A_135, %dma_start3A_136] : memref<16x144x128xi32, #tpu.memory_space<hbm>> -> memref<1x48x128xi32, #tpu.memory_space<hbm>>
        %dma_start3A_138 = tpu.memref_squeeze %dma_start3A_137 : memref<1x48x128xi32, #tpu.memory_space<hbm>> -> memref<48x128xi32, #tpu.memory_space<hbm>>
        %dma_start3A_139 = arith.constant 0 : i32
        %dma_start3A_140 = arith.constant 0 : i32
        %dma_start3A_141 = tpu.memref_slice %arg10[%dma_start3A_139, %dma_start3A_140] : memref<48x128xi32, #tpu.memory_space<vmem>> -> memref<48x128xi32, #tpu.memory_space<vmem>>
        %dma_start3A_142 = arith.constant 0 : i32
        %dma_start3A_143 = arith.constant 0 : i32
        %dma_start3A_144 = tpu.memref_slice %arg5[%arg1, %dma_start3A_142, %dma_start3A_143] : memref<16x144x128xi32, #tpu.memory_space<hbm>> -> memref<1x48x128xi32, #tpu.memory_space<hbm>>
        %dma_start3A_145 = tpu.memref_squeeze %dma_start3A_144 : memref<1x48x128xi32, #tpu.memory_space<hbm>> -> memref<48x128xi32, #tpu.memory_space<hbm>>
        tpu.enqueue_dma source(%dma_start3A_145 : memref<48x128xi32, #tpu.memory_space<hbm>>) target(%dma_start3A_141 : memref<48x128xi32, #tpu.memory_space<vmem>>) target_semaphore(%run_scoped3A : memref<!tpu.dma_semaphore, #tpu.memory_space<semaphore_mem>>)
        %dma_wait3A_146 = arith.constant 0 : i32
        %dma_wait3A_147 = arith.constant 0 : i32
        %dma_wait3A_148 = tpu.memref_slice %arg10[%dma_wait3A_146, %dma_wait3A_147] : memref<48x128xi32, #tpu.memory_space<vmem>> -> memref<48x128xi32, #tpu.memory_space<vmem>>
        %dma_wait3A_149 = arith.constant 0 : i32
        %dma_wait3A_150 = arith.constant 0 : i32
        %dma_wait3A_151 = tpu.memref_slice %arg5[%arg1, %dma_wait3A_149, %dma_wait3A_150] : memref<16x144x128xi32, #tpu.memory_space<hbm>> -> memref<1x48x128xi32, #tpu.memory_space<hbm>>
        %dma_wait3A_152 = tpu.memref_squeeze %dma_wait3A_151 : memref<1x48x128xi32, #tpu.memory_space<hbm>> -> memref<48x128xi32, #tpu.memory_space<hbm>>
        %dma_wait3A_153 = arith.constant 0 : i32
        %dma_wait3A_154 = arith.constant 0 : i32
        %dma_wait3A_155 = tpu.memref_slice %arg10[%dma_wait3A_153, %dma_wait3A_154] : memref<48x128xi32, #tpu.memory_space<vmem>> -> memref<48x128xi32, #tpu.memory_space<vmem>>
        %dma_wait3A_156 = arith.constant 0 : i32
        %dma_wait3A_157 = arith.constant 0 : i32
        %dma_wait3A_158 = tpu.memref_slice %arg5[%arg1, %dma_wait3A_156, %dma_wait3A_157] : memref<16x144x128xi32, #tpu.memory_space<hbm>> -> memref<1x48x128xi32, #tpu.memory_space<hbm>>
        %dma_wait3A_159 = tpu.memref_squeeze %dma_wait3A_158 : memref<1x48x128xi32, #tpu.memory_space<hbm>> -> memref<48x128xi32, #tpu.memory_space<hbm>>
        tpu.wait_dma2 semaphore(%run_scoped3A : memref<!tpu.dma_semaphore, #tpu.memory_space<semaphore_mem>>) src(%dma_wait3A_159 : memref<48x128xi32, #tpu.memory_space<hbm>>) dst(%dma_wait3A_155 : memref<48x128xi32, #tpu.memory_space<vmem>>)
        tpu.yield
      }) : () -> ()
      %dma_start3A = arith.constant 0 : i32
      %dma_start3A_9 = arith.constant 0 : i32
      %dma_start3A_10 = arith.constant 0 : i32
      %dma_start3A_11 = arith.constant 0 : i32
      %dma_start3A_12 = tpu.memref_slice %arg11[%dma_start3A_9, %dma_start3A_10, %dma_start3A_11] : memref<2x128x128xf32, #tpu.memory_space<vmem>> -> memref<1x128x128xf32, #tpu.memory_space<vmem>>
      %dma_start3A_13 = tpu.memref_squeeze %dma_start3A_12 : memref<1x128x128xf32, #tpu.memory_space<vmem>> -> memref<128x128xf32, #tpu.memory_space<vmem>>
      %dma_start3A_14 = arith.constant 0 : i32
      %dma_start3A_15 = tpu.memref_slice %arg9[%dma_start3A, %dma_start3A_14] : memref<48x128xi32, #tpu.memory_space<vmem>> -> memref<1x128xi32, #tpu.memory_space<vmem>>
      %dma_start3A_16 = tpu.memref_squeeze %dma_start3A_15 : memref<1x128xi32, #tpu.memory_space<vmem>> -> memref<128xi32, #tpu.memory_space<vmem>>
      %dma_start3A_17 = arith.constant 0 : i32
      %dma_start3A_18 = arith.constant 0 : i32
      %dma_start3A_19 = tpu.memref_slice %arg2[%dma_start3A_17, %dma_start3A_18] : memref<10240x128xf32, #tpu.memory_space<hbm>> -> memref<10240x128xf32, #tpu.memory_space<hbm>>
      tpu.enqueue_indirect_dma source(%dma_start3A_19 : memref<10240x128xf32, #tpu.memory_space<hbm>>) target(%dma_start3A_13 : memref<128x128xf32, #tpu.memory_space<vmem>>) offsets(%dma_start3A_16 : memref<128xi32, #tpu.memory_space<vmem>>) semaphore(%arg13 : memref<!tpu.dma_semaphore, #tpu.memory_space<semaphore_mem>>)
      %scan3A = arith.constant 0 : i32
      %scan3A_20 = arith.constant 0 : i32
      %scan3A_21 = arith.constant 24 : i32
      %scan3A_22 = arith.addi %scan3A_20, %scan3A_21 : i32
      %scan3A_23 = arith.constant 1 : i32
      scf.for %scan3A_132 = %scan3A_20 to %scan3A_22 step %scan3A_23  : i32 {
        %mul3A_133 = arith.constant 2 : i32
        %mul3A_134 = arith.muli %scan3A_132, %mul3A_133 : i32
        %add3A = arith.constant 0 : i32
        %add3A_135 = arith.addi %mul3A_134, %add3A : i32
        %dma_wait3A_136 = arith.constant 0 : i32
        %dma_wait3A_137 = arith.constant 0 : i32
        %dma_wait3A_138 = arith.constant 0 : i32
        %dma_wait3A_139 = arith.constant 0 : i32
        %dma_wait3A_140 = tpu.memref_slice %arg11[%dma_wait3A_137, %dma_wait3A_138, %dma_wait3A_139] : memref<2x128x128xf32, #tpu.memory_space<vmem>> -> memref<1x128x128xf32, #tpu.memory_space<vmem>>
        %dma_wait3A_141 = tpu.memref_squeeze %dma_wait3A_140 : memref<1x128x128xf32, #tpu.memory_space<vmem>> -> memref<128x128xf32, #tpu.memory_space<vmem>>
        %dma_wait3A_142 = arith.constant 0 : i32
        %dma_wait3A_143 = tpu.memref_slice %arg9[%dma_wait3A_136, %dma_wait3A_142] : memref<48x128xi32, #tpu.memory_space<vmem>> -> memref<1x128xi32, #tpu.memory_space<vmem>>
        %dma_wait3A_144 = tpu.memref_squeeze %dma_wait3A_143 : memref<1x128xi32, #tpu.memory_space<vmem>> -> memref<128xi32, #tpu.memory_space<vmem>>
        %dma_wait3A_145 = arith.constant 0 : i32
        %dma_wait3A_146 = arith.constant 0 : i32
        %dma_wait3A_147 = tpu.memref_slice %arg2[%dma_wait3A_145, %dma_wait3A_146] : memref<10240x128xf32, #tpu.memory_space<hbm>> -> memref<10240x128xf32, #tpu.memory_space<hbm>>
        tpu.wait_indirect_dma semaphore(%arg13 : memref<!tpu.dma_semaphore, #tpu.memory_space<semaphore_mem>>) src(%dma_wait3A_147 : memref<10240x128xf32, #tpu.memory_space<hbm>>) dst(%dma_wait3A_141 : memref<128x128xf32, #tpu.memory_space<vmem>>)
        %dma_start3A_148 = arith.constant 0 : i32
        %dma_start3A_149 = arith.constant 0 : i32
        %dma_start3A_150 = arith.constant 0 : i32
        %dma_start3A_151 = tpu.memref_slice %arg11[%dma_start3A_148, %dma_start3A_149, %dma_start3A_150] : memref<2x128x128xf32, #tpu.memory_space<vmem>> -> memref<1x128x128xf32, #tpu.memory_space<vmem>>
        %dma_start3A_152 = tpu.memref_squeeze %dma_start3A_151 : memref<1x128x128xf32, #tpu.memory_space<vmem>> -> memref<128x128xf32, #tpu.memory_space<vmem>>
        %dma_start3A_153 = arith.constant 0 : i32
        %dma_start3A_154 = tpu.memref_slice %arg10[%add3A_135, %dma_start3A_153] : memref<48x128xi32, #tpu.memory_space<vmem>> -> memref<1x128xi32, #tpu.memory_space<vmem>>
        %dma_start3A_155 = tpu.memref_squeeze %dma_start3A_154 : memref<1x128xi32, #tpu.memory_space<vmem>> -> memref<128xi32, #tpu.memory_space<vmem>>
        %dma_start3A_156 = arith.constant 0 : i32
        %dma_start3A_157 = arith.constant 0 : i32
        %dma_start3A_158 = tpu.memref_slice %arg12[%dma_start3A_156, %dma_start3A_157] : memref<10240x128xf32, #tpu.memory_space<vmem_shared>> -> memref<10240x128xf32, #tpu.memory_space<vmem_shared>>
        tpu.enqueue_indirect_dma source(%dma_start3A_152 : memref<128x128xf32, #tpu.memory_space<vmem>>) target(%dma_start3A_158 : memref<10240x128xf32, #tpu.memory_space<vmem_shared>>) offsets(%dma_start3A_155 : memref<128xi32, #tpu.memory_space<vmem>>) semaphore(%arg15 : memref<!tpu.dma_semaphore, #tpu.memory_space<semaphore_mem>>) {add = true}
        %add3A_159 = arith.constant 1 : i32
        %add3A_160 = arith.addi %add3A_135, %add3A_159 : i32
        %lt3A = arith.constant 48 : i32
        %lt3A_161 = arith.cmpi slt, %add3A_160, %lt3A : i32
        %convert_element_type3A_162 = arith.extui %lt3A_161 : i1 to i32
        %cond3A_163 = arith.constant 0 : i32
        %cond3A_164 = arith.cmpi ne, %convert_element_type3A_162, %cond3A_163 : i32
        scf.if %cond3A_164 {
          %ge3A = arith.constant 1 : i32
          %ge3A_199 = arith.cmpi sge, %add3A_135, %ge3A : i32
          %convert_element_type3A_200 = arith.extui %ge3A_199 : i1 to i32
          %cond3A_201 = arith.constant 0 : i32
          %cond3A_202 = arith.cmpi ne, %convert_element_type3A_200, %cond3A_201 : i32
          scf.if %cond3A_202 {
            %dma_wait3A_216 = arith.constant 1 : i32
            %dma_wait3A_217 = arith.constant 0 : i32
            %dma_wait3A_218 = arith.constant 0 : i32
            %dma_wait3A_219 = arith.constant 0 : i32
            %dma_wait3A_220 = tpu.memref_slice %arg11[%dma_wait3A_216, %dma_wait3A_218, %dma_wait3A_219] : memref<2x128x128xf32, #tpu.memory_space<vmem>> -> memref<1x128x128xf32, #tpu.memory_space<vmem>>
            %dma_wait3A_221 = tpu.memref_squeeze %dma_wait3A_220 : memref<1x128x128xf32, #tpu.memory_space<vmem>> -> memref<128x128xf32, #tpu.memory_space<vmem>>
            %dma_wait3A_222 = arith.constant 0 : i32
            %dma_wait3A_223 = tpu.memref_slice %arg10[%dma_wait3A_217, %dma_wait3A_222] : memref<48x128xi32, #tpu.memory_space<vmem>> -> memref<1x128xi32, #tpu.memory_space<vmem>>
            %dma_wait3A_224 = tpu.memref_squeeze %dma_wait3A_223 : memref<1x128xi32, #tpu.memory_space<vmem>> -> memref<128xi32, #tpu.memory_space<vmem>>
            %dma_wait3A_225 = arith.constant 0 : i32
            %dma_wait3A_226 = arith.constant 0 : i32
            %dma_wait3A_227 = tpu.memref_slice %arg12[%dma_wait3A_225, %dma_wait3A_226] : memref<10240x128xf32, #tpu.memory_space<vmem_shared>> -> memref<10240x128xf32, #tpu.memory_space<vmem_shared>>
            tpu.wait_indirect_dma semaphore(%arg16 : memref<!tpu.dma_semaphore, #tpu.memory_space<semaphore_mem>>) src(%dma_wait3A_221 : memref<128x128xf32, #tpu.memory_space<vmem>>) dst(%dma_wait3A_227 : memref<10240x128xf32, #tpu.memory_space<vmem_shared>>)
          } else {
          }
          %add3A_203 = arith.constant 1 : i32
          %add3A_204 = arith.addi %add3A_135, %add3A_203 : i32
          %dma_start3A_205 = arith.constant 1 : i32
          %dma_start3A_206 = arith.constant 0 : i32
          %dma_start3A_207 = arith.constant 0 : i32
          %dma_start3A_208 = tpu.memref_slice %arg11[%dma_start3A_205, %dma_start3A_206, %dma_start3A_207] : memref<2x128x128xf32, #tpu.memory_space<vmem>> -> memref<1x128x128xf32, #tpu.memory_space<vmem>>
          %dma_start3A_209 = tpu.memref_squeeze %dma_start3A_208 : memref<1x128x128xf32, #tpu.memory_space<vmem>> -> memref<128x128xf32, #tpu.memory_space<vmem>>
          %dma_start3A_210 = arith.constant 0 : i32
          %dma_start3A_211 = tpu.memref_slice %arg9[%add3A_204, %dma_start3A_210] : memref<48x128xi32, #tpu.memory_space<vmem>> -> memref<1x128xi32, #tpu.memory_space<vmem>>
          %dma_start3A_212 = tpu.memref_squeeze %dma_start3A_211 : memref<1x128xi32, #tpu.memory_space<vmem>> -> memref<128xi32, #tpu.memory_space<vmem>>
          %dma_start3A_213 = arith.constant 0 : i32
          %dma_start3A_214 = arith.constant 0 : i32
          %dma_start3A_215 = tpu.memref_slice %arg2[%dma_start3A_213, %dma_start3A_214] : memref<10240x128xf32, #tpu.memory_space<hbm>> -> memref<10240x128xf32, #tpu.memory_space<hbm>>
          tpu.enqueue_indirect_dma source(%dma_start3A_215 : memref<10240x128xf32, #tpu.memory_space<hbm>>) target(%dma_start3A_209 : memref<128x128xf32, #tpu.memory_space<vmem>>) offsets(%dma_start3A_212 : memref<128xi32, #tpu.memory_space<vmem>>) semaphore(%arg14 : memref<!tpu.dma_semaphore, #tpu.memory_space<semaphore_mem>>)
        } else {
        }
        %mul3A_165 = arith.constant 2 : i32
        %mul3A_166 = arith.muli %scan3A_132, %mul3A_165 : i32
        %add3A_167 = arith.constant 1 : i32
        %add3A_168 = arith.addi %mul3A_166, %add3A_167 : i32
        %dma_wait3A_169 = arith.constant 0 : i32
        %dma_wait3A_170 = arith.constant 1 : i32
        %dma_wait3A_171 = arith.constant 0 : i32
        %dma_wait3A_172 = arith.constant 0 : i32
        %dma_wait3A_173 = tpu.memref_slice %arg11[%dma_wait3A_170, %dma_wait3A_171, %dma_wait3A_172] : memref<2x128x128xf32, #tpu.memory_space<vmem>> -> memref<1x128x128xf32, #tpu.memory_space<vmem>>
        %dma_wait3A_174 = tpu.memref_squeeze %dma_wait3A_173 : memref<1x128x128xf32, #tpu.memory_space<vmem>> -> memref<128x128xf32, #tpu.memory_space<vmem>>
        %dma_wait3A_175 = arith.constant 0 : i32
        %dma_wait3A_176 = tpu.memref_slice %arg9[%dma_wait3A_169, %dma_wait3A_175] : memref<48x128xi32, #tpu.memory_space<vmem>> -> memref<1x128xi32, #tpu.memory_space<vmem>>
        %dma_wait3A_177 = tpu.memref_squeeze %dma_wait3A_176 : memref<1x128xi32, #tpu.memory_space<vmem>> -> memref<128xi32, #tpu.memory_space<vmem>>
        %dma_wait3A_178 = arith.constant 0 : i32
        %dma_wait3A_179 = arith.constant 0 : i32
        %dma_wait3A_180 = tpu.memref_slice %arg2[%dma_wait3A_178, %dma_wait3A_179] : memref<10240x128xf32, #tpu.memory_space<hbm>> -> memref<10240x128xf32, #tpu.memory_space<hbm>>
        tpu.wait_indirect_dma semaphore(%arg14 : memref<!tpu.dma_semaphore, #tpu.memory_space<semaphore_mem>>) src(%dma_wait3A_180 : memref<10240x128xf32, #tpu.memory_space<hbm>>) dst(%dma_wait3A_174 : memref<128x128xf32, #tpu.memory_space<vmem>>)
        %dma_start3A_181 = arith.constant 1 : i32
        %dma_start3A_182 = arith.constant 0 : i32
        %dma_start3A_183 = arith.constant 0 : i32
        %dma_start3A_184 = tpu.memref_slice %arg11[%dma_start3A_181, %dma_start3A_182, %dma_start3A_183] : memref<2x128x128xf32, #tpu.memory_space<vmem>> -> memref<1x128x128xf32, #tpu.memory_space<vmem>>
        %dma_start3A_185 = tpu.memref_squeeze %dma_start3A_184 : memref<1x128x128xf32, #tpu.memory_space<vmem>> -> memref<128x128xf32, #tpu.memory_space<vmem>>
        %dma_start3A_186 = arith.constant 0 : i32
        %dma_start3A_187 = tpu.memref_slice %arg10[%add3A_168, %dma_start3A_186] : memref<48x128xi32, #tpu.memory_space<vmem>> -> memref<1x128xi32, #tpu.memory_space<vmem>>
        %dma_start3A_188 = tpu.memref_squeeze %dma_start3A_187 : memref<1x128xi32, #tpu.memory_space<vmem>> -> memref<128xi32, #tpu.memory_space<vmem>>
        %dma_start3A_189 = arith.constant 0 : i32
        %dma_start3A_190 = arith.constant 0 : i32
        %dma_start3A_191 = tpu.memref_slice %arg12[%dma_start3A_189, %dma_start3A_190] : memref<10240x128xf32, #tpu.memory_space<vmem_shared>> -> memref<10240x128xf32, #tpu.memory_space<vmem_shared>>
        tpu.enqueue_indirect_dma source(%dma_start3A_185 : memref<128x128xf32, #tpu.memory_space<vmem>>) target(%dma_start3A_191 : memref<10240x128xf32, #tpu.memory_space<vmem_shared>>) offsets(%dma_start3A_188 : memref<128xi32, #tpu.memory_space<vmem>>) semaphore(%arg16 : memref<!tpu.dma_semaphore, #tpu.memory_space<semaphore_mem>>) {add = true}
        %add3A_192 = arith.constant 1 : i32
        %add3A_193 = arith.addi %add3A_168, %add3A_192 : i32
        %lt3A_194 = arith.constant 48 : i32
        %lt3A_195 = arith.cmpi slt, %add3A_193, %lt3A_194 : i32
        %convert_element_type3A_196 = arith.extui %lt3A_195 : i1 to i32
        %cond3A_197 = arith.constant 0 : i32
        %cond3A_198 = arith.cmpi ne, %convert_element_type3A_196, %cond3A_197 : i32
        scf.if %cond3A_198 {
          %ge3A = arith.constant 1 : i32
          %ge3A_199 = arith.cmpi sge, %add3A_168, %ge3A : i32
          %convert_element_type3A_200 = arith.extui %ge3A_199 : i1 to i32
          %cond3A_201 = arith.constant 0 : i32
          %cond3A_202 = arith.cmpi ne, %convert_element_type3A_200, %cond3A_201 : i32
          scf.if %cond3A_202 {
            %dma_wait3A_216 = arith.constant 0 : i32
            %dma_wait3A_217 = arith.constant 0 : i32
            %dma_wait3A_218 = arith.constant 0 : i32
            %dma_wait3A_219 = arith.constant 0 : i32
            %dma_wait3A_220 = tpu.memref_slice %arg11[%dma_wait3A_216, %dma_wait3A_218, %dma_wait3A_219] : memref<2x128x128xf32, #tpu.memory_space<vmem>> -> memref<1x128x128xf32, #tpu.memory_space<vmem>>
            %dma_wait3A_221 = tpu.memref_squeeze %dma_wait3A_220 : memref<1x128x128xf32, #tpu.memory_space<vmem>> -> memref<128x128xf32, #tpu.memory_space<vmem>>
            %dma_wait3A_222 = arith.constant 0 : i32
            %dma_wait3A_223 = tpu.memref_slice %arg10[%dma_wait3A_217, %dma_wait3A_222] : memref<48x128xi32, #tpu.memory_space<vmem>> -> memref<1x128xi32, #tpu.memory_space<vmem>>
            %dma_wait3A_224 = tpu.memref_squeeze %dma_wait3A_223 : memref<1x128xi32, #tpu.memory_space<vmem>> -> memref<128xi32, #tpu.memory_space<vmem>>
            %dma_wait3A_225 = arith.constant 0 : i32
            %dma_wait3A_226 = arith.constant 0 : i32
            %dma_wait3A_227 = tpu.memref_slice %arg12[%dma_wait3A_225, %dma_wait3A_226] : memref<10240x128xf32, #tpu.memory_space<vmem_shared>> -> memref<10240x128xf32, #tpu.memory_space<vmem_shared>>
            tpu.wait_indirect_dma semaphore(%arg15 : memref<!tpu.dma_semaphore, #tpu.memory_space<semaphore_mem>>) src(%dma_wait3A_221 : memref<128x128xf32, #tpu.memory_space<vmem>>) dst(%dma_wait3A_227 : memref<10240x128xf32, #tpu.memory_space<vmem_shared>>)
          } else {
          }
          %add3A_203 = arith.constant 1 : i32
          %add3A_204 = arith.addi %add3A_168, %add3A_203 : i32
          %dma_start3A_205 = arith.constant 0 : i32
          %dma_start3A_206 = arith.constant 0 : i32
          %dma_start3A_207 = arith.constant 0 : i32
          %dma_start3A_208 = tpu.memref_slice %arg11[%dma_start3A_205, %dma_start3A_206, %dma_start3A_207] : memref<2x128x128xf32, #tpu.memory_space<vmem>> -> memref<1x128x128xf32, #tpu.memory_space<vmem>>
          %dma_start3A_209 = tpu.memref_squeeze %dma_start3A_208 : memref<1x128x128xf32, #tpu.memory_space<vmem>> -> memref<128x128xf32, #tpu.memory_space<vmem>>
          %dma_start3A_210 = arith.constant 0 : i32
          %dma_start3A_211 = tpu.memref_slice %arg9[%add3A_204, %dma_start3A_210] : memref<48x128xi32, #tpu.memory_space<vmem>> -> memref<1x128xi32, #tpu.memory_space<vmem>>
          %dma_start3A_212 = tpu.memref_squeeze %dma_start3A_211 : memref<1x128xi32, #tpu.memory_space<vmem>> -> memref<128xi32, #tpu.memory_space<vmem>>
          %dma_start3A_213 = arith.constant 0 : i32
          %dma_start3A_214 = arith.constant 0 : i32
          %dma_start3A_215 = tpu.memref_slice %arg2[%dma_start3A_213, %dma_start3A_214] : memref<10240x128xf32, #tpu.memory_space<hbm>> -> memref<10240x128xf32, #tpu.memory_space<hbm>>
          tpu.enqueue_indirect_dma source(%dma_start3A_215 : memref<10240x128xf32, #tpu.memory_space<hbm>>) target(%dma_start3A_209 : memref<128x128xf32, #tpu.memory_space<vmem>>) offsets(%dma_start3A_212 : memref<128xi32, #tpu.memory_space<vmem>>) semaphore(%arg13 : memref<!tpu.dma_semaphore, #tpu.memory_space<semaphore_mem>>)
        } else {
        }
      }
      %scan3A_24 = arith.constant 24 : i32
      %dma_wait3A = arith.constant 0 : i32
      %dma_wait3A_25 = arith.constant 0 : i32
      %dma_wait3A_26 = arith.constant 0 : i32
      %dma_wait3A_27 = arith.constant 0 : i32
      %dma_wait3A_28 = tpu.memref_slice %arg11[%dma_wait3A, %dma_wait3A_26, %dma_wait3A_27] : memref<2x128x128xf32, #tpu.memory_space<vmem>> -> memref<1x128x128xf32, #tpu.memory_space<vmem>>
      %dma_wait3A_29 = tpu.memref_squeeze %dma_wait3A_28 : memref<1x128x128xf32, #tpu.memory_space<vmem>> -> memref<128x128xf32, #tpu.memory_space<vmem>>
      %dma_wait3A_30 = arith.constant 0 : i32
      %dma_wait3A_31 = tpu.memref_slice %arg10[%dma_wait3A_25, %dma_wait3A_30] : memref<48x128xi32, #tpu.memory_space<vmem>> -> memref<1x128xi32, #tpu.memory_space<vmem>>
      %dma_wait3A_32 = tpu.memref_squeeze %dma_wait3A_31 : memref<1x128xi32, #tpu.memory_space<vmem>> -> memref<128xi32, #tpu.memory_space<vmem>>
      %dma_wait3A_33 = arith.constant 0 : i32
      %dma_wait3A_34 = arith.constant 0 : i32
      %dma_wait3A_35 = tpu.memref_slice %arg12[%dma_wait3A_33, %dma_wait3A_34] : memref<10240x128xf32, #tpu.memory_space<vmem_shared>> -> memref<10240x128xf32, #tpu.memory_space<vmem_shared>>
      tpu.wait_indirect_dma semaphore(%arg15 : memref<!tpu.dma_semaphore, #tpu.memory_space<semaphore_mem>>) src(%dma_wait3A_29 : memref<128x128xf32, #tpu.memory_space<vmem>>) dst(%dma_wait3A_35 : memref<10240x128xf32, #tpu.memory_space<vmem_shared>>)
      %dma_wait3A_36 = arith.constant 1 : i32
      %dma_wait3A_37 = arith.constant 0 : i32
      %dma_wait3A_38 = arith.constant 0 : i32
      %dma_wait3A_39 = arith.constant 0 : i32
      %dma_wait3A_40 = tpu.memref_slice %arg11[%dma_wait3A_36, %dma_wait3A_38, %dma_wait3A_39] : memref<2x128x128xf32, #tpu.memory_space<vmem>> -> memref<1x128x128xf32, #tpu.memory_space<vmem>>
      %dma_wait3A_41 = tpu.memref_squeeze %dma_wait3A_40 : memref<1x128x128xf32, #tpu.memory_space<vmem>> -> memref<128x128xf32, #tpu.memory_space<vmem>>
      %dma_wait3A_42 = arith.constant 0 : i32
      %dma_wait3A_43 = tpu.memref_slice %arg10[%dma_wait3A_37, %dma_wait3A_42] : memref<48x128xi32, #tpu.memory_space<vmem>> -> memref<1x128xi32, #tpu.memory_space<vmem>>
      %dma_wait3A_44 = tpu.memref_squeeze %dma_wait3A_43 : memref<1x128xi32, #tpu.memory_space<vmem>> -> memref<128xi32, #tpu.memory_space<vmem>>
      %dma_wait3A_45 = arith.constant 0 : i32
      %dma_wait3A_46 = arith.constant 0 : i32
      %dma_wait3A_47 = tpu.memref_slice %arg12[%dma_wait3A_45, %dma_wait3A_46] : memref<10240x128xf32, #tpu.memory_space<vmem_shared>> -> memref<10240x128xf32, #tpu.memory_space<vmem_shared>>
      tpu.wait_indirect_dma semaphore(%arg16 : memref<!tpu.dma_semaphore, #tpu.memory_space<semaphore_mem>>) src(%dma_wait3A_41 : memref<128x128xf32, #tpu.memory_space<vmem>>) dst(%dma_wait3A_47 : memref<10240x128xf32, #tpu.memory_space<vmem_shared>>)
      "tpu.region"() ({
        %run_scoped3A = tpu.sem_alloc : memref<!tpu.dma_semaphore, #tpu.memory_space<semaphore_mem>>
        %dma_start3A_132 = arith.constant 0 : i32
        %dma_start3A_133 = arith.constant 0 : i32
        %dma_start3A_134 = tpu.memref_slice %arg9[%dma_start3A_132, %dma_start3A_133] : memref<48x128xi32, #tpu.memory_space<vmem>> -> memref<48x128xi32, #tpu.memory_space<vmem>>
        %dma_start3A_135 = arith.constant 48 : i32
        %dma_start3A_136 = arith.constant 0 : i32
        %dma_start3A_137 = tpu.memref_slice %arg4[%arg1, %dma_start3A_135, %dma_start3A_136] : memref<16x144x128xi32, #tpu.memory_space<hbm>> -> memref<1x48x128xi32, #tpu.memory_space<hbm>>
        %dma_start3A_138 = tpu.memref_squeeze %dma_start3A_137 : memref<1x48x128xi32, #tpu.memory_space<hbm>> -> memref<48x128xi32, #tpu.memory_space<hbm>>
        %dma_start3A_139 = arith.constant 0 : i32
        %dma_start3A_140 = arith.constant 0 : i32
        %dma_start3A_141 = tpu.memref_slice %arg9[%dma_start3A_139, %dma_start3A_140] : memref<48x128xi32, #tpu.memory_space<vmem>> -> memref<48x128xi32, #tpu.memory_space<vmem>>
        %dma_start3A_142 = arith.constant 48 : i32
        %dma_start3A_143 = arith.constant 0 : i32
        %dma_start3A_144 = tpu.memref_slice %arg4[%arg1, %dma_start3A_142, %dma_start3A_143] : memref<16x144x128xi32, #tpu.memory_space<hbm>> -> memref<1x48x128xi32, #tpu.memory_space<hbm>>
        %dma_start3A_145 = tpu.memref_squeeze %dma_start3A_144 : memref<1x48x128xi32, #tpu.memory_space<hbm>> -> memref<48x128xi32, #tpu.memory_space<hbm>>
        tpu.enqueue_dma source(%dma_start3A_145 : memref<48x128xi32, #tpu.memory_space<hbm>>) target(%dma_start3A_141 : memref<48x128xi32, #tpu.memory_space<vmem>>) target_semaphore(%run_scoped3A : memref<!tpu.dma_semaphore, #tpu.memory_space<semaphore_mem>>)
        %dma_wait3A_146 = arith.constant 0 : i32
        %dma_wait3A_147 = arith.constant 0 : i32
        %dma_wait3A_148 = tpu.memref_slice %arg9[%dma_wait3A_146, %dma_wait3A_147] : memref<48x128xi32, #tpu.memory_space<vmem>> -> memref<48x128xi32, #tpu.memory_space<vmem>>
        %dma_wait3A_149 = arith.constant 48 : i32
        %dma_wait3A_150 = arith.constant 0 : i32
        %dma_wait3A_151 = tpu.memref_slice %arg4[%arg1, %dma_wait3A_149, %dma_wait3A_150] : memref<16x144x128xi32, #tpu.memory_space<hbm>> -> memref<1x48x128xi32, #tpu.memory_space<hbm>>
        %dma_wait3A_152 = tpu.memref_squeeze %dma_wait3A_151 : memref<1x48x128xi32, #tpu.memory_space<hbm>> -> memref<48x128xi32, #tpu.memory_space<hbm>>
        %dma_wait3A_153 = arith.constant 0 : i32
        %dma_wait3A_154 = arith.constant 0 : i32
        %dma_wait3A_155 = tpu.memref_slice %arg9[%dma_wait3A_153, %dma_wait3A_154] : memref<48x128xi32, #tpu.memory_space<vmem>> -> memref<48x128xi32, #tpu.memory_space<vmem>>
        %dma_wait3A_156 = arith.constant 48 : i32
        %dma_wait3A_157 = arith.constant 0 : i32
        %dma_wait3A_158 = tpu.memref_slice %arg4[%arg1, %dma_wait3A_156, %dma_wait3A_157] : memref<16x144x128xi32, #tpu.memory_space<hbm>> -> memref<1x48x128xi32, #tpu.memory_space<hbm>>
        %dma_wait3A_159 = tpu.memref_squeeze %dma_wait3A_158 : memref<1x48x128xi32, #tpu.memory_space<hbm>> -> memref<48x128xi32, #tpu.memory_space<hbm>>
        tpu.wait_dma2 semaphore(%run_scoped3A : memref<!tpu.dma_semaphore, #tpu.memory_space<semaphore_mem>>) src(%dma_wait3A_159 : memref<48x128xi32, #tpu.memory_space<hbm>>) dst(%dma_wait3A_155 : memref<48x128xi32, #tpu.memory_space<vmem>>)
        tpu.yield
      }) : () -> ()
      "tpu.region"() ({
        %run_scoped3A = tpu.sem_alloc : memref<!tpu.dma_semaphore, #tpu.memory_space<semaphore_mem>>
        %dma_start3A_132 = arith.constant 0 : i32
        %dma_start3A_133 = arith.constant 0 : i32
        %dma_start3A_134 = tpu.memref_slice %arg10[%dma_start3A_132, %dma_start3A_133] : memref<48x128xi32, #tpu.memory_space<vmem>> -> memref<48x128xi32, #tpu.memory_space<vmem>>
        %dma_start3A_135 = arith.constant 48 : i32
        %dma_start3A_136 = arith.constant 0 : i32
        %dma_start3A_137 = tpu.memref_slice %arg5[%arg1, %dma_start3A_135, %dma_start3A_136] : memref<16x144x128xi32, #tpu.memory_space<hbm>> -> memref<1x48x128xi32, #tpu.memory_space<hbm>>
        %dma_start3A_138 = tpu.memref_squeeze %dma_start3A_137 : memref<1x48x128xi32, #tpu.memory_space<hbm>> -> memref<48x128xi32, #tpu.memory_space<hbm>>
        %dma_start3A_139 = arith.constant 0 : i32
        %dma_start3A_140 = arith.constant 0 : i32
        %dma_start3A_141 = tpu.memref_slice %arg10[%dma_start3A_139, %dma_start3A_140] : memref<48x128xi32, #tpu.memory_space<vmem>> -> memref<48x128xi32, #tpu.memory_space<vmem>>
        %dma_start3A_142 = arith.constant 48 : i32
        %dma_start3A_143 = arith.constant 0 : i32
        %dma_start3A_144 = tpu.memref_slice %arg5[%arg1, %dma_start3A_142, %dma_start3A_143] : memref<16x144x128xi32, #tpu.memory_space<hbm>> -> memref<1x48x128xi32, #tpu.memory_space<hbm>>
        %dma_start3A_145 = tpu.memref_squeeze %dma_start3A_144 : memref<1x48x128xi32, #tpu.memory_space<hbm>> -> memref<48x128xi32, #tpu.memory_space<hbm>>
        tpu.enqueue_dma source(%dma_start3A_145 : memref<48x128xi32, #tpu.memory_space<hbm>>) target(%dma_start3A_141 : memref<48x128xi32, #tpu.memory_space<vmem>>) target_semaphore(%run_scoped3A : memref<!tpu.dma_semaphore, #tpu.memory_space<semaphore_mem>>)
        %dma_wait3A_146 = arith.constant 0 : i32
        %dma_wait3A_147 = arith.constant 0 : i32
        %dma_wait3A_148 = tpu.memref_slice %arg10[%dma_wait3A_146, %dma_wait3A_147] : memref<48x128xi32, #tpu.memory_space<vmem>> -> memref<48x128xi32, #tpu.memory_space<vmem>>
        %dma_wait3A_149 = arith.constant 48 : i32
        %dma_wait3A_150 = arith.constant 0 : i32
        %dma_wait3A_151 = tpu.memref_slice %arg5[%arg1, %dma_wait3A_149, %dma_wait3A_150] : memref<16x144x128xi32, #tpu.memory_space<hbm>> -> memref<1x48x128xi32, #tpu.memory_space<hbm>>
        %dma_wait3A_152 = tpu.memref_squeeze %dma_wait3A_151 : memref<1x48x128xi32, #tpu.memory_space<hbm>> -> memref<48x128xi32, #tpu.memory_space<hbm>>
        %dma_wait3A_153 = arith.constant 0 : i32
        %dma_wait3A_154 = arith.constant 0 : i32
        %dma_wait3A_155 = tpu.memref_slice %arg10[%dma_wait3A_153, %dma_wait3A_154] : memref<48x128xi32, #tpu.memory_space<vmem>> -> memref<48x128xi32, #tpu.memory_space<vmem>>
        %dma_wait3A_156 = arith.constant 48 : i32
        %dma_wait3A_157 = arith.constant 0 : i32
        %dma_wait3A_158 = tpu.memref_slice %arg5[%arg1, %dma_wait3A_156, %dma_wait3A_157] : memref<16x144x128xi32, #tpu.memory_space<hbm>> -> memref<1x48x128xi32, #tpu.memory_space<hbm>>
        %dma_wait3A_159 = tpu.memref_squeeze %dma_wait3A_158 : memref<1x48x128xi32, #tpu.memory_space<hbm>> -> memref<48x128xi32, #tpu.memory_space<hbm>>
        tpu.wait_dma2 semaphore(%run_scoped3A : memref<!tpu.dma_semaphore, #tpu.memory_space<semaphore_mem>>) src(%dma_wait3A_159 : memref<48x128xi32, #tpu.memory_space<hbm>>) dst(%dma_wait3A_155 : memref<48x128xi32, #tpu.memory_space<vmem>>)
        tpu.yield
      }) : () -> ()
      %dma_start3A_48 = arith.constant 0 : i32
      %dma_start3A_49 = arith.constant 0 : i32
      %dma_start3A_50 = arith.constant 0 : i32
      %dma_start3A_51 = arith.constant 0 : i32
      %dma_start3A_52 = tpu.memref_slice %arg11[%dma_start3A_49, %dma_start3A_50, %dma_start3A_51] : memref<2x128x128xf32, #tpu.memory_space<vmem>> -> memref<1x128x128xf32, #tpu.memory_space<vmem>>
      %dma_start3A_53 = tpu.memref_squeeze %dma_start3A_52 : memref<1x128x128xf32, #tpu.memory_space<vmem>> -> memref<128x128xf32, #tpu.memory_space<vmem>>
      %dma_start3A_54 = arith.constant 0 : i32
      %dma_start3A_55 = tpu.memref_slice %arg9[%dma_start3A_48, %dma_start3A_54] : memref<48x128xi32, #tpu.memory_space<vmem>> -> memref<1x128xi32, #tpu.memory_space<vmem>>
      %dma_start3A_56 = tpu.memref_squeeze %dma_start3A_55 : memref<1x128xi32, #tpu.memory_space<vmem>> -> memref<128xi32, #tpu.memory_space<vmem>>
      %dma_start3A_57 = arith.constant 0 : i32
      %dma_start3A_58 = arith.constant 0 : i32
      %dma_start3A_59 = tpu.memref_slice %arg2[%dma_start3A_57, %dma_start3A_58] : memref<10240x128xf32, #tpu.memory_space<hbm>> -> memref<10240x128xf32, #tpu.memory_space<hbm>>
      tpu.enqueue_indirect_dma source(%dma_start3A_59 : memref<10240x128xf32, #tpu.memory_space<hbm>>) target(%dma_start3A_53 : memref<128x128xf32, #tpu.memory_space<vmem>>) offsets(%dma_start3A_56 : memref<128xi32, #tpu.memory_space<vmem>>) semaphore(%arg13 : memref<!tpu.dma_semaphore, #tpu.memory_space<semaphore_mem>>)
      %scan3A_60 = arith.constant 0 : i32
      %scan3A_61 = arith.constant 0 : i32
      %scan3A_62 = arith.constant 24 : i32
      %scan3A_63 = arith.addi %scan3A_61, %scan3A_62 : i32
      %scan3A_64 = arith.constant 1 : i32
      scf.for %scan3A_132 = %scan3A_61 to %scan3A_63 step %scan3A_64  : i32 {
        %mul3A_133 = arith.constant 2 : i32
        %mul3A_134 = arith.muli %scan3A_132, %mul3A_133 : i32
        %add3A = arith.constant 0 : i32
        %add3A_135 = arith.addi %mul3A_134, %add3A : i32
        %dma_wait3A_136 = arith.constant 0 : i32
        %dma_wait3A_137 = arith.constant 0 : i32
        %dma_wait3A_138 = arith.constant 0 : i32
        %dma_wait3A_139 = arith.constant 0 : i32
        %dma_wait3A_140 = tpu.memref_slice %arg11[%dma_wait3A_137, %dma_wait3A_138, %dma_wait3A_139] : memref<2x128x128xf32, #tpu.memory_space<vmem>> -> memref<1x128x128xf32, #tpu.memory_space<vmem>>
        %dma_wait3A_141 = tpu.memref_squeeze %dma_wait3A_140 : memref<1x128x128xf32, #tpu.memory_space<vmem>> -> memref<128x128xf32, #tpu.memory_space<vmem>>
        %dma_wait3A_142 = arith.constant 0 : i32
        %dma_wait3A_143 = tpu.memref_slice %arg9[%dma_wait3A_136, %dma_wait3A_142] : memref<48x128xi32, #tpu.memory_space<vmem>> -> memref<1x128xi32, #tpu.memory_space<vmem>>
        %dma_wait3A_144 = tpu.memref_squeeze %dma_wait3A_143 : memref<1x128xi32, #tpu.memory_space<vmem>> -> memref<128xi32, #tpu.memory_space<vmem>>
        %dma_wait3A_145 = arith.constant 0 : i32
        %dma_wait3A_146 = arith.constant 0 : i32
        %dma_wait3A_147 = tpu.memref_slice %arg2[%dma_wait3A_145, %dma_wait3A_146] : memref<10240x128xf32, #tpu.memory_space<hbm>> -> memref<10240x128xf32, #tpu.memory_space<hbm>>
        tpu.wait_indirect_dma semaphore(%arg13 : memref<!tpu.dma_semaphore, #tpu.memory_space<semaphore_mem>>) src(%dma_wait3A_147 : memref<10240x128xf32, #tpu.memory_space<hbm>>) dst(%dma_wait3A_141 : memref<128x128xf32, #tpu.memory_space<vmem>>)
        %dma_start3A_148 = arith.constant 0 : i32
        %dma_start3A_149 = arith.constant 0 : i32
        %dma_start3A_150 = arith.constant 0 : i32
        %dma_start3A_151 = tpu.memref_slice %arg11[%dma_start3A_148, %dma_start3A_149, %dma_start3A_150] : memref<2x128x128xf32, #tpu.memory_space<vmem>> -> memref<1x128x128xf32, #tpu.memory_space<vmem>>
        %dma_start3A_152 = tpu.memref_squeeze %dma_start3A_151 : memref<1x128x128xf32, #tpu.memory_space<vmem>> -> memref<128x128xf32, #tpu.memory_space<vmem>>
        %dma_start3A_153 = arith.constant 0 : i32
        %dma_start3A_154 = tpu.memref_slice %arg10[%add3A_135, %dma_start3A_153] : memref<48x128xi32, #tpu.memory_space<vmem>> -> memref<1x128xi32, #tpu.memory_space<vmem>>
        %dma_start3A_155 = tpu.memref_squeeze %dma_start3A_154 : memref<1x128xi32, #tpu.memory_space<vmem>> -> memref<128xi32, #tpu.memory_space<vmem>>
        %dma_start3A_156 = arith.constant 0 : i32
        %dma_start3A_157 = arith.constant 0 : i32
        %dma_start3A_158 = tpu.memref_slice %arg12[%dma_start3A_156, %dma_start3A_157] : memref<10240x128xf32, #tpu.memory_space<vmem_shared>> -> memref<10240x128xf32, #tpu.memory_space<vmem_shared>>
        tpu.enqueue_indirect_dma source(%dma_start3A_152 : memref<128x128xf32, #tpu.memory_space<vmem>>) target(%dma_start3A_158 : memref<10240x128xf32, #tpu.memory_space<vmem_shared>>) offsets(%dma_start3A_155 : memref<128xi32, #tpu.memory_space<vmem>>) semaphore(%arg15 : memref<!tpu.dma_semaphore, #tpu.memory_space<semaphore_mem>>) {add = true}
        %add3A_159 = arith.constant 1 : i32
        %add3A_160 = arith.addi %add3A_135, %add3A_159 : i32
        %lt3A = arith.constant 48 : i32
        %lt3A_161 = arith.cmpi slt, %add3A_160, %lt3A : i32
        %convert_element_type3A_162 = arith.extui %lt3A_161 : i1 to i32
        %cond3A_163 = arith.constant 0 : i32
        %cond3A_164 = arith.cmpi ne, %convert_element_type3A_162, %cond3A_163 : i32
        scf.if %cond3A_164 {
          %ge3A = arith.constant 1 : i32
          %ge3A_199 = arith.cmpi sge, %add3A_135, %ge3A : i32
          %convert_element_type3A_200 = arith.extui %ge3A_199 : i1 to i32
          %cond3A_201 = arith.constant 0 : i32
          %cond3A_202 = arith.cmpi ne, %convert_element_type3A_200, %cond3A_201 : i32
          scf.if %cond3A_202 {
            %dma_wait3A_216 = arith.constant 1 : i32
            %dma_wait3A_217 = arith.constant 0 : i32
            %dma_wait3A_218 = arith.constant 0 : i32
            %dma_wait3A_219 = arith.constant 0 : i32
            %dma_wait3A_220 = tpu.memref_slice %arg11[%dma_wait3A_216, %dma_wait3A_218, %dma_wait3A_219] : memref<2x128x128xf32, #tpu.memory_space<vmem>> -> memref<1x128x128xf32, #tpu.memory_space<vmem>>
            %dma_wait3A_221 = tpu.memref_squeeze %dma_wait3A_220 : memref<1x128x128xf32, #tpu.memory_space<vmem>> -> memref<128x128xf32, #tpu.memory_space<vmem>>
            %dma_wait3A_222 = arith.constant 0 : i32
            %dma_wait3A_223 = tpu.memref_slice %arg10[%dma_wait3A_217, %dma_wait3A_222] : memref<48x128xi32, #tpu.memory_space<vmem>> -> memref<1x128xi32, #tpu.memory_space<vmem>>
            %dma_wait3A_224 = tpu.memref_squeeze %dma_wait3A_223 : memref<1x128xi32, #tpu.memory_space<vmem>> -> memref<128xi32, #tpu.memory_space<vmem>>
            %dma_wait3A_225 = arith.constant 0 : i32
            %dma_wait3A_226 = arith.constant 0 : i32
            %dma_wait3A_227 = tpu.memref_slice %arg12[%dma_wait3A_225, %dma_wait3A_226] : memref<10240x128xf32, #tpu.memory_space<vmem_shared>> -> memref<10240x128xf32, #tpu.memory_space<vmem_shared>>
            tpu.wait_indirect_dma semaphore(%arg16 : memref<!tpu.dma_semaphore, #tpu.memory_space<semaphore_mem>>) src(%dma_wait3A_221 : memref<128x128xf32, #tpu.memory_space<vmem>>) dst(%dma_wait3A_227 : memref<10240x128xf32, #tpu.memory_space<vmem_shared>>)
          } else {
          }
          %add3A_203 = arith.constant 1 : i32
          %add3A_204 = arith.addi %add3A_135, %add3A_203 : i32
          %dma_start3A_205 = arith.constant 1 : i32
          %dma_start3A_206 = arith.constant 0 : i32
          %dma_start3A_207 = arith.constant 0 : i32
          %dma_start3A_208 = tpu.memref_slice %arg11[%dma_start3A_205, %dma_start3A_206, %dma_start3A_207] : memref<2x128x128xf32, #tpu.memory_space<vmem>> -> memref<1x128x128xf32, #tpu.memory_space<vmem>>
          %dma_start3A_209 = tpu.memref_squeeze %dma_start3A_208 : memref<1x128x128xf32, #tpu.memory_space<vmem>> -> memref<128x128xf32, #tpu.memory_space<vmem>>
          %dma_start3A_210 = arith.constant 0 : i32
          %dma_start3A_211 = tpu.memref_slice %arg9[%add3A_204, %dma_start3A_210] : memref<48x128xi32, #tpu.memory_space<vmem>> -> memref<1x128xi32, #tpu.memory_space<vmem>>
          %dma_start3A_212 = tpu.memref_squeeze %dma_start3A_211 : memref<1x128xi32, #tpu.memory_space<vmem>> -> memref<128xi32, #tpu.memory_space<vmem>>
          %dma_start3A_213 = arith.constant 0 : i32
          %dma_start3A_214 = arith.constant 0 : i32
          %dma_start3A_215 = tpu.memref_slice %arg2[%dma_start3A_213, %dma_start3A_214] : memref<10240x128xf32, #tpu.memory_space<hbm>> -> memref<10240x128xf32, #tpu.memory_space<hbm>>
          tpu.enqueue_indirect_dma source(%dma_start3A_215 : memref<10240x128xf32, #tpu.memory_space<hbm>>) target(%dma_start3A_209 : memref<128x128xf32, #tpu.memory_space<vmem>>) offsets(%dma_start3A_212 : memref<128xi32, #tpu.memory_space<vmem>>) semaphore(%arg14 : memref<!tpu.dma_semaphore, #tpu.memory_space<semaphore_mem>>)
        } else {
        }
        %mul3A_165 = arith.constant 2 : i32
        %mul3A_166 = arith.muli %scan3A_132, %mul3A_165 : i32
        %add3A_167 = arith.constant 1 : i32
        %add3A_168 = arith.addi %mul3A_166, %add3A_167 : i32
        %dma_wait3A_169 = arith.constant 0 : i32
        %dma_wait3A_170 = arith.constant 1 : i32
        %dma_wait3A_171 = arith.constant 0 : i32
        %dma_wait3A_172 = arith.constant 0 : i32
        %dma_wait3A_173 = tpu.memref_slice %arg11[%dma_wait3A_170, %dma_wait3A_171, %dma_wait3A_172] : memref<2x128x128xf32, #tpu.memory_space<vmem>> -> memref<1x128x128xf32, #tpu.memory_space<vmem>>
        %dma_wait3A_174 = tpu.memref_squeeze %dma_wait3A_173 : memref<1x128x128xf32, #tpu.memory_space<vmem>> -> memref<128x128xf32, #tpu.memory_space<vmem>>
        %dma_wait3A_175 = arith.constant 0 : i32
        %dma_wait3A_176 = tpu.memref_slice %arg9[%dma_wait3A_169, %dma_wait3A_175] : memref<48x128xi32, #tpu.memory_space<vmem>> -> memref<1x128xi32, #tpu.memory_space<vmem>>
        %dma_wait3A_177 = tpu.memref_squeeze %dma_wait3A_176 : memref<1x128xi32, #tpu.memory_space<vmem>> -> memref<128xi32, #tpu.memory_space<vmem>>
        %dma_wait3A_178 = arith.constant 0 : i32
        %dma_wait3A_179 = arith.constant 0 : i32
        %dma_wait3A_180 = tpu.memref_slice %arg2[%dma_wait3A_178, %dma_wait3A_179] : memref<10240x128xf32, #tpu.memory_space<hbm>> -> memref<10240x128xf32, #tpu.memory_space<hbm>>
        tpu.wait_indirect_dma semaphore(%arg14 : memref<!tpu.dma_semaphore, #tpu.memory_space<semaphore_mem>>) src(%dma_wait3A_180 : memref<10240x128xf32, #tpu.memory_space<hbm>>) dst(%dma_wait3A_174 : memref<128x128xf32, #tpu.memory_space<vmem>>)
        %dma_start3A_181 = arith.constant 1 : i32
        %dma_start3A_182 = arith.constant 0 : i32
        %dma_start3A_183 = arith.constant 0 : i32
        %dma_start3A_184 = tpu.memref_slice %arg11[%dma_start3A_181, %dma_start3A_182, %dma_start3A_183] : memref<2x128x128xf32, #tpu.memory_space<vmem>> -> memref<1x128x128xf32, #tpu.memory_space<vmem>>
        %dma_start3A_185 = tpu.memref_squeeze %dma_start3A_184 : memref<1x128x128xf32, #tpu.memory_space<vmem>> -> memref<128x128xf32, #tpu.memory_space<vmem>>
        %dma_start3A_186 = arith.constant 0 : i32
        %dma_start3A_187 = tpu.memref_slice %arg10[%add3A_168, %dma_start3A_186] : memref<48x128xi32, #tpu.memory_space<vmem>> -> memref<1x128xi32, #tpu.memory_space<vmem>>
        %dma_start3A_188 = tpu.memref_squeeze %dma_start3A_187 : memref<1x128xi32, #tpu.memory_space<vmem>> -> memref<128xi32, #tpu.memory_space<vmem>>
        %dma_start3A_189 = arith.constant 0 : i32
        %dma_start3A_190 = arith.constant 0 : i32
        %dma_start3A_191 = tpu.memref_slice %arg12[%dma_start3A_189, %dma_start3A_190] : memref<10240x128xf32, #tpu.memory_space<vmem_shared>> -> memref<10240x128xf32, #tpu.memory_space<vmem_shared>>
        tpu.enqueue_indirect_dma source(%dma_start3A_185 : memref<128x128xf32, #tpu.memory_space<vmem>>) target(%dma_start3A_191 : memref<10240x128xf32, #tpu.memory_space<vmem_shared>>) offsets(%dma_start3A_188 : memref<128xi32, #tpu.memory_space<vmem>>) semaphore(%arg16 : memref<!tpu.dma_semaphore, #tpu.memory_space<semaphore_mem>>) {add = true}
        %add3A_192 = arith.constant 1 : i32
        %add3A_193 = arith.addi %add3A_168, %add3A_192 : i32
        %lt3A_194 = arith.constant 48 : i32
        %lt3A_195 = arith.cmpi slt, %add3A_193, %lt3A_194 : i32
        %convert_element_type3A_196 = arith.extui %lt3A_195 : i1 to i32
        %cond3A_197 = arith.constant 0 : i32
        %cond3A_198 = arith.cmpi ne, %convert_element_type3A_196, %cond3A_197 : i32
        scf.if %cond3A_198 {
          %ge3A = arith.constant 1 : i32
          %ge3A_199 = arith.cmpi sge, %add3A_168, %ge3A : i32
          %convert_element_type3A_200 = arith.extui %ge3A_199 : i1 to i32
          %cond3A_201 = arith.constant 0 : i32
          %cond3A_202 = arith.cmpi ne, %convert_element_type3A_200, %cond3A_201 : i32
          scf.if %cond3A_202 {
            %dma_wait3A_216 = arith.constant 0 : i32
            %dma_wait3A_217 = arith.constant 0 : i32
            %dma_wait3A_218 = arith.constant 0 : i32
            %dma_wait3A_219 = arith.constant 0 : i32
            %dma_wait3A_220 = tpu.memref_slice %arg11[%dma_wait3A_216, %dma_wait3A_218, %dma_wait3A_219] : memref<2x128x128xf32, #tpu.memory_space<vmem>> -> memref<1x128x128xf32, #tpu.memory_space<vmem>>
            %dma_wait3A_221 = tpu.memref_squeeze %dma_wait3A_220 : memref<1x128x128xf32, #tpu.memory_space<vmem>> -> memref<128x128xf32, #tpu.memory_space<vmem>>
            %dma_wait3A_222 = arith.constant 0 : i32
            %dma_wait3A_223 = tpu.memref_slice %arg10[%dma_wait3A_217, %dma_wait3A_222] : memref<48x128xi32, #tpu.memory_space<vmem>> -> memref<1x128xi32, #tpu.memory_space<vmem>>
            %dma_wait3A_224 = tpu.memref_squeeze %dma_wait3A_223 : memref<1x128xi32, #tpu.memory_space<vmem>> -> memref<128xi32, #tpu.memory_space<vmem>>
            %dma_wait3A_225 = arith.constant 0 : i32
            %dma_wait3A_226 = arith.constant 0 : i32
            %dma_wait3A_227 = tpu.memref_slice %arg12[%dma_wait3A_225, %dma_wait3A_226] : memref<10240x128xf32, #tpu.memory_space<vmem_shared>> -> memref<10240x128xf32, #tpu.memory_space<vmem_shared>>
            tpu.wait_indirect_dma semaphore(%arg15 : memref<!tpu.dma_semaphore, #tpu.memory_space<semaphore_mem>>) src(%dma_wait3A_221 : memref<128x128xf32, #tpu.memory_space<vmem>>) dst(%dma_wait3A_227 : memref<10240x128xf32, #tpu.memory_space<vmem_shared>>)
          } else {
          }
          %add3A_203 = arith.constant 1 : i32
          %add3A_204 = arith.addi %add3A_168, %add3A_203 : i32
          %dma_start3A_205 = arith.constant 0 : i32
          %dma_start3A_206 = arith.constant 0 : i32
          %dma_start3A_207 = arith.constant 0 : i32
          %dma_start3A_208 = tpu.memref_slice %arg11[%dma_start3A_205, %dma_start3A_206, %dma_start3A_207] : memref<2x128x128xf32, #tpu.memory_space<vmem>> -> memref<1x128x128xf32, #tpu.memory_space<vmem>>
          %dma_start3A_209 = tpu.memref_squeeze %dma_start3A_208 : memref<1x128x128xf32, #tpu.memory_space<vmem>> -> memref<128x128xf32, #tpu.memory_space<vmem>>
          %dma_start3A_210 = arith.constant 0 : i32
          %dma_start3A_211 = tpu.memref_slice %arg9[%add3A_204, %dma_start3A_210] : memref<48x128xi32, #tpu.memory_space<vmem>> -> memref<1x128xi32, #tpu.memory_space<vmem>>
          %dma_start3A_212 = tpu.memref_squeeze %dma_start3A_211 : memref<1x128xi32, #tpu.memory_space<vmem>> -> memref<128xi32, #tpu.memory_space<vmem>>
          %dma_start3A_213 = arith.constant 0 : i32
          %dma_start3A_214 = arith.constant 0 : i32
          %dma_start3A_215 = tpu.memref_slice %arg2[%dma_start3A_213, %dma_start3A_214] : memref<10240x128xf32, #tpu.memory_space<hbm>> -> memref<10240x128xf32, #tpu.memory_space<hbm>>
          tpu.enqueue_indirect_dma source(%dma_start3A_215 : memref<10240x128xf32, #tpu.memory_space<hbm>>) target(%dma_start3A_209 : memref<128x128xf32, #tpu.memory_space<vmem>>) offsets(%dma_start3A_212 : memref<128xi32, #tpu.memory_space<vmem>>) semaphore(%arg13 : memref<!tpu.dma_semaphore, #tpu.memory_space<semaphore_mem>>)
        } else {
        }
      }
      %scan3A_65 = arith.constant 24 : i32
      %dma_wait3A_66 = arith.constant 0 : i32
      %dma_wait3A_67 = arith.constant 0 : i32
      %dma_wait3A_68 = arith.constant 0 : i32
      %dma_wait3A_69 = arith.constant 0 : i32
      %dma_wait3A_70 = tpu.memref_slice %arg11[%dma_wait3A_66, %dma_wait3A_68, %dma_wait3A_69] : memref<2x128x128xf32, #tpu.memory_space<vmem>> -> memref<1x128x128xf32, #tpu.memory_space<vmem>>
      %dma_wait3A_71 = tpu.memref_squeeze %dma_wait3A_70 : memref<1x128x128xf32, #tpu.memory_space<vmem>> -> memref<128x128xf32, #tpu.memory_space<vmem>>
      %dma_wait3A_72 = arith.constant 0 : i32
      %dma_wait3A_73 = tpu.memref_slice %arg10[%dma_wait3A_67, %dma_wait3A_72] : memref<48x128xi32, #tpu.memory_space<vmem>> -> memref<1x128xi32, #tpu.memory_space<vmem>>
      %dma_wait3A_74 = tpu.memref_squeeze %dma_wait3A_73 : memref<1x128xi32, #tpu.memory_space<vmem>> -> memref<128xi32, #tpu.memory_space<vmem>>
      %dma_wait3A_75 = arith.constant 0 : i32
      %dma_wait3A_76 = arith.constant 0 : i32
      %dma_wait3A_77 = tpu.memref_slice %arg12[%dma_wait3A_75, %dma_wait3A_76] : memref<10240x128xf32, #tpu.memory_space<vmem_shared>> -> memref<10240x128xf32, #tpu.memory_space<vmem_shared>>
      tpu.wait_indirect_dma semaphore(%arg15 : memref<!tpu.dma_semaphore, #tpu.memory_space<semaphore_mem>>) src(%dma_wait3A_71 : memref<128x128xf32, #tpu.memory_space<vmem>>) dst(%dma_wait3A_77 : memref<10240x128xf32, #tpu.memory_space<vmem_shared>>)
      %dma_wait3A_78 = arith.constant 1 : i32
      %dma_wait3A_79 = arith.constant 0 : i32
      %dma_wait3A_80 = arith.constant 0 : i32
      %dma_wait3A_81 = arith.constant 0 : i32
      %dma_wait3A_82 = tpu.memref_slice %arg11[%dma_wait3A_78, %dma_wait3A_80, %dma_wait3A_81] : memref<2x128x128xf32, #tpu.memory_space<vmem>> -> memref<1x128x128xf32, #tpu.memory_space<vmem>>
      %dma_wait3A_83 = tpu.memref_squeeze %dma_wait3A_82 : memref<1x128x128xf32, #tpu.memory_space<vmem>> -> memref<128x128xf32, #tpu.memory_space<vmem>>
      %dma_wait3A_84 = arith.constant 0 : i32
      %dma_wait3A_85 = tpu.memref_slice %arg10[%dma_wait3A_79, %dma_wait3A_84] : memref<48x128xi32, #tpu.memory_space<vmem>> -> memref<1x128xi32, #tpu.memory_space<vmem>>
      %dma_wait3A_86 = tpu.memref_squeeze %dma_wait3A_85 : memref<1x128xi32, #tpu.memory_space<vmem>> -> memref<128xi32, #tpu.memory_space<vmem>>
      %dma_wait3A_87 = arith.constant 0 : i32
      %dma_wait3A_88 = arith.constant 0 : i32
      %dma_wait3A_89 = tpu.memref_slice %arg12[%dma_wait3A_87, %dma_wait3A_88] : memref<10240x128xf32, #tpu.memory_space<vmem_shared>> -> memref<10240x128xf32, #tpu.memory_space<vmem_shared>>
      tpu.wait_indirect_dma semaphore(%arg16 : memref<!tpu.dma_semaphore, #tpu.memory_space<semaphore_mem>>) src(%dma_wait3A_83 : memref<128x128xf32, #tpu.memory_space<vmem>>) dst(%dma_wait3A_89 : memref<10240x128xf32, #tpu.memory_space<vmem_shared>>)
      "tpu.region"() ({
        %run_scoped3A = tpu.sem_alloc : memref<!tpu.dma_semaphore, #tpu.memory_space<semaphore_mem>>
        %dma_start3A_132 = arith.constant 0 : i32
        %dma_start3A_133 = arith.constant 0 : i32
        %dma_start3A_134 = tpu.memref_slice %arg9[%dma_start3A_132, %dma_start3A_133] : memref<48x128xi32, #tpu.memory_space<vmem>> -> memref<48x128xi32, #tpu.memory_space<vmem>>
        %dma_start3A_135 = arith.constant 96 : i32
        %dma_start3A_136 = arith.constant 0 : i32
        %dma_start3A_137 = tpu.memref_slice %arg4[%arg1, %dma_start3A_135, %dma_start3A_136] : memref<16x144x128xi32, #tpu.memory_space<hbm>> -> memref<1x48x128xi32, #tpu.memory_space<hbm>>
        %dma_start3A_138 = tpu.memref_squeeze %dma_start3A_137 : memref<1x48x128xi32, #tpu.memory_space<hbm>> -> memref<48x128xi32, #tpu.memory_space<hbm>>
        %dma_start3A_139 = arith.constant 0 : i32
        %dma_start3A_140 = arith.constant 0 : i32
        %dma_start3A_141 = tpu.memref_slice %arg9[%dma_start3A_139, %dma_start3A_140] : memref<48x128xi32, #tpu.memory_space<vmem>> -> memref<48x128xi32, #tpu.memory_space<vmem>>
        %dma_start3A_142 = arith.constant 96 : i32
        %dma_start3A_143 = arith.constant 0 : i32
        %dma_start3A_144 = tpu.memref_slice %arg4[%arg1, %dma_start3A_142, %dma_start3A_143] : memref<16x144x128xi32, #tpu.memory_space<hbm>> -> memref<1x48x128xi32, #tpu.memory_space<hbm>>
        %dma_start3A_145 = tpu.memref_squeeze %dma_start3A_144 : memref<1x48x128xi32, #tpu.memory_space<hbm>> -> memref<48x128xi32, #tpu.memory_space<hbm>>
        tpu.enqueue_dma source(%dma_start3A_145 : memref<48x128xi32, #tpu.memory_space<hbm>>) target(%dma_start3A_141 : memref<48x128xi32, #tpu.memory_space<vmem>>) target_semaphore(%run_scoped3A : memref<!tpu.dma_semaphore, #tpu.memory_space<semaphore_mem>>)
        %dma_wait3A_146 = arith.constant 0 : i32
        %dma_wait3A_147 = arith.constant 0 : i32
        %dma_wait3A_148 = tpu.memref_slice %arg9[%dma_wait3A_146, %dma_wait3A_147] : memref<48x128xi32, #tpu.memory_space<vmem>> -> memref<48x128xi32, #tpu.memory_space<vmem>>
        %dma_wait3A_149 = arith.constant 96 : i32
        %dma_wait3A_150 = arith.constant 0 : i32
        %dma_wait3A_151 = tpu.memref_slice %arg4[%arg1, %dma_wait3A_149, %dma_wait3A_150] : memref<16x144x128xi32, #tpu.memory_space<hbm>> -> memref<1x48x128xi32, #tpu.memory_space<hbm>>
        %dma_wait3A_152 = tpu.memref_squeeze %dma_wait3A_151 : memref<1x48x128xi32, #tpu.memory_space<hbm>> -> memref<48x128xi32, #tpu.memory_space<hbm>>
        %dma_wait3A_153 = arith.constant 0 : i32
        %dma_wait3A_154 = arith.constant 0 : i32
        %dma_wait3A_155 = tpu.memref_slice %arg9[%dma_wait3A_153, %dma_wait3A_154] : memref<48x128xi32, #tpu.memory_space<vmem>> -> memref<48x128xi32, #tpu.memory_space<vmem>>
        %dma_wait3A_156 = arith.constant 96 : i32
        %dma_wait3A_157 = arith.constant 0 : i32
        %dma_wait3A_158 = tpu.memref_slice %arg4[%arg1, %dma_wait3A_156, %dma_wait3A_157] : memref<16x144x128xi32, #tpu.memory_space<hbm>> -> memref<1x48x128xi32, #tpu.memory_space<hbm>>
        %dma_wait3A_159 = tpu.memref_squeeze %dma_wait3A_158 : memref<1x48x128xi32, #tpu.memory_space<hbm>> -> memref<48x128xi32, #tpu.memory_space<hbm>>
        tpu.wait_dma2 semaphore(%run_scoped3A : memref<!tpu.dma_semaphore, #tpu.memory_space<semaphore_mem>>) src(%dma_wait3A_159 : memref<48x128xi32, #tpu.memory_space<hbm>>) dst(%dma_wait3A_155 : memref<48x128xi32, #tpu.memory_space<vmem>>)
        tpu.yield
      }) : () -> ()
      "tpu.region"() ({
        %run_scoped3A = tpu.sem_alloc : memref<!tpu.dma_semaphore, #tpu.memory_space<semaphore_mem>>
        %dma_start3A_132 = arith.constant 0 : i32
        %dma_start3A_133 = arith.constant 0 : i32
        %dma_start3A_134 = tpu.memref_slice %arg10[%dma_start3A_132, %dma_start3A_133] : memref<48x128xi32, #tpu.memory_space<vmem>> -> memref<48x128xi32, #tpu.memory_space<vmem>>
        %dma_start3A_135 = arith.constant 96 : i32
        %dma_start3A_136 = arith.constant 0 : i32
        %dma_start3A_137 = tpu.memref_slice %arg5[%arg1, %dma_start3A_135, %dma_start3A_136] : memref<16x144x128xi32, #tpu.memory_space<hbm>> -> memref<1x48x128xi32, #tpu.memory_space<hbm>>
        %dma_start3A_138 = tpu.memref_squeeze %dma_start3A_137 : memref<1x48x128xi32, #tpu.memory_space<hbm>> -> memref<48x128xi32, #tpu.memory_space<hbm>>
        %dma_start3A_139 = arith.constant 0 : i32
        %dma_start3A_140 = arith.constant 0 : i32
        %dma_start3A_141 = tpu.memref_slice %arg10[%dma_start3A_139, %dma_start3A_140] : memref<48x128xi32, #tpu.memory_space<vmem>> -> memref<48x128xi32, #tpu.memory_space<vmem>>
        %dma_start3A_142 = arith.constant 96 : i32
        %dma_start3A_143 = arith.constant 0 : i32
        %dma_start3A_144 = tpu.memref_slice %arg5[%arg1, %dma_start3A_142, %dma_start3A_143] : memref<16x144x128xi32, #tpu.memory_space<hbm>> -> memref<1x48x128xi32, #tpu.memory_space<hbm>>
        %dma_start3A_145 = tpu.memref_squeeze %dma_start3A_144 : memref<1x48x128xi32, #tpu.memory_space<hbm>> -> memref<48x128xi32, #tpu.memory_space<hbm>>
        tpu.enqueue_dma source(%dma_start3A_145 : memref<48x128xi32, #tpu.memory_space<hbm>>) target(%dma_start3A_141 : memref<48x128xi32, #tpu.memory_space<vmem>>) target_semaphore(%run_scoped3A : memref<!tpu.dma_semaphore, #tpu.memory_space<semaphore_mem>>)
        %dma_wait3A_146 = arith.constant 0 : i32
        %dma_wait3A_147 = arith.constant 0 : i32
        %dma_wait3A_148 = tpu.memref_slice %arg10[%dma_wait3A_146, %dma_wait3A_147] : memref<48x128xi32, #tpu.memory_space<vmem>> -> memref<48x128xi32, #tpu.memory_space<vmem>>
        %dma_wait3A_149 = arith.constant 96 : i32
        %dma_wait3A_150 = arith.constant 0 : i32
        %dma_wait3A_151 = tpu.memref_slice %arg5[%arg1, %dma_wait3A_149, %dma_wait3A_150] : memref<16x144x128xi32, #tpu.memory_space<hbm>> -> memref<1x48x128xi32, #tpu.memory_space<hbm>>
        %dma_wait3A_152 = tpu.memref_squeeze %dma_wait3A_151 : memref<1x48x128xi32, #tpu.memory_space<hbm>> -> memref<48x128xi32, #tpu.memory_space<hbm>>
        %dma_wait3A_153 = arith.constant 0 : i32
        %dma_wait3A_154 = arith.constant 0 : i32
        %dma_wait3A_155 = tpu.memref_slice %arg10[%dma_wait3A_153, %dma_wait3A_154] : memref<48x128xi32, #tpu.memory_space<vmem>> -> memref<48x128xi32, #tpu.memory_space<vmem>>
        %dma_wait3A_156 = arith.constant 96 : i32
        %dma_wait3A_157 = arith.constant 0 : i32
        %dma_wait3A_158 = tpu.memref_slice %arg5[%arg1, %dma_wait3A_156, %dma_wait3A_157] : memref<16x144x128xi32, #tpu.memory_space<hbm>> -> memref<1x48x128xi32, #tpu.memory_space<hbm>>
        %dma_wait3A_159 = tpu.memref_squeeze %dma_wait3A_158 : memref<1x48x128xi32, #tpu.memory_space<hbm>> -> memref<48x128xi32, #tpu.memory_space<hbm>>
        tpu.wait_dma2 semaphore(%run_scoped3A : memref<!tpu.dma_semaphore, #tpu.memory_space<semaphore_mem>>) src(%dma_wait3A_159 : memref<48x128xi32, #tpu.memory_space<hbm>>) dst(%dma_wait3A_155 : memref<48x128xi32, #tpu.memory_space<vmem>>)
        tpu.yield
      }) : () -> ()
      %dma_start3A_90 = arith.constant 0 : i32
      %dma_start3A_91 = arith.constant 0 : i32
      %dma_start3A_92 = arith.constant 0 : i32
      %dma_start3A_93 = arith.constant 0 : i32
      %dma_start3A_94 = tpu.memref_slice %arg11[%dma_start3A_91, %dma_start3A_92, %dma_start3A_93] : memref<2x128x128xf32, #tpu.memory_space<vmem>> -> memref<1x128x128xf32, #tpu.memory_space<vmem>>
      %dma_start3A_95 = tpu.memref_squeeze %dma_start3A_94 : memref<1x128x128xf32, #tpu.memory_space<vmem>> -> memref<128x128xf32, #tpu.memory_space<vmem>>
      %dma_start3A_96 = arith.constant 0 : i32
      %dma_start3A_97 = tpu.memref_slice %arg9[%dma_start3A_90, %dma_start3A_96] : memref<48x128xi32, #tpu.memory_space<vmem>> -> memref<1x128xi32, #tpu.memory_space<vmem>>
      %dma_start3A_98 = tpu.memref_squeeze %dma_start3A_97 : memref<1x128xi32, #tpu.memory_space<vmem>> -> memref<128xi32, #tpu.memory_space<vmem>>
      %dma_start3A_99 = arith.constant 0 : i32
      %dma_start3A_100 = arith.constant 0 : i32
      %dma_start3A_101 = tpu.memref_slice %arg2[%dma_start3A_99, %dma_start3A_100] : memref<10240x128xf32, #tpu.memory_space<hbm>> -> memref<10240x128xf32, #tpu.memory_space<hbm>>
      tpu.enqueue_indirect_dma source(%dma_start3A_101 : memref<10240x128xf32, #tpu.memory_space<hbm>>) target(%dma_start3A_95 : memref<128x128xf32, #tpu.memory_space<vmem>>) offsets(%dma_start3A_98 : memref<128xi32, #tpu.memory_space<vmem>>) semaphore(%arg13 : memref<!tpu.dma_semaphore, #tpu.memory_space<semaphore_mem>>)
      %scan3A_102 = arith.constant 0 : i32
      %scan3A_103 = arith.constant 0 : i32
      %scan3A_104 = arith.constant 24 : i32
      %scan3A_105 = arith.addi %scan3A_103, %scan3A_104 : i32
      %scan3A_106 = arith.constant 1 : i32
      scf.for %scan3A_132 = %scan3A_103 to %scan3A_105 step %scan3A_106  : i32 {
        %mul3A_133 = arith.constant 2 : i32
        %mul3A_134 = arith.muli %scan3A_132, %mul3A_133 : i32
        %add3A = arith.constant 0 : i32
        %add3A_135 = arith.addi %mul3A_134, %add3A : i32
        %dma_wait3A_136 = arith.constant 0 : i32
        %dma_wait3A_137 = arith.constant 0 : i32
        %dma_wait3A_138 = arith.constant 0 : i32
        %dma_wait3A_139 = arith.constant 0 : i32
        %dma_wait3A_140 = tpu.memref_slice %arg11[%dma_wait3A_137, %dma_wait3A_138, %dma_wait3A_139] : memref<2x128x128xf32, #tpu.memory_space<vmem>> -> memref<1x128x128xf32, #tpu.memory_space<vmem>>
        %dma_wait3A_141 = tpu.memref_squeeze %dma_wait3A_140 : memref<1x128x128xf32, #tpu.memory_space<vmem>> -> memref<128x128xf32, #tpu.memory_space<vmem>>
        %dma_wait3A_142 = arith.constant 0 : i32
        %dma_wait3A_143 = tpu.memref_slice %arg9[%dma_wait3A_136, %dma_wait3A_142] : memref<48x128xi32, #tpu.memory_space<vmem>> -> memref<1x128xi32, #tpu.memory_space<vmem>>
        %dma_wait3A_144 = tpu.memref_squeeze %dma_wait3A_143 : memref<1x128xi32, #tpu.memory_space<vmem>> -> memref<128xi32, #tpu.memory_space<vmem>>
        %dma_wait3A_145 = arith.constant 0 : i32
        %dma_wait3A_146 = arith.constant 0 : i32
        %dma_wait3A_147 = tpu.memref_slice %arg2[%dma_wait3A_145, %dma_wait3A_146] : memref<10240x128xf32, #tpu.memory_space<hbm>> -> memref<10240x128xf32, #tpu.memory_space<hbm>>
        tpu.wait_indirect_dma semaphore(%arg13 : memref<!tpu.dma_semaphore, #tpu.memory_space<semaphore_mem>>) src(%dma_wait3A_147 : memref<10240x128xf32, #tpu.memory_space<hbm>>) dst(%dma_wait3A_141 : memref<128x128xf32, #tpu.memory_space<vmem>>)
        %dma_start3A_148 = arith.constant 0 : i32
        %dma_start3A_149 = arith.constant 0 : i32
        %dma_start3A_150 = arith.constant 0 : i32
        %dma_start3A_151 = tpu.memref_slice %arg11[%dma_start3A_148, %dma_start3A_149, %dma_start3A_150] : memref<2x128x128xf32, #tpu.memory_space<vmem>> -> memref<1x128x128xf32, #tpu.memory_space<vmem>>
        %dma_start3A_152 = tpu.memref_squeeze %dma_start3A_151 : memref<1x128x128xf32, #tpu.memory_space<vmem>> -> memref<128x128xf32, #tpu.memory_space<vmem>>
        %dma_start3A_153 = arith.constant 0 : i32
        %dma_start3A_154 = tpu.memref_slice %arg10[%add3A_135, %dma_start3A_153] : memref<48x128xi32, #tpu.memory_space<vmem>> -> memref<1x128xi32, #tpu.memory_space<vmem>>
        %dma_start3A_155 = tpu.memref_squeeze %dma_start3A_154 : memref<1x128xi32, #tpu.memory_space<vmem>> -> memref<128xi32, #tpu.memory_space<vmem>>
        %dma_start3A_156 = arith.constant 0 : i32
        %dma_start3A_157 = arith.constant 0 : i32
        %dma_start3A_158 = tpu.memref_slice %arg12[%dma_start3A_156, %dma_start3A_157] : memref<10240x128xf32, #tpu.memory_space<vmem_shared>> -> memref<10240x128xf32, #tpu.memory_space<vmem_shared>>
        tpu.enqueue_indirect_dma source(%dma_start3A_152 : memref<128x128xf32, #tpu.memory_space<vmem>>) target(%dma_start3A_158 : memref<10240x128xf32, #tpu.memory_space<vmem_shared>>) offsets(%dma_start3A_155 : memref<128xi32, #tpu.memory_space<vmem>>) semaphore(%arg15 : memref<!tpu.dma_semaphore, #tpu.memory_space<semaphore_mem>>) {add = true}
        %add3A_159 = arith.constant 1 : i32
        %add3A_160 = arith.addi %add3A_135, %add3A_159 : i32
        %lt3A = arith.constant 48 : i32
        %lt3A_161 = arith.cmpi slt, %add3A_160, %lt3A : i32
        %convert_element_type3A_162 = arith.extui %lt3A_161 : i1 to i32
        %cond3A_163 = arith.constant 0 : i32
        %cond3A_164 = arith.cmpi ne, %convert_element_type3A_162, %cond3A_163 : i32
        scf.if %cond3A_164 {
          %ge3A = arith.constant 1 : i32
          %ge3A_199 = arith.cmpi sge, %add3A_135, %ge3A : i32
          %convert_element_type3A_200 = arith.extui %ge3A_199 : i1 to i32
          %cond3A_201 = arith.constant 0 : i32
          %cond3A_202 = arith.cmpi ne, %convert_element_type3A_200, %cond3A_201 : i32
          scf.if %cond3A_202 {
            %dma_wait3A_216 = arith.constant 1 : i32
            %dma_wait3A_217 = arith.constant 0 : i32
            %dma_wait3A_218 = arith.constant 0 : i32
            %dma_wait3A_219 = arith.constant 0 : i32
            %dma_wait3A_220 = tpu.memref_slice %arg11[%dma_wait3A_216, %dma_wait3A_218, %dma_wait3A_219] : memref<2x128x128xf32, #tpu.memory_space<vmem>> -> memref<1x128x128xf32, #tpu.memory_space<vmem>>
            %dma_wait3A_221 = tpu.memref_squeeze %dma_wait3A_220 : memref<1x128x128xf32, #tpu.memory_space<vmem>> -> memref<128x128xf32, #tpu.memory_space<vmem>>
            %dma_wait3A_222 = arith.constant 0 : i32
            %dma_wait3A_223 = tpu.memref_slice %arg10[%dma_wait3A_217, %dma_wait3A_222] : memref<48x128xi32, #tpu.memory_space<vmem>> -> memref<1x128xi32, #tpu.memory_space<vmem>>
            %dma_wait3A_224 = tpu.memref_squeeze %dma_wait3A_223 : memref<1x128xi32, #tpu.memory_space<vmem>> -> memref<128xi32, #tpu.memory_space<vmem>>
            %dma_wait3A_225 = arith.constant 0 : i32
            %dma_wait3A_226 = arith.constant 0 : i32
            %dma_wait3A_227 = tpu.memref_slice %arg12[%dma_wait3A_225, %dma_wait3A_226] : memref<10240x128xf32, #tpu.memory_space<vmem_shared>> -> memref<10240x128xf32, #tpu.memory_space<vmem_shared>>
            tpu.wait_indirect_dma semaphore(%arg16 : memref<!tpu.dma_semaphore, #tpu.memory_space<semaphore_mem>>) src(%dma_wait3A_221 : memref<128x128xf32, #tpu.memory_space<vmem>>) dst(%dma_wait3A_227 : memref<10240x128xf32, #tpu.memory_space<vmem_shared>>)
          } else {
          }
          %add3A_203 = arith.constant 1 : i32
          %add3A_204 = arith.addi %add3A_135, %add3A_203 : i32
          %dma_start3A_205 = arith.constant 1 : i32
          %dma_start3A_206 = arith.constant 0 : i32
          %dma_start3A_207 = arith.constant 0 : i32
          %dma_start3A_208 = tpu.memref_slice %arg11[%dma_start3A_205, %dma_start3A_206, %dma_start3A_207] : memref<2x128x128xf32, #tpu.memory_space<vmem>> -> memref<1x128x128xf32, #tpu.memory_space<vmem>>
          %dma_start3A_209 = tpu.memref_squeeze %dma_start3A_208 : memref<1x128x128xf32, #tpu.memory_space<vmem>> -> memref<128x128xf32, #tpu.memory_space<vmem>>
          %dma_start3A_210 = arith.constant 0 : i32
          %dma_start3A_211 = tpu.memref_slice %arg9[%add3A_204, %dma_start3A_210] : memref<48x128xi32, #tpu.memory_space<vmem>> -> memref<1x128xi32, #tpu.memory_space<vmem>>
          %dma_start3A_212 = tpu.memref_squeeze %dma_start3A_211 : memref<1x128xi32, #tpu.memory_space<vmem>> -> memref<128xi32, #tpu.memory_space<vmem>>
          %dma_start3A_213 = arith.constant 0 : i32
          %dma_start3A_214 = arith.constant 0 : i32
          %dma_start3A_215 = tpu.memref_slice %arg2[%dma_start3A_213, %dma_start3A_214] : memref<10240x128xf32, #tpu.memory_space<hbm>> -> memref<10240x128xf32, #tpu.memory_space<hbm>>
          tpu.enqueue_indirect_dma source(%dma_start3A_215 : memref<10240x128xf32, #tpu.memory_space<hbm>>) target(%dma_start3A_209 : memref<128x128xf32, #tpu.memory_space<vmem>>) offsets(%dma_start3A_212 : memref<128xi32, #tpu.memory_space<vmem>>) semaphore(%arg14 : memref<!tpu.dma_semaphore, #tpu.memory_space<semaphore_mem>>)
        } else {
        }
        %mul3A_165 = arith.constant 2 : i32
        %mul3A_166 = arith.muli %scan3A_132, %mul3A_165 : i32
        %add3A_167 = arith.constant 1 : i32
        %add3A_168 = arith.addi %mul3A_166, %add3A_167 : i32
        %dma_wait3A_169 = arith.constant 0 : i32
        %dma_wait3A_170 = arith.constant 1 : i32
        %dma_wait3A_171 = arith.constant 0 : i32
        %dma_wait3A_172 = arith.constant 0 : i32
        %dma_wait3A_173 = tpu.memref_slice %arg11[%dma_wait3A_170, %dma_wait3A_171, %dma_wait3A_172] : memref<2x128x128xf32, #tpu.memory_space<vmem>> -> memref<1x128x128xf32, #tpu.memory_space<vmem>>
        %dma_wait3A_174 = tpu.memref_squeeze %dma_wait3A_173 : memref<1x128x128xf32, #tpu.memory_space<vmem>> -> memref<128x128xf32, #tpu.memory_space<vmem>>
        %dma_wait3A_175 = arith.constant 0 : i32
        %dma_wait3A_176 = tpu.memref_slice %arg9[%dma_wait3A_169, %dma_wait3A_175] : memref<48x128xi32, #tpu.memory_space<vmem>> -> memref<1x128xi32, #tpu.memory_space<vmem>>
        %dma_wait3A_177 = tpu.memref_squeeze %dma_wait3A_176 : memref<1x128xi32, #tpu.memory_space<vmem>> -> memref<128xi32, #tpu.memory_space<vmem>>
        %dma_wait3A_178 = arith.constant 0 : i32
        %dma_wait3A_179 = arith.constant 0 : i32
        %dma_wait3A_180 = tpu.memref_slice %arg2[%dma_wait3A_178, %dma_wait3A_179] : memref<10240x128xf32, #tpu.memory_space<hbm>> -> memref<10240x128xf32, #tpu.memory_space<hbm>>
        tpu.wait_indirect_dma semaphore(%arg14 : memref<!tpu.dma_semaphore, #tpu.memory_space<semaphore_mem>>) src(%dma_wait3A_180 : memref<10240x128xf32, #tpu.memory_space<hbm>>) dst(%dma_wait3A_174 : memref<128x128xf32, #tpu.memory_space<vmem>>)
        %dma_start3A_181 = arith.constant 1 : i32
        %dma_start3A_182 = arith.constant 0 : i32
        %dma_start3A_183 = arith.constant 0 : i32
        %dma_start3A_184 = tpu.memref_slice %arg11[%dma_start3A_181, %dma_start3A_182, %dma_start3A_183] : memref<2x128x128xf32, #tpu.memory_space<vmem>> -> memref<1x128x128xf32, #tpu.memory_space<vmem>>
        %dma_start3A_185 = tpu.memref_squeeze %dma_start3A_184 : memref<1x128x128xf32, #tpu.memory_space<vmem>> -> memref<128x128xf32, #tpu.memory_space<vmem>>
        %dma_start3A_186 = arith.constant 0 : i32
        %dma_start3A_187 = tpu.memref_slice %arg10[%add3A_168, %dma_start3A_186] : memref<48x128xi32, #tpu.memory_space<vmem>> -> memref<1x128xi32, #tpu.memory_space<vmem>>
        %dma_start3A_188 = tpu.memref_squeeze %dma_start3A_187 : memref<1x128xi32, #tpu.memory_space<vmem>> -> memref<128xi32, #tpu.memory_space<vmem>>
        %dma_start3A_189 = arith.constant 0 : i32
        %dma_start3A_190 = arith.constant 0 : i32
        %dma_start3A_191 = tpu.memref_slice %arg12[%dma_start3A_189, %dma_start3A_190] : memref<10240x128xf32, #tpu.memory_space<vmem_shared>> -> memref<10240x128xf32, #tpu.memory_space<vmem_shared>>
        tpu.enqueue_indirect_dma source(%dma_start3A_185 : memref<128x128xf32, #tpu.memory_space<vmem>>) target(%dma_start3A_191 : memref<10240x128xf32, #tpu.memory_space<vmem_shared>>) offsets(%dma_start3A_188 : memref<128xi32, #tpu.memory_space<vmem>>) semaphore(%arg16 : memref<!tpu.dma_semaphore, #tpu.memory_space<semaphore_mem>>) {add = true}
        %add3A_192 = arith.constant 1 : i32
        %add3A_193 = arith.addi %add3A_168, %add3A_192 : i32
        %lt3A_194 = arith.constant 48 : i32
        %lt3A_195 = arith.cmpi slt, %add3A_193, %lt3A_194 : i32
        %convert_element_type3A_196 = arith.extui %lt3A_195 : i1 to i32
        %cond3A_197 = arith.constant 0 : i32
        %cond3A_198 = arith.cmpi ne, %convert_element_type3A_196, %cond3A_197 : i32
        scf.if %cond3A_198 {
          %ge3A = arith.constant 1 : i32
          %ge3A_199 = arith.cmpi sge, %add3A_168, %ge3A : i32
          %convert_element_type3A_200 = arith.extui %ge3A_199 : i1 to i32
          %cond3A_201 = arith.constant 0 : i32
          %cond3A_202 = arith.cmpi ne, %convert_element_type3A_200, %cond3A_201 : i32
          scf.if %cond3A_202 {
            %dma_wait3A_216 = arith.constant 0 : i32
            %dma_wait3A_217 = arith.constant 0 : i32
            %dma_wait3A_218 = arith.constant 0 : i32
            %dma_wait3A_219 = arith.constant 0 : i32
            %dma_wait3A_220 = tpu.memref_slice %arg11[%dma_wait3A_216, %dma_wait3A_218, %dma_wait3A_219] : memref<2x128x128xf32, #tpu.memory_space<vmem>> -> memref<1x128x128xf32, #tpu.memory_space<vmem>>
            %dma_wait3A_221 = tpu.memref_squeeze %dma_wait3A_220 : memref<1x128x128xf32, #tpu.memory_space<vmem>> -> memref<128x128xf32, #tpu.memory_space<vmem>>
            %dma_wait3A_222 = arith.constant 0 : i32
            %dma_wait3A_223 = tpu.memref_slice %arg10[%dma_wait3A_217, %dma_wait3A_222] : memref<48x128xi32, #tpu.memory_space<vmem>> -> memref<1x128xi32, #tpu.memory_space<vmem>>
            %dma_wait3A_224 = tpu.memref_squeeze %dma_wait3A_223 : memref<1x128xi32, #tpu.memory_space<vmem>> -> memref<128xi32, #tpu.memory_space<vmem>>
            %dma_wait3A_225 = arith.constant 0 : i32
            %dma_wait3A_226 = arith.constant 0 : i32
            %dma_wait3A_227 = tpu.memref_slice %arg12[%dma_wait3A_225, %dma_wait3A_226] : memref<10240x128xf32, #tpu.memory_space<vmem_shared>> -> memref<10240x128xf32, #tpu.memory_space<vmem_shared>>
            tpu.wait_indirect_dma semaphore(%arg15 : memref<!tpu.dma_semaphore, #tpu.memory_space<semaphore_mem>>) src(%dma_wait3A_221 : memref<128x128xf32, #tpu.memory_space<vmem>>) dst(%dma_wait3A_227 : memref<10240x128xf32, #tpu.memory_space<vmem_shared>>)
          } else {
          }
          %add3A_203 = arith.constant 1 : i32
          %add3A_204 = arith.addi %add3A_168, %add3A_203 : i32
          %dma_start3A_205 = arith.constant 0 : i32
          %dma_start3A_206 = arith.constant 0 : i32
          %dma_start3A_207 = arith.constant 0 : i32
          %dma_start3A_208 = tpu.memref_slice %arg11[%dma_start3A_205, %dma_start3A_206, %dma_start3A_207] : memref<2x128x128xf32, #tpu.memory_space<vmem>> -> memref<1x128x128xf32, #tpu.memory_space<vmem>>
          %dma_start3A_209 = tpu.memref_squeeze %dma_start3A_208 : memref<1x128x128xf32, #tpu.memory_space<vmem>> -> memref<128x128xf32, #tpu.memory_space<vmem>>
          %dma_start3A_210 = arith.constant 0 : i32
          %dma_start3A_211 = tpu.memref_slice %arg9[%add3A_204, %dma_start3A_210] : memref<48x128xi32, #tpu.memory_space<vmem>> -> memref<1x128xi32, #tpu.memory_space<vmem>>
          %dma_start3A_212 = tpu.memref_squeeze %dma_start3A_211 : memref<1x128xi32, #tpu.memory_space<vmem>> -> memref<128xi32, #tpu.memory_space<vmem>>
          %dma_start3A_213 = arith.constant 0 : i32
          %dma_start3A_214 = arith.constant 0 : i32
          %dma_start3A_215 = tpu.memref_slice %arg2[%dma_start3A_213, %dma_start3A_214] : memref<10240x128xf32, #tpu.memory_space<hbm>> -> memref<10240x128xf32, #tpu.memory_space<hbm>>
          tpu.enqueue_indirect_dma source(%dma_start3A_215 : memref<10240x128xf32, #tpu.memory_space<hbm>>) target(%dma_start3A_209 : memref<128x128xf32, #tpu.memory_space<vmem>>) offsets(%dma_start3A_212 : memref<128xi32, #tpu.memory_space<vmem>>) semaphore(%arg13 : memref<!tpu.dma_semaphore, #tpu.memory_space<semaphore_mem>>)
        } else {
        }
      }
      %scan3A_107 = arith.constant 24 : i32
      %dma_wait3A_108 = arith.constant 0 : i32
      %dma_wait3A_109 = arith.constant 0 : i32
      %dma_wait3A_110 = arith.constant 0 : i32
      %dma_wait3A_111 = arith.constant 0 : i32
      %dma_wait3A_112 = tpu.memref_slice %arg11[%dma_wait3A_108, %dma_wait3A_110, %dma_wait3A_111] : memref<2x128x128xf32, #tpu.memory_space<vmem>> -> memref<1x128x128xf32, #tpu.memory_space<vmem>>
      %dma_wait3A_113 = tpu.memref_squeeze %dma_wait3A_112 : memref<1x128x128xf32, #tpu.memory_space<vmem>> -> memref<128x128xf32, #tpu.memory_space<vmem>>
      %dma_wait3A_114 = arith.constant 0 : i32
      %dma_wait3A_115 = tpu.memref_slice %arg10[%dma_wait3A_109, %dma_wait3A_114] : memref<48x128xi32, #tpu.memory_space<vmem>> -> memref<1x128xi32, #tpu.memory_space<vmem>>
      %dma_wait3A_116 = tpu.memref_squeeze %dma_wait3A_115 : memref<1x128xi32, #tpu.memory_space<vmem>> -> memref<128xi32, #tpu.memory_space<vmem>>
      %dma_wait3A_117 = arith.constant 0 : i32
      %dma_wait3A_118 = arith.constant 0 : i32
      %dma_wait3A_119 = tpu.memref_slice %arg12[%dma_wait3A_117, %dma_wait3A_118] : memref<10240x128xf32, #tpu.memory_space<vmem_shared>> -> memref<10240x128xf32, #tpu.memory_space<vmem_shared>>
      tpu.wait_indirect_dma semaphore(%arg15 : memref<!tpu.dma_semaphore, #tpu.memory_space<semaphore_mem>>) src(%dma_wait3A_113 : memref<128x128xf32, #tpu.memory_space<vmem>>) dst(%dma_wait3A_119 : memref<10240x128xf32, #tpu.memory_space<vmem_shared>>)
      %dma_wait3A_120 = arith.constant 1 : i32
      %dma_wait3A_121 = arith.constant 0 : i32
      %dma_wait3A_122 = arith.constant 0 : i32
      %dma_wait3A_123 = arith.constant 0 : i32
      %dma_wait3A_124 = tpu.memref_slice %arg11[%dma_wait3A_120, %dma_wait3A_122, %dma_wait3A_123] : memref<2x128x128xf32, #tpu.memory_space<vmem>> -> memref<1x128x128xf32, #tpu.memory_space<vmem>>
      %dma_wait3A_125 = tpu.memref_squeeze %dma_wait3A_124 : memref<1x128x128xf32, #tpu.memory_space<vmem>> -> memref<128x128xf32, #tpu.memory_space<vmem>>
      %dma_wait3A_126 = arith.constant 0 : i32
      %dma_wait3A_127 = tpu.memref_slice %arg10[%dma_wait3A_121, %dma_wait3A_126] : memref<48x128xi32, #tpu.memory_space<vmem>> -> memref<1x128xi32, #tpu.memory_space<vmem>>
      %dma_wait3A_128 = tpu.memref_squeeze %dma_wait3A_127 : memref<1x128xi32, #tpu.memory_space<vmem>> -> memref<128xi32, #tpu.memory_space<vmem>>
      %dma_wait3A_129 = arith.constant 0 : i32
      %dma_wait3A_130 = arith.constant 0 : i32
      %dma_wait3A_131 = tpu.memref_slice %arg12[%dma_wait3A_129, %dma_wait3A_130] : memref<10240x128xf32, #tpu.memory_space<vmem_shared>> -> memref<10240x128xf32, #tpu.memory_space<vmem_shared>>
      tpu.wait_indirect_dma semaphore(%arg16 : memref<!tpu.dma_semaphore, #tpu.memory_space<semaphore_mem>>) src(%dma_wait3A_125 : memref<128x128xf32, #tpu.memory_space<vmem>>) dst(%dma_wait3A_131 : memref<10240x128xf32, #tpu.memory_space<vmem_shared>>)
    } else {
    }
    %eq3A_3 = arith.constant 1 : i32
    %eq3A_4 = arith.cmpi eq, %arg0, %eq3A_3 : i32
    %convert_element_type3A_5 = arith.extui %eq3A_4 : i1 to i32
    %cond3A_6 = arith.constant 0 : i32
    %cond3A_7 = arith.cmpi ne, %convert_element_type3A_5, %cond3A_6 : i32
    scf.if %cond3A_7 {
      "tpu.region"() ({
        %run_scoped3A = tpu.sem_alloc : memref<!tpu.dma_semaphore, #tpu.memory_space<semaphore_mem>>
        %dma_start3A_48 = arith.constant 0 : i32
        %dma_start3A_49 = arith.constant 0 : i32
        %dma_start3A_50 = tpu.memref_slice %arg9[%dma_start3A_48, %dma_start3A_49] : memref<48x128xi32, #tpu.memory_space<vmem>> -> memref<16x128xi32, #tpu.memory_space<vmem>>
        %dma_start3A_51 = arith.constant 0 : i32
        %dma_start3A_52 = arith.constant 0 : i32
        %dma_start3A_53 = tpu.memref_slice %arg6[%arg1, %dma_start3A_51, %dma_start3A_52] : memref<16x16x128xi32, #tpu.memory_space<hbm>> -> memref<1x16x128xi32, #tpu.memory_space<hbm>>
        %dma_start3A_54 = tpu.memref_squeeze %dma_start3A_53 : memref<1x16x128xi32, #tpu.memory_space<hbm>> -> memref<16x128xi32, #tpu.memory_space<hbm>>
        %dma_start3A_55 = arith.constant 0 : i32
        %dma_start3A_56 = arith.constant 0 : i32
        %dma_start3A_57 = tpu.memref_slice %arg9[%dma_start3A_55, %dma_start3A_56] : memref<48x128xi32, #tpu.memory_space<vmem>> -> memref<16x128xi32, #tpu.memory_space<vmem>>
        %dma_start3A_58 = arith.constant 0 : i32
        %dma_start3A_59 = arith.constant 0 : i32
        %dma_start3A_60 = tpu.memref_slice %arg6[%arg1, %dma_start3A_58, %dma_start3A_59] : memref<16x16x128xi32, #tpu.memory_space<hbm>> -> memref<1x16x128xi32, #tpu.memory_space<hbm>>
        %dma_start3A_61 = tpu.memref_squeeze %dma_start3A_60 : memref<1x16x128xi32, #tpu.memory_space<hbm>> -> memref<16x128xi32, #tpu.memory_space<hbm>>
        tpu.enqueue_dma source(%dma_start3A_61 : memref<16x128xi32, #tpu.memory_space<hbm>>) target(%dma_start3A_57 : memref<16x128xi32, #tpu.memory_space<vmem>>) target_semaphore(%run_scoped3A : memref<!tpu.dma_semaphore, #tpu.memory_space<semaphore_mem>>)
        %dma_wait3A_62 = arith.constant 0 : i32
        %dma_wait3A_63 = arith.constant 0 : i32
        %dma_wait3A_64 = tpu.memref_slice %arg9[%dma_wait3A_62, %dma_wait3A_63] : memref<48x128xi32, #tpu.memory_space<vmem>> -> memref<16x128xi32, #tpu.memory_space<vmem>>
        %dma_wait3A_65 = arith.constant 0 : i32
        %dma_wait3A_66 = arith.constant 0 : i32
        %dma_wait3A_67 = tpu.memref_slice %arg6[%arg1, %dma_wait3A_65, %dma_wait3A_66] : memref<16x16x128xi32, #tpu.memory_space<hbm>> -> memref<1x16x128xi32, #tpu.memory_space<hbm>>
        %dma_wait3A_68 = tpu.memref_squeeze %dma_wait3A_67 : memref<1x16x128xi32, #tpu.memory_space<hbm>> -> memref<16x128xi32, #tpu.memory_space<hbm>>
        %dma_wait3A_69 = arith.constant 0 : i32
        %dma_wait3A_70 = arith.constant 0 : i32
        %dma_wait3A_71 = tpu.memref_slice %arg9[%dma_wait3A_69, %dma_wait3A_70] : memref<48x128xi32, #tpu.memory_space<vmem>> -> memref<16x128xi32, #tpu.memory_space<vmem>>
        %dma_wait3A_72 = arith.constant 0 : i32
        %dma_wait3A_73 = arith.constant 0 : i32
        %dma_wait3A_74 = tpu.memref_slice %arg6[%arg1, %dma_wait3A_72, %dma_wait3A_73] : memref<16x16x128xi32, #tpu.memory_space<hbm>> -> memref<1x16x128xi32, #tpu.memory_space<hbm>>
        %dma_wait3A_75 = tpu.memref_squeeze %dma_wait3A_74 : memref<1x16x128xi32, #tpu.memory_space<hbm>> -> memref<16x128xi32, #tpu.memory_space<hbm>>
        tpu.wait_dma2 semaphore(%run_scoped3A : memref<!tpu.dma_semaphore, #tpu.memory_space<semaphore_mem>>) src(%dma_wait3A_75 : memref<16x128xi32, #tpu.memory_space<hbm>>) dst(%dma_wait3A_71 : memref<16x128xi32, #tpu.memory_space<vmem>>)
        tpu.yield
      }) : () -> ()
      "tpu.region"() ({
        %run_scoped3A = tpu.sem_alloc : memref<!tpu.dma_semaphore, #tpu.memory_space<semaphore_mem>>
        %dma_start3A_48 = arith.constant 0 : i32
        %dma_start3A_49 = arith.constant 0 : i32
        %dma_start3A_50 = tpu.memref_slice %arg10[%dma_start3A_48, %dma_start3A_49] : memref<48x128xi32, #tpu.memory_space<vmem>> -> memref<16x128xi32, #tpu.memory_space<vmem>>
        %dma_start3A_51 = arith.constant 0 : i32
        %dma_start3A_52 = arith.constant 0 : i32
        %dma_start3A_53 = tpu.memref_slice %arg7[%arg1, %dma_start3A_51, %dma_start3A_52] : memref<16x16x128xi32, #tpu.memory_space<hbm>> -> memref<1x16x128xi32, #tpu.memory_space<hbm>>
        %dma_start3A_54 = tpu.memref_squeeze %dma_start3A_53 : memref<1x16x128xi32, #tpu.memory_space<hbm>> -> memref<16x128xi32, #tpu.memory_space<hbm>>
        %dma_start3A_55 = arith.constant 0 : i32
        %dma_start3A_56 = arith.constant 0 : i32
        %dma_start3A_57 = tpu.memref_slice %arg10[%dma_start3A_55, %dma_start3A_56] : memref<48x128xi32, #tpu.memory_space<vmem>> -> memref<16x128xi32, #tpu.memory_space<vmem>>
        %dma_start3A_58 = arith.constant 0 : i32
        %dma_start3A_59 = arith.constant 0 : i32
        %dma_start3A_60 = tpu.memref_slice %arg7[%arg1, %dma_start3A_58, %dma_start3A_59] : memref<16x16x128xi32, #tpu.memory_space<hbm>> -> memref<1x16x128xi32, #tpu.memory_space<hbm>>
        %dma_start3A_61 = tpu.memref_squeeze %dma_start3A_60 : memref<1x16x128xi32, #tpu.memory_space<hbm>> -> memref<16x128xi32, #tpu.memory_space<hbm>>
        tpu.enqueue_dma source(%dma_start3A_61 : memref<16x128xi32, #tpu.memory_space<hbm>>) target(%dma_start3A_57 : memref<16x128xi32, #tpu.memory_space<vmem>>) target_semaphore(%run_scoped3A : memref<!tpu.dma_semaphore, #tpu.memory_space<semaphore_mem>>)
        %dma_wait3A_62 = arith.constant 0 : i32
        %dma_wait3A_63 = arith.constant 0 : i32
        %dma_wait3A_64 = tpu.memref_slice %arg10[%dma_wait3A_62, %dma_wait3A_63] : memref<48x128xi32, #tpu.memory_space<vmem>> -> memref<16x128xi32, #tpu.memory_space<vmem>>
        %dma_wait3A_65 = arith.constant 0 : i32
        %dma_wait3A_66 = arith.constant 0 : i32
        %dma_wait3A_67 = tpu.memref_slice %arg7[%arg1, %dma_wait3A_65, %dma_wait3A_66] : memref<16x16x128xi32, #tpu.memory_space<hbm>> -> memref<1x16x128xi32, #tpu.memory_space<hbm>>
        %dma_wait3A_68 = tpu.memref_squeeze %dma_wait3A_67 : memref<1x16x128xi32, #tpu.memory_space<hbm>> -> memref<16x128xi32, #tpu.memory_space<hbm>>
        %dma_wait3A_69 = arith.constant 0 : i32
        %dma_wait3A_70 = arith.constant 0 : i32
        %dma_wait3A_71 = tpu.memref_slice %arg10[%dma_wait3A_69, %dma_wait3A_70] : memref<48x128xi32, #tpu.memory_space<vmem>> -> memref<16x128xi32, #tpu.memory_space<vmem>>
        %dma_wait3A_72 = arith.constant 0 : i32
        %dma_wait3A_73 = arith.constant 0 : i32
        %dma_wait3A_74 = tpu.memref_slice %arg7[%arg1, %dma_wait3A_72, %dma_wait3A_73] : memref<16x16x128xi32, #tpu.memory_space<hbm>> -> memref<1x16x128xi32, #tpu.memory_space<hbm>>
        %dma_wait3A_75 = tpu.memref_squeeze %dma_wait3A_74 : memref<1x16x128xi32, #tpu.memory_space<hbm>> -> memref<16x128xi32, #tpu.memory_space<hbm>>
        tpu.wait_dma2 semaphore(%run_scoped3A : memref<!tpu.dma_semaphore, #tpu.memory_space<semaphore_mem>>) src(%dma_wait3A_75 : memref<16x128xi32, #tpu.memory_space<hbm>>) dst(%dma_wait3A_71 : memref<16x128xi32, #tpu.memory_space<vmem>>)
        tpu.yield
      }) : () -> ()
      %dma_start3A = arith.constant 0 : i32
      %dma_start3A_9 = arith.constant 0 : i32
      %dma_start3A_10 = arith.constant 0 : i32
      %dma_start3A_11 = arith.constant 0 : i32
      %dma_start3A_12 = tpu.memref_slice %arg11[%dma_start3A_9, %dma_start3A_10, %dma_start3A_11] : memref<2x128x128xf32, #tpu.memory_space<vmem>> -> memref<1x128x128xf32, #tpu.memory_space<vmem>>
      %dma_start3A_13 = tpu.memref_squeeze %dma_start3A_12 : memref<1x128x128xf32, #tpu.memory_space<vmem>> -> memref<128x128xf32, #tpu.memory_space<vmem>>
      %dma_start3A_14 = arith.constant 0 : i32
      %dma_start3A_15 = tpu.memref_slice %arg9[%dma_start3A, %dma_start3A_14] : memref<48x128xi32, #tpu.memory_space<vmem>> -> memref<1x128xi32, #tpu.memory_space<vmem>>
      %dma_start3A_16 = tpu.memref_squeeze %dma_start3A_15 : memref<1x128xi32, #tpu.memory_space<vmem>> -> memref<128xi32, #tpu.memory_space<vmem>>
      %dma_start3A_17 = arith.constant 0 : i32
      %dma_start3A_18 = arith.constant 0 : i32
      %dma_start3A_19 = tpu.memref_slice %arg2[%dma_start3A_17, %dma_start3A_18] : memref<10240x128xf32, #tpu.memory_space<hbm>> -> memref<10240x128xf32, #tpu.memory_space<hbm>>
      tpu.enqueue_indirect_dma source(%dma_start3A_19 : memref<10240x128xf32, #tpu.memory_space<hbm>>) target(%dma_start3A_13 : memref<128x128xf32, #tpu.memory_space<vmem>>) offsets(%dma_start3A_16 : memref<128xi32, #tpu.memory_space<vmem>>) semaphore(%arg13 : memref<!tpu.dma_semaphore, #tpu.memory_space<semaphore_mem>>)
      %scan3A = arith.constant 0 : i32
      %scan3A_20 = arith.constant 0 : i32
      %scan3A_21 = arith.constant 8 : i32
      %scan3A_22 = arith.addi %scan3A_20, %scan3A_21 : i32
      %scan3A_23 = arith.constant 1 : i32
      scf.for %scan3A_48 = %scan3A_20 to %scan3A_22 step %scan3A_23  : i32 {
        %mul3A_49 = arith.constant 2 : i32
        %mul3A_50 = arith.muli %scan3A_48, %mul3A_49 : i32
        %add3A = arith.constant 0 : i32
        %add3A_51 = arith.addi %mul3A_50, %add3A : i32
        %dma_wait3A_52 = arith.constant 0 : i32
        %dma_wait3A_53 = arith.constant 0 : i32
        %dma_wait3A_54 = arith.constant 0 : i32
        %dma_wait3A_55 = arith.constant 0 : i32
        %dma_wait3A_56 = tpu.memref_slice %arg11[%dma_wait3A_53, %dma_wait3A_54, %dma_wait3A_55] : memref<2x128x128xf32, #tpu.memory_space<vmem>> -> memref<1x128x128xf32, #tpu.memory_space<vmem>>
        %dma_wait3A_57 = tpu.memref_squeeze %dma_wait3A_56 : memref<1x128x128xf32, #tpu.memory_space<vmem>> -> memref<128x128xf32, #tpu.memory_space<vmem>>
        %dma_wait3A_58 = arith.constant 0 : i32
        %dma_wait3A_59 = tpu.memref_slice %arg9[%dma_wait3A_52, %dma_wait3A_58] : memref<48x128xi32, #tpu.memory_space<vmem>> -> memref<1x128xi32, #tpu.memory_space<vmem>>
        %dma_wait3A_60 = tpu.memref_squeeze %dma_wait3A_59 : memref<1x128xi32, #tpu.memory_space<vmem>> -> memref<128xi32, #tpu.memory_space<vmem>>
        %dma_wait3A_61 = arith.constant 0 : i32
        %dma_wait3A_62 = arith.constant 0 : i32
        %dma_wait3A_63 = tpu.memref_slice %arg2[%dma_wait3A_61, %dma_wait3A_62] : memref<10240x128xf32, #tpu.memory_space<hbm>> -> memref<10240x128xf32, #tpu.memory_space<hbm>>
        tpu.wait_indirect_dma semaphore(%arg13 : memref<!tpu.dma_semaphore, #tpu.memory_space<semaphore_mem>>) src(%dma_wait3A_63 : memref<10240x128xf32, #tpu.memory_space<hbm>>) dst(%dma_wait3A_57 : memref<128x128xf32, #tpu.memory_space<vmem>>)
        %dma_start3A_64 = arith.constant 0 : i32
        %dma_start3A_65 = arith.constant 0 : i32
        %dma_start3A_66 = arith.constant 0 : i32
        %dma_start3A_67 = tpu.memref_slice %arg11[%dma_start3A_64, %dma_start3A_65, %dma_start3A_66] : memref<2x128x128xf32, #tpu.memory_space<vmem>> -> memref<1x128x128xf32, #tpu.memory_space<vmem>>
        %dma_start3A_68 = tpu.memref_squeeze %dma_start3A_67 : memref<1x128x128xf32, #tpu.memory_space<vmem>> -> memref<128x128xf32, #tpu.memory_space<vmem>>
        %dma_start3A_69 = arith.constant 0 : i32
        %dma_start3A_70 = tpu.memref_slice %arg10[%add3A_51, %dma_start3A_69] : memref<48x128xi32, #tpu.memory_space<vmem>> -> memref<1x128xi32, #tpu.memory_space<vmem>>
        %dma_start3A_71 = tpu.memref_squeeze %dma_start3A_70 : memref<1x128xi32, #tpu.memory_space<vmem>> -> memref<128xi32, #tpu.memory_space<vmem>>
        %dma_start3A_72 = arith.constant 0 : i32
        %dma_start3A_73 = arith.constant 0 : i32
        %dma_start3A_74 = tpu.memref_slice %arg12[%dma_start3A_72, %dma_start3A_73] : memref<10240x128xf32, #tpu.memory_space<vmem_shared>> -> memref<10240x128xf32, #tpu.memory_space<vmem_shared>>
        tpu.enqueue_indirect_dma source(%dma_start3A_68 : memref<128x128xf32, #tpu.memory_space<vmem>>) target(%dma_start3A_74 : memref<10240x128xf32, #tpu.memory_space<vmem_shared>>) offsets(%dma_start3A_71 : memref<128xi32, #tpu.memory_space<vmem>>) semaphore(%arg15 : memref<!tpu.dma_semaphore, #tpu.memory_space<semaphore_mem>>) {add = true}
        %add3A_75 = arith.constant 1 : i32
        %add3A_76 = arith.addi %add3A_51, %add3A_75 : i32
        %lt3A = arith.constant 16 : i32
        %lt3A_77 = arith.cmpi slt, %add3A_76, %lt3A : i32
        %convert_element_type3A_78 = arith.extui %lt3A_77 : i1 to i32
        %cond3A_79 = arith.constant 0 : i32
        %cond3A_80 = arith.cmpi ne, %convert_element_type3A_78, %cond3A_79 : i32
        scf.if %cond3A_80 {
          %ge3A = arith.constant 1 : i32
          %ge3A_115 = arith.cmpi sge, %add3A_51, %ge3A : i32
          %convert_element_type3A_116 = arith.extui %ge3A_115 : i1 to i32
          %cond3A_117 = arith.constant 0 : i32
          %cond3A_118 = arith.cmpi ne, %convert_element_type3A_116, %cond3A_117 : i32
          scf.if %cond3A_118 {
            %dma_wait3A_132 = arith.constant 1 : i32
            %dma_wait3A_133 = arith.constant 0 : i32
            %dma_wait3A_134 = arith.constant 0 : i32
            %dma_wait3A_135 = arith.constant 0 : i32
            %dma_wait3A_136 = tpu.memref_slice %arg11[%dma_wait3A_132, %dma_wait3A_134, %dma_wait3A_135] : memref<2x128x128xf32, #tpu.memory_space<vmem>> -> memref<1x128x128xf32, #tpu.memory_space<vmem>>
            %dma_wait3A_137 = tpu.memref_squeeze %dma_wait3A_136 : memref<1x128x128xf32, #tpu.memory_space<vmem>> -> memref<128x128xf32, #tpu.memory_space<vmem>>
            %dma_wait3A_138 = arith.constant 0 : i32
            %dma_wait3A_139 = tpu.memref_slice %arg10[%dma_wait3A_133, %dma_wait3A_138] : memref<48x128xi32, #tpu.memory_space<vmem>> -> memref<1x128xi32, #tpu.memory_space<vmem>>
            %dma_wait3A_140 = tpu.memref_squeeze %dma_wait3A_139 : memref<1x128xi32, #tpu.memory_space<vmem>> -> memref<128xi32, #tpu.memory_space<vmem>>
            %dma_wait3A_141 = arith.constant 0 : i32
            %dma_wait3A_142 = arith.constant 0 : i32
            %dma_wait3A_143 = tpu.memref_slice %arg12[%dma_wait3A_141, %dma_wait3A_142] : memref<10240x128xf32, #tpu.memory_space<vmem_shared>> -> memref<10240x128xf32, #tpu.memory_space<vmem_shared>>
            tpu.wait_indirect_dma semaphore(%arg16 : memref<!tpu.dma_semaphore, #tpu.memory_space<semaphore_mem>>) src(%dma_wait3A_137 : memref<128x128xf32, #tpu.memory_space<vmem>>) dst(%dma_wait3A_143 : memref<10240x128xf32, #tpu.memory_space<vmem_shared>>)
          } else {
          }
          %add3A_119 = arith.constant 1 : i32
          %add3A_120 = arith.addi %add3A_51, %add3A_119 : i32
          %dma_start3A_121 = arith.constant 1 : i32
          %dma_start3A_122 = arith.constant 0 : i32
          %dma_start3A_123 = arith.constant 0 : i32
          %dma_start3A_124 = tpu.memref_slice %arg11[%dma_start3A_121, %dma_start3A_122, %dma_start3A_123] : memref<2x128x128xf32, #tpu.memory_space<vmem>> -> memref<1x128x128xf32, #tpu.memory_space<vmem>>
          %dma_start3A_125 = tpu.memref_squeeze %dma_start3A_124 : memref<1x128x128xf32, #tpu.memory_space<vmem>> -> memref<128x128xf32, #tpu.memory_space<vmem>>
          %dma_start3A_126 = arith.constant 0 : i32
          %dma_start3A_127 = tpu.memref_slice %arg9[%add3A_120, %dma_start3A_126] : memref<48x128xi32, #tpu.memory_space<vmem>> -> memref<1x128xi32, #tpu.memory_space<vmem>>
          %dma_start3A_128 = tpu.memref_squeeze %dma_start3A_127 : memref<1x128xi32, #tpu.memory_space<vmem>> -> memref<128xi32, #tpu.memory_space<vmem>>
          %dma_start3A_129 = arith.constant 0 : i32
          %dma_start3A_130 = arith.constant 0 : i32
          %dma_start3A_131 = tpu.memref_slice %arg2[%dma_start3A_129, %dma_start3A_130] : memref<10240x128xf32, #tpu.memory_space<hbm>> -> memref<10240x128xf32, #tpu.memory_space<hbm>>
          tpu.enqueue_indirect_dma source(%dma_start3A_131 : memref<10240x128xf32, #tpu.memory_space<hbm>>) target(%dma_start3A_125 : memref<128x128xf32, #tpu.memory_space<vmem>>) offsets(%dma_start3A_128 : memref<128xi32, #tpu.memory_space<vmem>>) semaphore(%arg14 : memref<!tpu.dma_semaphore, #tpu.memory_space<semaphore_mem>>)
        } else {
        }
        %mul3A_81 = arith.constant 2 : i32
        %mul3A_82 = arith.muli %scan3A_48, %mul3A_81 : i32
        %add3A_83 = arith.constant 1 : i32
        %add3A_84 = arith.addi %mul3A_82, %add3A_83 : i32
        %dma_wait3A_85 = arith.constant 0 : i32
        %dma_wait3A_86 = arith.constant 1 : i32
        %dma_wait3A_87 = arith.constant 0 : i32
        %dma_wait3A_88 = arith.constant 0 : i32
        %dma_wait3A_89 = tpu.memref_slice %arg11[%dma_wait3A_86, %dma_wait3A_87, %dma_wait3A_88] : memref<2x128x128xf32, #tpu.memory_space<vmem>> -> memref<1x128x128xf32, #tpu.memory_space<vmem>>
        %dma_wait3A_90 = tpu.memref_squeeze %dma_wait3A_89 : memref<1x128x128xf32, #tpu.memory_space<vmem>> -> memref<128x128xf32, #tpu.memory_space<vmem>>
        %dma_wait3A_91 = arith.constant 0 : i32
        %dma_wait3A_92 = tpu.memref_slice %arg9[%dma_wait3A_85, %dma_wait3A_91] : memref<48x128xi32, #tpu.memory_space<vmem>> -> memref<1x128xi32, #tpu.memory_space<vmem>>
        %dma_wait3A_93 = tpu.memref_squeeze %dma_wait3A_92 : memref<1x128xi32, #tpu.memory_space<vmem>> -> memref<128xi32, #tpu.memory_space<vmem>>
        %dma_wait3A_94 = arith.constant 0 : i32
        %dma_wait3A_95 = arith.constant 0 : i32
        %dma_wait3A_96 = tpu.memref_slice %arg2[%dma_wait3A_94, %dma_wait3A_95] : memref<10240x128xf32, #tpu.memory_space<hbm>> -> memref<10240x128xf32, #tpu.memory_space<hbm>>
        tpu.wait_indirect_dma semaphore(%arg14 : memref<!tpu.dma_semaphore, #tpu.memory_space<semaphore_mem>>) src(%dma_wait3A_96 : memref<10240x128xf32, #tpu.memory_space<hbm>>) dst(%dma_wait3A_90 : memref<128x128xf32, #tpu.memory_space<vmem>>)
        %dma_start3A_97 = arith.constant 1 : i32
        %dma_start3A_98 = arith.constant 0 : i32
        %dma_start3A_99 = arith.constant 0 : i32
        %dma_start3A_100 = tpu.memref_slice %arg11[%dma_start3A_97, %dma_start3A_98, %dma_start3A_99] : memref<2x128x128xf32, #tpu.memory_space<vmem>> -> memref<1x128x128xf32, #tpu.memory_space<vmem>>
        %dma_start3A_101 = tpu.memref_squeeze %dma_start3A_100 : memref<1x128x128xf32, #tpu.memory_space<vmem>> -> memref<128x128xf32, #tpu.memory_space<vmem>>
        %dma_start3A_102 = arith.constant 0 : i32
        %dma_start3A_103 = tpu.memref_slice %arg10[%add3A_84, %dma_start3A_102] : memref<48x128xi32, #tpu.memory_space<vmem>> -> memref<1x128xi32, #tpu.memory_space<vmem>>
        %dma_start3A_104 = tpu.memref_squeeze %dma_start3A_103 : memref<1x128xi32, #tpu.memory_space<vmem>> -> memref<128xi32, #tpu.memory_space<vmem>>
        %dma_start3A_105 = arith.constant 0 : i32
        %dma_start3A_106 = arith.constant 0 : i32
        %dma_start3A_107 = tpu.memref_slice %arg12[%dma_start3A_105, %dma_start3A_106] : memref<10240x128xf32, #tpu.memory_space<vmem_shared>> -> memref<10240x128xf32, #tpu.memory_space<vmem_shared>>
        tpu.enqueue_indirect_dma source(%dma_start3A_101 : memref<128x128xf32, #tpu.memory_space<vmem>>) target(%dma_start3A_107 : memref<10240x128xf32, #tpu.memory_space<vmem_shared>>) offsets(%dma_start3A_104 : memref<128xi32, #tpu.memory_space<vmem>>) semaphore(%arg16 : memref<!tpu.dma_semaphore, #tpu.memory_space<semaphore_mem>>) {add = true}
        %add3A_108 = arith.constant 1 : i32
        %add3A_109 = arith.addi %add3A_84, %add3A_108 : i32
        %lt3A_110 = arith.constant 16 : i32
        %lt3A_111 = arith.cmpi slt, %add3A_109, %lt3A_110 : i32
        %convert_element_type3A_112 = arith.extui %lt3A_111 : i1 to i32
        %cond3A_113 = arith.constant 0 : i32
        %cond3A_114 = arith.cmpi ne, %convert_element_type3A_112, %cond3A_113 : i32
        scf.if %cond3A_114 {
          %ge3A = arith.constant 1 : i32
          %ge3A_115 = arith.cmpi sge, %add3A_84, %ge3A : i32
          %convert_element_type3A_116 = arith.extui %ge3A_115 : i1 to i32
          %cond3A_117 = arith.constant 0 : i32
          %cond3A_118 = arith.cmpi ne, %convert_element_type3A_116, %cond3A_117 : i32
          scf.if %cond3A_118 {
            %dma_wait3A_132 = arith.constant 0 : i32
            %dma_wait3A_133 = arith.constant 0 : i32
            %dma_wait3A_134 = arith.constant 0 : i32
            %dma_wait3A_135 = arith.constant 0 : i32
            %dma_wait3A_136 = tpu.memref_slice %arg11[%dma_wait3A_132, %dma_wait3A_134, %dma_wait3A_135] : memref<2x128x128xf32, #tpu.memory_space<vmem>> -> memref<1x128x128xf32, #tpu.memory_space<vmem>>
            %dma_wait3A_137 = tpu.memref_squeeze %dma_wait3A_136 : memref<1x128x128xf32, #tpu.memory_space<vmem>> -> memref<128x128xf32, #tpu.memory_space<vmem>>
            %dma_wait3A_138 = arith.constant 0 : i32
            %dma_wait3A_139 = tpu.memref_slice %arg10[%dma_wait3A_133, %dma_wait3A_138] : memref<48x128xi32, #tpu.memory_space<vmem>> -> memref<1x128xi32, #tpu.memory_space<vmem>>
            %dma_wait3A_140 = tpu.memref_squeeze %dma_wait3A_139 : memref<1x128xi32, #tpu.memory_space<vmem>> -> memref<128xi32, #tpu.memory_space<vmem>>
            %dma_wait3A_141 = arith.constant 0 : i32
            %dma_wait3A_142 = arith.constant 0 : i32
            %dma_wait3A_143 = tpu.memref_slice %arg12[%dma_wait3A_141, %dma_wait3A_142] : memref<10240x128xf32, #tpu.memory_space<vmem_shared>> -> memref<10240x128xf32, #tpu.memory_space<vmem_shared>>
            tpu.wait_indirect_dma semaphore(%arg15 : memref<!tpu.dma_semaphore, #tpu.memory_space<semaphore_mem>>) src(%dma_wait3A_137 : memref<128x128xf32, #tpu.memory_space<vmem>>) dst(%dma_wait3A_143 : memref<10240x128xf32, #tpu.memory_space<vmem_shared>>)
          } else {
          }
          %add3A_119 = arith.constant 1 : i32
          %add3A_120 = arith.addi %add3A_84, %add3A_119 : i32
          %dma_start3A_121 = arith.constant 0 : i32
          %dma_start3A_122 = arith.constant 0 : i32
          %dma_start3A_123 = arith.constant 0 : i32
          %dma_start3A_124 = tpu.memref_slice %arg11[%dma_start3A_121, %dma_start3A_122, %dma_start3A_123] : memref<2x128x128xf32, #tpu.memory_space<vmem>> -> memref<1x128x128xf32, #tpu.memory_space<vmem>>
          %dma_start3A_125 = tpu.memref_squeeze %dma_start3A_124 : memref<1x128x128xf32, #tpu.memory_space<vmem>> -> memref<128x128xf32, #tpu.memory_space<vmem>>
          %dma_start3A_126 = arith.constant 0 : i32
          %dma_start3A_127 = tpu.memref_slice %arg9[%add3A_120, %dma_start3A_126] : memref<48x128xi32, #tpu.memory_space<vmem>> -> memref<1x128xi32, #tpu.memory_space<vmem>>
          %dma_start3A_128 = tpu.memref_squeeze %dma_start3A_127 : memref<1x128xi32, #tpu.memory_space<vmem>> -> memref<128xi32, #tpu.memory_space<vmem>>
          %dma_start3A_129 = arith.constant 0 : i32
          %dma_start3A_130 = arith.constant 0 : i32
          %dma_start3A_131 = tpu.memref_slice %arg2[%dma_start3A_129, %dma_start3A_130] : memref<10240x128xf32, #tpu.memory_space<hbm>> -> memref<10240x128xf32, #tpu.memory_space<hbm>>
          tpu.enqueue_indirect_dma source(%dma_start3A_131 : memref<10240x128xf32, #tpu.memory_space<hbm>>) target(%dma_start3A_125 : memref<128x128xf32, #tpu.memory_space<vmem>>) offsets(%dma_start3A_128 : memref<128xi32, #tpu.memory_space<vmem>>) semaphore(%arg13 : memref<!tpu.dma_semaphore, #tpu.memory_space<semaphore_mem>>)
        } else {
        }
      }
      %scan3A_24 = arith.constant 8 : i32
      %dma_wait3A = arith.constant 0 : i32
      %dma_wait3A_25 = arith.constant 0 : i32
      %dma_wait3A_26 = arith.constant 0 : i32
      %dma_wait3A_27 = arith.constant 0 : i32
      %dma_wait3A_28 = tpu.memref_slice %arg11[%dma_wait3A, %dma_wait3A_26, %dma_wait3A_27] : memref<2x128x128xf32, #tpu.memory_space<vmem>> -> memref<1x128x128xf32, #tpu.memory_space<vmem>>
      %dma_wait3A_29 = tpu.memref_squeeze %dma_wait3A_28 : memref<1x128x128xf32, #tpu.memory_space<vmem>> -> memref<128x128xf32, #tpu.memory_space<vmem>>
      %dma_wait3A_30 = arith.constant 0 : i32
      %dma_wait3A_31 = tpu.memref_slice %arg10[%dma_wait3A_25, %dma_wait3A_30] : memref<48x128xi32, #tpu.memory_space<vmem>> -> memref<1x128xi32, #tpu.memory_space<vmem>>
      %dma_wait3A_32 = tpu.memref_squeeze %dma_wait3A_31 : memref<1x128xi32, #tpu.memory_space<vmem>> -> memref<128xi32, #tpu.memory_space<vmem>>
      %dma_wait3A_33 = arith.constant 0 : i32
      %dma_wait3A_34 = arith.constant 0 : i32
      %dma_wait3A_35 = tpu.memref_slice %arg12[%dma_wait3A_33, %dma_wait3A_34] : memref<10240x128xf32, #tpu.memory_space<vmem_shared>> -> memref<10240x128xf32, #tpu.memory_space<vmem_shared>>
      tpu.wait_indirect_dma semaphore(%arg15 : memref<!tpu.dma_semaphore, #tpu.memory_space<semaphore_mem>>) src(%dma_wait3A_29 : memref<128x128xf32, #tpu.memory_space<vmem>>) dst(%dma_wait3A_35 : memref<10240x128xf32, #tpu.memory_space<vmem_shared>>)
      %dma_wait3A_36 = arith.constant 1 : i32
      %dma_wait3A_37 = arith.constant 0 : i32
      %dma_wait3A_38 = arith.constant 0 : i32
      %dma_wait3A_39 = arith.constant 0 : i32
      %dma_wait3A_40 = tpu.memref_slice %arg11[%dma_wait3A_36, %dma_wait3A_38, %dma_wait3A_39] : memref<2x128x128xf32, #tpu.memory_space<vmem>> -> memref<1x128x128xf32, #tpu.memory_space<vmem>>
      %dma_wait3A_41 = tpu.memref_squeeze %dma_wait3A_40 : memref<1x128x128xf32, #tpu.memory_space<vmem>> -> memref<128x128xf32, #tpu.memory_space<vmem>>
      %dma_wait3A_42 = arith.constant 0 : i32
      %dma_wait3A_43 = tpu.memref_slice %arg10[%dma_wait3A_37, %dma_wait3A_42] : memref<48x128xi32, #tpu.memory_space<vmem>> -> memref<1x128xi32, #tpu.memory_space<vmem>>
      %dma_wait3A_44 = tpu.memref_squeeze %dma_wait3A_43 : memref<1x128xi32, #tpu.memory_space<vmem>> -> memref<128xi32, #tpu.memory_space<vmem>>
      %dma_wait3A_45 = arith.constant 0 : i32
      %dma_wait3A_46 = arith.constant 0 : i32
      %dma_wait3A_47 = tpu.memref_slice %arg12[%dma_wait3A_45, %dma_wait3A_46] : memref<10240x128xf32, #tpu.memory_space<vmem_shared>> -> memref<10240x128xf32, #tpu.memory_space<vmem_shared>>
      tpu.wait_indirect_dma semaphore(%arg16 : memref<!tpu.dma_semaphore, #tpu.memory_space<semaphore_mem>>) src(%dma_wait3A_41 : memref<128x128xf32, #tpu.memory_space<vmem>>) dst(%dma_wait3A_47 : memref<10240x128xf32, #tpu.memory_space<vmem_shared>>)
    } else {
    }
    %barrier3A_8 = arith.constant 0 : index
    tpu.barrier barrier_id(%barrier3A_8)
    "tpu.region"() ({
      %run_scoped3A = tpu.sem_alloc : memref<!tpu.dma_semaphore, #tpu.memory_space<semaphore_mem>>
      %dma_start3A = arith.constant 0 : i32
      %dma_start3A_9 = tpu.memref_slice %arg8[%arg0, %mul3A_0, %dma_start3A] : memref<2x10240x128xf32, #tpu.memory_space<hbm>> -> memref<1x640x128xf32, #tpu.memory_space<hbm>>
      %dma_start3A_10 = tpu.memref_squeeze %dma_start3A_9 : memref<1x640x128xf32, #tpu.memory_space<hbm>> -> memref<640x128xf32, #tpu.memory_space<hbm>>
      %dma_start3A_11 = arith.constant 0 : i32
      %dma_start3A_12 = tpu.memref_slice %arg12[%mul3A_0, %dma_start3A_11] : memref<10240x128xf32, #tpu.memory_space<vmem_shared>> -> memref<640x128xf32, #tpu.memory_space<vmem_shared>>
      tpu.enqueue_dma source(%dma_start3A_12 : memref<640x128xf32, #tpu.memory_space<vmem_shared>>) target(%dma_start3A_10 : memref<640x128xf32, #tpu.memory_space<hbm>>) target_semaphore(%run_scoped3A : memref<!tpu.dma_semaphore, #tpu.memory_space<semaphore_mem>>)
      %dma_wait3A = arith.constant 0 : i32
      %dma_wait3A_13 = tpu.memref_slice %arg8[%arg0, %mul3A_0, %dma_wait3A] : memref<2x10240x128xf32, #tpu.memory_space<hbm>> -> memref<1x640x128xf32, #tpu.memory_space<hbm>>
      %dma_wait3A_14 = tpu.memref_squeeze %dma_wait3A_13 : memref<1x640x128xf32, #tpu.memory_space<hbm>> -> memref<640x128xf32, #tpu.memory_space<hbm>>
      %dma_wait3A_15 = arith.constant 0 : i32
      %dma_wait3A_16 = tpu.memref_slice %arg12[%mul3A_0, %dma_wait3A_15] : memref<10240x128xf32, #tpu.memory_space<vmem_shared>> -> memref<640x128xf32, #tpu.memory_space<vmem_shared>>
      tpu.wait_dma2 semaphore(%run_scoped3A : memref<!tpu.dma_semaphore, #tpu.memory_space<semaphore_mem>>) src(%dma_wait3A_16 : memref<640x128xf32, #tpu.memory_space<vmem_shared>>) dst(%dma_wait3A_14 : memref<640x128xf32, #tpu.memory_space<hbm>>)
      tpu.yield
    }) : () -> ()
    return
  }
}

#map = affine_map<(d0, d1) -> (0, 0)>
#map1 = affine_map<(d0, d1) -> (0, 0, 0)>
module attributes {stable_mosaic.version = 14 : i64} {
  func.func @edge_kernel(%arg0: i32, %arg1: i32, %arg2: memref<10240x128xf32, #tpu.memory_space<hbm>>, %arg3: memref<10240x128xf32, #tpu.memory_space<hbm>>, %arg4: memref<16x144x128xi32, #tpu.memory_space<hbm>>, %arg5: memref<16x144x128xi32, #tpu.memory_space<hbm>>, %arg6: memref<16x16x128xi32, #tpu.memory_space<hbm>>, %arg7: memref<16x16x128xi32, #tpu.memory_space<hbm>>, %arg8: memref<2x10240x128xf32, #tpu.memory_space<hbm>>, %arg9: memref<48x128xi32, #tpu.memory_space<vmem>>, %arg10: memref<48x128xi32, #tpu.memory_space<vmem>>, %arg11: memref<2x128x128xf32, #tpu.memory_space<vmem>>, %arg12: memref<10240x128xf32, #tpu.memory_space<vmem_shared>>, %arg13: memref<!tpu.dma_semaphore, #tpu.memory_space<semaphore_mem>>, %arg14: memref<!tpu.dma_semaphore, #tpu.memory_space<semaphore_mem>>, %arg15: memref<!tpu.dma_semaphore, #tpu.memory_space<semaphore_mem>>, %arg16: memref<!tpu.dma_semaphore, #tpu.memory_space<semaphore_mem>>) attributes {dimension_semantics = [#tpu.dimension_semantics<core_parallel>, #tpu.dimension_semantics<subcore_parallel>], iteration_bounds = array<i64: 2, 16>, scalar_prefetch = 0 : i64, scratch_operands = 8 : i64, tpu.core_type = #tpu.core_type<sc_vector_subcore>, window_params = [{transform_indices = #map}, {transform_indices = #map}, {transform_indices = #map1}, {transform_indices = #map1}, {transform_indices = #map1}, {transform_indices = #map1}, {transform_indices = #map1}]} {
    %mul3A = arith.constant 640 : i32
    %mul3A_0 = arith.muli %arg1, %mul3A : i32
    "tpu.region"() ({
      %run_scoped3A = tpu.sem_alloc : memref<!tpu.dma_semaphore, #tpu.memory_space<semaphore_mem>>
      %dma_start3A = arith.constant 0 : i32
      %dma_start3A_9 = tpu.memref_slice %arg12[%mul3A_0, %dma_start3A] : memref<10240x128xf32, #tpu.memory_space<vmem_shared>> -> memref<640x128xf32, #tpu.memory_space<vmem_shared>>
      %dma_start3A_10 = arith.constant 0 : i32
      %dma_start3A_11 = tpu.memref_slice %arg3[%mul3A_0, %dma_start3A_10] : memref<10240x128xf32, #tpu.memory_space<hbm>> -> memref<640x128xf32, #tpu.memory_space<hbm>>
      tpu.enqueue_dma source(%dma_start3A_11 : memref<640x128xf32, #tpu.memory_space<hbm>>) target(%dma_start3A_9 : memref<640x128xf32, #tpu.memory_space<vmem_shared>>) target_semaphore(%run_scoped3A : memref<!tpu.dma_semaphore, #tpu.memory_space<semaphore_mem>>)
      %dma_wait3A = arith.constant 0 : i32
      %dma_wait3A_12 = tpu.memref_slice %arg12[%mul3A_0, %dma_wait3A] : memref<10240x128xf32, #tpu.memory_space<vmem_shared>> -> memref<640x128xf32, #tpu.memory_space<vmem_shared>>
      %dma_wait3A_13 = arith.constant 0 : i32
      %dma_wait3A_14 = tpu.memref_slice %arg3[%mul3A_0, %dma_wait3A_13] : memref<10240x128xf32, #tpu.memory_space<hbm>> -> memref<640x128xf32, #tpu.memory_space<hbm>>
      tpu.wait_dma2 semaphore(%run_scoped3A : memref<!tpu.dma_semaphore, #tpu.memory_space<semaphore_mem>>) src(%dma_wait3A_14 : memref<640x128xf32, #tpu.memory_space<hbm>>) dst(%dma_wait3A_12 : memref<640x128xf32, #tpu.memory_space<vmem_shared>>)
      tpu.yield
    }) : () -> ()
    %barrier3A = arith.constant 0 : index
    tpu.barrier barrier_id(%barrier3A)
    %eq3A = arith.constant 0 : i32
    %eq3A_1 = arith.cmpi eq, %arg0, %eq3A : i32
    %convert_element_type3A = arith.extui %eq3A_1 : i1 to i32
    %cond3A = arith.constant 0 : i32
    %cond3A_2 = arith.cmpi ne, %convert_element_type3A, %cond3A : i32
    scf.if %cond3A_2 {
      "tpu.region"() ({
        %run_scoped3A = tpu.sem_alloc : memref<!tpu.dma_semaphore, #tpu.memory_space<semaphore_mem>>
        %dma_start3A_132 = arith.constant 0 : i32
        %dma_start3A_133 = arith.constant 0 : i32
        %dma_start3A_134 = tpu.memref_slice %arg9[%dma_start3A_132, %dma_start3A_133] : memref<48x128xi32, #tpu.memory_space<vmem>> -> memref<48x128xi32, #tpu.memory_space<vmem>>
        %dma_start3A_135 = arith.constant 0 : i32
        %dma_start3A_136 = arith.constant 0 : i32
        %dma_start3A_137 = tpu.memref_slice %arg4[%arg1, %dma_start3A_135, %dma_start3A_136] : memref<16x144x128xi32, #tpu.memory_space<hbm>> -> memref<1x48x128xi32, #tpu.memory_space<hbm>>
        %dma_start3A_138 = tpu.memref_squeeze %dma_start3A_137 : memref<1x48x128xi32, #tpu.memory_space<hbm>> -> memref<48x128xi32, #tpu.memory_space<hbm>>
        %dma_start3A_139 = arith.constant 0 : i32
        %dma_start3A_140 = arith.constant 0 : i32
        %dma_start3A_141 = tpu.memref_slice %arg9[%dma_start3A_139, %dma_start3A_140] : memref<48x128xi32, #tpu.memory_space<vmem>> -> memref<48x128xi32, #tpu.memory_space<vmem>>
        %dma_start3A_142 = arith.constant 0 : i32
        %dma_start3A_143 = arith.constant 0 : i32
        %dma_start3A_144 = tpu.memref_slice %arg4[%arg1, %dma_start3A_142, %dma_start3A_143] : memref<16x144x128xi32, #tpu.memory_space<hbm>> -> memref<1x48x128xi32, #tpu.memory_space<hbm>>
        %dma_start3A_145 = tpu.memref_squeeze %dma_start3A_144 : memref<1x48x128xi32, #tpu.memory_space<hbm>> -> memref<48x128xi32, #tpu.memory_space<hbm>>
        tpu.enqueue_dma source(%dma_start3A_145 : memref<48x128xi32, #tpu.memory_space<hbm>>) target(%dma_start3A_141 : memref<48x128xi32, #tpu.memory_space<vmem>>) target_semaphore(%run_scoped3A : memref<!tpu.dma_semaphore, #tpu.memory_space<semaphore_mem>>)
        %dma_wait3A_146 = arith.constant 0 : i32
        %dma_wait3A_147 = arith.constant 0 : i32
        %dma_wait3A_148 = tpu.memref_slice %arg9[%dma_wait3A_146, %dma_wait3A_147] : memref<48x128xi32, #tpu.memory_space<vmem>> -> memref<48x128xi32, #tpu.memory_space<vmem>>
        %dma_wait3A_149 = arith.constant 0 : i32
        %dma_wait3A_150 = arith.constant 0 : i32
        %dma_wait3A_151 = tpu.memref_slice %arg4[%arg1, %dma_wait3A_149, %dma_wait3A_150] : memref<16x144x128xi32, #tpu.memory_space<hbm>> -> memref<1x48x128xi32, #tpu.memory_space<hbm>>
        %dma_wait3A_152 = tpu.memref_squeeze %dma_wait3A_151 : memref<1x48x128xi32, #tpu.memory_space<hbm>> -> memref<48x128xi32, #tpu.memory_space<hbm>>
        %dma_wait3A_153 = arith.constant 0 : i32
        %dma_wait3A_154 = arith.constant 0 : i32
        %dma_wait3A_155 = tpu.memref_slice %arg9[%dma_wait3A_153, %dma_wait3A_154] : memref<48x128xi32, #tpu.memory_space<vmem>> -> memref<48x128xi32, #tpu.memory_space<vmem>>
        %dma_wait3A_156 = arith.constant 0 : i32
        %dma_wait3A_157 = arith.constant 0 : i32
        %dma_wait3A_158 = tpu.memref_slice %arg4[%arg1, %dma_wait3A_156, %dma_wait3A_157] : memref<16x144x128xi32, #tpu.memory_space<hbm>> -> memref<1x48x128xi32, #tpu.memory_space<hbm>>
        %dma_wait3A_159 = tpu.memref_squeeze %dma_wait3A_158 : memref<1x48x128xi32, #tpu.memory_space<hbm>> -> memref<48x128xi32, #tpu.memory_space<hbm>>
        tpu.wait_dma2 semaphore(%run_scoped3A : memref<!tpu.dma_semaphore, #tpu.memory_space<semaphore_mem>>) src(%dma_wait3A_159 : memref<48x128xi32, #tpu.memory_space<hbm>>) dst(%dma_wait3A_155 : memref<48x128xi32, #tpu.memory_space<vmem>>)
        tpu.yield
      }) : () -> ()
      "tpu.region"() ({
        %run_scoped3A = tpu.sem_alloc : memref<!tpu.dma_semaphore, #tpu.memory_space<semaphore_mem>>
        %dma_start3A_132 = arith.constant 0 : i32
        %dma_start3A_133 = arith.constant 0 : i32
        %dma_start3A_134 = tpu.memref_slice %arg10[%dma_start3A_132, %dma_start3A_133] : memref<48x128xi32, #tpu.memory_space<vmem>> -> memref<48x128xi32, #tpu.memory_space<vmem>>
        %dma_start3A_135 = arith.constant 0 : i32
        %dma_start3A_136 = arith.constant 0 : i32
        %dma_start3A_137 = tpu.memref_slice %arg5[%arg1, %dma_start3A_135, %dma_start3A_136] : memref<16x144x128xi32, #tpu.memory_space<hbm>> -> memref<1x48x128xi32, #tpu.memory_space<hbm>>
        %dma_start3A_138 = tpu.memref_squeeze %dma_start3A_137 : memref<1x48x128xi32, #tpu.memory_space<hbm>> -> memref<48x128xi32, #tpu.memory_space<hbm>>
        %dma_start3A_139 = arith.constant 0 : i32
        %dma_start3A_140 = arith.constant 0 : i32
        %dma_start3A_141 = tpu.memref_slice %arg10[%dma_start3A_139, %dma_start3A_140] : memref<48x128xi32, #tpu.memory_space<vmem>> -> memref<48x128xi32, #tpu.memory_space<vmem>>
        %dma_start3A_142 = arith.constant 0 : i32
        %dma_start3A_143 = arith.constant 0 : i32
        %dma_start3A_144 = tpu.memref_slice %arg5[%arg1, %dma_start3A_142, %dma_start3A_143] : memref<16x144x128xi32, #tpu.memory_space<hbm>> -> memref<1x48x128xi32, #tpu.memory_space<hbm>>
        %dma_start3A_145 = tpu.memref_squeeze %dma_start3A_144 : memref<1x48x128xi32, #tpu.memory_space<hbm>> -> memref<48x128xi32, #tpu.memory_space<hbm>>
        tpu.enqueue_dma source(%dma_start3A_145 : memref<48x128xi32, #tpu.memory_space<hbm>>) target(%dma_start3A_141 : memref<48x128xi32, #tpu.memory_space<vmem>>) target_semaphore(%run_scoped3A : memref<!tpu.dma_semaphore, #tpu.memory_space<semaphore_mem>>)
        %dma_wait3A_146 = arith.constant 0 : i32
        %dma_wait3A_147 = arith.constant 0 : i32
        %dma_wait3A_148 = tpu.memref_slice %arg10[%dma_wait3A_146, %dma_wait3A_147] : memref<48x128xi32, #tpu.memory_space<vmem>> -> memref<48x128xi32, #tpu.memory_space<vmem>>
        %dma_wait3A_149 = arith.constant 0 : i32
        %dma_wait3A_150 = arith.constant 0 : i32
        %dma_wait3A_151 = tpu.memref_slice %arg5[%arg1, %dma_wait3A_149, %dma_wait3A_150] : memref<16x144x128xi32, #tpu.memory_space<hbm>> -> memref<1x48x128xi32, #tpu.memory_space<hbm>>
        %dma_wait3A_152 = tpu.memref_squeeze %dma_wait3A_151 : memref<1x48x128xi32, #tpu.memory_space<hbm>> -> memref<48x128xi32, #tpu.memory_space<hbm>>
        %dma_wait3A_153 = arith.constant 0 : i32
        %dma_wait3A_154 = arith.constant 0 : i32
        %dma_wait3A_155 = tpu.memref_slice %arg10[%dma_wait3A_153, %dma_wait3A_154] : memref<48x128xi32, #tpu.memory_space<vmem>> -> memref<48x128xi32, #tpu.memory_space<vmem>>
        %dma_wait3A_156 = arith.constant 0 : i32
        %dma_wait3A_157 = arith.constant 0 : i32
        %dma_wait3A_158 = tpu.memref_slice %arg5[%arg1, %dma_wait3A_156, %dma_wait3A_157] : memref<16x144x128xi32, #tpu.memory_space<hbm>> -> memref<1x48x128xi32, #tpu.memory_space<hbm>>
        %dma_wait3A_159 = tpu.memref_squeeze %dma_wait3A_158 : memref<1x48x128xi32, #tpu.memory_space<hbm>> -> memref<48x128xi32, #tpu.memory_space<hbm>>
        tpu.wait_dma2 semaphore(%run_scoped3A : memref<!tpu.dma_semaphore, #tpu.memory_space<semaphore_mem>>) src(%dma_wait3A_159 : memref<48x128xi32, #tpu.memory_space<hbm>>) dst(%dma_wait3A_155 : memref<48x128xi32, #tpu.memory_space<vmem>>)
        tpu.yield
      }) : () -> ()
      %dma_start3A = arith.constant 0 : i32
      %dma_start3A_9 = arith.constant 0 : i32
      %dma_start3A_10 = arith.constant 0 : i32
      %dma_start3A_11 = arith.constant 0 : i32
      %dma_start3A_12 = tpu.memref_slice %arg11[%dma_start3A_9, %dma_start3A_10, %dma_start3A_11] : memref<2x128x128xf32, #tpu.memory_space<vmem>> -> memref<1x128x128xf32, #tpu.memory_space<vmem>>
      %dma_start3A_13 = tpu.memref_squeeze %dma_start3A_12 : memref<1x128x128xf32, #tpu.memory_space<vmem>> -> memref<128x128xf32, #tpu.memory_space<vmem>>
      %dma_start3A_14 = arith.constant 0 : i32
      %dma_start3A_15 = tpu.memref_slice %arg9[%dma_start3A, %dma_start3A_14] : memref<48x128xi32, #tpu.memory_space<vmem>> -> memref<1x128xi32, #tpu.memory_space<vmem>>
      %dma_start3A_16 = tpu.memref_squeeze %dma_start3A_15 : memref<1x128xi32, #tpu.memory_space<vmem>> -> memref<128xi32, #tpu.memory_space<vmem>>
      %dma_start3A_17 = arith.constant 0 : i32
      %dma_start3A_18 = arith.constant 0 : i32
      %dma_start3A_19 = tpu.memref_slice %arg2[%dma_start3A_17, %dma_start3A_18] : memref<10240x128xf32, #tpu.memory_space<hbm>> -> memref<10240x128xf32, #tpu.memory_space<hbm>>
      tpu.enqueue_indirect_dma source(%dma_start3A_19 : memref<10240x128xf32, #tpu.memory_space<hbm>>) target(%dma_start3A_13 : memref<128x128xf32, #tpu.memory_space<vmem>>) offsets(%dma_start3A_16 : memref<128xi32, #tpu.memory_space<vmem>>) semaphore(%arg13 : memref<!tpu.dma_semaphore, #tpu.memory_space<semaphore_mem>>)
      %scan3A = arith.constant 0 : i32
      %scan3A_20 = arith.constant 0 : i32
      %scan3A_21 = arith.constant 24 : i32
      %scan3A_22 = arith.addi %scan3A_20, %scan3A_21 : i32
      %scan3A_23 = arith.constant 1 : i32
      scf.for %scan3A_132 = %scan3A_20 to %scan3A_22 step %scan3A_23  : i32 {
        %mul3A_133 = arith.constant 2 : i32
        %mul3A_134 = arith.muli %scan3A_132, %mul3A_133 : i32
        %add3A = arith.constant 0 : i32
        %add3A_135 = arith.addi %mul3A_134, %add3A : i32
        %dma_wait3A_136 = arith.constant 0 : i32
        %dma_wait3A_137 = arith.constant 0 : i32
        %dma_wait3A_138 = arith.constant 0 : i32
        %dma_wait3A_139 = arith.constant 0 : i32
        %dma_wait3A_140 = tpu.memref_slice %arg11[%dma_wait3A_137, %dma_wait3A_138, %dma_wait3A_139] : memref<2x128x128xf32, #tpu.memory_space<vmem>> -> memref<1x128x128xf32, #tpu.memory_space<vmem>>
        %dma_wait3A_141 = tpu.memref_squeeze %dma_wait3A_140 : memref<1x128x128xf32, #tpu.memory_space<vmem>> -> memref<128x128xf32, #tpu.memory_space<vmem>>
        %dma_wait3A_142 = arith.constant 0 : i32
        %dma_wait3A_143 = tpu.memref_slice %arg9[%dma_wait3A_136, %dma_wait3A_142] : memref<48x128xi32, #tpu.memory_space<vmem>> -> memref<1x128xi32, #tpu.memory_space<vmem>>
        %dma_wait3A_144 = tpu.memref_squeeze %dma_wait3A_143 : memref<1x128xi32, #tpu.memory_space<vmem>> -> memref<128xi32, #tpu.memory_space<vmem>>
        %dma_wait3A_145 = arith.constant 0 : i32
        %dma_wait3A_146 = arith.constant 0 : i32
        %dma_wait3A_147 = tpu.memref_slice %arg2[%dma_wait3A_145, %dma_wait3A_146] : memref<10240x128xf32, #tpu.memory_space<hbm>> -> memref<10240x128xf32, #tpu.memory_space<hbm>>
        tpu.wait_indirect_dma semaphore(%arg13 : memref<!tpu.dma_semaphore, #tpu.memory_space<semaphore_mem>>) src(%dma_wait3A_147 : memref<10240x128xf32, #tpu.memory_space<hbm>>) dst(%dma_wait3A_141 : memref<128x128xf32, #tpu.memory_space<vmem>>)
        %dma_start3A_148 = arith.constant 0 : i32
        %dma_start3A_149 = arith.constant 0 : i32
        %dma_start3A_150 = arith.constant 0 : i32
        %dma_start3A_151 = tpu.memref_slice %arg11[%dma_start3A_148, %dma_start3A_149, %dma_start3A_150] : memref<2x128x128xf32, #tpu.memory_space<vmem>> -> memref<1x128x128xf32, #tpu.memory_space<vmem>>
        %dma_start3A_152 = tpu.memref_squeeze %dma_start3A_151 : memref<1x128x128xf32, #tpu.memory_space<vmem>> -> memref<128x128xf32, #tpu.memory_space<vmem>>
        %dma_start3A_153 = arith.constant 0 : i32
        %dma_start3A_154 = tpu.memref_slice %arg10[%add3A_135, %dma_start3A_153] : memref<48x128xi32, #tpu.memory_space<vmem>> -> memref<1x128xi32, #tpu.memory_space<vmem>>
        %dma_start3A_155 = tpu.memref_squeeze %dma_start3A_154 : memref<1x128xi32, #tpu.memory_space<vmem>> -> memref<128xi32, #tpu.memory_space<vmem>>
        %dma_start3A_156 = arith.constant 0 : i32
        %dma_start3A_157 = arith.constant 0 : i32
        %dma_start3A_158 = tpu.memref_slice %arg12[%dma_start3A_156, %dma_start3A_157] : memref<10240x128xf32, #tpu.memory_space<vmem_shared>> -> memref<10240x128xf32, #tpu.memory_space<vmem_shared>>
        tpu.enqueue_indirect_dma source(%dma_start3A_152 : memref<128x128xf32, #tpu.memory_space<vmem>>) target(%dma_start3A_158 : memref<10240x128xf32, #tpu.memory_space<vmem_shared>>) offsets(%dma_start3A_155 : memref<128xi32, #tpu.memory_space<vmem>>) semaphore(%arg15 : memref<!tpu.dma_semaphore, #tpu.memory_space<semaphore_mem>>) {add = true}
        %add3A_159 = arith.constant 1 : i32
        %add3A_160 = arith.addi %add3A_135, %add3A_159 : i32
        %lt3A = arith.constant 48 : i32
        %lt3A_161 = arith.cmpi slt, %add3A_160, %lt3A : i32
        %convert_element_type3A_162 = arith.extui %lt3A_161 : i1 to i32
        %cond3A_163 = arith.constant 0 : i32
        %cond3A_164 = arith.cmpi ne, %convert_element_type3A_162, %cond3A_163 : i32
        scf.if %cond3A_164 {
          %ge3A = arith.constant 1 : i32
          %ge3A_199 = arith.cmpi sge, %add3A_135, %ge3A : i32
          %convert_element_type3A_200 = arith.extui %ge3A_199 : i1 to i32
          %cond3A_201 = arith.constant 0 : i32
          %cond3A_202 = arith.cmpi ne, %convert_element_type3A_200, %cond3A_201 : i32
          scf.if %cond3A_202 {
            %dma_wait3A_216 = arith.constant 1 : i32
            %dma_wait3A_217 = arith.constant 0 : i32
            %dma_wait3A_218 = arith.constant 0 : i32
            %dma_wait3A_219 = arith.constant 0 : i32
            %dma_wait3A_220 = tpu.memref_slice %arg11[%dma_wait3A_216, %dma_wait3A_218, %dma_wait3A_219] : memref<2x128x128xf32, #tpu.memory_space<vmem>> -> memref<1x128x128xf32, #tpu.memory_space<vmem>>
            %dma_wait3A_221 = tpu.memref_squeeze %dma_wait3A_220 : memref<1x128x128xf32, #tpu.memory_space<vmem>> -> memref<128x128xf32, #tpu.memory_space<vmem>>
            %dma_wait3A_222 = arith.constant 0 : i32
            %dma_wait3A_223 = tpu.memref_slice %arg10[%dma_wait3A_217, %dma_wait3A_222] : memref<48x128xi32, #tpu.memory_space<vmem>> -> memref<1x128xi32, #tpu.memory_space<vmem>>
            %dma_wait3A_224 = tpu.memref_squeeze %dma_wait3A_223 : memref<1x128xi32, #tpu.memory_space<vmem>> -> memref<128xi32, #tpu.memory_space<vmem>>
            %dma_wait3A_225 = arith.constant 0 : i32
            %dma_wait3A_226 = arith.constant 0 : i32
            %dma_wait3A_227 = tpu.memref_slice %arg12[%dma_wait3A_225, %dma_wait3A_226] : memref<10240x128xf32, #tpu.memory_space<vmem_shared>> -> memref<10240x128xf32, #tpu.memory_space<vmem_shared>>
            tpu.wait_indirect_dma semaphore(%arg16 : memref<!tpu.dma_semaphore, #tpu.memory_space<semaphore_mem>>) src(%dma_wait3A_221 : memref<128x128xf32, #tpu.memory_space<vmem>>) dst(%dma_wait3A_227 : memref<10240x128xf32, #tpu.memory_space<vmem_shared>>)
          } else {
          }
          %add3A_203 = arith.constant 1 : i32
          %add3A_204 = arith.addi %add3A_135, %add3A_203 : i32
          %dma_start3A_205 = arith.constant 1 : i32
          %dma_start3A_206 = arith.constant 0 : i32
          %dma_start3A_207 = arith.constant 0 : i32
          %dma_start3A_208 = tpu.memref_slice %arg11[%dma_start3A_205, %dma_start3A_206, %dma_start3A_207] : memref<2x128x128xf32, #tpu.memory_space<vmem>> -> memref<1x128x128xf32, #tpu.memory_space<vmem>>
          %dma_start3A_209 = tpu.memref_squeeze %dma_start3A_208 : memref<1x128x128xf32, #tpu.memory_space<vmem>> -> memref<128x128xf32, #tpu.memory_space<vmem>>
          %dma_start3A_210 = arith.constant 0 : i32
          %dma_start3A_211 = tpu.memref_slice %arg9[%add3A_204, %dma_start3A_210] : memref<48x128xi32, #tpu.memory_space<vmem>> -> memref<1x128xi32, #tpu.memory_space<vmem>>
          %dma_start3A_212 = tpu.memref_squeeze %dma_start3A_211 : memref<1x128xi32, #tpu.memory_space<vmem>> -> memref<128xi32, #tpu.memory_space<vmem>>
          %dma_start3A_213 = arith.constant 0 : i32
          %dma_start3A_214 = arith.constant 0 : i32
          %dma_start3A_215 = tpu.memref_slice %arg2[%dma_start3A_213, %dma_start3A_214] : memref<10240x128xf32, #tpu.memory_space<hbm>> -> memref<10240x128xf32, #tpu.memory_space<hbm>>
          tpu.enqueue_indirect_dma source(%dma_start3A_215 : memref<10240x128xf32, #tpu.memory_space<hbm>>) target(%dma_start3A_209 : memref<128x128xf32, #tpu.memory_space<vmem>>) offsets(%dma_start3A_212 : memref<128xi32, #tpu.memory_space<vmem>>) semaphore(%arg14 : memref<!tpu.dma_semaphore, #tpu.memory_space<semaphore_mem>>)
        } else {
        }
        %mul3A_165 = arith.constant 2 : i32
        %mul3A_166 = arith.muli %scan3A_132, %mul3A_165 : i32
        %add3A_167 = arith.constant 1 : i32
        %add3A_168 = arith.addi %mul3A_166, %add3A_167 : i32
        %dma_wait3A_169 = arith.constant 0 : i32
        %dma_wait3A_170 = arith.constant 1 : i32
        %dma_wait3A_171 = arith.constant 0 : i32
        %dma_wait3A_172 = arith.constant 0 : i32
        %dma_wait3A_173 = tpu.memref_slice %arg11[%dma_wait3A_170, %dma_wait3A_171, %dma_wait3A_172] : memref<2x128x128xf32, #tpu.memory_space<vmem>> -> memref<1x128x128xf32, #tpu.memory_space<vmem>>
        %dma_wait3A_174 = tpu.memref_squeeze %dma_wait3A_173 : memref<1x128x128xf32, #tpu.memory_space<vmem>> -> memref<128x128xf32, #tpu.memory_space<vmem>>
        %dma_wait3A_175 = arith.constant 0 : i32
        %dma_wait3A_176 = tpu.memref_slice %arg9[%dma_wait3A_169, %dma_wait3A_175] : memref<48x128xi32, #tpu.memory_space<vmem>> -> memref<1x128xi32, #tpu.memory_space<vmem>>
        %dma_wait3A_177 = tpu.memref_squeeze %dma_wait3A_176 : memref<1x128xi32, #tpu.memory_space<vmem>> -> memref<128xi32, #tpu.memory_space<vmem>>
        %dma_wait3A_178 = arith.constant 0 : i32
        %dma_wait3A_179 = arith.constant 0 : i32
        %dma_wait3A_180 = tpu.memref_slice %arg2[%dma_wait3A_178, %dma_wait3A_179] : memref<10240x128xf32, #tpu.memory_space<hbm>> -> memref<10240x128xf32, #tpu.memory_space<hbm>>
        tpu.wait_indirect_dma semaphore(%arg14 : memref<!tpu.dma_semaphore, #tpu.memory_space<semaphore_mem>>) src(%dma_wait3A_180 : memref<10240x128xf32, #tpu.memory_space<hbm>>) dst(%dma_wait3A_174 : memref<128x128xf32, #tpu.memory_space<vmem>>)
        %dma_start3A_181 = arith.constant 1 : i32
        %dma_start3A_182 = arith.constant 0 : i32
        %dma_start3A_183 = arith.constant 0 : i32
        %dma_start3A_184 = tpu.memref_slice %arg11[%dma_start3A_181, %dma_start3A_182, %dma_start3A_183] : memref<2x128x128xf32, #tpu.memory_space<vmem>> -> memref<1x128x128xf32, #tpu.memory_space<vmem>>
        %dma_start3A_185 = tpu.memref_squeeze %dma_start3A_184 : memref<1x128x128xf32, #tpu.memory_space<vmem>> -> memref<128x128xf32, #tpu.memory_space<vmem>>
        %dma_start3A_186 = arith.constant 0 : i32
        %dma_start3A_187 = tpu.memref_slice %arg10[%add3A_168, %dma_start3A_186] : memref<48x128xi32, #tpu.memory_space<vmem>> -> memref<1x128xi32, #tpu.memory_space<vmem>>
        %dma_start3A_188 = tpu.memref_squeeze %dma_start3A_187 : memref<1x128xi32, #tpu.memory_space<vmem>> -> memref<128xi32, #tpu.memory_space<vmem>>
        %dma_start3A_189 = arith.constant 0 : i32
        %dma_start3A_190 = arith.constant 0 : i32
        %dma_start3A_191 = tpu.memref_slice %arg12[%dma_start3A_189, %dma_start3A_190] : memref<10240x128xf32, #tpu.memory_space<vmem_shared>> -> memref<10240x128xf32, #tpu.memory_space<vmem_shared>>
        tpu.enqueue_indirect_dma source(%dma_start3A_185 : memref<128x128xf32, #tpu.memory_space<vmem>>) target(%dma_start3A_191 : memref<10240x128xf32, #tpu.memory_space<vmem_shared>>) offsets(%dma_start3A_188 : memref<128xi32, #tpu.memory_space<vmem>>) semaphore(%arg16 : memref<!tpu.dma_semaphore, #tpu.memory_space<semaphore_mem>>) {add = true}
        %add3A_192 = arith.constant 1 : i32
        %add3A_193 = arith.addi %add3A_168, %add3A_192 : i32
        %lt3A_194 = arith.constant 48 : i32
        %lt3A_195 = arith.cmpi slt, %add3A_193, %lt3A_194 : i32
        %convert_element_type3A_196 = arith.extui %lt3A_195 : i1 to i32
        %cond3A_197 = arith.constant 0 : i32
        %cond3A_198 = arith.cmpi ne, %convert_element_type3A_196, %cond3A_197 : i32
        scf.if %cond3A_198 {
          %ge3A = arith.constant 1 : i32
          %ge3A_199 = arith.cmpi sge, %add3A_168, %ge3A : i32
          %convert_element_type3A_200 = arith.extui %ge3A_199 : i1 to i32
          %cond3A_201 = arith.constant 0 : i32
          %cond3A_202 = arith.cmpi ne, %convert_element_type3A_200, %cond3A_201 : i32
          scf.if %cond3A_202 {
            %dma_wait3A_216 = arith.constant 0 : i32
            %dma_wait3A_217 = arith.constant 0 : i32
            %dma_wait3A_218 = arith.constant 0 : i32
            %dma_wait3A_219 = arith.constant 0 : i32
            %dma_wait3A_220 = tpu.memref_slice %arg11[%dma_wait3A_216, %dma_wait3A_218, %dma_wait3A_219] : memref<2x128x128xf32, #tpu.memory_space<vmem>> -> memref<1x128x128xf32, #tpu.memory_space<vmem>>
            %dma_wait3A_221 = tpu.memref_squeeze %dma_wait3A_220 : memref<1x128x128xf32, #tpu.memory_space<vmem>> -> memref<128x128xf32, #tpu.memory_space<vmem>>
            %dma_wait3A_222 = arith.constant 0 : i32
            %dma_wait3A_223 = tpu.memref_slice %arg10[%dma_wait3A_217, %dma_wait3A_222] : memref<48x128xi32, #tpu.memory_space<vmem>> -> memref<1x128xi32, #tpu.memory_space<vmem>>
            %dma_wait3A_224 = tpu.memref_squeeze %dma_wait3A_223 : memref<1x128xi32, #tpu.memory_space<vmem>> -> memref<128xi32, #tpu.memory_space<vmem>>
            %dma_wait3A_225 = arith.constant 0 : i32
            %dma_wait3A_226 = arith.constant 0 : i32
            %dma_wait3A_227 = tpu.memref_slice %arg12[%dma_wait3A_225, %dma_wait3A_226] : memref<10240x128xf32, #tpu.memory_space<vmem_shared>> -> memref<10240x128xf32, #tpu.memory_space<vmem_shared>>
            tpu.wait_indirect_dma semaphore(%arg15 : memref<!tpu.dma_semaphore, #tpu.memory_space<semaphore_mem>>) src(%dma_wait3A_221 : memref<128x128xf32, #tpu.memory_space<vmem>>) dst(%dma_wait3A_227 : memref<10240x128xf32, #tpu.memory_space<vmem_shared>>)
          } else {
          }
          %add3A_203 = arith.constant 1 : i32
          %add3A_204 = arith.addi %add3A_168, %add3A_203 : i32
          %dma_start3A_205 = arith.constant 0 : i32
          %dma_start3A_206 = arith.constant 0 : i32
          %dma_start3A_207 = arith.constant 0 : i32
          %dma_start3A_208 = tpu.memref_slice %arg11[%dma_start3A_205, %dma_start3A_206, %dma_start3A_207] : memref<2x128x128xf32, #tpu.memory_space<vmem>> -> memref<1x128x128xf32, #tpu.memory_space<vmem>>
          %dma_start3A_209 = tpu.memref_squeeze %dma_start3A_208 : memref<1x128x128xf32, #tpu.memory_space<vmem>> -> memref<128x128xf32, #tpu.memory_space<vmem>>
          %dma_start3A_210 = arith.constant 0 : i32
          %dma_start3A_211 = tpu.memref_slice %arg9[%add3A_204, %dma_start3A_210] : memref<48x128xi32, #tpu.memory_space<vmem>> -> memref<1x128xi32, #tpu.memory_space<vmem>>
          %dma_start3A_212 = tpu.memref_squeeze %dma_start3A_211 : memref<1x128xi32, #tpu.memory_space<vmem>> -> memref<128xi32, #tpu.memory_space<vmem>>
          %dma_start3A_213 = arith.constant 0 : i32
          %dma_start3A_214 = arith.constant 0 : i32
          %dma_start3A_215 = tpu.memref_slice %arg2[%dma_start3A_213, %dma_start3A_214] : memref<10240x128xf32, #tpu.memory_space<hbm>> -> memref<10240x128xf32, #tpu.memory_space<hbm>>
          tpu.enqueue_indirect_dma source(%dma_start3A_215 : memref<10240x128xf32, #tpu.memory_space<hbm>>) target(%dma_start3A_209 : memref<128x128xf32, #tpu.memory_space<vmem>>) offsets(%dma_start3A_212 : memref<128xi32, #tpu.memory_space<vmem>>) semaphore(%arg13 : memref<!tpu.dma_semaphore, #tpu.memory_space<semaphore_mem>>)
        } else {
        }
      }
      %scan3A_24 = arith.constant 24 : i32
      %dma_wait3A = arith.constant 0 : i32
      %dma_wait3A_25 = arith.constant 0 : i32
      %dma_wait3A_26 = arith.constant 0 : i32
      %dma_wait3A_27 = arith.constant 0 : i32
      %dma_wait3A_28 = tpu.memref_slice %arg11[%dma_wait3A, %dma_wait3A_26, %dma_wait3A_27] : memref<2x128x128xf32, #tpu.memory_space<vmem>> -> memref<1x128x128xf32, #tpu.memory_space<vmem>>
      %dma_wait3A_29 = tpu.memref_squeeze %dma_wait3A_28 : memref<1x128x128xf32, #tpu.memory_space<vmem>> -> memref<128x128xf32, #tpu.memory_space<vmem>>
      %dma_wait3A_30 = arith.constant 0 : i32
      %dma_wait3A_31 = tpu.memref_slice %arg10[%dma_wait3A_25, %dma_wait3A_30] : memref<48x128xi32, #tpu.memory_space<vmem>> -> memref<1x128xi32, #tpu.memory_space<vmem>>
      %dma_wait3A_32 = tpu.memref_squeeze %dma_wait3A_31 : memref<1x128xi32, #tpu.memory_space<vmem>> -> memref<128xi32, #tpu.memory_space<vmem>>
      %dma_wait3A_33 = arith.constant 0 : i32
      %dma_wait3A_34 = arith.constant 0 : i32
      %dma_wait3A_35 = tpu.memref_slice %arg12[%dma_wait3A_33, %dma_wait3A_34] : memref<10240x128xf32, #tpu.memory_space<vmem_shared>> -> memref<10240x128xf32, #tpu.memory_space<vmem_shared>>
      tpu.wait_indirect_dma semaphore(%arg15 : memref<!tpu.dma_semaphore, #tpu.memory_space<semaphore_mem>>) src(%dma_wait3A_29 : memref<128x128xf32, #tpu.memory_space<vmem>>) dst(%dma_wait3A_35 : memref<10240x128xf32, #tpu.memory_space<vmem_shared>>)
      %dma_wait3A_36 = arith.constant 1 : i32
      %dma_wait3A_37 = arith.constant 0 : i32
      %dma_wait3A_38 = arith.constant 0 : i32
      %dma_wait3A_39 = arith.constant 0 : i32
      %dma_wait3A_40 = tpu.memref_slice %arg11[%dma_wait3A_36, %dma_wait3A_38, %dma_wait3A_39] : memref<2x128x128xf32, #tpu.memory_space<vmem>> -> memref<1x128x128xf32, #tpu.memory_space<vmem>>
      %dma_wait3A_41 = tpu.memref_squeeze %dma_wait3A_40 : memref<1x128x128xf32, #tpu.memory_space<vmem>> -> memref<128x128xf32, #tpu.memory_space<vmem>>
      %dma_wait3A_42 = arith.constant 0 : i32
      %dma_wait3A_43 = tpu.memref_slice %arg10[%dma_wait3A_37, %dma_wait3A_42] : memref<48x128xi32, #tpu.memory_space<vmem>> -> memref<1x128xi32, #tpu.memory_space<vmem>>
      %dma_wait3A_44 = tpu.memref_squeeze %dma_wait3A_43 : memref<1x128xi32, #tpu.memory_space<vmem>> -> memref<128xi32, #tpu.memory_space<vmem>>
      %dma_wait3A_45 = arith.constant 0 : i32
      %dma_wait3A_46 = arith.constant 0 : i32
      %dma_wait3A_47 = tpu.memref_slice %arg12[%dma_wait3A_45, %dma_wait3A_46] : memref<10240x128xf32, #tpu.memory_space<vmem_shared>> -> memref<10240x128xf32, #tpu.memory_space<vmem_shared>>
      tpu.wait_indirect_dma semaphore(%arg16 : memref<!tpu.dma_semaphore, #tpu.memory_space<semaphore_mem>>) src(%dma_wait3A_41 : memref<128x128xf32, #tpu.memory_space<vmem>>) dst(%dma_wait3A_47 : memref<10240x128xf32, #tpu.memory_space<vmem_shared>>)
      "tpu.region"() ({
        %run_scoped3A = tpu.sem_alloc : memref<!tpu.dma_semaphore, #tpu.memory_space<semaphore_mem>>
        %dma_start3A_132 = arith.constant 0 : i32
        %dma_start3A_133 = arith.constant 0 : i32
        %dma_start3A_134 = tpu.memref_slice %arg9[%dma_start3A_132, %dma_start3A_133] : memref<48x128xi32, #tpu.memory_space<vmem>> -> memref<48x128xi32, #tpu.memory_space<vmem>>
        %dma_start3A_135 = arith.constant 48 : i32
        %dma_start3A_136 = arith.constant 0 : i32
        %dma_start3A_137 = tpu.memref_slice %arg4[%arg1, %dma_start3A_135, %dma_start3A_136] : memref<16x144x128xi32, #tpu.memory_space<hbm>> -> memref<1x48x128xi32, #tpu.memory_space<hbm>>
        %dma_start3A_138 = tpu.memref_squeeze %dma_start3A_137 : memref<1x48x128xi32, #tpu.memory_space<hbm>> -> memref<48x128xi32, #tpu.memory_space<hbm>>
        %dma_start3A_139 = arith.constant 0 : i32
        %dma_start3A_140 = arith.constant 0 : i32
        %dma_start3A_141 = tpu.memref_slice %arg9[%dma_start3A_139, %dma_start3A_140] : memref<48x128xi32, #tpu.memory_space<vmem>> -> memref<48x128xi32, #tpu.memory_space<vmem>>
        %dma_start3A_142 = arith.constant 48 : i32
        %dma_start3A_143 = arith.constant 0 : i32
        %dma_start3A_144 = tpu.memref_slice %arg4[%arg1, %dma_start3A_142, %dma_start3A_143] : memref<16x144x128xi32, #tpu.memory_space<hbm>> -> memref<1x48x128xi32, #tpu.memory_space<hbm>>
        %dma_start3A_145 = tpu.memref_squeeze %dma_start3A_144 : memref<1x48x128xi32, #tpu.memory_space<hbm>> -> memref<48x128xi32, #tpu.memory_space<hbm>>
        tpu.enqueue_dma source(%dma_start3A_145 : memref<48x128xi32, #tpu.memory_space<hbm>>) target(%dma_start3A_141 : memref<48x128xi32, #tpu.memory_space<vmem>>) target_semaphore(%run_scoped3A : memref<!tpu.dma_semaphore, #tpu.memory_space<semaphore_mem>>)
        %dma_wait3A_146 = arith.constant 0 : i32
        %dma_wait3A_147 = arith.constant 0 : i32
        %dma_wait3A_148 = tpu.memref_slice %arg9[%dma_wait3A_146, %dma_wait3A_147] : memref<48x128xi32, #tpu.memory_space<vmem>> -> memref<48x128xi32, #tpu.memory_space<vmem>>
        %dma_wait3A_149 = arith.constant 48 : i32
        %dma_wait3A_150 = arith.constant 0 : i32
        %dma_wait3A_151 = tpu.memref_slice %arg4[%arg1, %dma_wait3A_149, %dma_wait3A_150] : memref<16x144x128xi32, #tpu.memory_space<hbm>> -> memref<1x48x128xi32, #tpu.memory_space<hbm>>
        %dma_wait3A_152 = tpu.memref_squeeze %dma_wait3A_151 : memref<1x48x128xi32, #tpu.memory_space<hbm>> -> memref<48x128xi32, #tpu.memory_space<hbm>>
        %dma_wait3A_153 = arith.constant 0 : i32
        %dma_wait3A_154 = arith.constant 0 : i32
        %dma_wait3A_155 = tpu.memref_slice %arg9[%dma_wait3A_153, %dma_wait3A_154] : memref<48x128xi32, #tpu.memory_space<vmem>> -> memref<48x128xi32, #tpu.memory_space<vmem>>
        %dma_wait3A_156 = arith.constant 48 : i32
        %dma_wait3A_157 = arith.constant 0 : i32
        %dma_wait3A_158 = tpu.memref_slice %arg4[%arg1, %dma_wait3A_156, %dma_wait3A_157] : memref<16x144x128xi32, #tpu.memory_space<hbm>> -> memref<1x48x128xi32, #tpu.memory_space<hbm>>
        %dma_wait3A_159 = tpu.memref_squeeze %dma_wait3A_158 : memref<1x48x128xi32, #tpu.memory_space<hbm>> -> memref<48x128xi32, #tpu.memory_space<hbm>>
        tpu.wait_dma2 semaphore(%run_scoped3A : memref<!tpu.dma_semaphore, #tpu.memory_space<semaphore_mem>>) src(%dma_wait3A_159 : memref<48x128xi32, #tpu.memory_space<hbm>>) dst(%dma_wait3A_155 : memref<48x128xi32, #tpu.memory_space<vmem>>)
        tpu.yield
      }) : () -> ()
      "tpu.region"() ({
        %run_scoped3A = tpu.sem_alloc : memref<!tpu.dma_semaphore, #tpu.memory_space<semaphore_mem>>
        %dma_start3A_132 = arith.constant 0 : i32
        %dma_start3A_133 = arith.constant 0 : i32
        %dma_start3A_134 = tpu.memref_slice %arg10[%dma_start3A_132, %dma_start3A_133] : memref<48x128xi32, #tpu.memory_space<vmem>> -> memref<48x128xi32, #tpu.memory_space<vmem>>
        %dma_start3A_135 = arith.constant 48 : i32
        %dma_start3A_136 = arith.constant 0 : i32
        %dma_start3A_137 = tpu.memref_slice %arg5[%arg1, %dma_start3A_135, %dma_start3A_136] : memref<16x144x128xi32, #tpu.memory_space<hbm>> -> memref<1x48x128xi32, #tpu.memory_space<hbm>>
        %dma_start3A_138 = tpu.memref_squeeze %dma_start3A_137 : memref<1x48x128xi32, #tpu.memory_space<hbm>> -> memref<48x128xi32, #tpu.memory_space<hbm>>
        %dma_start3A_139 = arith.constant 0 : i32
        %dma_start3A_140 = arith.constant 0 : i32
        %dma_start3A_141 = tpu.memref_slice %arg10[%dma_start3A_139, %dma_start3A_140] : memref<48x128xi32, #tpu.memory_space<vmem>> -> memref<48x128xi32, #tpu.memory_space<vmem>>
        %dma_start3A_142 = arith.constant 48 : i32
        %dma_start3A_143 = arith.constant 0 : i32
        %dma_start3A_144 = tpu.memref_slice %arg5[%arg1, %dma_start3A_142, %dma_start3A_143] : memref<16x144x128xi32, #tpu.memory_space<hbm>> -> memref<1x48x128xi32, #tpu.memory_space<hbm>>
        %dma_start3A_145 = tpu.memref_squeeze %dma_start3A_144 : memref<1x48x128xi32, #tpu.memory_space<hbm>> -> memref<48x128xi32, #tpu.memory_space<hbm>>
        tpu.enqueue_dma source(%dma_start3A_145 : memref<48x128xi32, #tpu.memory_space<hbm>>) target(%dma_start3A_141 : memref<48x128xi32, #tpu.memory_space<vmem>>) target_semaphore(%run_scoped3A : memref<!tpu.dma_semaphore, #tpu.memory_space<semaphore_mem>>)
        %dma_wait3A_146 = arith.constant 0 : i32
        %dma_wait3A_147 = arith.constant 0 : i32
        %dma_wait3A_148 = tpu.memref_slice %arg10[%dma_wait3A_146, %dma_wait3A_147] : memref<48x128xi32, #tpu.memory_space<vmem>> -> memref<48x128xi32, #tpu.memory_space<vmem>>
        %dma_wait3A_149 = arith.constant 48 : i32
        %dma_wait3A_150 = arith.constant 0 : i32
        %dma_wait3A_151 = tpu.memref_slice %arg5[%arg1, %dma_wait3A_149, %dma_wait3A_150] : memref<16x144x128xi32, #tpu.memory_space<hbm>> -> memref<1x48x128xi32, #tpu.memory_space<hbm>>
        %dma_wait3A_152 = tpu.memref_squeeze %dma_wait3A_151 : memref<1x48x128xi32, #tpu.memory_space<hbm>> -> memref<48x128xi32, #tpu.memory_space<hbm>>
        %dma_wait3A_153 = arith.constant 0 : i32
        %dma_wait3A_154 = arith.constant 0 : i32
        %dma_wait3A_155 = tpu.memref_slice %arg10[%dma_wait3A_153, %dma_wait3A_154] : memref<48x128xi32, #tpu.memory_space<vmem>> -> memref<48x128xi32, #tpu.memory_space<vmem>>
        %dma_wait3A_156 = arith.constant 48 : i32
        %dma_wait3A_157 = arith.constant 0 : i32
        %dma_wait3A_158 = tpu.memref_slice %arg5[%arg1, %dma_wait3A_156, %dma_wait3A_157] : memref<16x144x128xi32, #tpu.memory_space<hbm>> -> memref<1x48x128xi32, #tpu.memory_space<hbm>>
        %dma_wait3A_159 = tpu.memref_squeeze %dma_wait3A_158 : memref<1x48x128xi32, #tpu.memory_space<hbm>> -> memref<48x128xi32, #tpu.memory_space<hbm>>
        tpu.wait_dma2 semaphore(%run_scoped3A : memref<!tpu.dma_semaphore, #tpu.memory_space<semaphore_mem>>) src(%dma_wait3A_159 : memref<48x128xi32, #tpu.memory_space<hbm>>) dst(%dma_wait3A_155 : memref<48x128xi32, #tpu.memory_space<vmem>>)
        tpu.yield
      }) : () -> ()
      %dma_start3A_48 = arith.constant 0 : i32
      %dma_start3A_49 = arith.constant 0 : i32
      %dma_start3A_50 = arith.constant 0 : i32
      %dma_start3A_51 = arith.constant 0 : i32
      %dma_start3A_52 = tpu.memref_slice %arg11[%dma_start3A_49, %dma_start3A_50, %dma_start3A_51] : memref<2x128x128xf32, #tpu.memory_space<vmem>> -> memref<1x128x128xf32, #tpu.memory_space<vmem>>
      %dma_start3A_53 = tpu.memref_squeeze %dma_start3A_52 : memref<1x128x128xf32, #tpu.memory_space<vmem>> -> memref<128x128xf32, #tpu.memory_space<vmem>>
      %dma_start3A_54 = arith.constant 0 : i32
      %dma_start3A_55 = tpu.memref_slice %arg9[%dma_start3A_48, %dma_start3A_54] : memref<48x128xi32, #tpu.memory_space<vmem>> -> memref<1x128xi32, #tpu.memory_space<vmem>>
      %dma_start3A_56 = tpu.memref_squeeze %dma_start3A_55 : memref<1x128xi32, #tpu.memory_space<vmem>> -> memref<128xi32, #tpu.memory_space<vmem>>
      %dma_start3A_57 = arith.constant 0 : i32
      %dma_start3A_58 = arith.constant 0 : i32
      %dma_start3A_59 = tpu.memref_slice %arg2[%dma_start3A_57, %dma_start3A_58] : memref<10240x128xf32, #tpu.memory_space<hbm>> -> memref<10240x128xf32, #tpu.memory_space<hbm>>
      tpu.enqueue_indirect_dma source(%dma_start3A_59 : memref<10240x128xf32, #tpu.memory_space<hbm>>) target(%dma_start3A_53 : memref<128x128xf32, #tpu.memory_space<vmem>>) offsets(%dma_start3A_56 : memref<128xi32, #tpu.memory_space<vmem>>) semaphore(%arg13 : memref<!tpu.dma_semaphore, #tpu.memory_space<semaphore_mem>>)
      %scan3A_60 = arith.constant 0 : i32
      %scan3A_61 = arith.constant 0 : i32
      %scan3A_62 = arith.constant 24 : i32
      %scan3A_63 = arith.addi %scan3A_61, %scan3A_62 : i32
      %scan3A_64 = arith.constant 1 : i32
      scf.for %scan3A_132 = %scan3A_61 to %scan3A_63 step %scan3A_64  : i32 {
        %mul3A_133 = arith.constant 2 : i32
        %mul3A_134 = arith.muli %scan3A_132, %mul3A_133 : i32
        %add3A = arith.constant 0 : i32
        %add3A_135 = arith.addi %mul3A_134, %add3A : i32
        %dma_wait3A_136 = arith.constant 0 : i32
        %dma_wait3A_137 = arith.constant 0 : i32
        %dma_wait3A_138 = arith.constant 0 : i32
        %dma_wait3A_139 = arith.constant 0 : i32
        %dma_wait3A_140 = tpu.memref_slice %arg11[%dma_wait3A_137, %dma_wait3A_138, %dma_wait3A_139] : memref<2x128x128xf32, #tpu.memory_space<vmem>> -> memref<1x128x128xf32, #tpu.memory_space<vmem>>
        %dma_wait3A_141 = tpu.memref_squeeze %dma_wait3A_140 : memref<1x128x128xf32, #tpu.memory_space<vmem>> -> memref<128x128xf32, #tpu.memory_space<vmem>>
        %dma_wait3A_142 = arith.constant 0 : i32
        %dma_wait3A_143 = tpu.memref_slice %arg9[%dma_wait3A_136, %dma_wait3A_142] : memref<48x128xi32, #tpu.memory_space<vmem>> -> memref<1x128xi32, #tpu.memory_space<vmem>>
        %dma_wait3A_144 = tpu.memref_squeeze %dma_wait3A_143 : memref<1x128xi32, #tpu.memory_space<vmem>> -> memref<128xi32, #tpu.memory_space<vmem>>
        %dma_wait3A_145 = arith.constant 0 : i32
        %dma_wait3A_146 = arith.constant 0 : i32
        %dma_wait3A_147 = tpu.memref_slice %arg2[%dma_wait3A_145, %dma_wait3A_146] : memref<10240x128xf32, #tpu.memory_space<hbm>> -> memref<10240x128xf32, #tpu.memory_space<hbm>>
        tpu.wait_indirect_dma semaphore(%arg13 : memref<!tpu.dma_semaphore, #tpu.memory_space<semaphore_mem>>) src(%dma_wait3A_147 : memref<10240x128xf32, #tpu.memory_space<hbm>>) dst(%dma_wait3A_141 : memref<128x128xf32, #tpu.memory_space<vmem>>)
        %dma_start3A_148 = arith.constant 0 : i32
        %dma_start3A_149 = arith.constant 0 : i32
        %dma_start3A_150 = arith.constant 0 : i32
        %dma_start3A_151 = tpu.memref_slice %arg11[%dma_start3A_148, %dma_start3A_149, %dma_start3A_150] : memref<2x128x128xf32, #tpu.memory_space<vmem>> -> memref<1x128x128xf32, #tpu.memory_space<vmem>>
        %dma_start3A_152 = tpu.memref_squeeze %dma_start3A_151 : memref<1x128x128xf32, #tpu.memory_space<vmem>> -> memref<128x128xf32, #tpu.memory_space<vmem>>
        %dma_start3A_153 = arith.constant 0 : i32
        %dma_start3A_154 = tpu.memref_slice %arg10[%add3A_135, %dma_start3A_153] : memref<48x128xi32, #tpu.memory_space<vmem>> -> memref<1x128xi32, #tpu.memory_space<vmem>>
        %dma_start3A_155 = tpu.memref_squeeze %dma_start3A_154 : memref<1x128xi32, #tpu.memory_space<vmem>> -> memref<128xi32, #tpu.memory_space<vmem>>
        %dma_start3A_156 = arith.constant 0 : i32
        %dma_start3A_157 = arith.constant 0 : i32
        %dma_start3A_158 = tpu.memref_slice %arg12[%dma_start3A_156, %dma_start3A_157] : memref<10240x128xf32, #tpu.memory_space<vmem_shared>> -> memref<10240x128xf32, #tpu.memory_space<vmem_shared>>
        tpu.enqueue_indirect_dma source(%dma_start3A_152 : memref<128x128xf32, #tpu.memory_space<vmem>>) target(%dma_start3A_158 : memref<10240x128xf32, #tpu.memory_space<vmem_shared>>) offsets(%dma_start3A_155 : memref<128xi32, #tpu.memory_space<vmem>>) semaphore(%arg15 : memref<!tpu.dma_semaphore, #tpu.memory_space<semaphore_mem>>) {add = true}
        %add3A_159 = arith.constant 1 : i32
        %add3A_160 = arith.addi %add3A_135, %add3A_159 : i32
        %lt3A = arith.constant 48 : i32
        %lt3A_161 = arith.cmpi slt, %add3A_160, %lt3A : i32
        %convert_element_type3A_162 = arith.extui %lt3A_161 : i1 to i32
        %cond3A_163 = arith.constant 0 : i32
        %cond3A_164 = arith.cmpi ne, %convert_element_type3A_162, %cond3A_163 : i32
        scf.if %cond3A_164 {
          %ge3A = arith.constant 1 : i32
          %ge3A_199 = arith.cmpi sge, %add3A_135, %ge3A : i32
          %convert_element_type3A_200 = arith.extui %ge3A_199 : i1 to i32
          %cond3A_201 = arith.constant 0 : i32
          %cond3A_202 = arith.cmpi ne, %convert_element_type3A_200, %cond3A_201 : i32
          scf.if %cond3A_202 {
            %dma_wait3A_216 = arith.constant 1 : i32
            %dma_wait3A_217 = arith.constant 0 : i32
            %dma_wait3A_218 = arith.constant 0 : i32
            %dma_wait3A_219 = arith.constant 0 : i32
            %dma_wait3A_220 = tpu.memref_slice %arg11[%dma_wait3A_216, %dma_wait3A_218, %dma_wait3A_219] : memref<2x128x128xf32, #tpu.memory_space<vmem>> -> memref<1x128x128xf32, #tpu.memory_space<vmem>>
            %dma_wait3A_221 = tpu.memref_squeeze %dma_wait3A_220 : memref<1x128x128xf32, #tpu.memory_space<vmem>> -> memref<128x128xf32, #tpu.memory_space<vmem>>
            %dma_wait3A_222 = arith.constant 0 : i32
            %dma_wait3A_223 = tpu.memref_slice %arg10[%dma_wait3A_217, %dma_wait3A_222] : memref<48x128xi32, #tpu.memory_space<vmem>> -> memref<1x128xi32, #tpu.memory_space<vmem>>
            %dma_wait3A_224 = tpu.memref_squeeze %dma_wait3A_223 : memref<1x128xi32, #tpu.memory_space<vmem>> -> memref<128xi32, #tpu.memory_space<vmem>>
            %dma_wait3A_225 = arith.constant 0 : i32
            %dma_wait3A_226 = arith.constant 0 : i32
            %dma_wait3A_227 = tpu.memref_slice %arg12[%dma_wait3A_225, %dma_wait3A_226] : memref<10240x128xf32, #tpu.memory_space<vmem_shared>> -> memref<10240x128xf32, #tpu.memory_space<vmem_shared>>
            tpu.wait_indirect_dma semaphore(%arg16 : memref<!tpu.dma_semaphore, #tpu.memory_space<semaphore_mem>>) src(%dma_wait3A_221 : memref<128x128xf32, #tpu.memory_space<vmem>>) dst(%dma_wait3A_227 : memref<10240x128xf32, #tpu.memory_space<vmem_shared>>)
          } else {
          }
          %add3A_203 = arith.constant 1 : i32
          %add3A_204 = arith.addi %add3A_135, %add3A_203 : i32
          %dma_start3A_205 = arith.constant 1 : i32
          %dma_start3A_206 = arith.constant 0 : i32
          %dma_start3A_207 = arith.constant 0 : i32
          %dma_start3A_208 = tpu.memref_slice %arg11[%dma_start3A_205, %dma_start3A_206, %dma_start3A_207] : memref<2x128x128xf32, #tpu.memory_space<vmem>> -> memref<1x128x128xf32, #tpu.memory_space<vmem>>
          %dma_start3A_209 = tpu.memref_squeeze %dma_start3A_208 : memref<1x128x128xf32, #tpu.memory_space<vmem>> -> memref<128x128xf32, #tpu.memory_space<vmem>>
          %dma_start3A_210 = arith.constant 0 : i32
          %dma_start3A_211 = tpu.memref_slice %arg9[%add3A_204, %dma_start3A_210] : memref<48x128xi32, #tpu.memory_space<vmem>> -> memref<1x128xi32, #tpu.memory_space<vmem>>
          %dma_start3A_212 = tpu.memref_squeeze %dma_start3A_211 : memref<1x128xi32, #tpu.memory_space<vmem>> -> memref<128xi32, #tpu.memory_space<vmem>>
          %dma_start3A_213 = arith.constant 0 : i32
          %dma_start3A_214 = arith.constant 0 : i32
          %dma_start3A_215 = tpu.memref_slice %arg2[%dma_start3A_213, %dma_start3A_214] : memref<10240x128xf32, #tpu.memory_space<hbm>> -> memref<10240x128xf32, #tpu.memory_space<hbm>>
          tpu.enqueue_indirect_dma source(%dma_start3A_215 : memref<10240x128xf32, #tpu.memory_space<hbm>>) target(%dma_start3A_209 : memref<128x128xf32, #tpu.memory_space<vmem>>) offsets(%dma_start3A_212 : memref<128xi32, #tpu.memory_space<vmem>>) semaphore(%arg14 : memref<!tpu.dma_semaphore, #tpu.memory_space<semaphore_mem>>)
        } else {
        }
        %mul3A_165 = arith.constant 2 : i32
        %mul3A_166 = arith.muli %scan3A_132, %mul3A_165 : i32
        %add3A_167 = arith.constant 1 : i32
        %add3A_168 = arith.addi %mul3A_166, %add3A_167 : i32
        %dma_wait3A_169 = arith.constant 0 : i32
        %dma_wait3A_170 = arith.constant 1 : i32
        %dma_wait3A_171 = arith.constant 0 : i32
        %dma_wait3A_172 = arith.constant 0 : i32
        %dma_wait3A_173 = tpu.memref_slice %arg11[%dma_wait3A_170, %dma_wait3A_171, %dma_wait3A_172] : memref<2x128x128xf32, #tpu.memory_space<vmem>> -> memref<1x128x128xf32, #tpu.memory_space<vmem>>
        %dma_wait3A_174 = tpu.memref_squeeze %dma_wait3A_173 : memref<1x128x128xf32, #tpu.memory_space<vmem>> -> memref<128x128xf32, #tpu.memory_space<vmem>>
        %dma_wait3A_175 = arith.constant 0 : i32
        %dma_wait3A_176 = tpu.memref_slice %arg9[%dma_wait3A_169, %dma_wait3A_175] : memref<48x128xi32, #tpu.memory_space<vmem>> -> memref<1x128xi32, #tpu.memory_space<vmem>>
        %dma_wait3A_177 = tpu.memref_squeeze %dma_wait3A_176 : memref<1x128xi32, #tpu.memory_space<vmem>> -> memref<128xi32, #tpu.memory_space<vmem>>
        %dma_wait3A_178 = arith.constant 0 : i32
        %dma_wait3A_179 = arith.constant 0 : i32
        %dma_wait3A_180 = tpu.memref_slice %arg2[%dma_wait3A_178, %dma_wait3A_179] : memref<10240x128xf32, #tpu.memory_space<hbm>> -> memref<10240x128xf32, #tpu.memory_space<hbm>>
        tpu.wait_indirect_dma semaphore(%arg14 : memref<!tpu.dma_semaphore, #tpu.memory_space<semaphore_mem>>) src(%dma_wait3A_180 : memref<10240x128xf32, #tpu.memory_space<hbm>>) dst(%dma_wait3A_174 : memref<128x128xf32, #tpu.memory_space<vmem>>)
        %dma_start3A_181 = arith.constant 1 : i32
        %dma_start3A_182 = arith.constant 0 : i32
        %dma_start3A_183 = arith.constant 0 : i32
        %dma_start3A_184 = tpu.memref_slice %arg11[%dma_start3A_181, %dma_start3A_182, %dma_start3A_183] : memref<2x128x128xf32, #tpu.memory_space<vmem>> -> memref<1x128x128xf32, #tpu.memory_space<vmem>>
        %dma_start3A_185 = tpu.memref_squeeze %dma_start3A_184 : memref<1x128x128xf32, #tpu.memory_space<vmem>> -> memref<128x128xf32, #tpu.memory_space<vmem>>
        %dma_start3A_186 = arith.constant 0 : i32
        %dma_start3A_187 = tpu.memref_slice %arg10[%add3A_168, %dma_start3A_186] : memref<48x128xi32, #tpu.memory_space<vmem>> -> memref<1x128xi32, #tpu.memory_space<vmem>>
        %dma_start3A_188 = tpu.memref_squeeze %dma_start3A_187 : memref<1x128xi32, #tpu.memory_space<vmem>> -> memref<128xi32, #tpu.memory_space<vmem>>
        %dma_start3A_189 = arith.constant 0 : i32
        %dma_start3A_190 = arith.constant 0 : i32
        %dma_start3A_191 = tpu.memref_slice %arg12[%dma_start3A_189, %dma_start3A_190] : memref<10240x128xf32, #tpu.memory_space<vmem_shared>> -> memref<10240x128xf32, #tpu.memory_space<vmem_shared>>
        tpu.enqueue_indirect_dma source(%dma_start3A_185 : memref<128x128xf32, #tpu.memory_space<vmem>>) target(%dma_start3A_191 : memref<10240x128xf32, #tpu.memory_space<vmem_shared>>) offsets(%dma_start3A_188 : memref<128xi32, #tpu.memory_space<vmem>>) semaphore(%arg16 : memref<!tpu.dma_semaphore, #tpu.memory_space<semaphore_mem>>) {add = true}
        %add3A_192 = arith.constant 1 : i32
        %add3A_193 = arith.addi %add3A_168, %add3A_192 : i32
        %lt3A_194 = arith.constant 48 : i32
        %lt3A_195 = arith.cmpi slt, %add3A_193, %lt3A_194 : i32
        %convert_element_type3A_196 = arith.extui %lt3A_195 : i1 to i32
        %cond3A_197 = arith.constant 0 : i32
        %cond3A_198 = arith.cmpi ne, %convert_element_type3A_196, %cond3A_197 : i32
        scf.if %cond3A_198 {
          %ge3A = arith.constant 1 : i32
          %ge3A_199 = arith.cmpi sge, %add3A_168, %ge3A : i32
          %convert_element_type3A_200 = arith.extui %ge3A_199 : i1 to i32
          %cond3A_201 = arith.constant 0 : i32
          %cond3A_202 = arith.cmpi ne, %convert_element_type3A_200, %cond3A_201 : i32
          scf.if %cond3A_202 {
            %dma_wait3A_216 = arith.constant 0 : i32
            %dma_wait3A_217 = arith.constant 0 : i32
            %dma_wait3A_218 = arith.constant 0 : i32
            %dma_wait3A_219 = arith.constant 0 : i32
            %dma_wait3A_220 = tpu.memref_slice %arg11[%dma_wait3A_216, %dma_wait3A_218, %dma_wait3A_219] : memref<2x128x128xf32, #tpu.memory_space<vmem>> -> memref<1x128x128xf32, #tpu.memory_space<vmem>>
            %dma_wait3A_221 = tpu.memref_squeeze %dma_wait3A_220 : memref<1x128x128xf32, #tpu.memory_space<vmem>> -> memref<128x128xf32, #tpu.memory_space<vmem>>
            %dma_wait3A_222 = arith.constant 0 : i32
            %dma_wait3A_223 = tpu.memref_slice %arg10[%dma_wait3A_217, %dma_wait3A_222] : memref<48x128xi32, #tpu.memory_space<vmem>> -> memref<1x128xi32, #tpu.memory_space<vmem>>
            %dma_wait3A_224 = tpu.memref_squeeze %dma_wait3A_223 : memref<1x128xi32, #tpu.memory_space<vmem>> -> memref<128xi32, #tpu.memory_space<vmem>>
            %dma_wait3A_225 = arith.constant 0 : i32
            %dma_wait3A_226 = arith.constant 0 : i32
            %dma_wait3A_227 = tpu.memref_slice %arg12[%dma_wait3A_225, %dma_wait3A_226] : memref<10240x128xf32, #tpu.memory_space<vmem_shared>> -> memref<10240x128xf32, #tpu.memory_space<vmem_shared>>
            tpu.wait_indirect_dma semaphore(%arg15 : memref<!tpu.dma_semaphore, #tpu.memory_space<semaphore_mem>>) src(%dma_wait3A_221 : memref<128x128xf32, #tpu.memory_space<vmem>>) dst(%dma_wait3A_227 : memref<10240x128xf32, #tpu.memory_space<vmem_shared>>)
          } else {
          }
          %add3A_203 = arith.constant 1 : i32
          %add3A_204 = arith.addi %add3A_168, %add3A_203 : i32
          %dma_start3A_205 = arith.constant 0 : i32
          %dma_start3A_206 = arith.constant 0 : i32
          %dma_start3A_207 = arith.constant 0 : i32
          %dma_start3A_208 = tpu.memref_slice %arg11[%dma_start3A_205, %dma_start3A_206, %dma_start3A_207] : memref<2x128x128xf32, #tpu.memory_space<vmem>> -> memref<1x128x128xf32, #tpu.memory_space<vmem>>
          %dma_start3A_209 = tpu.memref_squeeze %dma_start3A_208 : memref<1x128x128xf32, #tpu.memory_space<vmem>> -> memref<128x128xf32, #tpu.memory_space<vmem>>
          %dma_start3A_210 = arith.constant 0 : i32
          %dma_start3A_211 = tpu.memref_slice %arg9[%add3A_204, %dma_start3A_210] : memref<48x128xi32, #tpu.memory_space<vmem>> -> memref<1x128xi32, #tpu.memory_space<vmem>>
          %dma_start3A_212 = tpu.memref_squeeze %dma_start3A_211 : memref<1x128xi32, #tpu.memory_space<vmem>> -> memref<128xi32, #tpu.memory_space<vmem>>
          %dma_start3A_213 = arith.constant 0 : i32
          %dma_start3A_214 = arith.constant 0 : i32
          %dma_start3A_215 = tpu.memref_slice %arg2[%dma_start3A_213, %dma_start3A_214] : memref<10240x128xf32, #tpu.memory_space<hbm>> -> memref<10240x128xf32, #tpu.memory_space<hbm>>
          tpu.enqueue_indirect_dma source(%dma_start3A_215 : memref<10240x128xf32, #tpu.memory_space<hbm>>) target(%dma_start3A_209 : memref<128x128xf32, #tpu.memory_space<vmem>>) offsets(%dma_start3A_212 : memref<128xi32, #tpu.memory_space<vmem>>) semaphore(%arg13 : memref<!tpu.dma_semaphore, #tpu.memory_space<semaphore_mem>>)
        } else {
        }
      }
      %scan3A_65 = arith.constant 24 : i32
      %dma_wait3A_66 = arith.constant 0 : i32
      %dma_wait3A_67 = arith.constant 0 : i32
      %dma_wait3A_68 = arith.constant 0 : i32
      %dma_wait3A_69 = arith.constant 0 : i32
      %dma_wait3A_70 = tpu.memref_slice %arg11[%dma_wait3A_66, %dma_wait3A_68, %dma_wait3A_69] : memref<2x128x128xf32, #tpu.memory_space<vmem>> -> memref<1x128x128xf32, #tpu.memory_space<vmem>>
      %dma_wait3A_71 = tpu.memref_squeeze %dma_wait3A_70 : memref<1x128x128xf32, #tpu.memory_space<vmem>> -> memref<128x128xf32, #tpu.memory_space<vmem>>
      %dma_wait3A_72 = arith.constant 0 : i32
      %dma_wait3A_73 = tpu.memref_slice %arg10[%dma_wait3A_67, %dma_wait3A_72] : memref<48x128xi32, #tpu.memory_space<vmem>> -> memref<1x128xi32, #tpu.memory_space<vmem>>
      %dma_wait3A_74 = tpu.memref_squeeze %dma_wait3A_73 : memref<1x128xi32, #tpu.memory_space<vmem>> -> memref<128xi32, #tpu.memory_space<vmem>>
      %dma_wait3A_75 = arith.constant 0 : i32
      %dma_wait3A_76 = arith.constant 0 : i32
      %dma_wait3A_77 = tpu.memref_slice %arg12[%dma_wait3A_75, %dma_wait3A_76] : memref<10240x128xf32, #tpu.memory_space<vmem_shared>> -> memref<10240x128xf32, #tpu.memory_space<vmem_shared>>
      tpu.wait_indirect_dma semaphore(%arg15 : memref<!tpu.dma_semaphore, #tpu.memory_space<semaphore_mem>>) src(%dma_wait3A_71 : memref<128x128xf32, #tpu.memory_space<vmem>>) dst(%dma_wait3A_77 : memref<10240x128xf32, #tpu.memory_space<vmem_shared>>)
      %dma_wait3A_78 = arith.constant 1 : i32
      %dma_wait3A_79 = arith.constant 0 : i32
      %dma_wait3A_80 = arith.constant 0 : i32
      %dma_wait3A_81 = arith.constant 0 : i32
      %dma_wait3A_82 = tpu.memref_slice %arg11[%dma_wait3A_78, %dma_wait3A_80, %dma_wait3A_81] : memref<2x128x128xf32, #tpu.memory_space<vmem>> -> memref<1x128x128xf32, #tpu.memory_space<vmem>>
      %dma_wait3A_83 = tpu.memref_squeeze %dma_wait3A_82 : memref<1x128x128xf32, #tpu.memory_space<vmem>> -> memref<128x128xf32, #tpu.memory_space<vmem>>
      %dma_wait3A_84 = arith.constant 0 : i32
      %dma_wait3A_85 = tpu.memref_slice %arg10[%dma_wait3A_79, %dma_wait3A_84] : memref<48x128xi32, #tpu.memory_space<vmem>> -> memref<1x128xi32, #tpu.memory_space<vmem>>
      %dma_wait3A_86 = tpu.memref_squeeze %dma_wait3A_85 : memref<1x128xi32, #tpu.memory_space<vmem>> -> memref<128xi32, #tpu.memory_space<vmem>>
      %dma_wait3A_87 = arith.constant 0 : i32
      %dma_wait3A_88 = arith.constant 0 : i32
      %dma_wait3A_89 = tpu.memref_slice %arg12[%dma_wait3A_87, %dma_wait3A_88] : memref<10240x128xf32, #tpu.memory_space<vmem_shared>> -> memref<10240x128xf32, #tpu.memory_space<vmem_shared>>
      tpu.wait_indirect_dma semaphore(%arg16 : memref<!tpu.dma_semaphore, #tpu.memory_space<semaphore_mem>>) src(%dma_wait3A_83 : memref<128x128xf32, #tpu.memory_space<vmem>>) dst(%dma_wait3A_89 : memref<10240x128xf32, #tpu.memory_space<vmem_shared>>)
      "tpu.region"() ({
        %run_scoped3A = tpu.sem_alloc : memref<!tpu.dma_semaphore, #tpu.memory_space<semaphore_mem>>
        %dma_start3A_132 = arith.constant 0 : i32
        %dma_start3A_133 = arith.constant 0 : i32
        %dma_start3A_134 = tpu.memref_slice %arg9[%dma_start3A_132, %dma_start3A_133] : memref<48x128xi32, #tpu.memory_space<vmem>> -> memref<48x128xi32, #tpu.memory_space<vmem>>
        %dma_start3A_135 = arith.constant 96 : i32
        %dma_start3A_136 = arith.constant 0 : i32
        %dma_start3A_137 = tpu.memref_slice %arg4[%arg1, %dma_start3A_135, %dma_start3A_136] : memref<16x144x128xi32, #tpu.memory_space<hbm>> -> memref<1x48x128xi32, #tpu.memory_space<hbm>>
        %dma_start3A_138 = tpu.memref_squeeze %dma_start3A_137 : memref<1x48x128xi32, #tpu.memory_space<hbm>> -> memref<48x128xi32, #tpu.memory_space<hbm>>
        %dma_start3A_139 = arith.constant 0 : i32
        %dma_start3A_140 = arith.constant 0 : i32
        %dma_start3A_141 = tpu.memref_slice %arg9[%dma_start3A_139, %dma_start3A_140] : memref<48x128xi32, #tpu.memory_space<vmem>> -> memref<48x128xi32, #tpu.memory_space<vmem>>
        %dma_start3A_142 = arith.constant 96 : i32
        %dma_start3A_143 = arith.constant 0 : i32
        %dma_start3A_144 = tpu.memref_slice %arg4[%arg1, %dma_start3A_142, %dma_start3A_143] : memref<16x144x128xi32, #tpu.memory_space<hbm>> -> memref<1x48x128xi32, #tpu.memory_space<hbm>>
        %dma_start3A_145 = tpu.memref_squeeze %dma_start3A_144 : memref<1x48x128xi32, #tpu.memory_space<hbm>> -> memref<48x128xi32, #tpu.memory_space<hbm>>
        tpu.enqueue_dma source(%dma_start3A_145 : memref<48x128xi32, #tpu.memory_space<hbm>>) target(%dma_start3A_141 : memref<48x128xi32, #tpu.memory_space<vmem>>) target_semaphore(%run_scoped3A : memref<!tpu.dma_semaphore, #tpu.memory_space<semaphore_mem>>)
        %dma_wait3A_146 = arith.constant 0 : i32
        %dma_wait3A_147 = arith.constant 0 : i32
        %dma_wait3A_148 = tpu.memref_slice %arg9[%dma_wait3A_146, %dma_wait3A_147] : memref<48x128xi32, #tpu.memory_space<vmem>> -> memref<48x128xi32, #tpu.memory_space<vmem>>
        %dma_wait3A_149 = arith.constant 96 : i32
        %dma_wait3A_150 = arith.constant 0 : i32
        %dma_wait3A_151 = tpu.memref_slice %arg4[%arg1, %dma_wait3A_149, %dma_wait3A_150] : memref<16x144x128xi32, #tpu.memory_space<hbm>> -> memref<1x48x128xi32, #tpu.memory_space<hbm>>
        %dma_wait3A_152 = tpu.memref_squeeze %dma_wait3A_151 : memref<1x48x128xi32, #tpu.memory_space<hbm>> -> memref<48x128xi32, #tpu.memory_space<hbm>>
        %dma_wait3A_153 = arith.constant 0 : i32
        %dma_wait3A_154 = arith.constant 0 : i32
        %dma_wait3A_155 = tpu.memref_slice %arg9[%dma_wait3A_153, %dma_wait3A_154] : memref<48x128xi32, #tpu.memory_space<vmem>> -> memref<48x128xi32, #tpu.memory_space<vmem>>
        %dma_wait3A_156 = arith.constant 96 : i32
        %dma_wait3A_157 = arith.constant 0 : i32
        %dma_wait3A_158 = tpu.memref_slice %arg4[%arg1, %dma_wait3A_156, %dma_wait3A_157] : memref<16x144x128xi32, #tpu.memory_space<hbm>> -> memref<1x48x128xi32, #tpu.memory_space<hbm>>
        %dma_wait3A_159 = tpu.memref_squeeze %dma_wait3A_158 : memref<1x48x128xi32, #tpu.memory_space<hbm>> -> memref<48x128xi32, #tpu.memory_space<hbm>>
        tpu.wait_dma2 semaphore(%run_scoped3A : memref<!tpu.dma_semaphore, #tpu.memory_space<semaphore_mem>>) src(%dma_wait3A_159 : memref<48x128xi32, #tpu.memory_space<hbm>>) dst(%dma_wait3A_155 : memref<48x128xi32, #tpu.memory_space<vmem>>)
        tpu.yield
      }) : () -> ()
      "tpu.region"() ({
        %run_scoped3A = tpu.sem_alloc : memref<!tpu.dma_semaphore, #tpu.memory_space<semaphore_mem>>
        %dma_start3A_132 = arith.constant 0 : i32
        %dma_start3A_133 = arith.constant 0 : i32
        %dma_start3A_134 = tpu.memref_slice %arg10[%dma_start3A_132, %dma_start3A_133] : memref<48x128xi32, #tpu.memory_space<vmem>> -> memref<48x128xi32, #tpu.memory_space<vmem>>
        %dma_start3A_135 = arith.constant 96 : i32
        %dma_start3A_136 = arith.constant 0 : i32
        %dma_start3A_137 = tpu.memref_slice %arg5[%arg1, %dma_start3A_135, %dma_start3A_136] : memref<16x144x128xi32, #tpu.memory_space<hbm>> -> memref<1x48x128xi32, #tpu.memory_space<hbm>>
        %dma_start3A_138 = tpu.memref_squeeze %dma_start3A_137 : memref<1x48x128xi32, #tpu.memory_space<hbm>> -> memref<48x128xi32, #tpu.memory_space<hbm>>
        %dma_start3A_139 = arith.constant 0 : i32
        %dma_start3A_140 = arith.constant 0 : i32
        %dma_start3A_141 = tpu.memref_slice %arg10[%dma_start3A_139, %dma_start3A_140] : memref<48x128xi32, #tpu.memory_space<vmem>> -> memref<48x128xi32, #tpu.memory_space<vmem>>
        %dma_start3A_142 = arith.constant 96 : i32
        %dma_start3A_143 = arith.constant 0 : i32
        %dma_start3A_144 = tpu.memref_slice %arg5[%arg1, %dma_start3A_142, %dma_start3A_143] : memref<16x144x128xi32, #tpu.memory_space<hbm>> -> memref<1x48x128xi32, #tpu.memory_space<hbm>>
        %dma_start3A_145 = tpu.memref_squeeze %dma_start3A_144 : memref<1x48x128xi32, #tpu.memory_space<hbm>> -> memref<48x128xi32, #tpu.memory_space<hbm>>
        tpu.enqueue_dma source(%dma_start3A_145 : memref<48x128xi32, #tpu.memory_space<hbm>>) target(%dma_start3A_141 : memref<48x128xi32, #tpu.memory_space<vmem>>) target_semaphore(%run_scoped3A : memref<!tpu.dma_semaphore, #tpu.memory_space<semaphore_mem>>)
        %dma_wait3A_146 = arith.constant 0 : i32
        %dma_wait3A_147 = arith.constant 0 : i32
        %dma_wait3A_148 = tpu.memref_slice %arg10[%dma_wait3A_146, %dma_wait3A_147] : memref<48x128xi32, #tpu.memory_space<vmem>> -> memref<48x128xi32, #tpu.memory_space<vmem>>
        %dma_wait3A_149 = arith.constant 96 : i32
        %dma_wait3A_150 = arith.constant 0 : i32
        %dma_wait3A_151 = tpu.memref_slice %arg5[%arg1, %dma_wait3A_149, %dma_wait3A_150] : memref<16x144x128xi32, #tpu.memory_space<hbm>> -> memref<1x48x128xi32, #tpu.memory_space<hbm>>
        %dma_wait3A_152 = tpu.memref_squeeze %dma_wait3A_151 : memref<1x48x128xi32, #tpu.memory_space<hbm>> -> memref<48x128xi32, #tpu.memory_space<hbm>>
        %dma_wait3A_153 = arith.constant 0 : i32
        %dma_wait3A_154 = arith.constant 0 : i32
        %dma_wait3A_155 = tpu.memref_slice %arg10[%dma_wait3A_153, %dma_wait3A_154] : memref<48x128xi32, #tpu.memory_space<vmem>> -> memref<48x128xi32, #tpu.memory_space<vmem>>
        %dma_wait3A_156 = arith.constant 96 : i32
        %dma_wait3A_157 = arith.constant 0 : i32
        %dma_wait3A_158 = tpu.memref_slice %arg5[%arg1, %dma_wait3A_156, %dma_wait3A_157] : memref<16x144x128xi32, #tpu.memory_space<hbm>> -> memref<1x48x128xi32, #tpu.memory_space<hbm>>
        %dma_wait3A_159 = tpu.memref_squeeze %dma_wait3A_158 : memref<1x48x128xi32, #tpu.memory_space<hbm>> -> memref<48x128xi32, #tpu.memory_space<hbm>>
        tpu.wait_dma2 semaphore(%run_scoped3A : memref<!tpu.dma_semaphore, #tpu.memory_space<semaphore_mem>>) src(%dma_wait3A_159 : memref<48x128xi32, #tpu.memory_space<hbm>>) dst(%dma_wait3A_155 : memref<48x128xi32, #tpu.memory_space<vmem>>)
        tpu.yield
      }) : () -> ()
      %dma_start3A_90 = arith.constant 0 : i32
      %dma_start3A_91 = arith.constant 0 : i32
      %dma_start3A_92 = arith.constant 0 : i32
      %dma_start3A_93 = arith.constant 0 : i32
      %dma_start3A_94 = tpu.memref_slice %arg11[%dma_start3A_91, %dma_start3A_92, %dma_start3A_93] : memref<2x128x128xf32, #tpu.memory_space<vmem>> -> memref<1x128x128xf32, #tpu.memory_space<vmem>>
      %dma_start3A_95 = tpu.memref_squeeze %dma_start3A_94 : memref<1x128x128xf32, #tpu.memory_space<vmem>> -> memref<128x128xf32, #tpu.memory_space<vmem>>
      %dma_start3A_96 = arith.constant 0 : i32
      %dma_start3A_97 = tpu.memref_slice %arg9[%dma_start3A_90, %dma_start3A_96] : memref<48x128xi32, #tpu.memory_space<vmem>> -> memref<1x128xi32, #tpu.memory_space<vmem>>
      %dma_start3A_98 = tpu.memref_squeeze %dma_start3A_97 : memref<1x128xi32, #tpu.memory_space<vmem>> -> memref<128xi32, #tpu.memory_space<vmem>>
      %dma_start3A_99 = arith.constant 0 : i32
      %dma_start3A_100 = arith.constant 0 : i32
      %dma_start3A_101 = tpu.memref_slice %arg2[%dma_start3A_99, %dma_start3A_100] : memref<10240x128xf32, #tpu.memory_space<hbm>> -> memref<10240x128xf32, #tpu.memory_space<hbm>>
      tpu.enqueue_indirect_dma source(%dma_start3A_101 : memref<10240x128xf32, #tpu.memory_space<hbm>>) target(%dma_start3A_95 : memref<128x128xf32, #tpu.memory_space<vmem>>) offsets(%dma_start3A_98 : memref<128xi32, #tpu.memory_space<vmem>>) semaphore(%arg13 : memref<!tpu.dma_semaphore, #tpu.memory_space<semaphore_mem>>)
      %scan3A_102 = arith.constant 0 : i32
      %scan3A_103 = arith.constant 0 : i32
      %scan3A_104 = arith.constant 24 : i32
      %scan3A_105 = arith.addi %scan3A_103, %scan3A_104 : i32
      %scan3A_106 = arith.constant 1 : i32
      scf.for %scan3A_132 = %scan3A_103 to %scan3A_105 step %scan3A_106  : i32 {
        %mul3A_133 = arith.constant 2 : i32
        %mul3A_134 = arith.muli %scan3A_132, %mul3A_133 : i32
        %add3A = arith.constant 0 : i32
        %add3A_135 = arith.addi %mul3A_134, %add3A : i32
        %dma_wait3A_136 = arith.constant 0 : i32
        %dma_wait3A_137 = arith.constant 0 : i32
        %dma_wait3A_138 = arith.constant 0 : i32
        %dma_wait3A_139 = arith.constant 0 : i32
        %dma_wait3A_140 = tpu.memref_slice %arg11[%dma_wait3A_137, %dma_wait3A_138, %dma_wait3A_139] : memref<2x128x128xf32, #tpu.memory_space<vmem>> -> memref<1x128x128xf32, #tpu.memory_space<vmem>>
        %dma_wait3A_141 = tpu.memref_squeeze %dma_wait3A_140 : memref<1x128x128xf32, #tpu.memory_space<vmem>> -> memref<128x128xf32, #tpu.memory_space<vmem>>
        %dma_wait3A_142 = arith.constant 0 : i32
        %dma_wait3A_143 = tpu.memref_slice %arg9[%dma_wait3A_136, %dma_wait3A_142] : memref<48x128xi32, #tpu.memory_space<vmem>> -> memref<1x128xi32, #tpu.memory_space<vmem>>
        %dma_wait3A_144 = tpu.memref_squeeze %dma_wait3A_143 : memref<1x128xi32, #tpu.memory_space<vmem>> -> memref<128xi32, #tpu.memory_space<vmem>>
        %dma_wait3A_145 = arith.constant 0 : i32
        %dma_wait3A_146 = arith.constant 0 : i32
        %dma_wait3A_147 = tpu.memref_slice %arg2[%dma_wait3A_145, %dma_wait3A_146] : memref<10240x128xf32, #tpu.memory_space<hbm>> -> memref<10240x128xf32, #tpu.memory_space<hbm>>
        tpu.wait_indirect_dma semaphore(%arg13 : memref<!tpu.dma_semaphore, #tpu.memory_space<semaphore_mem>>) src(%dma_wait3A_147 : memref<10240x128xf32, #tpu.memory_space<hbm>>) dst(%dma_wait3A_141 : memref<128x128xf32, #tpu.memory_space<vmem>>)
        %dma_start3A_148 = arith.constant 0 : i32
        %dma_start3A_149 = arith.constant 0 : i32
        %dma_start3A_150 = arith.constant 0 : i32
        %dma_start3A_151 = tpu.memref_slice %arg11[%dma_start3A_148, %dma_start3A_149, %dma_start3A_150] : memref<2x128x128xf32, #tpu.memory_space<vmem>> -> memref<1x128x128xf32, #tpu.memory_space<vmem>>
        %dma_start3A_152 = tpu.memref_squeeze %dma_start3A_151 : memref<1x128x128xf32, #tpu.memory_space<vmem>> -> memref<128x128xf32, #tpu.memory_space<vmem>>
        %dma_start3A_153 = arith.constant 0 : i32
        %dma_start3A_154 = tpu.memref_slice %arg10[%add3A_135, %dma_start3A_153] : memref<48x128xi32, #tpu.memory_space<vmem>> -> memref<1x128xi32, #tpu.memory_space<vmem>>
        %dma_start3A_155 = tpu.memref_squeeze %dma_start3A_154 : memref<1x128xi32, #tpu.memory_space<vmem>> -> memref<128xi32, #tpu.memory_space<vmem>>
        %dma_start3A_156 = arith.constant 0 : i32
        %dma_start3A_157 = arith.constant 0 : i32
        %dma_start3A_158 = tpu.memref_slice %arg12[%dma_start3A_156, %dma_start3A_157] : memref<10240x128xf32, #tpu.memory_space<vmem_shared>> -> memref<10240x128xf32, #tpu.memory_space<vmem_shared>>
        tpu.enqueue_indirect_dma source(%dma_start3A_152 : memref<128x128xf32, #tpu.memory_space<vmem>>) target(%dma_start3A_158 : memref<10240x128xf32, #tpu.memory_space<vmem_shared>>) offsets(%dma_start3A_155 : memref<128xi32, #tpu.memory_space<vmem>>) semaphore(%arg15 : memref<!tpu.dma_semaphore, #tpu.memory_space<semaphore_mem>>) {add = true}
        %add3A_159 = arith.constant 1 : i32
        %add3A_160 = arith.addi %add3A_135, %add3A_159 : i32
        %lt3A = arith.constant 48 : i32
        %lt3A_161 = arith.cmpi slt, %add3A_160, %lt3A : i32
        %convert_element_type3A_162 = arith.extui %lt3A_161 : i1 to i32
        %cond3A_163 = arith.constant 0 : i32
        %cond3A_164 = arith.cmpi ne, %convert_element_type3A_162, %cond3A_163 : i32
        scf.if %cond3A_164 {
          %ge3A = arith.constant 1 : i32
          %ge3A_199 = arith.cmpi sge, %add3A_135, %ge3A : i32
          %convert_element_type3A_200 = arith.extui %ge3A_199 : i1 to i32
          %cond3A_201 = arith.constant 0 : i32
          %cond3A_202 = arith.cmpi ne, %convert_element_type3A_200, %cond3A_201 : i32
          scf.if %cond3A_202 {
            %dma_wait3A_216 = arith.constant 1 : i32
            %dma_wait3A_217 = arith.constant 0 : i32
            %dma_wait3A_218 = arith.constant 0 : i32
            %dma_wait3A_219 = arith.constant 0 : i32
            %dma_wait3A_220 = tpu.memref_slice %arg11[%dma_wait3A_216, %dma_wait3A_218, %dma_wait3A_219] : memref<2x128x128xf32, #tpu.memory_space<vmem>> -> memref<1x128x128xf32, #tpu.memory_space<vmem>>
            %dma_wait3A_221 = tpu.memref_squeeze %dma_wait3A_220 : memref<1x128x128xf32, #tpu.memory_space<vmem>> -> memref<128x128xf32, #tpu.memory_space<vmem>>
            %dma_wait3A_222 = arith.constant 0 : i32
            %dma_wait3A_223 = tpu.memref_slice %arg10[%dma_wait3A_217, %dma_wait3A_222] : memref<48x128xi32, #tpu.memory_space<vmem>> -> memref<1x128xi32, #tpu.memory_space<vmem>>
            %dma_wait3A_224 = tpu.memref_squeeze %dma_wait3A_223 : memref<1x128xi32, #tpu.memory_space<vmem>> -> memref<128xi32, #tpu.memory_space<vmem>>
            %dma_wait3A_225 = arith.constant 0 : i32
            %dma_wait3A_226 = arith.constant 0 : i32
            %dma_wait3A_227 = tpu.memref_slice %arg12[%dma_wait3A_225, %dma_wait3A_226] : memref<10240x128xf32, #tpu.memory_space<vmem_shared>> -> memref<10240x128xf32, #tpu.memory_space<vmem_shared>>
            tpu.wait_indirect_dma semaphore(%arg16 : memref<!tpu.dma_semaphore, #tpu.memory_space<semaphore_mem>>) src(%dma_wait3A_221 : memref<128x128xf32, #tpu.memory_space<vmem>>) dst(%dma_wait3A_227 : memref<10240x128xf32, #tpu.memory_space<vmem_shared>>)
          } else {
          }
          %add3A_203 = arith.constant 1 : i32
          %add3A_204 = arith.addi %add3A_135, %add3A_203 : i32
          %dma_start3A_205 = arith.constant 1 : i32
          %dma_start3A_206 = arith.constant 0 : i32
          %dma_start3A_207 = arith.constant 0 : i32
          %dma_start3A_208 = tpu.memref_slice %arg11[%dma_start3A_205, %dma_start3A_206, %dma_start3A_207] : memref<2x128x128xf32, #tpu.memory_space<vmem>> -> memref<1x128x128xf32, #tpu.memory_space<vmem>>
          %dma_start3A_209 = tpu.memref_squeeze %dma_start3A_208 : memref<1x128x128xf32, #tpu.memory_space<vmem>> -> memref<128x128xf32, #tpu.memory_space<vmem>>
          %dma_start3A_210 = arith.constant 0 : i32
          %dma_start3A_211 = tpu.memref_slice %arg9[%add3A_204, %dma_start3A_210] : memref<48x128xi32, #tpu.memory_space<vmem>> -> memref<1x128xi32, #tpu.memory_space<vmem>>
          %dma_start3A_212 = tpu.memref_squeeze %dma_start3A_211 : memref<1x128xi32, #tpu.memory_space<vmem>> -> memref<128xi32, #tpu.memory_space<vmem>>
          %dma_start3A_213 = arith.constant 0 : i32
          %dma_start3A_214 = arith.constant 0 : i32
          %dma_start3A_215 = tpu.memref_slice %arg2[%dma_start3A_213, %dma_start3A_214] : memref<10240x128xf32, #tpu.memory_space<hbm>> -> memref<10240x128xf32, #tpu.memory_space<hbm>>
          tpu.enqueue_indirect_dma source(%dma_start3A_215 : memref<10240x128xf32, #tpu.memory_space<hbm>>) target(%dma_start3A_209 : memref<128x128xf32, #tpu.memory_space<vmem>>) offsets(%dma_start3A_212 : memref<128xi32, #tpu.memory_space<vmem>>) semaphore(%arg14 : memref<!tpu.dma_semaphore, #tpu.memory_space<semaphore_mem>>)
        } else {
        }
        %mul3A_165 = arith.constant 2 : i32
        %mul3A_166 = arith.muli %scan3A_132, %mul3A_165 : i32
        %add3A_167 = arith.constant 1 : i32
        %add3A_168 = arith.addi %mul3A_166, %add3A_167 : i32
        %dma_wait3A_169 = arith.constant 0 : i32
        %dma_wait3A_170 = arith.constant 1 : i32
        %dma_wait3A_171 = arith.constant 0 : i32
        %dma_wait3A_172 = arith.constant 0 : i32
        %dma_wait3A_173 = tpu.memref_slice %arg11[%dma_wait3A_170, %dma_wait3A_171, %dma_wait3A_172] : memref<2x128x128xf32, #tpu.memory_space<vmem>> -> memref<1x128x128xf32, #tpu.memory_space<vmem>>
        %dma_wait3A_174 = tpu.memref_squeeze %dma_wait3A_173 : memref<1x128x128xf32, #tpu.memory_space<vmem>> -> memref<128x128xf32, #tpu.memory_space<vmem>>
        %dma_wait3A_175 = arith.constant 0 : i32
        %dma_wait3A_176 = tpu.memref_slice %arg9[%dma_wait3A_169, %dma_wait3A_175] : memref<48x128xi32, #tpu.memory_space<vmem>> -> memref<1x128xi32, #tpu.memory_space<vmem>>
        %dma_wait3A_177 = tpu.memref_squeeze %dma_wait3A_176 : memref<1x128xi32, #tpu.memory_space<vmem>> -> memref<128xi32, #tpu.memory_space<vmem>>
        %dma_wait3A_178 = arith.constant 0 : i32
        %dma_wait3A_179 = arith.constant 0 : i32
        %dma_wait3A_180 = tpu.memref_slice %arg2[%dma_wait3A_178, %dma_wait3A_179] : memref<10240x128xf32, #tpu.memory_space<hbm>> -> memref<10240x128xf32, #tpu.memory_space<hbm>>
        tpu.wait_indirect_dma semaphore(%arg14 : memref<!tpu.dma_semaphore, #tpu.memory_space<semaphore_mem>>) src(%dma_wait3A_180 : memref<10240x128xf32, #tpu.memory_space<hbm>>) dst(%dma_wait3A_174 : memref<128x128xf32, #tpu.memory_space<vmem>>)
        %dma_start3A_181 = arith.constant 1 : i32
        %dma_start3A_182 = arith.constant 0 : i32
        %dma_start3A_183 = arith.constant 0 : i32
        %dma_start3A_184 = tpu.memref_slice %arg11[%dma_start3A_181, %dma_start3A_182, %dma_start3A_183] : memref<2x128x128xf32, #tpu.memory_space<vmem>> -> memref<1x128x128xf32, #tpu.memory_space<vmem>>
        %dma_start3A_185 = tpu.memref_squeeze %dma_start3A_184 : memref<1x128x128xf32, #tpu.memory_space<vmem>> -> memref<128x128xf32, #tpu.memory_space<vmem>>
        %dma_start3A_186 = arith.constant 0 : i32
        %dma_start3A_187 = tpu.memref_slice %arg10[%add3A_168, %dma_start3A_186] : memref<48x128xi32, #tpu.memory_space<vmem>> -> memref<1x128xi32, #tpu.memory_space<vmem>>
        %dma_start3A_188 = tpu.memref_squeeze %dma_start3A_187 : memref<1x128xi32, #tpu.memory_space<vmem>> -> memref<128xi32, #tpu.memory_space<vmem>>
        %dma_start3A_189 = arith.constant 0 : i32
        %dma_start3A_190 = arith.constant 0 : i32
        %dma_start3A_191 = tpu.memref_slice %arg12[%dma_start3A_189, %dma_start3A_190] : memref<10240x128xf32, #tpu.memory_space<vmem_shared>> -> memref<10240x128xf32, #tpu.memory_space<vmem_shared>>
        tpu.enqueue_indirect_dma source(%dma_start3A_185 : memref<128x128xf32, #tpu.memory_space<vmem>>) target(%dma_start3A_191 : memref<10240x128xf32, #tpu.memory_space<vmem_shared>>) offsets(%dma_start3A_188 : memref<128xi32, #tpu.memory_space<vmem>>) semaphore(%arg16 : memref<!tpu.dma_semaphore, #tpu.memory_space<semaphore_mem>>) {add = true}
        %add3A_192 = arith.constant 1 : i32
        %add3A_193 = arith.addi %add3A_168, %add3A_192 : i32
        %lt3A_194 = arith.constant 48 : i32
        %lt3A_195 = arith.cmpi slt, %add3A_193, %lt3A_194 : i32
        %convert_element_type3A_196 = arith.extui %lt3A_195 : i1 to i32
        %cond3A_197 = arith.constant 0 : i32
        %cond3A_198 = arith.cmpi ne, %convert_element_type3A_196, %cond3A_197 : i32
        scf.if %cond3A_198 {
          %ge3A = arith.constant 1 : i32
          %ge3A_199 = arith.cmpi sge, %add3A_168, %ge3A : i32
          %convert_element_type3A_200 = arith.extui %ge3A_199 : i1 to i32
          %cond3A_201 = arith.constant 0 : i32
          %cond3A_202 = arith.cmpi ne, %convert_element_type3A_200, %cond3A_201 : i32
          scf.if %cond3A_202 {
            %dma_wait3A_216 = arith.constant 0 : i32
            %dma_wait3A_217 = arith.constant 0 : i32
            %dma_wait3A_218 = arith.constant 0 : i32
            %dma_wait3A_219 = arith.constant 0 : i32
            %dma_wait3A_220 = tpu.memref_slice %arg11[%dma_wait3A_216, %dma_wait3A_218, %dma_wait3A_219] : memref<2x128x128xf32, #tpu.memory_space<vmem>> -> memref<1x128x128xf32, #tpu.memory_space<vmem>>
            %dma_wait3A_221 = tpu.memref_squeeze %dma_wait3A_220 : memref<1x128x128xf32, #tpu.memory_space<vmem>> -> memref<128x128xf32, #tpu.memory_space<vmem>>
            %dma_wait3A_222 = arith.constant 0 : i32
            %dma_wait3A_223 = tpu.memref_slice %arg10[%dma_wait3A_217, %dma_wait3A_222] : memref<48x128xi32, #tpu.memory_space<vmem>> -> memref<1x128xi32, #tpu.memory_space<vmem>>
            %dma_wait3A_224 = tpu.memref_squeeze %dma_wait3A_223 : memref<1x128xi32, #tpu.memory_space<vmem>> -> memref<128xi32, #tpu.memory_space<vmem>>
            %dma_wait3A_225 = arith.constant 0 : i32
            %dma_wait3A_226 = arith.constant 0 : i32
            %dma_wait3A_227 = tpu.memref_slice %arg12[%dma_wait3A_225, %dma_wait3A_226] : memref<10240x128xf32, #tpu.memory_space<vmem_shared>> -> memref<10240x128xf32, #tpu.memory_space<vmem_shared>>
            tpu.wait_indirect_dma semaphore(%arg15 : memref<!tpu.dma_semaphore, #tpu.memory_space<semaphore_mem>>) src(%dma_wait3A_221 : memref<128x128xf32, #tpu.memory_space<vmem>>) dst(%dma_wait3A_227 : memref<10240x128xf32, #tpu.memory_space<vmem_shared>>)
          } else {
          }
          %add3A_203 = arith.constant 1 : i32
          %add3A_204 = arith.addi %add3A_168, %add3A_203 : i32
          %dma_start3A_205 = arith.constant 0 : i32
          %dma_start3A_206 = arith.constant 0 : i32
          %dma_start3A_207 = arith.constant 0 : i32
          %dma_start3A_208 = tpu.memref_slice %arg11[%dma_start3A_205, %dma_start3A_206, %dma_start3A_207] : memref<2x128x128xf32, #tpu.memory_space<vmem>> -> memref<1x128x128xf32, #tpu.memory_space<vmem>>
          %dma_start3A_209 = tpu.memref_squeeze %dma_start3A_208 : memref<1x128x128xf32, #tpu.memory_space<vmem>> -> memref<128x128xf32, #tpu.memory_space<vmem>>
          %dma_start3A_210 = arith.constant 0 : i32
          %dma_start3A_211 = tpu.memref_slice %arg9[%add3A_204, %dma_start3A_210] : memref<48x128xi32, #tpu.memory_space<vmem>> -> memref<1x128xi32, #tpu.memory_space<vmem>>
          %dma_start3A_212 = tpu.memref_squeeze %dma_start3A_211 : memref<1x128xi32, #tpu.memory_space<vmem>> -> memref<128xi32, #tpu.memory_space<vmem>>
          %dma_start3A_213 = arith.constant 0 : i32
          %dma_start3A_214 = arith.constant 0 : i32
          %dma_start3A_215 = tpu.memref_slice %arg2[%dma_start3A_213, %dma_start3A_214] : memref<10240x128xf32, #tpu.memory_space<hbm>> -> memref<10240x128xf32, #tpu.memory_space<hbm>>
          tpu.enqueue_indirect_dma source(%dma_start3A_215 : memref<10240x128xf32, #tpu.memory_space<hbm>>) target(%dma_start3A_209 : memref<128x128xf32, #tpu.memory_space<vmem>>) offsets(%dma_start3A_212 : memref<128xi32, #tpu.memory_space<vmem>>) semaphore(%arg13 : memref<!tpu.dma_semaphore, #tpu.memory_space<semaphore_mem>>)
        } else {
        }
      }
      %scan3A_107 = arith.constant 24 : i32
      %dma_wait3A_108 = arith.constant 0 : i32
      %dma_wait3A_109 = arith.constant 0 : i32
      %dma_wait3A_110 = arith.constant 0 : i32
      %dma_wait3A_111 = arith.constant 0 : i32
      %dma_wait3A_112 = tpu.memref_slice %arg11[%dma_wait3A_108, %dma_wait3A_110, %dma_wait3A_111] : memref<2x128x128xf32, #tpu.memory_space<vmem>> -> memref<1x128x128xf32, #tpu.memory_space<vmem>>
      %dma_wait3A_113 = tpu.memref_squeeze %dma_wait3A_112 : memref<1x128x128xf32, #tpu.memory_space<vmem>> -> memref<128x128xf32, #tpu.memory_space<vmem>>
      %dma_wait3A_114 = arith.constant 0 : i32
      %dma_wait3A_115 = tpu.memref_slice %arg10[%dma_wait3A_109, %dma_wait3A_114] : memref<48x128xi32, #tpu.memory_space<vmem>> -> memref<1x128xi32, #tpu.memory_space<vmem>>
      %dma_wait3A_116 = tpu.memref_squeeze %dma_wait3A_115 : memref<1x128xi32, #tpu.memory_space<vmem>> -> memref<128xi32, #tpu.memory_space<vmem>>
      %dma_wait3A_117 = arith.constant 0 : i32
      %dma_wait3A_118 = arith.constant 0 : i32
      %dma_wait3A_119 = tpu.memref_slice %arg12[%dma_wait3A_117, %dma_wait3A_118] : memref<10240x128xf32, #tpu.memory_space<vmem_shared>> -> memref<10240x128xf32, #tpu.memory_space<vmem_shared>>
      tpu.wait_indirect_dma semaphore(%arg15 : memref<!tpu.dma_semaphore, #tpu.memory_space<semaphore_mem>>) src(%dma_wait3A_113 : memref<128x128xf32, #tpu.memory_space<vmem>>) dst(%dma_wait3A_119 : memref<10240x128xf32, #tpu.memory_space<vmem_shared>>)
      %dma_wait3A_120 = arith.constant 1 : i32
      %dma_wait3A_121 = arith.constant 0 : i32
      %dma_wait3A_122 = arith.constant 0 : i32
      %dma_wait3A_123 = arith.constant 0 : i32
      %dma_wait3A_124 = tpu.memref_slice %arg11[%dma_wait3A_120, %dma_wait3A_122, %dma_wait3A_123] : memref<2x128x128xf32, #tpu.memory_space<vmem>> -> memref<1x128x128xf32, #tpu.memory_space<vmem>>
      %dma_wait3A_125 = tpu.memref_squeeze %dma_wait3A_124 : memref<1x128x128xf32, #tpu.memory_space<vmem>> -> memref<128x128xf32, #tpu.memory_space<vmem>>
      %dma_wait3A_126 = arith.constant 0 : i32
      %dma_wait3A_127 = tpu.memref_slice %arg10[%dma_wait3A_121, %dma_wait3A_126] : memref<48x128xi32, #tpu.memory_space<vmem>> -> memref<1x128xi32, #tpu.memory_space<vmem>>
      %dma_wait3A_128 = tpu.memref_squeeze %dma_wait3A_127 : memref<1x128xi32, #tpu.memory_space<vmem>> -> memref<128xi32, #tpu.memory_space<vmem>>
      %dma_wait3A_129 = arith.constant 0 : i32
      %dma_wait3A_130 = arith.constant 0 : i32
      %dma_wait3A_131 = tpu.memref_slice %arg12[%dma_wait3A_129, %dma_wait3A_130] : memref<10240x128xf32, #tpu.memory_space<vmem_shared>> -> memref<10240x128xf32, #tpu.memory_space<vmem_shared>>
      tpu.wait_indirect_dma semaphore(%arg16 : memref<!tpu.dma_semaphore, #tpu.memory_space<semaphore_mem>>) src(%dma_wait3A_125 : memref<128x128xf32, #tpu.memory_space<vmem>>) dst(%dma_wait3A_131 : memref<10240x128xf32, #tpu.memory_space<vmem_shared>>)
    } else {
    }
    %eq3A_3 = arith.constant 1 : i32
    %eq3A_4 = arith.cmpi eq, %arg0, %eq3A_3 : i32
    %convert_element_type3A_5 = arith.extui %eq3A_4 : i1 to i32
    %cond3A_6 = arith.constant 0 : i32
    %cond3A_7 = arith.cmpi ne, %convert_element_type3A_5, %cond3A_6 : i32
    scf.if %cond3A_7 {
      "tpu.region"() ({
        %run_scoped3A = tpu.sem_alloc : memref<!tpu.dma_semaphore, #tpu.memory_space<semaphore_mem>>
        %dma_start3A_48 = arith.constant 0 : i32
        %dma_start3A_49 = arith.constant 0 : i32
        %dma_start3A_50 = tpu.memref_slice %arg9[%dma_start3A_48, %dma_start3A_49] : memref<48x128xi32, #tpu.memory_space<vmem>> -> memref<16x128xi32, #tpu.memory_space<vmem>>
        %dma_start3A_51 = arith.constant 0 : i32
        %dma_start3A_52 = arith.constant 0 : i32
        %dma_start3A_53 = tpu.memref_slice %arg6[%arg1, %dma_start3A_51, %dma_start3A_52] : memref<16x16x128xi32, #tpu.memory_space<hbm>> -> memref<1x16x128xi32, #tpu.memory_space<hbm>>
        %dma_start3A_54 = tpu.memref_squeeze %dma_start3A_53 : memref<1x16x128xi32, #tpu.memory_space<hbm>> -> memref<16x128xi32, #tpu.memory_space<hbm>>
        %dma_start3A_55 = arith.constant 0 : i32
        %dma_start3A_56 = arith.constant 0 : i32
        %dma_start3A_57 = tpu.memref_slice %arg9[%dma_start3A_55, %dma_start3A_56] : memref<48x128xi32, #tpu.memory_space<vmem>> -> memref<16x128xi32, #tpu.memory_space<vmem>>
        %dma_start3A_58 = arith.constant 0 : i32
        %dma_start3A_59 = arith.constant 0 : i32
        %dma_start3A_60 = tpu.memref_slice %arg6[%arg1, %dma_start3A_58, %dma_start3A_59] : memref<16x16x128xi32, #tpu.memory_space<hbm>> -> memref<1x16x128xi32, #tpu.memory_space<hbm>>
        %dma_start3A_61 = tpu.memref_squeeze %dma_start3A_60 : memref<1x16x128xi32, #tpu.memory_space<hbm>> -> memref<16x128xi32, #tpu.memory_space<hbm>>
        tpu.enqueue_dma source(%dma_start3A_61 : memref<16x128xi32, #tpu.memory_space<hbm>>) target(%dma_start3A_57 : memref<16x128xi32, #tpu.memory_space<vmem>>) target_semaphore(%run_scoped3A : memref<!tpu.dma_semaphore, #tpu.memory_space<semaphore_mem>>)
        %dma_wait3A_62 = arith.constant 0 : i32
        %dma_wait3A_63 = arith.constant 0 : i32
        %dma_wait3A_64 = tpu.memref_slice %arg9[%dma_wait3A_62, %dma_wait3A_63] : memref<48x128xi32, #tpu.memory_space<vmem>> -> memref<16x128xi32, #tpu.memory_space<vmem>>
        %dma_wait3A_65 = arith.constant 0 : i32
        %dma_wait3A_66 = arith.constant 0 : i32
        %dma_wait3A_67 = tpu.memref_slice %arg6[%arg1, %dma_wait3A_65, %dma_wait3A_66] : memref<16x16x128xi32, #tpu.memory_space<hbm>> -> memref<1x16x128xi32, #tpu.memory_space<hbm>>
        %dma_wait3A_68 = tpu.memref_squeeze %dma_wait3A_67 : memref<1x16x128xi32, #tpu.memory_space<hbm>> -> memref<16x128xi32, #tpu.memory_space<hbm>>
        %dma_wait3A_69 = arith.constant 0 : i32
        %dma_wait3A_70 = arith.constant 0 : i32
        %dma_wait3A_71 = tpu.memref_slice %arg9[%dma_wait3A_69, %dma_wait3A_70] : memref<48x128xi32, #tpu.memory_space<vmem>> -> memref<16x128xi32, #tpu.memory_space<vmem>>
        %dma_wait3A_72 = arith.constant 0 : i32
        %dma_wait3A_73 = arith.constant 0 : i32
        %dma_wait3A_74 = tpu.memref_slice %arg6[%arg1, %dma_wait3A_72, %dma_wait3A_73] : memref<16x16x128xi32, #tpu.memory_space<hbm>> -> memref<1x16x128xi32, #tpu.memory_space<hbm>>
        %dma_wait3A_75 = tpu.memref_squeeze %dma_wait3A_74 : memref<1x16x128xi32, #tpu.memory_space<hbm>> -> memref<16x128xi32, #tpu.memory_space<hbm>>
        tpu.wait_dma2 semaphore(%run_scoped3A : memref<!tpu.dma_semaphore, #tpu.memory_space<semaphore_mem>>) src(%dma_wait3A_75 : memref<16x128xi32, #tpu.memory_space<hbm>>) dst(%dma_wait3A_71 : memref<16x128xi32, #tpu.memory_space<vmem>>)
        tpu.yield
      }) : () -> ()
      "tpu.region"() ({
        %run_scoped3A = tpu.sem_alloc : memref<!tpu.dma_semaphore, #tpu.memory_space<semaphore_mem>>
        %dma_start3A_48 = arith.constant 0 : i32
        %dma_start3A_49 = arith.constant 0 : i32
        %dma_start3A_50 = tpu.memref_slice %arg10[%dma_start3A_48, %dma_start3A_49] : memref<48x128xi32, #tpu.memory_space<vmem>> -> memref<16x128xi32, #tpu.memory_space<vmem>>
        %dma_start3A_51 = arith.constant 0 : i32
        %dma_start3A_52 = arith.constant 0 : i32
        %dma_start3A_53 = tpu.memref_slice %arg7[%arg1, %dma_start3A_51, %dma_start3A_52] : memref<16x16x128xi32, #tpu.memory_space<hbm>> -> memref<1x16x128xi32, #tpu.memory_space<hbm>>
        %dma_start3A_54 = tpu.memref_squeeze %dma_start3A_53 : memref<1x16x128xi32, #tpu.memory_space<hbm>> -> memref<16x128xi32, #tpu.memory_space<hbm>>
        %dma_start3A_55 = arith.constant 0 : i32
        %dma_start3A_56 = arith.constant 0 : i32
        %dma_start3A_57 = tpu.memref_slice %arg10[%dma_start3A_55, %dma_start3A_56] : memref<48x128xi32, #tpu.memory_space<vmem>> -> memref<16x128xi32, #tpu.memory_space<vmem>>
        %dma_start3A_58 = arith.constant 0 : i32
        %dma_start3A_59 = arith.constant 0 : i32
        %dma_start3A_60 = tpu.memref_slice %arg7[%arg1, %dma_start3A_58, %dma_start3A_59] : memref<16x16x128xi32, #tpu.memory_space<hbm>> -> memref<1x16x128xi32, #tpu.memory_space<hbm>>
        %dma_start3A_61 = tpu.memref_squeeze %dma_start3A_60 : memref<1x16x128xi32, #tpu.memory_space<hbm>> -> memref<16x128xi32, #tpu.memory_space<hbm>>
        tpu.enqueue_dma source(%dma_start3A_61 : memref<16x128xi32, #tpu.memory_space<hbm>>) target(%dma_start3A_57 : memref<16x128xi32, #tpu.memory_space<vmem>>) target_semaphore(%run_scoped3A : memref<!tpu.dma_semaphore, #tpu.memory_space<semaphore_mem>>)
        %dma_wait3A_62 = arith.constant 0 : i32
        %dma_wait3A_63 = arith.constant 0 : i32
        %dma_wait3A_64 = tpu.memref_slice %arg10[%dma_wait3A_62, %dma_wait3A_63] : memref<48x128xi32, #tpu.memory_space<vmem>> -> memref<16x128xi32, #tpu.memory_space<vmem>>
        %dma_wait3A_65 = arith.constant 0 : i32
        %dma_wait3A_66 = arith.constant 0 : i32
        %dma_wait3A_67 = tpu.memref_slice %arg7[%arg1, %dma_wait3A_65, %dma_wait3A_66] : memref<16x16x128xi32, #tpu.memory_space<hbm>> -> memref<1x16x128xi32, #tpu.memory_space<hbm>>
        %dma_wait3A_68 = tpu.memref_squeeze %dma_wait3A_67 : memref<1x16x128xi32, #tpu.memory_space<hbm>> -> memref<16x128xi32, #tpu.memory_space<hbm>>
        %dma_wait3A_69 = arith.constant 0 : i32
        %dma_wait3A_70 = arith.constant 0 : i32
        %dma_wait3A_71 = tpu.memref_slice %arg10[%dma_wait3A_69, %dma_wait3A_70] : memref<48x128xi32, #tpu.memory_space<vmem>> -> memref<16x128xi32, #tpu.memory_space<vmem>>
        %dma_wait3A_72 = arith.constant 0 : i32
        %dma_wait3A_73 = arith.constant 0 : i32
        %dma_wait3A_74 = tpu.memref_slice %arg7[%arg1, %dma_wait3A_72, %dma_wait3A_73] : memref<16x16x128xi32, #tpu.memory_space<hbm>> -> memref<1x16x128xi32, #tpu.memory_space<hbm>>
        %dma_wait3A_75 = tpu.memref_squeeze %dma_wait3A_74 : memref<1x16x128xi32, #tpu.memory_space<hbm>> -> memref<16x128xi32, #tpu.memory_space<hbm>>
        tpu.wait_dma2 semaphore(%run_scoped3A : memref<!tpu.dma_semaphore, #tpu.memory_space<semaphore_mem>>) src(%dma_wait3A_75 : memref<16x128xi32, #tpu.memory_space<hbm>>) dst(%dma_wait3A_71 : memref<16x128xi32, #tpu.memory_space<vmem>>)
        tpu.yield
      }) : () -> ()
      %dma_start3A = arith.constant 0 : i32
      %dma_start3A_9 = arith.constant 0 : i32
      %dma_start3A_10 = arith.constant 0 : i32
      %dma_start3A_11 = arith.constant 0 : i32
      %dma_start3A_12 = tpu.memref_slice %arg11[%dma_start3A_9, %dma_start3A_10, %dma_start3A_11] : memref<2x128x128xf32, #tpu.memory_space<vmem>> -> memref<1x128x128xf32, #tpu.memory_space<vmem>>
      %dma_start3A_13 = tpu.memref_squeeze %dma_start3A_12 : memref<1x128x128xf32, #tpu.memory_space<vmem>> -> memref<128x128xf32, #tpu.memory_space<vmem>>
      %dma_start3A_14 = arith.constant 0 : i32
      %dma_start3A_15 = tpu.memref_slice %arg9[%dma_start3A, %dma_start3A_14] : memref<48x128xi32, #tpu.memory_space<vmem>> -> memref<1x128xi32, #tpu.memory_space<vmem>>
      %dma_start3A_16 = tpu.memref_squeeze %dma_start3A_15 : memref<1x128xi32, #tpu.memory_space<vmem>> -> memref<128xi32, #tpu.memory_space<vmem>>
      %dma_start3A_17 = arith.constant 0 : i32
      %dma_start3A_18 = arith.constant 0 : i32
      %dma_start3A_19 = tpu.memref_slice %arg2[%dma_start3A_17, %dma_start3A_18] : memref<10240x128xf32, #tpu.memory_space<hbm>> -> memref<10240x128xf32, #tpu.memory_space<hbm>>
      tpu.enqueue_indirect_dma source(%dma_start3A_19 : memref<10240x128xf32, #tpu.memory_space<hbm>>) target(%dma_start3A_13 : memref<128x128xf32, #tpu.memory_space<vmem>>) offsets(%dma_start3A_16 : memref<128xi32, #tpu.memory_space<vmem>>) semaphore(%arg13 : memref<!tpu.dma_semaphore, #tpu.memory_space<semaphore_mem>>)
      %scan3A = arith.constant 0 : i32
      %scan3A_20 = arith.constant 0 : i32
      %scan3A_21 = arith.constant 8 : i32
      %scan3A_22 = arith.addi %scan3A_20, %scan3A_21 : i32
      %scan3A_23 = arith.constant 1 : i32
      scf.for %scan3A_48 = %scan3A_20 to %scan3A_22 step %scan3A_23  : i32 {
        %mul3A_49 = arith.constant 2 : i32
        %mul3A_50 = arith.muli %scan3A_48, %mul3A_49 : i32
        %add3A = arith.constant 0 : i32
        %add3A_51 = arith.addi %mul3A_50, %add3A : i32
        %dma_wait3A_52 = arith.constant 0 : i32
        %dma_wait3A_53 = arith.constant 0 : i32
        %dma_wait3A_54 = arith.constant 0 : i32
        %dma_wait3A_55 = arith.constant 0 : i32
        %dma_wait3A_56 = tpu.memref_slice %arg11[%dma_wait3A_53, %dma_wait3A_54, %dma_wait3A_55] : memref<2x128x128xf32, #tpu.memory_space<vmem>> -> memref<1x128x128xf32, #tpu.memory_space<vmem>>
        %dma_wait3A_57 = tpu.memref_squeeze %dma_wait3A_56 : memref<1x128x128xf32, #tpu.memory_space<vmem>> -> memref<128x128xf32, #tpu.memory_space<vmem>>
        %dma_wait3A_58 = arith.constant 0 : i32
        %dma_wait3A_59 = tpu.memref_slice %arg9[%dma_wait3A_52, %dma_wait3A_58] : memref<48x128xi32, #tpu.memory_space<vmem>> -> memref<1x128xi32, #tpu.memory_space<vmem>>
        %dma_wait3A_60 = tpu.memref_squeeze %dma_wait3A_59 : memref<1x128xi32, #tpu.memory_space<vmem>> -> memref<128xi32, #tpu.memory_space<vmem>>
        %dma_wait3A_61 = arith.constant 0 : i32
        %dma_wait3A_62 = arith.constant 0 : i32
        %dma_wait3A_63 = tpu.memref_slice %arg2[%dma_wait3A_61, %dma_wait3A_62] : memref<10240x128xf32, #tpu.memory_space<hbm>> -> memref<10240x128xf32, #tpu.memory_space<hbm>>
        tpu.wait_indirect_dma semaphore(%arg13 : memref<!tpu.dma_semaphore, #tpu.memory_space<semaphore_mem>>) src(%dma_wait3A_63 : memref<10240x128xf32, #tpu.memory_space<hbm>>) dst(%dma_wait3A_57 : memref<128x128xf32, #tpu.memory_space<vmem>>)
        %dma_start3A_64 = arith.constant 0 : i32
        %dma_start3A_65 = arith.constant 0 : i32
        %dma_start3A_66 = arith.constant 0 : i32
        %dma_start3A_67 = tpu.memref_slice %arg11[%dma_start3A_64, %dma_start3A_65, %dma_start3A_66] : memref<2x128x128xf32, #tpu.memory_space<vmem>> -> memref<1x128x128xf32, #tpu.memory_space<vmem>>
        %dma_start3A_68 = tpu.memref_squeeze %dma_start3A_67 : memref<1x128x128xf32, #tpu.memory_space<vmem>> -> memref<128x128xf32, #tpu.memory_space<vmem>>
        %dma_start3A_69 = arith.constant 0 : i32
        %dma_start3A_70 = tpu.memref_slice %arg10[%add3A_51, %dma_start3A_69] : memref<48x128xi32, #tpu.memory_space<vmem>> -> memref<1x128xi32, #tpu.memory_space<vmem>>
        %dma_start3A_71 = tpu.memref_squeeze %dma_start3A_70 : memref<1x128xi32, #tpu.memory_space<vmem>> -> memref<128xi32, #tpu.memory_space<vmem>>
        %dma_start3A_72 = arith.constant 0 : i32
        %dma_start3A_73 = arith.constant 0 : i32
        %dma_start3A_74 = tpu.memref_slice %arg12[%dma_start3A_72, %dma_start3A_73] : memref<10240x128xf32, #tpu.memory_space<vmem_shared>> -> memref<10240x128xf32, #tpu.memory_space<vmem_shared>>
        tpu.enqueue_indirect_dma source(%dma_start3A_68 : memref<128x128xf32, #tpu.memory_space<vmem>>) target(%dma_start3A_74 : memref<10240x128xf32, #tpu.memory_space<vmem_shared>>) offsets(%dma_start3A_71 : memref<128xi32, #tpu.memory_space<vmem>>) semaphore(%arg15 : memref<!tpu.dma_semaphore, #tpu.memory_space<semaphore_mem>>) {add = true}
        %add3A_75 = arith.constant 1 : i32
        %add3A_76 = arith.addi %add3A_51, %add3A_75 : i32
        %lt3A = arith.constant 16 : i32
        %lt3A_77 = arith.cmpi slt, %add3A_76, %lt3A : i32
        %convert_element_type3A_78 = arith.extui %lt3A_77 : i1 to i32
        %cond3A_79 = arith.constant 0 : i32
        %cond3A_80 = arith.cmpi ne, %convert_element_type3A_78, %cond3A_79 : i32
        scf.if %cond3A_80 {
          %ge3A = arith.constant 1 : i32
          %ge3A_115 = arith.cmpi sge, %add3A_51, %ge3A : i32
          %convert_element_type3A_116 = arith.extui %ge3A_115 : i1 to i32
          %cond3A_117 = arith.constant 0 : i32
          %cond3A_118 = arith.cmpi ne, %convert_element_type3A_116, %cond3A_117 : i32
          scf.if %cond3A_118 {
            %dma_wait3A_132 = arith.constant 1 : i32
            %dma_wait3A_133 = arith.constant 0 : i32
            %dma_wait3A_134 = arith.constant 0 : i32
            %dma_wait3A_135 = arith.constant 0 : i32
            %dma_wait3A_136 = tpu.memref_slice %arg11[%dma_wait3A_132, %dma_wait3A_134, %dma_wait3A_135] : memref<2x128x128xf32, #tpu.memory_space<vmem>> -> memref<1x128x128xf32, #tpu.memory_space<vmem>>
            %dma_wait3A_137 = tpu.memref_squeeze %dma_wait3A_136 : memref<1x128x128xf32, #tpu.memory_space<vmem>> -> memref<128x128xf32, #tpu.memory_space<vmem>>
            %dma_wait3A_138 = arith.constant 0 : i32
            %dma_wait3A_139 = tpu.memref_slice %arg10[%dma_wait3A_133, %dma_wait3A_138] : memref<48x128xi32, #tpu.memory_space<vmem>> -> memref<1x128xi32, #tpu.memory_space<vmem>>
            %dma_wait3A_140 = tpu.memref_squeeze %dma_wait3A_139 : memref<1x128xi32, #tpu.memory_space<vmem>> -> memref<128xi32, #tpu.memory_space<vmem>>
            %dma_wait3A_141 = arith.constant 0 : i32
            %dma_wait3A_142 = arith.constant 0 : i32
            %dma_wait3A_143 = tpu.memref_slice %arg12[%dma_wait3A_141, %dma_wait3A_142] : memref<10240x128xf32, #tpu.memory_space<vmem_shared>> -> memref<10240x128xf32, #tpu.memory_space<vmem_shared>>
            tpu.wait_indirect_dma semaphore(%arg16 : memref<!tpu.dma_semaphore, #tpu.memory_space<semaphore_mem>>) src(%dma_wait3A_137 : memref<128x128xf32, #tpu.memory_space<vmem>>) dst(%dma_wait3A_143 : memref<10240x128xf32, #tpu.memory_space<vmem_shared>>)
          } else {
          }
          %add3A_119 = arith.constant 1 : i32
          %add3A_120 = arith.addi %add3A_51, %add3A_119 : i32
          %dma_start3A_121 = arith.constant 1 : i32
          %dma_start3A_122 = arith.constant 0 : i32
          %dma_start3A_123 = arith.constant 0 : i32
          %dma_start3A_124 = tpu.memref_slice %arg11[%dma_start3A_121, %dma_start3A_122, %dma_start3A_123] : memref<2x128x128xf32, #tpu.memory_space<vmem>> -> memref<1x128x128xf32, #tpu.memory_space<vmem>>
          %dma_start3A_125 = tpu.memref_squeeze %dma_start3A_124 : memref<1x128x128xf32, #tpu.memory_space<vmem>> -> memref<128x128xf32, #tpu.memory_space<vmem>>
          %dma_start3A_126 = arith.constant 0 : i32
          %dma_start3A_127 = tpu.memref_slice %arg9[%add3A_120, %dma_start3A_126] : memref<48x128xi32, #tpu.memory_space<vmem>> -> memref<1x128xi32, #tpu.memory_space<vmem>>
          %dma_start3A_128 = tpu.memref_squeeze %dma_start3A_127 : memref<1x128xi32, #tpu.memory_space<vmem>> -> memref<128xi32, #tpu.memory_space<vmem>>
          %dma_start3A_129 = arith.constant 0 : i32
          %dma_start3A_130 = arith.constant 0 : i32
          %dma_start3A_131 = tpu.memref_slice %arg2[%dma_start3A_129, %dma_start3A_130] : memref<10240x128xf32, #tpu.memory_space<hbm>> -> memref<10240x128xf32, #tpu.memory_space<hbm>>
          tpu.enqueue_indirect_dma source(%dma_start3A_131 : memref<10240x128xf32, #tpu.memory_space<hbm>>) target(%dma_start3A_125 : memref<128x128xf32, #tpu.memory_space<vmem>>) offsets(%dma_start3A_128 : memref<128xi32, #tpu.memory_space<vmem>>) semaphore(%arg14 : memref<!tpu.dma_semaphore, #tpu.memory_space<semaphore_mem>>)
        } else {
        }
        %mul3A_81 = arith.constant 2 : i32
        %mul3A_82 = arith.muli %scan3A_48, %mul3A_81 : i32
        %add3A_83 = arith.constant 1 : i32
        %add3A_84 = arith.addi %mul3A_82, %add3A_83 : i32
        %dma_wait3A_85 = arith.constant 0 : i32
        %dma_wait3A_86 = arith.constant 1 : i32
        %dma_wait3A_87 = arith.constant 0 : i32
        %dma_wait3A_88 = arith.constant 0 : i32
        %dma_wait3A_89 = tpu.memref_slice %arg11[%dma_wait3A_86, %dma_wait3A_87, %dma_wait3A_88] : memref<2x128x128xf32, #tpu.memory_space<vmem>> -> memref<1x128x128xf32, #tpu.memory_space<vmem>>
        %dma_wait3A_90 = tpu.memref_squeeze %dma_wait3A_89 : memref<1x128x128xf32, #tpu.memory_space<vmem>> -> memref<128x128xf32, #tpu.memory_space<vmem>>
        %dma_wait3A_91 = arith.constant 0 : i32
        %dma_wait3A_92 = tpu.memref_slice %arg9[%dma_wait3A_85, %dma_wait3A_91] : memref<48x128xi32, #tpu.memory_space<vmem>> -> memref<1x128xi32, #tpu.memory_space<vmem>>
        %dma_wait3A_93 = tpu.memref_squeeze %dma_wait3A_92 : memref<1x128xi32, #tpu.memory_space<vmem>> -> memref<128xi32, #tpu.memory_space<vmem>>
        %dma_wait3A_94 = arith.constant 0 : i32
        %dma_wait3A_95 = arith.constant 0 : i32
        %dma_wait3A_96 = tpu.memref_slice %arg2[%dma_wait3A_94, %dma_wait3A_95] : memref<10240x128xf32, #tpu.memory_space<hbm>> -> memref<10240x128xf32, #tpu.memory_space<hbm>>
        tpu.wait_indirect_dma semaphore(%arg14 : memref<!tpu.dma_semaphore, #tpu.memory_space<semaphore_mem>>) src(%dma_wait3A_96 : memref<10240x128xf32, #tpu.memory_space<hbm>>) dst(%dma_wait3A_90 : memref<128x128xf32, #tpu.memory_space<vmem>>)
        %dma_start3A_97 = arith.constant 1 : i32
        %dma_start3A_98 = arith.constant 0 : i32
        %dma_start3A_99 = arith.constant 0 : i32
        %dma_start3A_100 = tpu.memref_slice %arg11[%dma_start3A_97, %dma_start3A_98, %dma_start3A_99] : memref<2x128x128xf32, #tpu.memory_space<vmem>> -> memref<1x128x128xf32, #tpu.memory_space<vmem>>
        %dma_start3A_101 = tpu.memref_squeeze %dma_start3A_100 : memref<1x128x128xf32, #tpu.memory_space<vmem>> -> memref<128x128xf32, #tpu.memory_space<vmem>>
        %dma_start3A_102 = arith.constant 0 : i32
        %dma_start3A_103 = tpu.memref_slice %arg10[%add3A_84, %dma_start3A_102] : memref<48x128xi32, #tpu.memory_space<vmem>> -> memref<1x128xi32, #tpu.memory_space<vmem>>
        %dma_start3A_104 = tpu.memref_squeeze %dma_start3A_103 : memref<1x128xi32, #tpu.memory_space<vmem>> -> memref<128xi32, #tpu.memory_space<vmem>>
        %dma_start3A_105 = arith.constant 0 : i32
        %dma_start3A_106 = arith.constant 0 : i32
        %dma_start3A_107 = tpu.memref_slice %arg12[%dma_start3A_105, %dma_start3A_106] : memref<10240x128xf32, #tpu.memory_space<vmem_shared>> -> memref<10240x128xf32, #tpu.memory_space<vmem_shared>>
        tpu.enqueue_indirect_dma source(%dma_start3A_101 : memref<128x128xf32, #tpu.memory_space<vmem>>) target(%dma_start3A_107 : memref<10240x128xf32, #tpu.memory_space<vmem_shared>>) offsets(%dma_start3A_104 : memref<128xi32, #tpu.memory_space<vmem>>) semaphore(%arg16 : memref<!tpu.dma_semaphore, #tpu.memory_space<semaphore_mem>>) {add = true}
        %add3A_108 = arith.constant 1 : i32
        %add3A_109 = arith.addi %add3A_84, %add3A_108 : i32
        %lt3A_110 = arith.constant 16 : i32
        %lt3A_111 = arith.cmpi slt, %add3A_109, %lt3A_110 : i32
        %convert_element_type3A_112 = arith.extui %lt3A_111 : i1 to i32
        %cond3A_113 = arith.constant 0 : i32
        %cond3A_114 = arith.cmpi ne, %convert_element_type3A_112, %cond3A_113 : i32
        scf.if %cond3A_114 {
          %ge3A = arith.constant 1 : i32
          %ge3A_115 = arith.cmpi sge, %add3A_84, %ge3A : i32
          %convert_element_type3A_116 = arith.extui %ge3A_115 : i1 to i32
          %cond3A_117 = arith.constant 0 : i32
          %cond3A_118 = arith.cmpi ne, %convert_element_type3A_116, %cond3A_117 : i32
          scf.if %cond3A_118 {
            %dma_wait3A_132 = arith.constant 0 : i32
            %dma_wait3A_133 = arith.constant 0 : i32
            %dma_wait3A_134 = arith.constant 0 : i32
            %dma_wait3A_135 = arith.constant 0 : i32
            %dma_wait3A_136 = tpu.memref_slice %arg11[%dma_wait3A_132, %dma_wait3A_134, %dma_wait3A_135] : memref<2x128x128xf32, #tpu.memory_space<vmem>> -> memref<1x128x128xf32, #tpu.memory_space<vmem>>
            %dma_wait3A_137 = tpu.memref_squeeze %dma_wait3A_136 : memref<1x128x128xf32, #tpu.memory_space<vmem>> -> memref<128x128xf32, #tpu.memory_space<vmem>>
            %dma_wait3A_138 = arith.constant 0 : i32
            %dma_wait3A_139 = tpu.memref_slice %arg10[%dma_wait3A_133, %dma_wait3A_138] : memref<48x128xi32, #tpu.memory_space<vmem>> -> memref<1x128xi32, #tpu.memory_space<vmem>>
            %dma_wait3A_140 = tpu.memref_squeeze %dma_wait3A_139 : memref<1x128xi32, #tpu.memory_space<vmem>> -> memref<128xi32, #tpu.memory_space<vmem>>
            %dma_wait3A_141 = arith.constant 0 : i32
            %dma_wait3A_142 = arith.constant 0 : i32
            %dma_wait3A_143 = tpu.memref_slice %arg12[%dma_wait3A_141, %dma_wait3A_142] : memref<10240x128xf32, #tpu.memory_space<vmem_shared>> -> memref<10240x128xf32, #tpu.memory_space<vmem_shared>>
            tpu.wait_indirect_dma semaphore(%arg15 : memref<!tpu.dma_semaphore, #tpu.memory_space<semaphore_mem>>) src(%dma_wait3A_137 : memref<128x128xf32, #tpu.memory_space<vmem>>) dst(%dma_wait3A_143 : memref<10240x128xf32, #tpu.memory_space<vmem_shared>>)
          } else {
          }
          %add3A_119 = arith.constant 1 : i32
          %add3A_120 = arith.addi %add3A_84, %add3A_119 : i32
          %dma_start3A_121 = arith.constant 0 : i32
          %dma_start3A_122 = arith.constant 0 : i32
          %dma_start3A_123 = arith.constant 0 : i32
          %dma_start3A_124 = tpu.memref_slice %arg11[%dma_start3A_121, %dma_start3A_122, %dma_start3A_123] : memref<2x128x128xf32, #tpu.memory_space<vmem>> -> memref<1x128x128xf32, #tpu.memory_space<vmem>>
          %dma_start3A_125 = tpu.memref_squeeze %dma_start3A_124 : memref<1x128x128xf32, #tpu.memory_space<vmem>> -> memref<128x128xf32, #tpu.memory_space<vmem>>
          %dma_start3A_126 = arith.constant 0 : i32
          %dma_start3A_127 = tpu.memref_slice %arg9[%add3A_120, %dma_start3A_126] : memref<48x128xi32, #tpu.memory_space<vmem>> -> memref<1x128xi32, #tpu.memory_space<vmem>>
          %dma_start3A_128 = tpu.memref_squeeze %dma_start3A_127 : memref<1x128xi32, #tpu.memory_space<vmem>> -> memref<128xi32, #tpu.memory_space<vmem>>
          %dma_start3A_129 = arith.constant 0 : i32
          %dma_start3A_130 = arith.constant 0 : i32
          %dma_start3A_131 = tpu.memref_slice %arg2[%dma_start3A_129, %dma_start3A_130] : memref<10240x128xf32, #tpu.memory_space<hbm>> -> memref<10240x128xf32, #tpu.memory_space<hbm>>
          tpu.enqueue_indirect_dma source(%dma_start3A_131 : memref<10240x128xf32, #tpu.memory_space<hbm>>) target(%dma_start3A_125 : memref<128x128xf32, #tpu.memory_space<vmem>>) offsets(%dma_start3A_128 : memref<128xi32, #tpu.memory_space<vmem>>) semaphore(%arg13 : memref<!tpu.dma_semaphore, #tpu.memory_space<semaphore_mem>>)
        } else {
        }
      }
      %scan3A_24 = arith.constant 8 : i32
      %dma_wait3A = arith.constant 0 : i32
      %dma_wait3A_25 = arith.constant 0 : i32
      %dma_wait3A_26 = arith.constant 0 : i32
      %dma_wait3A_27 = arith.constant 0 : i32
      %dma_wait3A_28 = tpu.memref_slice %arg11[%dma_wait3A, %dma_wait3A_26, %dma_wait3A_27] : memref<2x128x128xf32, #tpu.memory_space<vmem>> -> memref<1x128x128xf32, #tpu.memory_space<vmem>>
      %dma_wait3A_29 = tpu.memref_squeeze %dma_wait3A_28 : memref<1x128x128xf32, #tpu.memory_space<vmem>> -> memref<128x128xf32, #tpu.memory_space<vmem>>
      %dma_wait3A_30 = arith.constant 0 : i32
      %dma_wait3A_31 = tpu.memref_slice %arg10[%dma_wait3A_25, %dma_wait3A_30] : memref<48x128xi32, #tpu.memory_space<vmem>> -> memref<1x128xi32, #tpu.memory_space<vmem>>
      %dma_wait3A_32 = tpu.memref_squeeze %dma_wait3A_31 : memref<1x128xi32, #tpu.memory_space<vmem>> -> memref<128xi32, #tpu.memory_space<vmem>>
      %dma_wait3A_33 = arith.constant 0 : i32
      %dma_wait3A_34 = arith.constant 0 : i32
      %dma_wait3A_35 = tpu.memref_slice %arg12[%dma_wait3A_33, %dma_wait3A_34] : memref<10240x128xf32, #tpu.memory_space<vmem_shared>> -> memref<10240x128xf32, #tpu.memory_space<vmem_shared>>
      tpu.wait_indirect_dma semaphore(%arg15 : memref<!tpu.dma_semaphore, #tpu.memory_space<semaphore_mem>>) src(%dma_wait3A_29 : memref<128x128xf32, #tpu.memory_space<vmem>>) dst(%dma_wait3A_35 : memref<10240x128xf32, #tpu.memory_space<vmem_shared>>)
      %dma_wait3A_36 = arith.constant 1 : i32
      %dma_wait3A_37 = arith.constant 0 : i32
      %dma_wait3A_38 = arith.constant 0 : i32
      %dma_wait3A_39 = arith.constant 0 : i32
      %dma_wait3A_40 = tpu.memref_slice %arg11[%dma_wait3A_36, %dma_wait3A_38, %dma_wait3A_39] : memref<2x128x128xf32, #tpu.memory_space<vmem>> -> memref<1x128x128xf32, #tpu.memory_space<vmem>>
      %dma_wait3A_41 = tpu.memref_squeeze %dma_wait3A_40 : memref<1x128x128xf32, #tpu.memory_space<vmem>> -> memref<128x128xf32, #tpu.memory_space<vmem>>
      %dma_wait3A_42 = arith.constant 0 : i32
      %dma_wait3A_43 = tpu.memref_slice %arg10[%dma_wait3A_37, %dma_wait3A_42] : memref<48x128xi32, #tpu.memory_space<vmem>> -> memref<1x128xi32, #tpu.memory_space<vmem>>
      %dma_wait3A_44 = tpu.memref_squeeze %dma_wait3A_43 : memref<1x128xi32, #tpu.memory_space<vmem>> -> memref<128xi32, #tpu.memory_space<vmem>>
      %dma_wait3A_45 = arith.constant 0 : i32
      %dma_wait3A_46 = arith.constant 0 : i32
      %dma_wait3A_47 = tpu.memref_slice %arg12[%dma_wait3A_45, %dma_wait3A_46] : memref<10240x128xf32, #tpu.memory_space<vmem_shared>> -> memref<10240x128xf32, #tpu.memory_space<vmem_shared>>
      tpu.wait_indirect_dma semaphore(%arg16 : memref<!tpu.dma_semaphore, #tpu.memory_space<semaphore_mem>>) src(%dma_wait3A_41 : memref<128x128xf32, #tpu.memory_space<vmem>>) dst(%dma_wait3A_47 : memref<10240x128xf32, #tpu.memory_space<vmem_shared>>)
    } else {
    }
    %barrier3A_8 = arith.constant 0 : index
    tpu.barrier barrier_id(%barrier3A_8)
    "tpu.region"() ({
      %run_scoped3A = tpu.sem_alloc : memref<!tpu.dma_semaphore, #tpu.memory_space<semaphore_mem>>
      %dma_start3A = arith.constant 0 : i32
      %dma_start3A_9 = tpu.memref_slice %arg8[%arg0, %mul3A_0, %dma_start3A] : memref<2x10240x128xf32, #tpu.memory_space<hbm>> -> memref<1x640x128xf32, #tpu.memory_space<hbm>>
      %dma_start3A_10 = tpu.memref_squeeze %dma_start3A_9 : memref<1x640x128xf32, #tpu.memory_space<hbm>> -> memref<640x128xf32, #tpu.memory_space<hbm>>
      %dma_start3A_11 = arith.constant 0 : i32
      %dma_start3A_12 = tpu.memref_slice %arg12[%mul3A_0, %dma_start3A_11] : memref<10240x128xf32, #tpu.memory_space<vmem_shared>> -> memref<640x128xf32, #tpu.memory_space<vmem_shared>>
      tpu.enqueue_dma source(%dma_start3A_12 : memref<640x128xf32, #tpu.memory_space<vmem_shared>>) target(%dma_start3A_10 : memref<640x128xf32, #tpu.memory_space<hbm>>) target_semaphore(%run_scoped3A : memref<!tpu.dma_semaphore, #tpu.memory_space<semaphore_mem>>)
      %dma_wait3A = arith.constant 0 : i32
      %dma_wait3A_13 = tpu.memref_slice %arg8[%arg0, %mul3A_0, %dma_wait3A] : memref<2x10240x128xf32, #tpu.memory_space<hbm>> -> memref<1x640x128xf32, #tpu.memory_space<hbm>>
      %dma_wait3A_14 = tpu.memref_squeeze %dma_wait3A_13 : memref<1x640x128xf32, #tpu.memory_space<hbm>> -> memref<640x128xf32, #tpu.memory_space<hbm>>
      %dma_wait3A_15 = arith.constant 0 : i32
      %dma_wait3A_16 = tpu.memref_slice %arg12[%mul3A_0, %dma_wait3A_15] : memref<10240x128xf32, #tpu.memory_space<vmem_shared>> -> memref<640x128xf32, #tpu.memory_space<vmem_shared>>
      tpu.wait_dma2 semaphore(%run_scoped3A : memref<!tpu.dma_semaphore, #tpu.memory_space<semaphore_mem>>) src(%dma_wait3A_16 : memref<640x128xf32, #tpu.memory_space<vmem_shared>>) dst(%dma_wait3A_14 : memref<640x128xf32, #tpu.memory_space<hbm>>)
      tpu.yield
    }) : () -> ()
    return
  }
}

module attributes {stable_mosaic.version = 14 : i64} {
  func.func @_tc0_body(%arg0: i32, %arg1: memref<2560x128xf32, #tpu.memory_space<vmem>>, %arg2: memref<128x128xf32, #tpu.memory_space<vmem>>, %arg3: memref<2560x128xf32, #tpu.memory_space<vmem>>) attributes {dimension_semantics = [#tpu.dimension_semantics<arbitrary>], iteration_bounds = array<i64: 4>, scalar_prefetch = 0 : i64, scratch_operands = 0 : i64, tpu.core_type = #tpu.core_type<tc>, window_params = [{transform_indices = @transform_0, window_bounds = array<i64: 2560, 128>}, {pipeline_mode = #tpu.pipeline_mode<synchronous>, transform_indices = @transform_1, window_bounds = array<i64: 128, 128>}, {transform_indices = @transform_2, window_bounds = array<i64: 2560, 128>}]} {
    %get3A = arith.constant 0 : index
    %get3A_0 = arith.constant 0 : index
    %get3A_1 = vector.load %arg1[%get3A, %get3A_0] : memref<2560x128xf32, #tpu.memory_space<vmem>>, vector<2560x128xf32>
    %get3A_2 = arith.constant 0 : index
    %get3A_3 = arith.constant 0 : index
    %get3A_4 = vector.load %arg2[%get3A_2, %get3A_3] : memref<128x128xf32, #tpu.memory_space<vmem>>, vector<128x128xf32>
    %dot_general3A = arith.constant dense<0.000000e+00> : vector<2560x128xf32>
    %dot_general3A_5 = tpu.matmul %get3A_1, %get3A_4, %dot_general3A {dimension_numbers = #tpu.dot_dimension_numbers<[1], [0], [0], [1], [0, 0, 1, 1], [], []>, transpose_lhs_hint = false} : vector<2560x128xf32>, vector<128x128xf32>, vector<2560x128xf32> -> vector<2560x128xf32>
    %swap3A = arith.constant 0 : index
    %swap3A_6 = arith.constant 0 : index
    %swap3A_7 = vector.load %arg3[%swap3A, %swap3A_6] : memref<2560x128xf32, #tpu.memory_space<vmem>>, vector<2560x128xf32>
    tpu.vector_store %arg3[%swap3A, %swap3A_6], %dot_general3A_5 {strides = array<i32>} : memref<2560x128xf32, #tpu.memory_space<vmem>>, vector<2560x128xf32>,
    return
  }
  func.func @transform_0(%arg0: i32) -> (i32, i32) {
    %c0_i32 = arith.constant 0 : i32
    %c0_i32_0 = arith.constant 0 : i32
    return %arg0, %c0_i32 : i32, i32
  }
  func.func @transform_1(%arg0: i32) -> (i32, i32) {
    %c0_i32 = arith.constant 0 : i32
    %c0_i32_0 = arith.constant 0 : i32
    %c0_i32_1 = arith.constant 0 : i32
    return %c0_i32, %c0_i32_0 : i32, i32
  }
  func.func @transform_2(%arg0: i32) -> (i32, i32) {
    %c0_i32 = arith.constant 0 : i32
    %c0_i32_0 = arith.constant 0 : i32
    return %arg0, %c0_i32 : i32, i32
  }
}

module attributes {stable_mosaic.version = 14 : i64} {
  func.func @_tc1_body(%arg0: i32, %arg1: memref<2560x128xf32, #tpu.memory_space<vmem>>, %arg2: memref<2x2560x128xf32, #tpu.memory_space<vmem>>, %arg3: memref<2560x128xf32, #tpu.memory_space<vmem>>, %arg4: memref<2560x1xf32, #tpu.memory_space<vmem>>) attributes {dimension_semantics = [#tpu.dimension_semantics<arbitrary>], iteration_bounds = array<i64: 4>, scalar_prefetch = 0 : i64, scratch_operands = 0 : i64, tpu.core_type = #tpu.core_type<tc>, window_params = [{transform_indices = @transform_0, window_bounds = array<i64: 2560, 128>}, {transform_indices = @transform_1, window_bounds = array<i64: 2, 2560, 128>}, {transform_indices = @transform_2, window_bounds = array<i64: 2560, 128>}, {transform_indices = @transform_3, window_bounds = array<i64: 2560, 1>}]} {
    %get3A = arith.constant 0 : index
    %get3A_0 = arith.constant 0 : index
    %get3A_1 = arith.constant 0 : index
    %get3A_2 = vector.load %arg2[%get3A, %get3A_0, %get3A_1] : memref<2x2560x128xf32, #tpu.memory_space<vmem>>, vector<1x2560x128xf32>
    %get3A_3 = vector.shape_cast %get3A_2 : vector<1x2560x128xf32> to vector<2560x128xf32>
    %get3A_4 = arith.constant 1 : index
    %get3A_5 = arith.constant 0 : index
    %get3A_6 = arith.constant 0 : index
    %get3A_7 = vector.load %arg2[%get3A_4, %get3A_5, %get3A_6] : memref<2x2560x128xf32, #tpu.memory_space<vmem>>, vector<1x2560x128xf32>
    %get3A_8 = vector.shape_cast %get3A_7 : vector<1x2560x128xf32> to vector<2560x128xf32>
    %add3A = arith.addf %get3A_3, %get3A_8 : vector<2560x128xf32>
    %slice3A = vector.extract_strided_slice %add3A {offsets = [0, 0], sizes = [2560, 1], strides = [1, 1]} : vector<2560x128xf32> to vector<2560x1xf32>
    %add3A_9 = arith.constant 1.000000e+00 : f32
    %add3A_10 = vector.broadcast %add3A_9 : f32 to vector<2560x1xf32>
    %add3A_11 = arith.addf %slice3A, %add3A_10 : vector<2560x1xf32>
    %rsqrt3A = math.rsqrt %add3A_11 : vector<2560x1xf32>
    %get3A_12 = arith.constant 0 : index
    %get3A_13 = arith.constant 0 : index
    %get3A_14 = vector.load %arg1[%get3A_12, %get3A_13] : memref<2560x128xf32, #tpu.memory_space<vmem>>, vector<2560x128xf32>
    %mul3A = vector.broadcast %rsqrt3A : vector<2560x1xf32> to vector<2560x128xf32>
    %mul3A_15 = arith.mulf %mul3A, %get3A_14 : vector<2560x128xf32>
    %swap3A = arith.constant 0 : index
    %swap3A_16 = arith.constant 0 : index
    %swap3A_17 = vector.load %arg3[%swap3A, %swap3A_16] : memref<2560x128xf32, #tpu.memory_space<vmem>>, vector<2560x128xf32>
    tpu.vector_store %arg3[%swap3A, %swap3A_16], %mul3A_15 {strides = array<i32>} : memref<2560x128xf32, #tpu.memory_space<vmem>>, vector<2560x128xf32>,
    %swap3A_18 = arith.constant 0 : index
    %swap3A_19 = arith.constant 0 : index
    %swap3A_20 = vector.load %arg4[%swap3A_18, %swap3A_19] : memref<2560x1xf32, #tpu.memory_space<vmem>>, vector<2560x1xf32>
    tpu.vector_store %arg4[%swap3A_18, %swap3A_19], %rsqrt3A {strides = array<i32>} : memref<2560x1xf32, #tpu.memory_space<vmem>>, vector<2560x1xf32>,
    return
  }
  func.func @transform_0(%arg0: i32) -> (i32, i32) {
    %c0_i32 = arith.constant 0 : i32
    %c0_i32_0 = arith.constant 0 : i32
    return %arg0, %c0_i32 : i32, i32
  }
  func.func @transform_1(%arg0: i32) -> (i32, i32, i32) {
    %c0_i32 = arith.constant 0 : i32
    %c0_i32_0 = arith.constant 0 : i32
    %c0_i32_1 = arith.constant 0 : i32
    return %c0_i32, %arg0, %c0_i32_0 : i32, i32, i32
  }
  func.func @transform_2(%arg0: i32) -> (i32, i32) {
    %c0_i32 = arith.constant 0 : i32
    %c0_i32_0 = arith.constant 0 : i32
    return %arg0, %c0_i32 : i32, i32
  }
  func.func @transform_3(%arg0: i32) -> (i32, i32) {
    %c0_i32 = arith.constant 0 : i32
    %c0_i32_0 = arith.constant 0 : i32
    return %arg0, %c0_i32 : i32, i32
  }
}

module attributes {stable_mosaic.version = 14 : i64} {
  func.func @_tc2_body(%arg0: i32, %arg1: memref<2x2560x128xf32, #tpu.memory_space<vmem>>, %arg2: memref<2560x128xf32, #tpu.memory_space<vmem>>, %arg3: memref<2560x1xf32, #tpu.memory_space<vmem>>, %arg4: memref<128x128xf32, #tpu.memory_space<vmem>>, %arg5: memref<2560x128xf32, #tpu.memory_space<vmem>>) attributes {dimension_semantics = [#tpu.dimension_semantics<arbitrary>], iteration_bounds = array<i64: 4>, scalar_prefetch = 0 : i64, scratch_operands = 0 : i64, tpu.core_type = #tpu.core_type<tc>, window_params = [{transform_indices = @transform_0, window_bounds = array<i64: 2, 2560, 128>}, {transform_indices = @transform_1, window_bounds = array<i64: 2560, 128>}, {transform_indices = @transform_2, window_bounds = array<i64: 2560, 1>}, {pipeline_mode = #tpu.pipeline_mode<synchronous>, transform_indices = @transform_3, window_bounds = array<i64: 128, 128>}, {transform_indices = @transform_4, window_bounds = array<i64: 2560, 128>}]} {
    %get3A = arith.constant 0 : index
    %get3A_0 = arith.constant 0 : index
    %get3A_1 = arith.constant 0 : index
    %get3A_2 = vector.load %arg1[%get3A, %get3A_0, %get3A_1] : memref<2x2560x128xf32, #tpu.memory_space<vmem>>, vector<1x2560x128xf32>
    %get3A_3 = vector.shape_cast %get3A_2 : vector<1x2560x128xf32> to vector<2560x128xf32>
    %get3A_4 = arith.constant 1 : index
    %get3A_5 = arith.constant 0 : index
    %get3A_6 = arith.constant 0 : index
    %get3A_7 = vector.load %arg1[%get3A_4, %get3A_5, %get3A_6] : memref<2x2560x128xf32, #tpu.memory_space<vmem>>, vector<1x2560x128xf32>
    %get3A_8 = vector.shape_cast %get3A_7 : vector<1x2560x128xf32> to vector<2560x128xf32>
    %add3A = arith.addf %get3A_3, %get3A_8 : vector<2560x128xf32>
    %get3A_9 = arith.constant 0 : index
    %get3A_10 = arith.constant 0 : index
    %get3A_11 = vector.load %arg2[%get3A_9, %get3A_10] : memref<2560x128xf32, #tpu.memory_space<vmem>>, vector<2560x128xf32>
    %add3A_12 = arith.addf %add3A, %get3A_11 : vector<2560x128xf32>
    %get3A_13 = arith.constant 0 : index
    %get3A_14 = arith.constant 0 : index
    %get3A_15 = vector.load %arg3[%get3A_13, %get3A_14] : memref<2560x1xf32, #tpu.memory_space<vmem>>, vector<2560x1xf32>
    %mul3A = vector.broadcast %get3A_15 : vector<2560x1xf32> to vector<2560x128xf32>
    %mul3A_16 = arith.mulf %mul3A, %add3A_12 : vector<2560x128xf32>
    %ge3A = arith.constant 0.000000e+00 : f32
    %ge3A_17 = vector.broadcast %ge3A : f32 to vector<2560x128xf32>
    %ge3A_18 = arith.cmpf oge, %mul3A_16, %ge3A_17 : vector<2560x128xf32>
    %mul3A_19 = arith.constant 0.00999999977 : f32
    %mul3A_20 = vector.broadcast %mul3A_19 : f32 to vector<2560x128xf32>
    %mul3A_21 = arith.mulf %mul3A_20, %mul3A_16 : vector<2560x128xf32>
    %select_n3A = arith.select %ge3A_18, %mul3A_16, %mul3A_21 : vector<2560x128xi1>, vector<2560x128xf32>
    %get3A_22 = arith.constant 0 : index
    %get3A_23 = arith.constant 0 : index
    %get3A_24 = vector.load %arg4[%get3A_22, %get3A_23] : memref<128x128xf32, #tpu.memory_space<vmem>>, vector<128x128xf32>
    %dot_general3A = arith.constant dense<0.000000e+00> : vector<2560x128xf32>
    %dot_general3A_25 = tpu.matmul %select_n3A, %get3A_24, %dot_general3A {dimension_numbers = #tpu.dot_dimension_numbers<[1], [0], [0], [1], [0, 0, 1, 1], [], []>, transpose_lhs_hint = false} : vector<2560x128xf32>, vector<128x128xf32>, vector<2560x128xf32> -> vector<2560x128xf32>
    %get3A_26 = arith.constant 0 : index
    %get3A_27 = arith.constant 0 : index
    %get3A_28 = vector.load %arg3[%get3A_26, %get3A_27] : memref<2560x1xf32, #tpu.memory_space<vmem>>, vector<2560x1xf32>
    %mul3A_29 = vector.broadcast %get3A_28 : vector<2560x1xf32> to vector<2560x128xf32>
    %mul3A_30 = arith.mulf %mul3A_29, %dot_general3A_25 : vector<2560x128xf32>
    %swap3A = arith.constant 0 : index
    %swap3A_31 = arith.constant 0 : index
    %swap3A_32 = vector.load %arg5[%swap3A, %swap3A_31] : memref<2560x128xf32, #tpu.memory_space<vmem>>, vector<2560x128xf32>
    tpu.vector_store %arg5[%swap3A, %swap3A_31], %mul3A_30 {strides = array<i32>} : memref<2560x128xf32, #tpu.memory_space<vmem>>, vector<2560x128xf32>,
    return
  }
  func.func @transform_0(%arg0: i32) -> (i32, i32, i32) {
    %c0_i32 = arith.constant 0 : i32
    %c0_i32_0 = arith.constant 0 : i32
    %c0_i32_1 = arith.constant 0 : i32
    return %c0_i32, %arg0, %c0_i32_0 : i32, i32, i32
  }
  func.func @transform_1(%arg0: i32) -> (i32, i32) {
    %c0_i32 = arith.constant 0 : i32
    %c0_i32_0 = arith.constant 0 : i32
    return %arg0, %c0_i32 : i32, i32
  }
  func.func @transform_2(%arg0: i32) -> (i32, i32) {
    %c0_i32 = arith.constant 0 : i32
    %c0_i32_0 = arith.constant 0 : i32
    return %arg0, %c0_i32 : i32, i32
  }
  func.func @transform_3(%arg0: i32) -> (i32, i32) {
    %c0_i32 = arith.constant 0 : i32
    %c0_i32_0 = arith.constant 0 : i32
    %c0_i32_1 = arith.constant 0 : i32
    return %c0_i32, %c0_i32_0 : i32, i32
  }
  func.func @transform_4(%arg0: i32) -> (i32, i32) {
    %c0_i32 = arith.constant 0 : i32
    %c0_i32_0 = arith.constant 0 : i32
    return %arg0, %c0_i32 : i32, i32
  }
}

module attributes {stable_mosaic.version = 14 : i64} {
  func.func @_tc3_body(%arg0: i32, %arg1: memref<2x2560x128xf32, #tpu.memory_space<vmem>>, %arg2: memref<2560x128xf32, #tpu.memory_space<vmem>>, %arg3: memref<2560x1xf32, #tpu.memory_space<vmem>>, %arg4: memref<128x64xf32, #tpu.memory_space<vmem>>, %arg5: memref<64x1xf32, #tpu.memory_space<vmem>>, %arg6: memref<2560x1xi32, #tpu.memory_space<vmem>>, %arg7: memref<64x1xf32, #tpu.memory_space<vmem>>, %arg8: memref<64x1xf32, #tpu.memory_space<vmem>>, %arg9: memref<64x1xf32, #tpu.memory_space<vmem>>) attributes {dimension_semantics = [#tpu.dimension_semantics<arbitrary>], iteration_bounds = array<i64: 4>, scalar_prefetch = 0 : i64, scratch_operands = 2 : i64, tpu.core_type = #tpu.core_type<tc>, window_params = [{transform_indices = @transform_0, window_bounds = array<i64: 2, 2560, 128>}, {transform_indices = @transform_1, window_bounds = array<i64: 2560, 128>}, {transform_indices = @transform_2, window_bounds = array<i64: 2560, 1>}, {pipeline_mode = #tpu.pipeline_mode<synchronous>, transform_indices = @transform_3, window_bounds = array<i64: 128, 64>}, {pipeline_mode = #tpu.pipeline_mode<synchronous>, transform_indices = @transform_4, window_bounds = array<i64: 64, 1>}, {transform_indices = @transform_5, window_bounds = array<i64: 2560, 1>}, {pipeline_mode = #tpu.pipeline_mode<synchronous>, transform_indices = @transform_6, window_bounds = array<i64: 64, 1>}]} {
    %get3A = arith.constant 0 : index
    %get3A_0 = arith.constant 0 : index
    %get3A_1 = arith.constant 0 : index
    %get3A_2 = vector.load %arg1[%get3A, %get3A_0, %get3A_1] : memref<2x2560x128xf32, #tpu.memory_space<vmem>>, vector<1x2560x128xf32>
    %get3A_3 = vector.shape_cast %get3A_2 : vector<1x2560x128xf32> to vector<2560x128xf32>
    %get3A_4 = arith.constant 1 : index
    %get3A_5 = arith.constant 0 : index
    %get3A_6 = arith.constant 0 : index
    %get3A_7 = vector.load %arg1[%get3A_4, %get3A_5, %get3A_6] : memref<2x2560x128xf32, #tpu.memory_space<vmem>>, vector<1x2560x128xf32>
    %get3A_8 = vector.shape_cast %get3A_7 : vector<1x2560x128xf32> to vector<2560x128xf32>
    %add3A = arith.addf %get3A_3, %get3A_8 : vector<2560x128xf32>
    %get3A_9 = arith.constant 0 : index
    %get3A_10 = arith.constant 0 : index
    %get3A_11 = vector.load %arg2[%get3A_9, %get3A_10] : memref<2560x128xf32, #tpu.memory_space<vmem>>, vector<2560x128xf32>
    %add3A_12 = arith.addf %add3A, %get3A_11 : vector<2560x128xf32>
    %get3A_13 = arith.constant 0 : index
    %get3A_14 = arith.constant 0 : index
    %get3A_15 = vector.load %arg3[%get3A_13, %get3A_14] : memref<2560x1xf32, #tpu.memory_space<vmem>>, vector<2560x1xf32>
    %mul3A = vector.broadcast %get3A_15 : vector<2560x1xf32> to vector<2560x128xf32>
    %mul3A_16 = arith.mulf %mul3A, %add3A_12 : vector<2560x128xf32>
    %ge3A = arith.constant 0.000000e+00 : f32
    %ge3A_17 = vector.broadcast %ge3A : f32 to vector<2560x128xf32>
    %ge3A_18 = arith.cmpf oge, %mul3A_16, %ge3A_17 : vector<2560x128xf32>
    %mul3A_19 = arith.constant 0.00999999977 : f32
    %mul3A_20 = vector.broadcast %mul3A_19 : f32 to vector<2560x128xf32>
    %mul3A_21 = arith.mulf %mul3A_20, %mul3A_16 : vector<2560x128xf32>
    %select_n3A = arith.select %ge3A_18, %mul3A_16, %mul3A_21 : vector<2560x128xi1>, vector<2560x128xf32>
    %get3A_22 = arith.constant 0 : index
    %get3A_23 = arith.constant 0 : index
    %get3A_24 = vector.load %arg4[%get3A_22, %get3A_23] : memref<128x64xf32, #tpu.memory_space<vmem>>, vector<128x64xf32>
    %dot_general3A = arith.constant dense<0.000000e+00> : vector<2560x64xf32>
    %dot_general3A_25 = tpu.matmul %select_n3A, %get3A_24, %dot_general3A {dimension_numbers = #tpu.dot_dimension_numbers<[1], [0], [0], [1], [0, 0, 1, 1], [], []>, transpose_lhs_hint = false} : vector<2560x128xf32>, vector<128x64xf32>, vector<2560x64xf32> -> vector<2560x64xf32>
    %ge3A_26 = arith.constant 0.000000e+00 : f32
    %ge3A_27 = vector.broadcast %ge3A_26 : f32 to vector<2560x64xf32>
    %ge3A_28 = arith.cmpf oge, %dot_general3A_25, %ge3A_27 : vector<2560x64xf32>
    %mul3A_29 = arith.constant 0.00999999977 : f32
    %mul3A_30 = vector.broadcast %mul3A_29 : f32 to vector<2560x64xf32>
    %mul3A_31 = arith.mulf %mul3A_30, %dot_general3A_25 : vector<2560x64xf32>
    %select_n3A_32 = arith.select %ge3A_28, %dot_general3A_25, %mul3A_31 : vector<2560x64xi1>, vector<2560x64xf32>
    %get3A_33 = arith.constant 0 : index
    %get3A_34 = arith.constant 0 : index
    %get3A_35 = vector.load %arg5[%get3A_33, %get3A_34] : memref<64x1xf32, #tpu.memory_space<vmem>>, vector<64x1xf32>
    %dot_general3A_36 = arith.constant dense<0.000000e+00> : vector<2560x1xf32>
    %dot_general3A_37 = tpu.matmul %select_n3A_32, %get3A_35, %dot_general3A_36 {dimension_numbers = #tpu.dot_dimension_numbers<[1], [0], [0], [1], [0, 0, 1, 1], [], []>, transpose_lhs_hint = false} : vector<2560x64xf32>, vector<64x1xf32>, vector<2560x1xf32> -> vector<2560x1xf32>
    %ge3A_38 = arith.constant 0.000000e+00 : f32
    %ge3A_39 = vector.broadcast %ge3A_38 : f32 to vector<2560x1xf32>
    %ge3A_40 = arith.cmpf oge, %dot_general3A_37, %ge3A_39 : vector<2560x1xf32>
    %mul3A_41 = arith.constant 0.00999999977 : f32
    %mul3A_42 = vector.broadcast %mul3A_41 : f32 to vector<2560x1xf32>
    %mul3A_43 = arith.mulf %mul3A_42, %dot_general3A_37 : vector<2560x1xf32>
    %select_n3A_44 = arith.select %ge3A_40, %dot_general3A_37, %mul3A_43 : vector<2560x1xi1>, vector<2560x1xf32>
    %iota3A = tpu.iota {dimensions = array<i32: 1>} : vector<2560x64xi32>
    %get3A_45 = arith.constant 0 : index
    %get3A_46 = arith.constant 0 : index
    %get3A_47 = vector.load %arg6[%get3A_45, %get3A_46] : memref<2560x1xi32, #tpu.memory_space<vmem>>, vector<2560x1xi32>
    %eq3A = vector.broadcast %get3A_47 : vector<2560x1xi32> to vector<2560x64xi32>
    %eq3A_48 = arith.cmpi eq, %eq3A, %iota3A : vector<2560x64xi32>
    %convert_element_type3A = arith.extui %eq3A_48 : vector<2560x64xi1> to vector<2560x64xi32>
    %convert_element_type3A_49 = arith.sitofp %convert_element_type3A : vector<2560x64xi32> to vector<2560x64xf32>
    %dot_general3A_50 = arith.constant dense<0.000000e+00> : vector<64x1xf32>
    %dot_general3A_51 = tpu.matmul %convert_element_type3A_49, %select_n3A_44, %dot_general3A_50 {dimension_numbers = #tpu.dot_dimension_numbers<[0], [0], [1], [1], [0, 1, 1, 1], [], []>, transpose_lhs_hint = false} : vector<2560x64xf32>, vector<2560x1xf32>, vector<64x1xf32> -> vector<64x1xf32>
    %broadcast_in_dim3A = arith.constant 1.000000e+00 : f32
    %broadcast_in_dim3A_52 = vector.broadcast %broadcast_in_dim3A : f32 to vector<2560x1xf32>
    %dot_general3A_53 = arith.constant dense<0.000000e+00> : vector<64x1xf32>
    %dot_general3A_54 = tpu.matmul %convert_element_type3A_49, %broadcast_in_dim3A_52, %dot_general3A_53 {dimension_numbers = #tpu.dot_dimension_numbers<[0], [0], [1], [1], [0, 1, 1, 1], [], []>, transpose_lhs_hint = false} : vector<2560x64xf32>, vector<2560x1xf32>, vector<64x1xf32> -> vector<64x1xf32>
    %eq3A_55 = arith.constant 0 : i32
    %eq3A_56 = arith.cmpi eq, %arg0, %eq3A_55 : i32
    %convert_element_type3A_57 = arith.extui %eq3A_56 : i1 to i32
    %cond3A = arith.constant 0 : i32
    %cond3A_58 = arith.cmpi ne, %convert_element_type3A_57, %cond3A : i32
    scf.if %cond3A_58 {
      %broadcast_in_dim3A_77 = arith.constant 0.000000e+00 : f32
      %broadcast_in_dim3A_78 = vector.broadcast %broadcast_in_dim3A_77 : f32 to vector<64x1xf32>
      %swap3A_79 = arith.constant 0 : index
      %swap3A_80 = arith.constant 0 : index
      %swap3A_81 = vector.load %arg8[%swap3A_79, %swap3A_80] : memref<64x1xf32, #tpu.memory_space<vmem>>, vector<64x1xf32>
      tpu.vector_store %arg8[%swap3A_79, %swap3A_80], %broadcast_in_dim3A_78 {strides = array<i32>} : memref<64x1xf32, #tpu.memory_space<vmem>>, vector<64x1xf32>,
      %broadcast_in_dim3A_82 = arith.constant 0.000000e+00 : f32
      %broadcast_in_dim3A_83 = vector.broadcast %broadcast_in_dim3A_82 : f32 to vector<64x1xf32>
      %swap3A_84 = arith.constant 0 : index
      %swap3A_85 = arith.constant 0 : index
      %swap3A_86 = vector.load %arg9[%swap3A_84, %swap3A_85] : memref<64x1xf32, #tpu.memory_space<vmem>>, vector<64x1xf32>
      tpu.vector_store %arg9[%swap3A_84, %swap3A_85], %broadcast_in_dim3A_83 {strides = array<i32>} : memref<64x1xf32, #tpu.memory_space<vmem>>, vector<64x1xf32>,
    } else {
    }
    %get3A_59 = arith.constant 0 : index
    %get3A_60 = arith.constant 0 : index
    %get3A_61 = vector.load %arg8[%get3A_59, %get3A_60] : memref<64x1xf32, #tpu.memory_space<vmem>>, vector<64x1xf32>
    %add3A_62 = arith.addf %get3A_61, %dot_general3A_51 : vector<64x1xf32>
    %swap3A = arith.constant 0 : index
    %swap3A_63 = arith.constant 0 : index
    %swap3A_64 = vector.load %arg8[%swap3A, %swap3A_63] : memref<64x1xf32, #tpu.memory_space<vmem>>, vector<64x1xf32>
    tpu.vector_store %arg8[%swap3A, %swap3A_63], %add3A_62 {strides = array<i32>} : memref<64x1xf32, #tpu.memory_space<vmem>>, vector<64x1xf32>,
    %get3A_65 = arith.constant 0 : index
    %get3A_66 = arith.constant 0 : index
    %get3A_67 = vector.load %arg9[%get3A_65, %get3A_66] : memref<64x1xf32, #tpu.memory_space<vmem>>, vector<64x1xf32>
    %add3A_68 = arith.addf %get3A_67, %dot_general3A_54 : vector<64x1xf32>
    %swap3A_69 = arith.constant 0 : index
    %swap3A_70 = arith.constant 0 : index
    %swap3A_71 = vector.load %arg9[%swap3A_69, %swap3A_70] : memref<64x1xf32, #tpu.memory_space<vmem>>, vector<64x1xf32>
    tpu.vector_store %arg9[%swap3A_69, %swap3A_70], %add3A_68 {strides = array<i32>} : memref<64x1xf32, #tpu.memory_space<vmem>>, vector<64x1xf32>,
    %eq3A_72 = arith.constant 3 : i32
    %eq3A_73 = arith.cmpi eq, %arg0, %eq3A_72 : i32
    %convert_element_type3A_74 = arith.extui %eq3A_73 : i1 to i32
    %cond3A_75 = arith.constant 0 : i32
    %cond3A_76 = arith.cmpi ne, %convert_element_type3A_74, %cond3A_75 : i32
    scf.if %cond3A_76 {
      %get3A_77 = arith.constant 0 : index
      %get3A_78 = arith.constant 0 : index
      %get3A_79 = vector.load %arg8[%get3A_77, %get3A_78] : memref<64x1xf32, #tpu.memory_space<vmem>>, vector<64x1xf32>
      %get3A_80 = arith.constant 0 : index
      %get3A_81 = arith.constant 0 : index
      %get3A_82 = vector.load %arg9[%get3A_80, %get3A_81] : memref<64x1xf32, #tpu.memory_space<vmem>>, vector<64x1xf32>
      %max3A = arith.constant 1.000000e+00 : f32
      %max3A_83 = vector.broadcast %max3A : f32 to vector<64x1xf32>
      %max3A_84 = arith.maximumf %get3A_82, %max3A_83 : vector<64x1xf32>
      %div3A = arith.divf %get3A_79, %max3A_84 : vector<64x1xf32>
      %swap3A_85 = arith.constant 0 : index
      %swap3A_86 = arith.constant 0 : index
      %swap3A_87 = vector.load %arg7[%swap3A_85, %swap3A_86] : memref<64x1xf32, #tpu.memory_space<vmem>>, vector<64x1xf32>
      tpu.vector_store %arg7[%swap3A_85, %swap3A_86], %div3A {strides = array<i32>} : memref<64x1xf32, #tpu.memory_space<vmem>>, vector<64x1xf32>,
    } else {
    }
    return
  }
  func.func @transform_0(%arg0: i32) -> (i32, i32, i32) {
    %c0_i32 = arith.constant 0 : i32
    %c0_i32_0 = arith.constant 0 : i32
    %c0_i32_1 = arith.constant 0 : i32
    return %c0_i32, %arg0, %c0_i32_0 : i32, i32, i32
  }
  func.func @transform_1(%arg0: i32) -> (i32, i32) {
    %c0_i32 = arith.constant 0 : i32
    %c0_i32_0 = arith.constant 0 : i32
    return %arg0, %c0_i32 : i32, i32
  }
  func.func @transform_2(%arg0: i32) -> (i32, i32) {
    %c0_i32 = arith.constant 0 : i32
    %c0_i32_0 = arith.constant 0 : i32
    return %arg0, %c0_i32 : i32, i32
  }
  func.func @transform_3(%arg0: i32) -> (i32, i32) {
    %c0_i32 = arith.constant 0 : i32
    %c0_i32_0 = arith.constant 0 : i32
    %c0_i32_1 = arith.constant 0 : i32
    return %c0_i32, %c0_i32_0 : i32, i32
  }
  func.func @transform_4(%arg0: i32) -> (i32, i32) {
    %c0_i32 = arith.constant 0 : i32
    %c0_i32_0 = arith.constant 0 : i32
    %c0_i32_1 = arith.constant 0 : i32
    return %c0_i32, %c0_i32_0 : i32, i32
  }
  func.func @transform_5(%arg0: i32) -> (i32, i32) {
    %c0_i32 = arith.constant 0 : i32
    %c0_i32_0 = arith.constant 0 : i32
    return %arg0, %c0_i32 : i32, i32
  }
  func.func @transform_6(%arg0: i32) -> (i32, i32) {
    %c0_i32 = arith.constant 0 : i32
    %c0_i32_0 = arith.constant 0 : i32
    %c0_i32_1 = arith.constant 0 : i32
    return %c0_i32, %c0_i32_0 : i32, i32
  }
}

</mosaic_0001>

<sc_bundles>
// kernel: kernel.12.cloned.1.call-start
scs
__scs_entry_jumppad:
0x0: {  	(pc) =	sbr.rel $0x88, $3  }
0x1: {  	(tag) =	ssettag $0x0;
	lr =	simm.s32 $0x1  }
0x2: {  	[smem:$0x3F9A] =	sst lr;
	_ =	strace $0xD0000000  }
0x3: {  	_ = 	snop  }
0x4: {  	_ = 	snop  }
0x5: {  	_ = 	snop  }
0x6: {  	_ = 	snop  }
0x7: {  	_ = 	snop  }
__scs_overlays_trampoline_lowered:
0x8: {  	[smem:$0x3FA9] =	sst s0  }
0x9: {  	[smem:$0x3FAA] =	sst s1  }
0xa: {  	[smem:$0x3FAB] =	sst s2  }
0xb: {  	[smem:$0x3FAC] =	sst s3  }
0xc: {  	[smem:$0x3FAD] =	sst s4  }
0xd: {  	[smem:$0x3FAE] =	sst s5  }
0xe: {  	[smem:$0x3FAF] =	sst s6  }
0xf: {  	[smem:$0x3FB0] =	sst s7  }
0x10: {  	[smem:$0x3FB1] =	sst s8  }
0x11: {  	[smem:$0x3FB2] =	sst s9;
	s0 =	simm.s32 @!p0 $0x0  }
0x12: {  	s1 =	sld [smem:$0x3F98];
	s0 =	simm.s32 @p0 $0x1  }
0x13: {  	[smem:$0x3FB3] =	sst s0;
	s0 =	simm.s32 @!p1 $0x0  }
0x14: {  	s2 =	sld [smem:$0x3F97];
	s0 =	simm.s32 @p1 $0x1  }
0x15: {  	[smem:$0x3FB4] =	sst s0;
	s0 =	simm.s32 @!p2 $0x0  }
0x16: {  	s3 =	sld [smem:$0x3FDB];
	s0 =	simm.s32 @p2 $0x1  }
0x17: {  	s4 =	simm.s32 $0x1BF5;
	[smem:$0x3FB6] =	sst s0  }
0x18: {  	s0 =	sld [smem:$0x3F99];
	_ =	swait.ge [sflag:s4], $0x0  }
0x19: {  	s7 =	sld [smem:$0x3F9A]  }
0x1a: {  	s8 =	sadd.s32 $0xFFFFE003, lr  }
0x1b: {  	s9 =	sadd.s32 $0xFFFFFEF7, lr;
	s5 =	simm.s32 $0xFFFFFFFF;
	p2 =	slt.u32 s8, $0xFFFFF086  }
0x1c: {  	p1 =	slt.u32 s9, $0xF7A;
	s5 =	simm.s32 @!p2 $0x0  }
0x1d: {  	s5 =	simm.s32 @p1 $0x1;
	p0 =	seq.s32 s7, s2  }
0x1e: {  	s7 =	smul.u32 @!p0 $0xF7A, s2;
	p2 =	seq.s32 @!p0 s5, $0x0  }
0x1f: {  	s9 =	smul.u32 $0xF7A, s1;
	s8 =	simm.s32 @!p0 $0x1BF5;
	p2 =	por !p2, p0  }
0x20: {  	[sflag:s8] =	ssyncset.s32 @!p0 $0xFFFFF086;
	s6 =	sadd.s32 @!p0 s3, s7;
	s7 =	simm.s32 @!p0 $0x108  }
0x21: {  	s3 =	sadd.s32 s3, s9;
	s6 =	sadd.s32 @!p0 $0x88, s6;
	s7 =	simm.s32 @p2 $0x1082  }
0x22: {  	[simem:s7], [sflag:s8] =	dma.local @!p0 [hbm:s6], $0xF7A  }
0x23: {  	s9 =	sor.u32 $0xD0000000, s2;
	s6 =	simm.s32 $0x108;
	_ =	swait.ge @!p0 [sflag:s8], $0x0  }
0x24: {  	s3 =	sadd.s32 $0x88, s3;
	s6 =	simm.s32 @!p1 $0x1082;
	[sflag:s4] =	ssyncset.s32 $0xFFFFF086  }
0x25: {  	[simem:s6], [sflag:s4] =	dma.local [hbm:s3], $0xF7A  }
0x26: {  	[smem:$0x3F9A] =	sst s1;
	(tag) =	ssettag s2;
	_ =	strace s9  }
0x27: {  	s1 =	sld [smem:$0x3FAA]  }
0x28: {  	s2 =	sld [smem:$0x3FAB]  }
0x29: {  	s4 =	sld [smem:$0x3FAD]  }
0x2a: {  	p0 =	seq.s32 s5, $0x0;
	s5 =	sld [smem:$0x3FAE]  }
0x2b: {  	s6 =	sld [smem:$0x3FAF]  }
0x2c: {  	s7 =	sld [smem:$0x3FB0]  }
0x2d: {  	s3 =	simm.s32 $0x108;
	s8 =	sld [smem:$0x3FB1]  }
0x2e: {  	s3 =	simm.s32 @!p0 $0x1082;
	s9 =	sld [smem:$0x3FB2]  }
0x2f: {  	lr =	sadd.s32 s0, s3;
	s0 =	sld [smem:$0x3FA9]  }
0x30: {  	s3 =	sld [smem:$0x3FAC]  }
0x31: {  	[smem:$0x3FB5] =	sst s10  }
0x32: {  	s10 =	sld [smem:$0x3FB3];
	_ =	sdelay $0x3  }
0x33: {  	p0 =	seq.s32 s10, $0x1;
	s10 =	sld [smem:$0x3FB5];
	_ =	sdelay $0x3  }
0x34: {  	[smem:$0x3FB5] =	sst s10  }
0x35: {  	s10 =	sld [smem:$0x3FB4];
	_ =	sdelay $0x3  }
0x36: {  	p1 =	seq.s32 s10, $0x1;
	s10 =	sld [smem:$0x3FB5];
	_ =	sdelay $0x3  }
0x37: {  	[smem:$0x3FB5] =	sst s10  }
0x38: {  	s10 =	sld [smem:$0x3FB6]  }
0x39: {  	_ = 	snop;
	(pc) =	sbr.ind lr, $3  }
0x3a: {  	_ = 	snop  }
0x3b: {  	_ = 	snop  }
0x3c: {  	p2 =	seq.s32 s10, $0x1;
	s10 =	sld [smem:$0x3FB5]  }
0x3d: {  	_ =	shalt  }
0x3e: {  	_ =	shalt  }
0x3f: {  	_ =	shalt  }
0x40: {  	_ =	shalt  }
0x41: {  	_ =	shalt  }
0x42: {  	_ =	shalt  }
0x43: {  	_ =	shalt  }
0x44: {  	_ =	shalt  }
0x45: {  	_ =	shalt  }
0x46: {  	_ =	shalt  }
0x47: {  	_ =	shalt  }
0x48: {  	_ =	shalt  }
0x49: {  	_ =	shalt  }
0x4a: {  	_ =	shalt  }
0x4b: {  	_ =	shalt  }
0x4c: {  	_ =	shalt  }
0x4d: {  	_ =	shalt  }
0x4e: {  	_ =	shalt  }
0x4f: {  	_ =	shalt  }
0x50: {  	_ =	shalt  }
0x51: {  	_ =	shalt  }
0x52: {  	_ =	shalt  }
0x53: {  	_ =	shalt  }
0x54: {  	_ =	shalt  }
0x55: {  	_ =	shalt  }
0x56: {  	_ =	shalt  }
0x57: {  	_ =	shalt  }
0x58: {  	_ =	shalt  }
0x59: {  	_ =	shalt  }
0x5a: {  	_ =	shalt  }
0x5b: {  	_ =	shalt  }
0x5c: {  	_ =	shalt  }
0x5d: {  	_ =	shalt  }
0x5e: {  	_ =	shalt  }
0x5f: {  	_ =	shalt  }
0x60: {  	_ =	shalt  }
0x61: {  	_ =	shalt  }
0x62: {  	_ =	shalt  }
0x63: {  	_ =	shalt  }
0x64: {  	_ =	shalt  }
0x65: {  	_ =	shalt  }
0x66: {  	_ =	shalt  }
0x67: {  	_ =	shalt  }
0x68: {  	_ =	shalt  }
0x69: {  	_ =	shalt  }
0x6a: {  	_ =	shalt  }
0x6b: {  	_ =	shalt  }
0x6c: {  	_ =	shalt  }
0x6d: {  	_ =	shalt  }
0x6e: {  	_ =	shalt  }
0x6f: {  	_ =	shalt  }
0x70: {  	_ =	shalt  }
0x71: {  	_ =	shalt  }
0x72: {  	_ =	shalt  }
0x73: {  	_ =	shalt  }
0x74: {  	_ =	shalt  }
0x75: {  	_ =	shalt  }
0x76: {  	_ =	shalt  }
0x77: {  	_ =	shalt  }
0x78: {  	_ =	shalt  }
0x79: {  	_ =	shalt  }
0x7a: {  	_ =	shalt  }
0x7b: {  	_ =	shalt  }
0x7c: {  	_ =	shalt  }
0x7d: {  	_ =	shalt  }
0x7e: {  	_ =	shalt  }
0x7f: {  	_ =	shalt  }
0x80: {  	_ =	shalt  }
0x81: {  	_ =	shalt  }
0x82: {  	_ =	shalt  }
0x83: {  	_ =	shalt  }
0x84: {  	_ =	shalt  }
0x85: {  	_ =	shalt  }
0x86: {  	_ =	shalt  }
0x87: {  	_ =	shalt  }
.Lfunc_end0:
.L_simem_size_0:
called_computation.1_lowered:
.L_overlay_start_0:
0x88: {  	s2 =	sld [smem:$0x3FD9]  }
0x89: {  	s3 =	sld [smem:$0x3FFE];
	_ =	sdelay $0x1  }
0x8a: {  	s1 =	srdreg.scid  }
0x8b: {  	s0 =	sand.u32 $0x1, s1  }
0x8c: {  	s16 =	sshll.u32 s0, $0xA;
	s2 =	sadd.s32 s3, s2  }
0x8d: {  	s2 =	sadd.s32 s2, s16  }
0x8e: {  	[smem:$0x3FC1] =	sst s2  }
0x8f: {  	_ = 	snop  }
0x90: {  	(tm) =	ssettm $0x1  }
0x91: {  	s17 =	sld [smem:$0x3FFB];
	_ =	sdelay $0x3  }
0x92: {  	_ =	strace s17  }
0x93: {  	s2 =	sld [smem:$0x3FFC];
	_ =	sdelay $0x3  }
0x94: {  	_ =	strace s2  }
0x95: {  	s2 =	sld [smem:$0x3FFD];
	_ =	sdelay $0x3  }
0x96: {  	_ =	strace s2  }
0x97: {  	_ =	strace $0x8FFFFFFF  }
0x98: {  	s18 =	sld [smem:$0x3FDB];
	_ =	sdelay $0x1  }
0x99: {  	s19 =	simm.s32 $_scs_section_size  }
0x9a: {  	s4 =	simm.s32 $_size__tile_overlayer_lowered;
	s5 =	simm.s32 $_tile_overlayer_lowered  }
0x9b: {  	s22 =	simm.s32 $0x1BFF;
	s21 =	sshll.u32 s5, $0x1;
	s2 =	sadd.s32 s19, s18  }
0x9c: {  	s6 =	simm.s32 $0x0;
	s20 =	sshll.u32 s4, $0x1;
	s4 =	sadd.s32 s21, s2  }
0x9d: {  	[timem:s6], [sflag:s22] =	dma.local [hbm:s4], s20  }
0x9e: {  	_ =	swait.ge [sflag:s22], s20  }
0x9f: {  	s3 =	ssub.s32 $0x0, s20;
	[sflag:s22] =	ssyncset.done $0x0  }
0xa0: {  	[sflag:s22] =	ssyncadd.s32 s3;
	_ =	sdelay $0x1  }
0xa1: {  	s23 =	simm.s32 $0x1B8B  }
0xa2: {  	_ =	swait.ge [sflag:s23], $0x1  }
0xa3: {  	[sflag:s23] =	ssyncset.done $0x0  }
0xa4: {  	s25 =	simm.s32 $0x1B8E;
	s24 =	sld [smem:$0x3FFE];
	[sflag:s23] =	ssyncadd.s32 $0xFFFFFFFF  }
0xa5: {  	s26 =	simm.s32 $execute0_lowered;
	[smem:$0x3FD2] =	sst s25  }
0xa6: {  	s4 =	sshll.u32 s26, $0x1;
	_ =	strace $0x80000049;
	[dreg:$0x1] =	wrdreg $0xFFFFFFFF  }
0xa7: {  	s28 =	simm.s32 $_size_execute0_lowered;
	s2 =	sadd.s32 s2, s4;
	[dreg:$0x0] =	wrdreg $0x0  }
0xa8: {  	s4 =	sshll.u32 s28, $0x1;
	[dreg:$0x2] =	wrdreg s2  }
0xa9: {  	[dreg:$0x3] =	wrdreg s4  }
0xaa: {  	[dreg:$0x4] =	wrdreg $0xC0  }
0xab: {  	_ =	task [dreg:s6], $0x5FFFF  }
0xac: {  	[dreg:$0x1] =	wrdreg $0xFFFFFFFF  }
0xad: {  	[dreg:$0x0] =	wrdreg $0x60  }
0xae: {  	[dreg:$0x2] =	wrdreg s24  }
0xaf: {  	[dreg:$0x3] =	wrdreg $0xB0000  }
0xb0: {  	[dreg:$0x4] =	wrdreg $0x9  }
0xb1: {  	_ =	task.clear_ibuf [dreg:s6], $0x5FFFF;
	_ =	strace $0x90000049  }
0xb2: {  	s29 =	simm.s32 $0x9;
	_ =	strace $0x8000004B  }
0xb3: {  	_ =	swait.ge [sflag:s29], $0x1  }
0xb4: {  	[sflag:s29] =	ssyncadd.s32 $0xFFFFFFFF  }
0xb5: {  	_ =	strace $0x9000004B  }
0xb6: {  	_ =	sfence  }
0xb7: {  	s30 =	sld [smem:$0x0];
	_ =	sdelay $0x2  }
0xb8: {  	s31 =	sshll.u32 s1, $0xD;
	s1 =	sshrl.u32 s1, $0x2  }
0xb9: {  	s3 =	sand.u32 $0x4000, s31;
	s1 =	sadd.s32 s1, s30  }
0xba: {  	s0 =	sor.u32 s3, s0;
	s1 =	sshll.u32 s1, $0x11  }
0xbb: {  	s0 =	sor.u32 s1, s0  }
0xbc: {  	s0 =	sadd.s32 $0x8F2B, s0  }
0xbd: {  	[sflag:s0] =	ssyncadd.remote.s32 $0x1  }
0xbe: {  	_ =	sfence.sel $0xFFFF  }
0xbf: {  	[dreg:$0x0] =	wrdreg $0xFFFFFFFF;
	(pc) =	sbr.abs _section_cstart, $3  }
0xc0: {  	[dreg:$0x1] =	wrdreg $0xFFFFFFFF  }
0xc1: {  	_ =	task.clear_ibuf [dreg:s6], $0x2FFFF;
	_ =	strace $0x9FFFFFFF  }
0xc2: {  	(tm) =	ssettm $0x7FFFFFFF  }
0xc3: {  	_ =	shalt  }
tec
execute0_lowered:
.L_overlay_start_1:
0x0: {  	(tag) =	ssettag $0x1  }
0x1: {  	s0 =	rddreg [dreg:$0x0]  }
0x2: {  	s2 =	rddreg [dreg:$0x1];
	s3 =	simm.s32 $0x0;
	s13 =	stileid.u32  }
0x3: {  	s4 =	srdreg.scid;
	s18 =	simm.s32 $0x5;
	s19 =	simm.s32 $0x1800  }
0x4: {  	s20 =	simm.s32 $0x80;
	s21 =	simm.s32 $0x3000;
	s22 =	simm.s32 $0x1  }
0x5: {  	s28 =	simm.s32 $0x100;
	s30 =	simm.s32 $0x4;
	[smem:$0x7FF] =	sst s3  }
0x6: {  	s1 =	smul.u32 $0x14000, s13;
	s7 =	sand.u32 $0x1, s4;
	s4 =	sadd.s32 $0x34C00, s0  }
0x7: {  	s11 =	sadd.s32 $0x8FC00, s0;
	s12 =	sadd.s32 $0x86C00, s0;
	s23 =	smul.u32 $0x50000, s13  }
0x8: {  	s8 =	sshll.u32 s13, $0x8;
	s10 =	smul.u32 $0x4800, s13;
	s26 =	sshll.u32 s13, $0x6  }
0x9: {  	_ =	strace $0x8000004A;
	s6 =	smul.u32 $0x140000, s7;
	s14 =	sadd.s32 s8, s0  }
0xa: {  	s24 =	ssub.s32 $0x2, s7;
	p0 =	seq.s32 s7, $0x1;
	s5 =	sshrl.u32 s1, $0x3  }
0xb: {  	s9 =	sshrl.u32 s24, $0x1;
	s29 =	sshrl.u32 s10, $0x3;
	s13 =	sadd.s32 $0x85C00, s14  }
0xc: {  	s14 =	sadd.s32 $0x84C00, s14;
	s5 =	sadd.s32 s5, s0;
	s1 =	sadd.s32 s1, s6  }
0xd: {  	s6 =	sshrl.u32 s23, $0x2;
	s25 =	ssub.s32 s24, s9;
	s7 =	sadd.s32 s11, s29  }
0xe: {  	s8 =	sadd.s32 s12, s29;
	s10 =	sadd.s32 $0x300, s29;
	s31 =	sadd.s32 $0x600, s29  }
0xf: {  	s23 =	simm.s32 $0x7000;
	s24 =	simm.s32 $0x2;
	s1 =	sshrl.u32 s1, $0x3  }
.Ltmp0:
0x10: {  	s17 =	sadd.s32 s6, s2;
	s5 =	sadd.s32 $0xCC00, s5;
	(pc) =	sbr.rel .LBB2_1-.Ltmp0, $4  }
0x11: {  	s6 =	sor.u32 $0x1C05, s26;
	s9 =	sadd.s32 s11, s10;
	s10 =	sadd.s32 s12, s10  }
0x12: {  	s11 =	sadd.s32 s11, s31;
	s12 =	sadd.s32 s12, s31;
	s16 =	smax.u32 s25, $0x1  }
0x13: {  	s25 =	simm.s32 $0x1880;
	s26 =	simm.s32 $0x3;
	s0 =	sadd.s32 s1, s0  }
0x14: {  	s17 =	sshrl.u32 s17, $0x3;
	s1 =	simm.s32 $0x0;
	s15 =	sadd.s32 $0x98C00, s0  }
.LBB2_11:
0x15: {  	[tilespmem:s3], [sflag:$0x5] =	stream.linear.gather [hbm4b:s13+s3], $0x800, $0x38;
	[tilespmem:$0x1F000] =	vst v63  }
0x16: {  	_ =	swait.ge [sflag:s18], $0x800  }
0x17: {  	[sflag:s18] =	ssyncset.done $0x0  }
0x18: {  	[sflag:s18] =	ssyncadd.s32 $0xFFFFF800  }
0x19: {  	[tilespmem:s19], [sflag:$0x5] =	stream.linear.gather [hbm4b:s14+s3], $0x800, $0x38;
	[tilespmem:$0x1F000] =	vst v63  }
0x1a: {  	_ =	swait.ge [sflag:s18], $0x800  }
0x1b: {  	[sflag:s18] =	ssyncset.done $0x0  }
0x1c: {  	[sflag:s18] =	ssyncadd.s32 $0xFFFFF800  }
0x1d: {  	[tilespmem:s21], [sflag:$0x1] =	stream.indirect.gather [hbm4b:s4+s20], $0x80, s3, s20, $0xb8;
	[tilespmem:$0x1F000] =	vst v63  }
0x1e: {  	_ =	swait.ge [sflag:s22], $0x4000  }
0x1f: {  	[sflag:s22] =	ssyncset.done $0x0  }
0x20: {  	[sflag:s22] =	ssyncadd.s32 $0xFFFFC000  }
0x21: {  	[spmem:s2] =	stream.indirect.scatter.add.f32 [tilespmem:s21], [sflag:$0x3], $0x80, s19, s20, $0xb8;
	[tilespmem:$0x1F000] =	vst v63  }
0x22: {  	_ = 	snop  }
0x23: {  	[tilespmem:s23], [sflag:$0x2] =	stream.indirect.gather [hbm4b:s4+s20], $0x80, s20, s20, $0xb8;
	[tilespmem:$0x1F000] =	vst v63  }
0x24: {  	_ =	swait.ge [sflag:s24], $0x4000  }
0x25: {  	[sflag:s24] =	ssyncset.done $0x0  }
0x26: {  	[sflag:s24] =	ssyncadd.s32 $0xFFFFC000  }
0x27: {  	[spmem:s2] =	stream.indirect.scatter.add.f32 [tilespmem:s23], [sflag:$0x4], $0x80, s25, s20, $0xb8;
	[tilespmem:$0x1F000] =	vst v63  }
0x28: {  	_ =	swait.ge [sflag:s26], $0x4000  }
0x29: {  	[sflag:s26] =	ssyncset.done $0x0  }
0x2a: {  	[sflag:s26] =	ssyncadd.s32 $0xFFFFC000  }
0x2b: {  	[tilespmem:s21], [sflag:$0x1] =	stream.indirect.gather [hbm4b:s4+s20], $0x80, s28, s20, $0xb8;
	[tilespmem:$0x1F000] =	vst v63  }
0x2c: {  	_ =	swait.ge [sflag:s22], $0x4000  }
0x2d: {  	[sflag:s22] =	ssyncset.done $0x0  }
0x2e: {  	s0 =	simm.s32 $0x1900;
	[sflag:s22] =	ssyncadd.s32 $0xFFFFC000  }
0x2f: {  	[spmem:s2] =	stream.indirect.scatter.add.f32 [tilespmem:s21], [sflag:$0x3], $0x80, s0, s20, $0xb8;
	[tilespmem:$0x1F000] =	vst v63  }
0x30: {  	_ =	swait.ge [sflag:s30], $0x4000  }
0x31: {  	[sflag:s30] =	ssyncset.done $0x0  }
0x32: {  	s29 =	simm.s32 $0x180;
	[sflag:s30] =	ssyncadd.s32 $0xFFFFC000  }
0x33: {  	[tilespmem:s23], [sflag:$0x2] =	stream.indirect.gather [hbm4b:s4+s20], $0x80, s29, s20, $0xb8;
	[tilespmem:$0x1F000] =	vst v63  }
0x34: {  	_ =	swait.ge [sflag:s24], $0x4000  }
0x35: {  	[sflag:s24] =	ssyncset.done $0x0  }
0x36: {  	s31 =	simm.s32 $0x1980;
	[sflag:s24] =	ssyncadd.s32 $0xFFFFC000  }
0x37: {  	[spmem:s2] =	stream.indirect.scatter.add.f32 [tilespmem:s23], [sflag:$0x4], $0x80, s31, s20, $0xb8;
	[tilespmem:$0x1F000] =	vst v63  }
0x38: {  	_ =	swait.ge [sflag:s26], $0x4000  }
0x39: {  	[sflag:s26] =	ssyncset.done $0x0  }
0x3a: {  	s29 =	simm.s32 $0x200;
	[sflag:s26] =	ssyncadd.s32 $0xFFFFC000  }
0x3b: {  	[tilespmem:s21], [sflag:$0x1] =	stream.indirect.gather [hbm4b:s4+s20], $0x80, s29, s20, $0xb8;
	[tilespmem:$0x1F000] =	vst v63  }
0x3c: {  	_ =	swait.ge [sflag:s22], $0x4000  }
0x3d: {  	[sflag:s22] =	ssyncset.done $0x0  }
0x3e: {  	s31 =	simm.s32 $0x1A00;
	[sflag:s22] =	ssyncadd.s32 $0xFFFFC000  }
0x3f: {  	[spmem:s2] =	stream.indirect.scatter.add.f32 [tilespmem:s21], [sflag:$0x3], $0x80, s31, s20, $0xb8;
	[tilespmem:$0x1F000] =	vst v63  }
0x40: {  	_ =	swait.ge [sflag:s30], $0x4000  }
0x41: {  	[sflag:s30] =	ssyncset.done $0x0  }
0x42: {  	s29 =	simm.s32 $0x280;
	[sflag:s30] =	ssyncadd.s32 $0xFFFFC000  }
0x43: {  	[tilespmem:s23], [sflag:$0x2] =	stream.indirect.gather [hbm4b:s4+s20], $0x80, s29, s20, $0xb8;
	[tilespmem:$0x1F000] =	vst v63  }
0x44: {  	_ =	swait.ge [sflag:s24], $0x4000  }
0x45: {  	[sflag:s24] =	ssyncset.done $0x0  }
0x46: {  	s31 =	simm.s32 $0x1A80;
	[sflag:s24] =	ssyncadd.s32 $0xFFFFC000  }
0x47: {  	[spmem:s2] =	stream.indirect.scatter.add.f32 [tilespmem:s23], [sflag:$0x4], $0x80, s31, s20, $0xb8;
	[tilespmem:$0x1F000] =	vst v63  }
0x48: {  	_ =	swait.ge [sflag:s26], $0x4000  }
0x49: {  	[sflag:s26] =	ssyncset.done $0x0  }
0x4a: {  	s29 =	simm.s32 $0x300;
	[sflag:s26] =	ssyncadd.s32 $0xFFFFC000  }
0x4b: {  	[tilespmem:s21], [sflag:$0x1] =	stream.indirect.gather [hbm4b:s4+s20], $0x80, s29, s20, $0xb8;
	[tilespmem:$0x1F000] =	vst v63  }
0x4c: {  	_ =	swait.ge [sflag:s22], $0x4000  }
0x4d: {  	[sflag:s22] =	ssyncset.done $0x0  }
0x4e: {  	s31 =	simm.s32 $0x1B00;
	[sflag:s22] =	ssyncadd.s32 $0xFFFFC000  }
0x4f: {  	[spmem:s2] =	stream.indirect.scatter.add.f32 [tilespmem:s21], [sflag:$0x3], $0x80, s31, s20, $0xb8;
	[tilespmem:$0x1F000] =	vst v63  }
0x50: {  	_ =	swait.ge [sflag:s30], $0x4000  }
0x51: {  	[sflag:s30] =	ssyncset.done $0x0  }
0x52: {  	s29 =	simm.s32 $0x380;
	[sflag:s30] =	ssyncadd.s32 $0xFFFFC000  }
0x53: {  	[tilespmem:s23], [sflag:$0x2] =	stream.indirect.gather [hbm4b:s4+s20], $0x80, s29, s20, $0xb8;
	[tilespmem:$0x1F000] =	vst v63  }
0x54: {  	_ =	swait.ge [sflag:s24], $0x4000  }
0x55: {  	[sflag:s24] =	ssyncset.done $0x0  }
0x56: {  	s31 =	simm.s32 $0x1B80;
	[sflag:s24] =	ssyncadd.s32 $0xFFFFC000  }
0x57: {  	[spmem:s2] =	stream.indirect.scatter.add.f32 [tilespmem:s23], [sflag:$0x4], $0x80, s31, s20, $0xb8;
	[tilespmem:$0x1F000] =	vst v63  }
0x58: {  	_ =	swait.ge [sflag:s26], $0x4000  }
0x59: {  	[sflag:s26] =	ssyncset.done $0x0  }
0x5a: {  	s29 =	simm.s32 $0x400;
	[sflag:s26] =	ssyncadd.s32 $0xFFFFC000  }
0x5b: {  	[tilespmem:s21], [sflag:$0x1] =	stream.indirect.gather [hbm4b:s4+s20], $0x80, s29, s20, $0xb8;
	[tilespmem:$0x1F000] =	vst v63  }
0x5c: {  	_ =	swait.ge [sflag:s22], $0x4000  }
0x5d: {  	[sflag:s22] =	ssyncset.done $0x0  }
0x5e: {  	s31 =	simm.s32 $0x1C00;
	[sflag:s22] =	ssyncadd.s32 $0xFFFFC000  }
0x5f: {  	[spmem:s2] =	stream.indirect.scatter.add.f32 [tilespmem:s21], [sflag:$0x3], $0x80, s31, s20, $0xb8;
	[tilespmem:$0x1F000] =	vst v63  }
0x60: {  	_ =	swait.ge [sflag:s30], $0x4000  }
0x61: {  	[sflag:s30] =	ssyncset.done $0x0  }
0x62: {  	s29 =	simm.s32 $0x480;
	[sflag:s30] =	ssyncadd.s32 $0xFFFFC000  }
0x63: {  	[tilespmem:s23], [sflag:$0x2] =	stream.indirect.gather [hbm4b:s4+s20], $0x80, s29, s20, $0xb8;
	[tilespmem:$0x1F000] =	vst v63  }
0x64: {  	_ =	swait.ge [sflag:s24], $0x4000  }
0x65: {  	[sflag:s24] =	ssyncset.done $0x0  }
0x66: {  	s31 =	simm.s32 $0x1C80;
	[sflag:s24] =	ssyncadd.s32 $0xFFFFC000  }
0x67: {  	[spmem:s2] =	stream.indirect.scatter.add.f32 [tilespmem:s23], [sflag:$0x4], $0x80, s31, s20, $0xb8;
	[tilespmem:$0x1F000] =	vst v63  }
0x68: {  	_ =	swait.ge [sflag:s26], $0x4000  }
0x69: {  	[sflag:s26] =	ssyncset.done $0x0  }
0x6a: {  	s29 =	simm.s32 $0x500;
	[sflag:s26] =	ssyncadd.s32 $0xFFFFC000  }
0x6b: {  	[tilespmem:s21], [sflag:$0x1] =	stream.indirect.gather [hbm4b:s4+s20], $0x80, s29, s20, $0xb8;
	[tilespmem:$0x1F000] =	vst v63  }
0x6c: {  	_ =	swait.ge [sflag:s22], $0x4000  }
0x6d: {  	[sflag:s22] =	ssyncset.done $0x0  }
0x6e: {  	s31 =	simm.s32 $0x1D00;
	[sflag:s22] =	ssyncadd.s32 $0xFFFFC000  }
0x6f: {  	[spmem:s2] =	stream.indirect.scatter.add.f32 [tilespmem:s21], [sflag:$0x3], $0x80, s31, s20, $0xb8;
	[tilespmem:$0x1F000] =	vst v63  }
0x70: {  	_ =	swait.ge [sflag:s30], $0x4000  }
0x71: {  	[sflag:s30] =	ssyncset.done $0x0  }
0x72: {  	s29 =	simm.s32 $0x580;
	[sflag:s30] =	ssyncadd.s32 $0xFFFFC000  }
0x73: {  	[tilespmem:s23], [sflag:$0x2] =	stream.indirect.gather [hbm4b:s4+s20], $0x80, s29, s20, $0xb8;
	[tilespmem:$0x1F000] =	vst v63  }
0x74: {  	_ =	swait.ge [sflag:s24], $0x4000  }
0x75: {  	[sflag:s24] =	ssyncset.done $0x0  }
0x76: {  	s31 =	simm.s32 $0x1D80;
	[sflag:s24] =	ssyncadd.s32 $0xFFFFC000  }
0x77: {  	[spmem:s2] =	stream.indirect.scatter.add.f32 [tilespmem:s23], [sflag:$0x4], $0x80, s31, s20, $0xb8;
	[tilespmem:$0x1F000] =	vst v63  }
0x78: {  	_ =	swait.ge [sflag:s26], $0x4000  }
0x79: {  	[sflag:s26] =	ssyncset.done $0x0  }
0x7a: {  	s29 =	simm.s32 $0x600;
	[sflag:s26] =	ssyncadd.s32 $0xFFFFC000  }
0x7b: {  	[tilespmem:s21], [sflag:$0x1] =	stream.indirect.gather [hbm4b:s4+s20], $0x80, s29, s20, $0xb8;
	[tilespmem:$0x1F000] =	vst v63  }
0x7c: {  	_ =	swait.ge [sflag:s22], $0x4000  }
0x7d: {  	[sflag:s22] =	ssyncset.done $0x0  }
0x7e: {  	s31 =	simm.s32 $0x1E00;
	[sflag:s22] =	ssyncadd.s32 $0xFFFFC000  }
0x7f: {  	[spmem:s2] =	stream.indirect.scatter.add.f32 [tilespmem:s21], [sflag:$0x3], $0x80, s31, s20, $0xb8;
	[tilespmem:$0x1F000] =	vst v63  }
0x80: {  	_ =	swait.ge [sflag:s30], $0x4000  }
0x81: {  	[sflag:s30] =	ssyncset.done $0x0  }
0x82: {  	s29 =	simm.s32 $0x680;
	[sflag:s30] =	ssyncadd.s32 $0xFFFFC000  }
0x83: {  	[tilespmem:s23], [sflag:$0x2] =	stream.indirect.gather [hbm4b:s4+s20], $0x80, s29, s20, $0xb8;
	[tilespmem:$0x1F000] =	vst v63  }
0x84: {  	_ =	swait.ge [sflag:s24], $0x4000  }
0x85: {  	[sflag:s24] =	ssyncset.done $0x0  }
0x86: {  	s31 =	simm.s32 $0x1E80;
	[sflag:s24] =	ssyncadd.s32 $0xFFFFC000  }
0x87: {  	[spmem:s2] =	stream.indirect.scatter.add.f32 [tilespmem:s23], [sflag:$0x4], $0x80, s31, s20, $0xb8;
	[tilespmem:$0x1F000] =	vst v63  }
0x88: {  	_ =	swait.ge [sflag:s26], $0x4000  }
0x89: {  	[sflag:s26] =	ssyncset.done $0x0  }
0x8a: {  	s29 =	simm.s32 $0x700;
	[sflag:s26] =	ssyncadd.s32 $0xFFFFC000  }
0x8b: {  	[tilespmem:s21], [sflag:$0x1] =	stream.indirect.gather [hbm4b:s4+s20], $0x80, s29, s20, $0xb8;
	[tilespmem:$0x1F000] =	vst v63  }
0x8c: {  	_ =	swait.ge [sflag:s22], $0x4000  }
0x8d: {  	[sflag:s22] =	ssyncset.done $0x0  }
0x8e: {  	s31 =	simm.s32 $0x1F00;
	[sflag:s22] =	ssyncadd.s32 $0xFFFFC000  }
0x8f: {  	[spmem:s2] =	stream.indirect.scatter.add.f32 [tilespmem:s21], [sflag:$0x3], $0x80, s31, s20, $0xb8;
	[tilespmem:$0x1F000] =	vst v63  }
0x90: {  	_ =	swait.ge [sflag:s30], $0x4000  }
0x91: {  	[sflag:s30] =	ssyncset.done $0x0  }
0x92: {  	s29 =	simm.s32 $0x780;
	[sflag:s30] =	ssyncadd.s32 $0xFFFFC000  }
0x93: {  	[tilespmem:s23], [sflag:$0x2] =	stream.indirect.gather [hbm4b:s4+s20], $0x80, s29, s20, $0xb8;
	[tilespmem:$0x1F000] =	vst v63  }
0x94: {  	_ =	swait.ge [sflag:s24], $0x4000  }
0x95: {  	[sflag:s24] =	ssyncset.done $0x0  }
0x96: {  	s31 =	simm.s32 $0x1F80;
	[sflag:s24] =	ssyncadd.s32 $0xFFFFC000  }
0x97: {  	[spmem:s2] =	stream.indirect.scatter.add.f32 [tilespmem:s23], [sflag:$0x4], $0x80, s31, s20, $0xb8;
	[tilespmem:$0x1F000] =	vst v63  }
0x98: {  	_ =	swait.ge [sflag:s26], $0x4000  }
0x99: {  	[sflag:s26] =	ssyncset.done $0x0  }
0x9a: {  	[sflag:s26] =	ssyncadd.s32 $0xFFFFC000  }
.LBB2_12:
0x9b: {  	_ =	swait.ge [sflag:s30], $0x4000  }
0x9c: {  	s1 =	sadd.s32 $0x1, s1;
	[sflag:s30] =	ssyncset.done $0x0  }
0x9d: {  	p1 =	sne.s32 s1, s16;
	[sflag:s30] =	ssyncadd.s32 $0xFFFFC000  }
.Ltmp1:
0x9e: {  	[bflag:$0x0] =	sbarrier.arrive $0xFFFF;
	(pc) =	sbr.rel @!p1 .LBB2_13-.Ltmp1, $4  }
0x9f: {  	[hbm:s15], [sflag:s6] =	dma.local [spmem:s17], $0x2800  }
0xa0: {  	_ =	swait.ge [sflag:s18], $0x2800  }
0xa1: {  	[sflag:s18] =	ssyncset.done $0x0  }
0xa2: {  	[sflag:s18] =	ssyncadd.s32 $0xFFFFD800  }
.LBB2_1:
0xa3: {  	[spmem:s17], [sflag:s6] =	dma.local [hbm:s5], $0x2800  }
.Ltmp2:
0xa4: {  	_ =	swait.ge [sflag:s18], $0x2800;
	(pc) =	sbr.rel @p0 .LBB2_11-.Ltmp2, $3  }
0xa5: {  	[sflag:s18] =	ssyncset.done $0x0  }
0xa6: {  	[sflag:s18] =	ssyncadd.s32 $0xFFFFD800  }
0xa7: {  	[bflag:$0x0] =	sbarrier.arrive $0xFFFF;
	_ =	sdelay $0x1  }
0xa8: {  	[tilespmem:s3], [sflag:$0x5] =	stream.linear.gather [hbm4b:s7+s3], $0x1800, $0x38;
	[tilespmem:$0x1F000] =	vst v63  }
0xa9: {  	_ =	swait.ge [sflag:s18], $0x1800  }
0xaa: {  	[sflag:s18] =	ssyncset.done $0x0  }
0xab: {  	[sflag:s18] =	ssyncadd.s32 $0xFFFFE800  }
0xac: {  	[tilespmem:s19], [sflag:$0x5] =	stream.linear.gather [hbm4b:s8+s3], $0x1800, $0x38;
	[tilespmem:$0x1F000] =	vst v63  }
0xad: {  	_ =	swait.ge [sflag:s18], $0x1800  }
0xae: {  	[sflag:s18] =	ssyncset.done $0x0  }
0xaf: {  	[sflag:s18] =	ssyncadd.s32 $0xFFFFE800  }
0xb0: {  	[tilespmem:s21], [sflag:$0x1] =	stream.indirect.gather [hbm4b:s4+s20], $0x80, s3, s20, $0xb8;
	[tilespmem:$0x1F000] =	vst v63  }
0xb1: {  	_ =	swait.ge [sflag:s22], $0x4000  }
0xb2: {  	[sflag:s22] =	ssyncset.done $0x0  }
0xb3: {  	[sflag:s22] =	ssyncadd.s32 $0xFFFFC000  }
0xb4: {  	[spmem:s2] =	stream.indirect.scatter.add.f32 [tilespmem:s21], [sflag:$0x3], $0x80, s19, s20, $0xb8;
	[tilespmem:$0x1F000] =	vst v63  }
0xb5: {  	_ = 	snop  }
0xb6: {  	[tilespmem:s23], [sflag:$0x2] =	stream.indirect.gather [hbm4b:s4+s20], $0x80, s20, s20, $0xb8;
	[tilespmem:$0x1F000] =	vst v63  }
0xb7: {  	_ =	swait.ge [sflag:s24], $0x4000  }
0xb8: {  	[sflag:s24] =	ssyncset.done $0x0  }
0xb9: {  	[sflag:s24] =	ssyncadd.s32 $0xFFFFC000  }
0xba: {  	[spmem:s2] =	stream.indirect.scatter.add.f32 [tilespmem:s23], [sflag:$0x4], $0x80, s25, s20, $0xb8;
	[tilespmem:$0x1F000] =	vst v63  }
0xbb: {  	_ =	swait.ge [sflag:s26], $0x4000  }
0xbc: {  	[sflag:s26] =	ssyncset.done $0x0  }
0xbd: {  	s29 =	simm.s32 $0xFFFFA800;
	[sflag:s26] =	ssyncadd.s32 $0xFFFFC000  }
0xbe: {  	[tilespmem:s21], [sflag:$0x1] =	stream.indirect.gather [hbm4b:s4+s20], $0x80, s28, s20, $0xb8;
	[tilespmem:$0x1F000] =	vst v63  }
.LBB2_3:
0xbf: {  	_ =	swait.ge [sflag:s22], $0x4000  }
0xc0: {  	s31 =	sshra.s32 s29, $0x2;
	[sflag:s22] =	ssyncset.done $0x0  }
0xc1: {  	s0 =	sadd.s32 $0x2F00, s31;
	[sflag:s22] =	ssyncadd.s32 $0xFFFFC000  }
0xc2: {  	[spmem:s2] =	stream.indirect.scatter.add.f32 [tilespmem:s21], [sflag:$0x3], $0x80, s0, s20, $0xb8;
	[tilespmem:$0x1F000] =	vst v63  }
0xc3: {  	_ =	swait.ge [sflag:s30], $0x4000  }
0xc4: {  	[sflag:s30] =	ssyncset.done $0x0  }
0xc5: {  	s0 =	sadd.s32 $0x1780, s31;
	[sflag:s30] =	ssyncadd.s32 $0xFFFFC000  }
0xc6: {  	[tilespmem:s23], [sflag:$0x2] =	stream.indirect.gather [hbm4b:s4+s20], $0x80, s0, s20, $0xb8;
	[tilespmem:$0x1F000] =	vst v63  }
0xc7: {  	_ =	swait.ge [sflag:s24], $0x4000  }
0xc8: {  	p1 =	seq.s32 s29, $0x0;
	[sflag:s24] =	ssyncset.done $0x0  }
.Ltmp3:
0xc9: {  	s0 =	sadd.s32 $0x2F80, s31;
	[sflag:s24] =	ssyncadd.s32 $0xFFFFC000;
	(pc) =	sbr.rel @p1 .LBB2_5-.Ltmp3, $4  }
0xca: {  	[spmem:s2] =	stream.indirect.scatter.add.f32 [tilespmem:s23], [sflag:$0x4], $0x80, s0, s20, $0xb8;
	[tilespmem:$0x1F000] =	vst v63  }
0xcb: {  	_ =	swait.ge [sflag:s26], $0x4000  }
0xcc: {  	[sflag:s26] =	ssyncset.done $0x0  }
0xcd: {  	[sflag:s26] =	ssyncadd.s32 $0xFFFFC000  }
.Ltmp4:
0xce: {  	(pc) =	sbr.rel .LBB2_3-.Ltmp4, $3  }
0xcf: {  	_ =	sdelay $0x1  }
0xd0: {  	s0 =	sadd.s32 $0x1800, s31;
	s29 =	sadd.s32 $0x400, s29  }
0xd1: {  	[tilespmem:s21], [sflag:$0x1] =	stream.indirect.gather [hbm4b:s4+s20], $0x80, s0, s20, $0xb8;
	[tilespmem:$0x1F000] =	vst v63  }
.LBB2_5:
0xd2: {  	_ =	swait.ge [sflag:s30], $0x4000  }
0xd3: {  	[sflag:s30] =	ssyncset.done $0x0  }
0xd4: {  	[sflag:s30] =	ssyncadd.s32 $0xFFFFC000  }
0xd5: {  	[tilespmem:s3], [sflag:$0x5] =	stream.linear.gather [hbm4b:s9+s3], $0x1800, $0x38;
	[tilespmem:$0x1F000] =	vst v63  }
0xd6: {  	_ =	swait.ge [sflag:s18], $0x1800  }
0xd7: {  	[sflag:s18] =	ssyncset.done $0x0  }
0xd8: {  	[sflag:s18] =	ssyncadd.s32 $0xFFFFE800  }
0xd9: {  	[tilespmem:s19], [sflag:$0x5] =	stream.linear.gather [hbm4b:s10+s3], $0x1800, $0x38;
	[tilespmem:$0x1F000] =	vst v63  }
0xda: {  	_ =	swait.ge [sflag:s18], $0x1800  }
0xdb: {  	[sflag:s18] =	ssyncset.done $0x0  }
0xdc: {  	[sflag:s18] =	ssyncadd.s32 $0xFFFFE800  }
0xdd: {  	[tilespmem:s21], [sflag:$0x1] =	stream.indirect.gather [hbm4b:s4+s20], $0x80, s3, s20, $0xb8;
	[tilespmem:$0x1F000] =	vst v63  }
0xde: {  	_ =	swait.ge [sflag:s22], $0x4000  }
0xdf: {  	[sflag:s22] =	ssyncset.done $0x0  }
0xe0: {  	[sflag:s22] =	ssyncadd.s32 $0xFFFFC000  }
0xe1: {  	[spmem:s2] =	stream.indirect.scatter.add.f32 [tilespmem:s21], [sflag:$0x3], $0x80, s19, s20, $0xb8;
	[tilespmem:$0x1F000] =	vst v63  }
0xe2: {  	_ = 	snop  }
0xe3: {  	[tilespmem:s23], [sflag:$0x2] =	stream.indirect.gather [hbm4b:s4+s20], $0x80, s20, s20, $0xb8;
	[tilespmem:$0x1F000] =	vst v63  }
0xe4: {  	_ =	swait.ge [sflag:s24], $0x4000  }
0xe5: {  	[sflag:s24] =	ssyncset.done $0x0  }
0xe6: {  	[sflag:s24] =	ssyncadd.s32 $0xFFFFC000  }
0xe7: {  	[spmem:s2] =	stream.indirect.scatter.add.f32 [tilespmem:s23], [sflag:$0x4], $0x80, s25, s20, $0xb8;
	[tilespmem:$0x1F000] =	vst v63  }
0xe8: {  	_ =	swait.ge [sflag:s26], $0x4000  }
0xe9: {  	[sflag:s26] =	ssyncset.done $0x0  }
0xea: {  	s29 =	simm.s32 $0xFFFFA800;
	[sflag:s26] =	ssyncadd.s32 $0xFFFFC000  }
0xeb: {  	[tilespmem:s21], [sflag:$0x1] =	stream.indirect.gather [hbm4b:s4+s20], $0x80, s28, s20, $0xb8;
	[tilespmem:$0x1F000] =	vst v63  }
.LBB2_6:
0xec: {  	_ =	swait.ge [sflag:s22], $0x4000  }
0xed: {  	s31 =	sshra.s32 s29, $0x2;
	[sflag:s22] =	ssyncset.done $0x0  }
0xee: {  	s0 =	sadd.s32 $0x2F00, s31;
	[sflag:s22] =	ssyncadd.s32 $0xFFFFC000  }
0xef: {  	[spmem:s2] =	stream.indirect.scatter.add.f32 [tilespmem:s21], [sflag:$0x3], $0x80, s0, s20, $0xb8;
	[tilespmem:$0x1F000] =	vst v63  }
0xf0: {  	_ =	swait.ge [sflag:s30], $0x4000  }
0xf1: {  	[sflag:s30] =	ssyncset.done $0x0  }
0xf2: {  	s0 =	sadd.s32 $0x1780, s31;
	[sflag:s30] =	ssyncadd.s32 $0xFFFFC000  }
0xf3: {  	[tilespmem:s23], [sflag:$0x2] =	stream.indirect.gather [hbm4b:s4+s20], $0x80, s0, s20, $0xb8;
	[tilespmem:$0x1F000] =	vst v63  }
0xf4: {  	_ =	swait.ge [sflag:s24], $0x4000  }
0xf5: {  	p1 =	seq.s32 s29, $0x0;
	[sflag:s24] =	ssyncset.done $0x0  }
.Ltmp5:
0xf6: {  	s0 =	sadd.s32 $0x2F80, s31;
	[sflag:s24] =	ssyncadd.s32 $0xFFFFC000;
	(pc) =	sbr.rel @p1 .LBB2_8-.Ltmp5, $4  }
0xf7: {  	[spmem:s2] =	stream.indirect.scatter.add.f32 [tilespmem:s23], [sflag:$0x4], $0x80, s0, s20, $0xb8;
	[tilespmem:$0x1F000] =	vst v63  }
0xf8: {  	_ =	swait.ge [sflag:s26], $0x4000  }
0xf9: {  	[sflag:s26] =	ssyncset.done $0x0  }
0xfa: {  	[sflag:s26] =	ssyncadd.s32 $0xFFFFC000  }
.Ltmp6:
0xfb: {  	(pc) =	sbr.rel .LBB2_6-.Ltmp6, $3  }
0xfc: {  	_ =	sdelay $0x1  }
0xfd: {  	s0 =	sadd.s32 $0x1800, s31;
	s29 =	sadd.s32 $0x400, s29  }
0xfe: {  	[tilespmem:s21], [sflag:$0x1] =	stream.indirect.gather [hbm4b:s4+s20], $0x80, s0, s20, $0xb8;
	[tilespmem:$0x1F000] =	vst v63  }
.LBB2_8:
0xff: {  	_ =	swait.ge [sflag:s30], $0x4000  }
0x100: {  	[sflag:s30] =	ssyncset.done $0x0  }
0x101: {  	[sflag:s30] =	ssyncadd.s32 $0xFFFFC000  }
0x102: {  	[tilespmem:s3], [sflag:$0x5] =	stream.linear.gather [hbm4b:s11+s3], $0x1800, $0x38;
	[tilespmem:$0x1F000] =	vst v63  }
0x103: {  	_ =	swait.ge [sflag:s18], $0x1800  }
0x104: {  	[sflag:s18] =	ssyncset.done $0x0  }
0x105: {  	[sflag:s18] =	ssyncadd.s32 $0xFFFFE800  }
0x106: {  	[tilespmem:s19], [sflag:$0x5] =	stream.linear.gather [hbm4b:s12+s3], $0x1800, $0x38;
	[tilespmem:$0x1F000] =	vst v63  }
0x107: {  	_ =	swait.ge [sflag:s18], $0x1800  }
0x108: {  	[sflag:s18] =	ssyncset.done $0x0  }
0x109: {  	[sflag:s18] =	ssyncadd.s32 $0xFFFFE800  }
0x10a: {  	[tilespmem:s21], [sflag:$0x1] =	stream.indirect.gather [hbm4b:s4+s20], $0x80, s3, s20, $0xb8;
	[tilespmem:$0x1F000] =	vst v63  }
0x10b: {  	_ =	swait.ge [sflag:s22], $0x4000  }
0x10c: {  	[sflag:s22] =	ssyncset.done $0x0  }
0x10d: {  	[sflag:s22] =	ssyncadd.s32 $0xFFFFC000  }
0x10e: {  	[spmem:s2] =	stream.indirect.scatter.add.f32 [tilespmem:s21], [sflag:$0x3], $0x80, s19, s20, $0xb8;
	[tilespmem:$0x1F000] =	vst v63  }
0x10f: {  	_ = 	snop  }
0x110: {  	[tilespmem:s23], [sflag:$0x2] =	stream.indirect.gather [hbm4b:s4+s20], $0x80, s20, s20, $0xb8;
	[tilespmem:$0x1F000] =	vst v63  }
0x111: {  	_ =	swait.ge [sflag:s24], $0x4000  }
0x112: {  	[sflag:s24] =	ssyncset.done $0x0  }
0x113: {  	[sflag:s24] =	ssyncadd.s32 $0xFFFFC000  }
0x114: {  	[spmem:s2] =	stream.indirect.scatter.add.f32 [tilespmem:s23], [sflag:$0x4], $0x80, s25, s20, $0xb8;
	[tilespmem:$0x1F000] =	vst v63  }
0x115: {  	_ =	swait.ge [sflag:s26], $0x4000  }
0x116: {  	[sflag:s26] =	ssyncset.done $0x0  }
0x117: {  	s29 =	simm.s32 $0xFFFFA800;
	[sflag:s26] =	ssyncadd.s32 $0xFFFFC000  }
0x118: {  	[tilespmem:s21], [sflag:$0x1] =	stream.indirect.gather [hbm4b:s4+s20], $0x80, s28, s20, $0xb8;
	[tilespmem:$0x1F000] =	vst v63  }
.LBB2_9:
0x119: {  	_ =	swait.ge [sflag:s22], $0x4000  }
0x11a: {  	s31 =	sshra.s32 s29, $0x2;
	[sflag:s22] =	ssyncset.done $0x0  }
0x11b: {  	s0 =	sadd.s32 $0x2F00, s31;
	[sflag:s22] =	ssyncadd.s32 $0xFFFFC000  }
0x11c: {  	[spmem:s2] =	stream.indirect.scatter.add.f32 [tilespmem:s21], [sflag:$0x3], $0x80, s0, s20, $0xb8;
	[tilespmem:$0x1F000] =	vst v63  }
0x11d: {  	_ =	swait.ge [sflag:s30], $0x4000  }
0x11e: {  	[sflag:s30] =	ssyncset.done $0x0  }
0x11f: {  	s0 =	sadd.s32 $0x1780, s31;
	[sflag:s30] =	ssyncadd.s32 $0xFFFFC000  }
0x120: {  	[tilespmem:s23], [sflag:$0x2] =	stream.indirect.gather [hbm4b:s4+s20], $0x80, s0, s20, $0xb8;
	[tilespmem:$0x1F000] =	vst v63  }
0x121: {  	_ =	swait.ge [sflag:s24], $0x4000  }
0x122: {  	p1 =	seq.s32 s29, $0x0;
	[sflag:s24] =	ssyncset.done $0x0  }
.Ltmp7:
0x123: {  	s0 =	sadd.s32 $0x2F80, s31;
	[sflag:s24] =	ssyncadd.s32 $0xFFFFC000;
	(pc) =	sbr.rel @p1 .LBB2_12-.Ltmp7, $4  }
0x124: {  	[spmem:s2] =	stream.indirect.scatter.add.f32 [tilespmem:s23], [sflag:$0x4], $0x80, s0, s20, $0xb8;
	[tilespmem:$0x1F000] =	vst v63  }
0x125: {  	_ =	swait.ge [sflag:s26], $0x4000  }
0x126: {  	[sflag:s26] =	ssyncset.done $0x0  }
0x127: {  	[sflag:s26] =	ssyncadd.s32 $0xFFFFC000  }
.Ltmp8:
0x128: {  	(pc) =	sbr.rel .LBB2_9-.Ltmp8, $3  }
0x129: {  	_ =	sdelay $0x1  }
0x12a: {  	s0 =	sadd.s32 $0x1800, s31;
	s29 =	sadd.s32 $0x400, s29  }
0x12b: {  	[tilespmem:s21], [sflag:$0x1] =	stream.indirect.gather [hbm4b:s4+s20], $0x80, s0, s20, $0xb8;
	[tilespmem:$0x1F000] =	vst v63  }
.LBB2_13:
0x12c: {  	_ =	sfence.sel $0x180000  }
0x12d: {  	[bflag:$0x0] =	sbarrier.arrive $0xFFFF  }
0x12e: {  	_ =	strace $0x9000004A  }
0x12f: {  	s0 =	stileid.u32;
	[bflag:$0x2] =	sbarrier.arrive $0xFFFF  }
0x130: {  	p0 =	sne.s32 s0, $0x0;
	s0 =	rddreg [dreg:$0x2]  }
0x131: {  	s0 =	sadd.s32 @!p0 $0x100000, s0  }
0x132: {  	[sflag:s0] =	ssyncadd.tile.s32 @!p0 $0x1;
	_ =	shalt  }
.Lfunc_end2:
_tile_overlayer_lowered:
.L_overlay_start_2:
0x133: {  	(tag) =	ssettag $0x2  }
0x134: {  	s0 =	rddreg [dreg:$0x0];
	s2 =	stileid.u32  }
0x135: {  	s1 =	rddreg [dreg:$0x1];
	p0 =	sne.s32 s2, $0x0  }
0x136: {  	s3 =	rddreg [dreg:$0x2];
	[bflag:$0x3] =	sbarrier.arrive $0xFFFF;
	s2 =	simm.s32 @!p0 $0x1C05  }
0x137: {  	[timem:s3], [sflag:s2] =	dma.local @!p0 [hbm:s0], s1  }
0x138: {  	s0 =	simm.s32 @!p0 $0x5  }
0x139: {  	_ =	swait.ge @!p0 [sflag:s0], s1  }
0x13a: {  	s1 =	ssub.s32 @!p0 $0x0, s1;
	[sflag:s0] =	ssyncset.done @!p0 $0x0  }
0x13b: {  	[sflag:s0] =	ssyncadd.s32 @!p0 s1  }
0x13c: {  	[bflag:$0x3] =	sbarrier.arrive $0xFFFF  }
0x13d: {  	_ =	shalt  }

// kernel: kernel.15.cloned.1.call-start
scs
__scs_entry_jumppad:
0x0: {  	(pc) =	sbr.rel $0x88, $3  }
0x1: {  	(tag) =	ssettag $0x0;
	lr =	simm.s32 $0x1  }
0x2: {  	[smem:$0x3F9A] =	sst lr;
	_ =	strace $0xD0000000  }
0x3: {  	_ = 	snop  }
0x4: {  	_ = 	snop  }
0x5: {  	_ = 	snop  }
0x6: {  	_ = 	snop  }
0x7: {  	_ = 	snop  }
__scs_overlays_trampoline_lowered:
0x8: {  	[smem:$0x3FA9] =	sst s0  }
0x9: {  	[smem:$0x3FAA] =	sst s1  }
0xa: {  	[smem:$0x3FAB] =	sst s2  }
0xb: {  	[smem:$0x3FAC] =	sst s3  }
0xc: {  	[smem:$0x3FAD] =	sst s4  }
0xd: {  	[smem:$0x3FAE] =	sst s5  }
0xe: {  	[smem:$0x3FAF] =	sst s6  }
0xf: {  	[smem:$0x3FB0] =	sst s7  }
0x10: {  	[smem:$0x3FB1] =	sst s8  }
0x11: {  	[smem:$0x3FB2] =	sst s9;
	s0 =	simm.s32 @!p0 $0x0  }
0x12: {  	s1 =	sld [smem:$0x3F98];
	s0 =	simm.s32 @p0 $0x1  }
0x13: {  	[smem:$0x3FB3] =	sst s0;
	s0 =	simm.s32 @!p1 $0x0  }
0x14: {  	s2 =	sld [smem:$0x3F97];
	s0 =	simm.s32 @p1 $0x1  }
0x15: {  	[smem:$0x3FB4] =	sst s0;
	s0 =	simm.s32 @!p2 $0x0  }
0x16: {  	s3 =	sld [smem:$0x3FDB];
	s0 =	simm.s32 @p2 $0x1  }
0x17: {  	s4 =	simm.s32 $0x1BF5;
	[smem:$0x3FB6] =	sst s0  }
0x18: {  	s0 =	sld [smem:$0x3F99];
	_ =	swait.ge [sflag:s4], $0x0  }
0x19: {  	s7 =	sld [smem:$0x3F9A]  }
0x1a: {  	s8 =	sadd.s32 $0xFFFFE003, lr  }
0x1b: {  	s9 =	sadd.s32 $0xFFFFFEF7, lr;
	s5 =	simm.s32 $0xFFFFFFFF;
	p2 =	slt.u32 s8, $0xFFFFF086  }
0x1c: {  	p1 =	slt.u32 s9, $0xF7A;
	s5 =	simm.s32 @!p2 $0x0  }
0x1d: {  	s5 =	simm.s32 @p1 $0x1;
	p0 =	seq.s32 s7, s2  }
0x1e: {  	s7 =	smul.u32 @!p0 $0xF7A, s2;
	p2 =	seq.s32 @!p0 s5, $0x0  }
0x1f: {  	s9 =	smul.u32 $0xF7A, s1;
	s8 =	simm.s32 @!p0 $0x1BF5;
	p2 =	por !p2, p0  }
0x20: {  	[sflag:s8] =	ssyncset.s32 @!p0 $0xFFFFF086;
	s6 =	sadd.s32 @!p0 s3, s7;
	s7 =	simm.s32 @!p0 $0x108  }
0x21: {  	s3 =	sadd.s32 s3, s9;
	s6 =	sadd.s32 @!p0 $0x88, s6;
	s7 =	simm.s32 @p2 $0x1082  }
0x22: {  	[simem:s7], [sflag:s8] =	dma.local @!p0 [hbm:s6], $0xF7A  }
0x23: {  	s9 =	sor.u32 $0xD0000000, s2;
	s6 =	simm.s32 $0x108;
	_ =	swait.ge @!p0 [sflag:s8], $0x0  }
0x24: {  	s3 =	sadd.s32 $0x88, s3;
	s6 =	simm.s32 @!p1 $0x1082;
	[sflag:s4] =	ssyncset.s32 $0xFFFFF086  }
0x25: {  	[simem:s6], [sflag:s4] =	dma.local [hbm:s3], $0xF7A  }
0x26: {  	[smem:$0x3F9A] =	sst s1;
	(tag) =	ssettag s2;
	_ =	strace s9  }
0x27: {  	s1 =	sld [smem:$0x3FAA]  }
0x28: {  	s2 =	sld [smem:$0x3FAB]  }
0x29: {  	s4 =	sld [smem:$0x3FAD]  }
0x2a: {  	p0 =	seq.s32 s5, $0x0;
	s5 =	sld [smem:$0x3FAE]  }
0x2b: {  	s6 =	sld [smem:$0x3FAF]  }
0x2c: {  	s7 =	sld [smem:$0x3FB0]  }
0x2d: {  	s3 =	simm.s32 $0x108;
	s8 =	sld [smem:$0x3FB1]  }
0x2e: {  	s3 =	simm.s32 @!p0 $0x1082;
	s9 =	sld [smem:$0x3FB2]  }
0x2f: {  	lr =	sadd.s32 s0, s3;
	s0 =	sld [smem:$0x3FA9]  }
0x30: {  	s3 =	sld [smem:$0x3FAC]  }
0x31: {  	[smem:$0x3FB5] =	sst s10  }
0x32: {  	s10 =	sld [smem:$0x3FB3];
	_ =	sdelay $0x3  }
0x33: {  	p0 =	seq.s32 s10, $0x1;
	s10 =	sld [smem:$0x3FB5];
	_ =	sdelay $0x3  }
0x34: {  	[smem:$0x3FB5] =	sst s10  }
0x35: {  	s10 =	sld [smem:$0x3FB4];
	_ =	sdelay $0x3  }
0x36: {  	p1 =	seq.s32 s10, $0x1;
	s10 =	sld [smem:$0x3FB5];
	_ =	sdelay $0x3  }
0x37: {  	[smem:$0x3FB5] =	sst s10  }
0x38: {  	s10 =	sld [smem:$0x3FB6]  }
0x39: {  	_ = 	snop;
	(pc) =	sbr.ind lr, $3  }
0x3a: {  	_ = 	snop  }
0x3b: {  	_ = 	snop  }
0x3c: {  	p2 =	seq.s32 s10, $0x1;
	s10 =	sld [smem:$0x3FB5]  }
0x3d: {  	_ =	shalt  }
0x3e: {  	_ =	shalt  }
0x3f: {  	_ =	shalt  }
0x40: {  	_ =	shalt  }
0x41: {  	_ =	shalt  }
0x42: {  	_ =	shalt  }
0x43: {  	_ =	shalt  }
0x44: {  	_ =	shalt  }
0x45: {  	_ =	shalt  }
0x46: {  	_ =	shalt  }
0x47: {  	_ =	shalt  }
0x48: {  	_ =	shalt  }
0x49: {  	_ =	shalt  }
0x4a: {  	_ =	shalt  }
0x4b: {  	_ =	shalt  }
0x4c: {  	_ =	shalt  }
0x4d: {  	_ =	shalt  }
0x4e: {  	_ =	shalt  }
0x4f: {  	_ =	shalt  }
0x50: {  	_ =	shalt  }
0x51: {  	_ =	shalt  }
0x52: {  	_ =	shalt  }
0x53: {  	_ =	shalt  }
0x54: {  	_ =	shalt  }
0x55: {  	_ =	shalt  }
0x56: {  	_ =	shalt  }
0x57: {  	_ =	shalt  }
0x58: {  	_ =	shalt  }
0x59: {  	_ =	shalt  }
0x5a: {  	_ =	shalt  }
0x5b: {  	_ =	shalt  }
0x5c: {  	_ =	shalt  }
0x5d: {  	_ =	shalt  }
0x5e: {  	_ =	shalt  }
0x5f: {  	_ =	shalt  }
0x60: {  	_ =	shalt  }
0x61: {  	_ =	shalt  }
0x62: {  	_ =	shalt  }
0x63: {  	_ =	shalt  }
0x64: {  	_ =	shalt  }
0x65: {  	_ =	shalt  }
0x66: {  	_ =	shalt  }
0x67: {  	_ =	shalt  }
0x68: {  	_ =	shalt  }
0x69: {  	_ =	shalt  }
0x6a: {  	_ =	shalt  }
0x6b: {  	_ =	shalt  }
0x6c: {  	_ =	shalt  }
0x6d: {  	_ =	shalt  }
0x6e: {  	_ =	shalt  }
0x6f: {  	_ =	shalt  }
0x70: {  	_ =	shalt  }
0x71: {  	_ =	shalt  }
0x72: {  	_ =	shalt  }
0x73: {  	_ =	shalt  }
0x74: {  	_ =	shalt  }
0x75: {  	_ =	shalt  }
0x76: {  	_ =	shalt  }
0x77: {  	_ =	shalt  }
0x78: {  	_ =	shalt  }
0x79: {  	_ =	shalt  }
0x7a: {  	_ =	shalt  }
0x7b: {  	_ =	shalt  }
0x7c: {  	_ =	shalt  }
0x7d: {  	_ =	shalt  }
0x7e: {  	_ =	shalt  }
0x7f: {  	_ =	shalt  }
0x80: {  	_ =	shalt  }
0x81: {  	_ =	shalt  }
0x82: {  	_ =	shalt  }
0x83: {  	_ =	shalt  }
0x84: {  	_ =	shalt  }
0x85: {  	_ =	shalt  }
0x86: {  	_ =	shalt  }
0x87: {  	_ =	shalt  }
.Lfunc_end0:
.L_simem_size_0:
called_computation.2_lowered:
.L_overlay_start_0:
0x88: {  	s2 =	sld [smem:$0x3FD9]  }
0x89: {  	s3 =	sld [smem:$0x3FFE];
	_ =	sdelay $0x1  }
0x8a: {  	s1 =	srdreg.scid  }
0x8b: {  	s0 =	sand.u32 $0x1, s1  }
0x8c: {  	s16 =	sshll.u32 s0, $0xA;
	s2 =	sadd.s32 s3, s2  }
0x8d: {  	s2 =	sadd.s32 s2, s16  }
0x8e: {  	[smem:$0x3FC1] =	sst s2  }
0x8f: {  	_ = 	snop  }
0x90: {  	(tm) =	ssettm $0x1  }
0x91: {  	s17 =	sld [smem:$0x3FFB];
	_ =	sdelay $0x3  }
0x92: {  	_ =	strace s17  }
0x93: {  	s2 =	sld [smem:$0x3FFC];
	_ =	sdelay $0x3  }
0x94: {  	_ =	strace s2  }
0x95: {  	s2 =	sld [smem:$0x3FFD];
	_ =	sdelay $0x3  }
0x96: {  	_ =	strace s2  }
0x97: {  	_ =	strace $0x8FFFFFFF  }
0x98: {  	s18 =	sld [smem:$0x3FDB];
	_ =	sdelay $0x1  }
0x99: {  	s19 =	simm.s32 $_scs_section_size  }
0x9a: {  	s4 =	simm.s32 $_size__tile_overlayer_lowered;
	s5 =	simm.s32 $_tile_overlayer_lowered  }
0x9b: {  	s22 =	simm.s32 $0x1BFF;
	s21 =	sshll.u32 s5, $0x1;
	s2 =	sadd.s32 s19, s18  }
0x9c: {  	s6 =	simm.s32 $0x0;
	s20 =	sshll.u32 s4, $0x1;
	s4 =	sadd.s32 s21, s2  }
0x9d: {  	[timem:s6], [sflag:s22] =	dma.local [hbm:s4], s20  }
0x9e: {  	_ =	swait.ge [sflag:s22], s20  }
0x9f: {  	s3 =	ssub.s32 $0x0, s20;
	[sflag:s22] =	ssyncset.done $0x0  }
0xa0: {  	[sflag:s22] =	ssyncadd.s32 s3;
	_ =	sdelay $0x1  }
0xa1: {  	s23 =	simm.s32 $0x1B8B  }
0xa2: {  	_ =	swait.ge [sflag:s23], $0x1  }
0xa3: {  	[sflag:s23] =	ssyncset.done $0x0  }
0xa4: {  	s25 =	simm.s32 $0x1B8E;
	s24 =	sld [smem:$0x3FFE];
	[sflag:s23] =	ssyncadd.s32 $0xFFFFFFFF  }
0xa5: {  	s26 =	simm.s32 $execute0_lowered;
	[smem:$0x3FD2] =	sst s25  }
0xa6: {  	s4 =	sshll.u32 s26, $0x1;
	_ =	strace $0x8000004C;
	[dreg:$0x1] =	wrdreg $0xFFFFFFFF  }
0xa7: {  	s28 =	simm.s32 $_size_execute0_lowered;
	s2 =	sadd.s32 s2, s4;
	[dreg:$0x0] =	wrdreg $0x0  }
0xa8: {  	s4 =	sshll.u32 s28, $0x1;
	[dreg:$0x2] =	wrdreg s2  }
0xa9: {  	[dreg:$0x3] =	wrdreg s4  }
0xaa: {  	[dreg:$0x4] =	wrdreg $0xC0  }
0xab: {  	_ =	task [dreg:s6], $0x5FFFF  }
0xac: {  	[dreg:$0x1] =	wrdreg $0xFFFFFFFF  }
0xad: {  	[dreg:$0x0] =	wrdreg $0x60  }
0xae: {  	[dreg:$0x2] =	wrdreg s24  }
0xaf: {  	[dreg:$0x3] =	wrdreg $0xB0000  }
0xb0: {  	[dreg:$0x4] =	wrdreg $0x9  }
0xb1: {  	_ =	task.clear_ibuf [dreg:s6], $0x5FFFF;
	_ =	strace $0x9000004C  }
0xb2: {  	s29 =	simm.s32 $0x9;
	_ =	strace $0x8000004E  }
0xb3: {  	_ =	swait.ge [sflag:s29], $0x1  }
0xb4: {  	[sflag:s29] =	ssyncadd.s32 $0xFFFFFFFF  }
0xb5: {  	_ =	strace $0x9000004E  }
0xb6: {  	_ =	sfence  }
0xb7: {  	s30 =	sld [smem:$0x0];
	_ =	sdelay $0x2  }
0xb8: {  	s31 =	sshll.u32 s1, $0xD;
	s1 =	sshrl.u32 s1, $0x2  }
0xb9: {  	s3 =	sand.u32 $0x4000, s31;
	s1 =	sadd.s32 s1, s30  }
0xba: {  	s0 =	sor.u32 s3, s0;
	s1 =	sshll.u32 s1, $0x11  }
0xbb: {  	s0 =	sor.u32 s1, s0  }
0xbc: {  	s0 =	sadd.s32 $0x8F2B, s0  }
0xbd: {  	[sflag:s0] =	ssyncadd.remote.s32 $0x1  }
0xbe: {  	_ =	sfence.sel $0xFFFF  }
0xbf: {  	[dreg:$0x0] =	wrdreg $0xFFFFFFFF;
	(pc) =	sbr.abs _section_cstart, $3  }
0xc0: {  	[dreg:$0x1] =	wrdreg $0xFFFFFFFF  }
0xc1: {  	_ =	task.clear_ibuf [dreg:s6], $0x2FFFF;
	_ =	strace $0x9FFFFFFF  }
0xc2: {  	(tm) =	ssettm $0x7FFFFFFF  }
0xc3: {  	_ =	shalt  }
tec
execute0_lowered:
.L_overlay_start_1:
0x0: {  	(tag) =	ssettag $0x1  }
0x1: {  	s0 =	rddreg [dreg:$0x0]  }
0x2: {  	s2 =	rddreg [dreg:$0x1];
	s3 =	simm.s32 $0x0;
	s13 =	stileid.u32  }
0x3: {  	s4 =	srdreg.scid;
	s18 =	simm.s32 $0x5;
	s19 =	simm.s32 $0x1800  }
0x4: {  	s20 =	simm.s32 $0x80;
	s21 =	simm.s32 $0x3000;
	s22 =	simm.s32 $0x1  }
0x5: {  	s28 =	simm.s32 $0x100;
	s30 =	simm.s32 $0x4;
	[smem:$0x7FF] =	sst s3  }
0x6: {  	s1 =	smul.u32 $0x14000, s13;
	s7 =	sand.u32 $0x1, s4;
	s4 =	sadd.s32 $0x34C00, s0  }
0x7: {  	s11 =	sadd.s32 $0x8FC00, s0;
	s12 =	sadd.s32 $0x86C00, s0;
	s23 =	smul.u32 $0x50000, s13  }
0x8: {  	s8 =	sshll.u32 s13, $0x8;
	s10 =	smul.u32 $0x4800, s13;
	s26 =	sshll.u32 s13, $0x6  }
0x9: {  	_ =	strace $0x8000004D;
	s6 =	smul.u32 $0x140000, s7;
	s14 =	sadd.s32 s8, s0  }
0xa: {  	s24 =	ssub.s32 $0x2, s7;
	p0 =	seq.s32 s7, $0x1;
	s5 =	sshrl.u32 s1, $0x3  }
0xb: {  	s9 =	sshrl.u32 s24, $0x1;
	s29 =	sshrl.u32 s10, $0x3;
	s13 =	sadd.s32 $0x85C00, s14  }
0xc: {  	s14 =	sadd.s32 $0x84C00, s14;
	s5 =	sadd.s32 s5, s0;
	s1 =	sadd.s32 s1, s6  }
0xd: {  	s6 =	sshrl.u32 s23, $0x2;
	s25 =	ssub.s32 s24, s9;
	s7 =	sadd.s32 s11, s29  }
0xe: {  	s8 =	sadd.s32 s12, s29;
	s10 =	sadd.s32 $0x300, s29;
	s31 =	sadd.s32 $0x600, s29  }
0xf: {  	s23 =	simm.s32 $0x7000;
	s24 =	simm.s32 $0x2;
	s1 =	sshrl.u32 s1, $0x3  }
.Ltmp0:
0x10: {  	s17 =	sadd.s32 s6, s2;
	s5 =	sadd.s32 $0xCC00, s5;
	(pc) =	sbr.rel .LBB2_1-.Ltmp0, $4  }
0x11: {  	s6 =	sor.u32 $0x1C05, s26;
	s9 =	sadd.s32 s11, s10;
	s10 =	sadd.s32 s12, s10  }
0x12: {  	s11 =	sadd.s32 s11, s31;
	s12 =	sadd.s32 s12, s31;
	s16 =	smax.u32 s25, $0x1  }
0x13: {  	s25 =	simm.s32 $0x1880;
	s26 =	simm.s32 $0x3;
	s0 =	sadd.s32 s1, s0  }
0x14: {  	s17 =	sshrl.u32 s17, $0x3;
	s1 =	simm.s32 $0x0;
	s15 =	sadd.s32 $0x98C00, s0  }
.LBB2_11:
0x15: {  	[tilespmem:s3], [sflag:$0x5] =	stream.linear.gather [hbm4b:s13+s3], $0x800, $0x38;
	[tilespmem:$0x1F000] =	vst v63  }
0x16: {  	_ =	swait.ge [sflag:s18], $0x800  }
0x17: {  	[sflag:s18] =	ssyncset.done $0x0  }
0x18: {  	[sflag:s18] =	ssyncadd.s32 $0xFFFFF800  }
0x19: {  	[tilespmem:s19], [sflag:$0x5] =	stream.linear.gather [hbm4b:s14+s3], $0x800, $0x38;
	[tilespmem:$0x1F000] =	vst v63  }
0x1a: {  	_ =	swait.ge [sflag:s18], $0x800  }
0x1b: {  	[sflag:s18] =	ssyncset.done $0x0  }
0x1c: {  	[sflag:s18] =	ssyncadd.s32 $0xFFFFF800  }
0x1d: {  	[tilespmem:s21], [sflag:$0x1] =	stream.indirect.gather [hbm4b:s4+s20], $0x80, s3, s20, $0xb8;
	[tilespmem:$0x1F000] =	vst v63  }
0x1e: {  	_ =	swait.ge [sflag:s22], $0x4000  }
0x1f: {  	[sflag:s22] =	ssyncset.done $0x0  }
0x20: {  	[sflag:s22] =	ssyncadd.s32 $0xFFFFC000  }
0x21: {  	[spmem:s2] =	stream.indirect.scatter.add.f32 [tilespmem:s21], [sflag:$0x3], $0x80, s19, s20, $0xb8;
	[tilespmem:$0x1F000] =	vst v63  }
0x22: {  	_ = 	snop  }
0x23: {  	[tilespmem:s23], [sflag:$0x2] =	stream.indirect.gather [hbm4b:s4+s20], $0x80, s20, s20, $0xb8;
	[tilespmem:$0x1F000] =	vst v63  }
0x24: {  	_ =	swait.ge [sflag:s24], $0x4000  }
0x25: {  	[sflag:s24] =	ssyncset.done $0x0  }
0x26: {  	[sflag:s24] =	ssyncadd.s32 $0xFFFFC000  }
0x27: {  	[spmem:s2] =	stream.indirect.scatter.add.f32 [tilespmem:s23], [sflag:$0x4], $0x80, s25, s20, $0xb8;
	[tilespmem:$0x1F000] =	vst v63  }
0x28: {  	_ =	swait.ge [sflag:s26], $0x4000  }
0x29: {  	[sflag:s26] =	ssyncset.done $0x0  }
0x2a: {  	[sflag:s26] =	ssyncadd.s32 $0xFFFFC000  }
0x2b: {  	[tilespmem:s21], [sflag:$0x1] =	stream.indirect.gather [hbm4b:s4+s20], $0x80, s28, s20, $0xb8;
	[tilespmem:$0x1F000] =	vst v63  }
0x2c: {  	_ =	swait.ge [sflag:s22], $0x4000  }
0x2d: {  	[sflag:s22] =	ssyncset.done $0x0  }
0x2e: {  	s0 =	simm.s32 $0x1900;
	[sflag:s22] =	ssyncadd.s32 $0xFFFFC000  }
0x2f: {  	[spmem:s2] =	stream.indirect.scatter.add.f32 [tilespmem:s21], [sflag:$0x3], $0x80, s0, s20, $0xb8;
	[tilespmem:$0x1F000] =	vst v63  }
0x30: {  	_ =	swait.ge [sflag:s30], $0x4000  }
0x31: {  	[sflag:s30] =	ssyncset.done $0x0  }
0x32: {  	s29 =	simm.s32 $0x180;
	[sflag:s30] =	ssyncadd.s32 $0xFFFFC000  }
0x33: {  	[tilespmem:s23], [sflag:$0x2] =	stream.indirect.gather [hbm4b:s4+s20], $0x80, s29, s20, $0xb8;
	[tilespmem:$0x1F000] =	vst v63  }
0x34: {  	_ =	swait.ge [sflag:s24], $0x4000  }
0x35: {  	[sflag:s24] =	ssyncset.done $0x0  }
0x36: {  	s31 =	simm.s32 $0x1980;
	[sflag:s24] =	ssyncadd.s32 $0xFFFFC000  }
0x37: {  	[spmem:s2] =	stream.indirect.scatter.add.f32 [tilespmem:s23], [sflag:$0x4], $0x80, s31, s20, $0xb8;
	[tilespmem:$0x1F000] =	vst v63  }
0x38: {  	_ =	swait.ge [sflag:s26], $0x4000  }
0x39: {  	[sflag:s26] =	ssyncset.done $0x0  }
0x3a: {  	s29 =	simm.s32 $0x200;
	[sflag:s26] =	ssyncadd.s32 $0xFFFFC000  }
0x3b: {  	[tilespmem:s21], [sflag:$0x1] =	stream.indirect.gather [hbm4b:s4+s20], $0x80, s29, s20, $0xb8;
	[tilespmem:$0x1F000] =	vst v63  }
0x3c: {  	_ =	swait.ge [sflag:s22], $0x4000  }
0x3d: {  	[sflag:s22] =	ssyncset.done $0x0  }
0x3e: {  	s31 =	simm.s32 $0x1A00;
	[sflag:s22] =	ssyncadd.s32 $0xFFFFC000  }
0x3f: {  	[spmem:s2] =	stream.indirect.scatter.add.f32 [tilespmem:s21], [sflag:$0x3], $0x80, s31, s20, $0xb8;
	[tilespmem:$0x1F000] =	vst v63  }
0x40: {  	_ =	swait.ge [sflag:s30], $0x4000  }
0x41: {  	[sflag:s30] =	ssyncset.done $0x0  }
0x42: {  	s29 =	simm.s32 $0x280;
	[sflag:s30] =	ssyncadd.s32 $0xFFFFC000  }
0x43: {  	[tilespmem:s23], [sflag:$0x2] =	stream.indirect.gather [hbm4b:s4+s20], $0x80, s29, s20, $0xb8;
	[tilespmem:$0x1F000] =	vst v63  }
0x44: {  	_ =	swait.ge [sflag:s24], $0x4000  }
0x45: {  	[sflag:s24] =	ssyncset.done $0x0  }
0x46: {  	s31 =	simm.s32 $0x1A80;
	[sflag:s24] =	ssyncadd.s32 $0xFFFFC000  }
0x47: {  	[spmem:s2] =	stream.indirect.scatter.add.f32 [tilespmem:s23], [sflag:$0x4], $0x80, s31, s20, $0xb8;
	[tilespmem:$0x1F000] =	vst v63  }
0x48: {  	_ =	swait.ge [sflag:s26], $0x4000  }
0x49: {  	[sflag:s26] =	ssyncset.done $0x0  }
0x4a: {  	s29 =	simm.s32 $0x300;
	[sflag:s26] =	ssyncadd.s32 $0xFFFFC000  }
0x4b: {  	[tilespmem:s21], [sflag:$0x1] =	stream.indirect.gather [hbm4b:s4+s20], $0x80, s29, s20, $0xb8;
	[tilespmem:$0x1F000] =	vst v63  }
0x4c: {  	_ =	swait.ge [sflag:s22], $0x4000  }
0x4d: {  	[sflag:s22] =	ssyncset.done $0x0  }
0x4e: {  	s31 =	simm.s32 $0x1B00;
	[sflag:s22] =	ssyncadd.s32 $0xFFFFC000  }
0x4f: {  	[spmem:s2] =	stream.indirect.scatter.add.f32 [tilespmem:s21], [sflag:$0x3], $0x80, s31, s20, $0xb8;
	[tilespmem:$0x1F000] =	vst v63  }
0x50: {  	_ =	swait.ge [sflag:s30], $0x4000  }
0x51: {  	[sflag:s30] =	ssyncset.done $0x0  }
0x52: {  	s29 =	simm.s32 $0x380;
	[sflag:s30] =	ssyncadd.s32 $0xFFFFC000  }
0x53: {  	[tilespmem:s23], [sflag:$0x2] =	stream.indirect.gather [hbm4b:s4+s20], $0x80, s29, s20, $0xb8;
	[tilespmem:$0x1F000] =	vst v63  }
0x54: {  	_ =	swait.ge [sflag:s24], $0x4000  }
0x55: {  	[sflag:s24] =	ssyncset.done $0x0  }
0x56: {  	s31 =	simm.s32 $0x1B80;
	[sflag:s24] =	ssyncadd.s32 $0xFFFFC000  }
0x57: {  	[spmem:s2] =	stream.indirect.scatter.add.f32 [tilespmem:s23], [sflag:$0x4], $0x80, s31, s20, $0xb8;
	[tilespmem:$0x1F000] =	vst v63  }
0x58: {  	_ =	swait.ge [sflag:s26], $0x4000  }
0x59: {  	[sflag:s26] =	ssyncset.done $0x0  }
0x5a: {  	s29 =	simm.s32 $0x400;
	[sflag:s26] =	ssyncadd.s32 $0xFFFFC000  }
0x5b: {  	[tilespmem:s21], [sflag:$0x1] =	stream.indirect.gather [hbm4b:s4+s20], $0x80, s29, s20, $0xb8;
	[tilespmem:$0x1F000] =	vst v63  }
0x5c: {  	_ =	swait.ge [sflag:s22], $0x4000  }
0x5d: {  	[sflag:s22] =	ssyncset.done $0x0  }
0x5e: {  	s31 =	simm.s32 $0x1C00;
	[sflag:s22] =	ssyncadd.s32 $0xFFFFC000  }
0x5f: {  	[spmem:s2] =	stream.indirect.scatter.add.f32 [tilespmem:s21], [sflag:$0x3], $0x80, s31, s20, $0xb8;
	[tilespmem:$0x1F000] =	vst v63  }
0x60: {  	_ =	swait.ge [sflag:s30], $0x4000  }
0x61: {  	[sflag:s30] =	ssyncset.done $0x0  }
0x62: {  	s29 =	simm.s32 $0x480;
	[sflag:s30] =	ssyncadd.s32 $0xFFFFC000  }
0x63: {  	[tilespmem:s23], [sflag:$0x2] =	stream.indirect.gather [hbm4b:s4+s20], $0x80, s29, s20, $0xb8;
	[tilespmem:$0x1F000] =	vst v63  }
0x64: {  	_ =	swait.ge [sflag:s24], $0x4000  }
0x65: {  	[sflag:s24] =	ssyncset.done $0x0  }
0x66: {  	s31 =	simm.s32 $0x1C80;
	[sflag:s24] =	ssyncadd.s32 $0xFFFFC000  }
0x67: {  	[spmem:s2] =	stream.indirect.scatter.add.f32 [tilespmem:s23], [sflag:$0x4], $0x80, s31, s20, $0xb8;
	[tilespmem:$0x1F000] =	vst v63  }
0x68: {  	_ =	swait.ge [sflag:s26], $0x4000  }
0x69: {  	[sflag:s26] =	ssyncset.done $0x0  }
0x6a: {  	s29 =	simm.s32 $0x500;
	[sflag:s26] =	ssyncadd.s32 $0xFFFFC000  }
0x6b: {  	[tilespmem:s21], [sflag:$0x1] =	stream.indirect.gather [hbm4b:s4+s20], $0x80, s29, s20, $0xb8;
	[tilespmem:$0x1F000] =	vst v63  }
0x6c: {  	_ =	swait.ge [sflag:s22], $0x4000  }
0x6d: {  	[sflag:s22] =	ssyncset.done $0x0  }
0x6e: {  	s31 =	simm.s32 $0x1D00;
	[sflag:s22] =	ssyncadd.s32 $0xFFFFC000  }
0x6f: {  	[spmem:s2] =	stream.indirect.scatter.add.f32 [tilespmem:s21], [sflag:$0x3], $0x80, s31, s20, $0xb8;
	[tilespmem:$0x1F000] =	vst v63  }
0x70: {  	_ =	swait.ge [sflag:s30], $0x4000  }
0x71: {  	[sflag:s30] =	ssyncset.done $0x0  }
0x72: {  	s29 =	simm.s32 $0x580;
	[sflag:s30] =	ssyncadd.s32 $0xFFFFC000  }
0x73: {  	[tilespmem:s23], [sflag:$0x2] =	stream.indirect.gather [hbm4b:s4+s20], $0x80, s29, s20, $0xb8;
	[tilespmem:$0x1F000] =	vst v63  }
0x74: {  	_ =	swait.ge [sflag:s24], $0x4000  }
0x75: {  	[sflag:s24] =	ssyncset.done $0x0  }
0x76: {  	s31 =	simm.s32 $0x1D80;
	[sflag:s24] =	ssyncadd.s32 $0xFFFFC000  }
0x77: {  	[spmem:s2] =	stream.indirect.scatter.add.f32 [tilespmem:s23], [sflag:$0x4], $0x80, s31, s20, $0xb8;
	[tilespmem:$0x1F000] =	vst v63  }
0x78: {  	_ =	swait.ge [sflag:s26], $0x4000  }
0x79: {  	[sflag:s26] =	ssyncset.done $0x0  }
0x7a: {  	s29 =	simm.s32 $0x600;
	[sflag:s26] =	ssyncadd.s32 $0xFFFFC000  }
0x7b: {  	[tilespmem:s21], [sflag:$0x1] =	stream.indirect.gather [hbm4b:s4+s20], $0x80, s29, s20, $0xb8;
	[tilespmem:$0x1F000] =	vst v63  }
0x7c: {  	_ =	swait.ge [sflag:s22], $0x4000  }
0x7d: {  	[sflag:s22] =	ssyncset.done $0x0  }
0x7e: {  	s31 =	simm.s32 $0x1E00;
	[sflag:s22] =	ssyncadd.s32 $0xFFFFC000  }
0x7f: {  	[spmem:s2] =	stream.indirect.scatter.add.f32 [tilespmem:s21], [sflag:$0x3], $0x80, s31, s20, $0xb8;
	[tilespmem:$0x1F000] =	vst v63  }
0x80: {  	_ =	swait.ge [sflag:s30], $0x4000  }
0x81: {  	[sflag:s30] =	ssyncset.done $0x0  }
0x82: {  	s29 =	simm.s32 $0x680;
	[sflag:s30] =	ssyncadd.s32 $0xFFFFC000  }
0x83: {  	[tilespmem:s23], [sflag:$0x2] =	stream.indirect.gather [hbm4b:s4+s20], $0x80, s29, s20, $0xb8;
	[tilespmem:$0x1F000] =	vst v63  }
0x84: {  	_ =	swait.ge [sflag:s24], $0x4000  }
0x85: {  	[sflag:s24] =	ssyncset.done $0x0  }
0x86: {  	s31 =	simm.s32 $0x1E80;
	[sflag:s24] =	ssyncadd.s32 $0xFFFFC000  }
0x87: {  	[spmem:s2] =	stream.indirect.scatter.add.f32 [tilespmem:s23], [sflag:$0x4], $0x80, s31, s20, $0xb8;
	[tilespmem:$0x1F000] =	vst v63  }
0x88: {  	_ =	swait.ge [sflag:s26], $0x4000  }
0x89: {  	[sflag:s26] =	ssyncset.done $0x0  }
0x8a: {  	s29 =	simm.s32 $0x700;
	[sflag:s26] =	ssyncadd.s32 $0xFFFFC000  }
0x8b: {  	[tilespmem:s21], [sflag:$0x1] =	stream.indirect.gather [hbm4b:s4+s20], $0x80, s29, s20, $0xb8;
	[tilespmem:$0x1F000] =	vst v63  }
0x8c: {  	_ =	swait.ge [sflag:s22], $0x4000  }
0x8d: {  	[sflag:s22] =	ssyncset.done $0x0  }
0x8e: {  	s31 =	simm.s32 $0x1F00;
	[sflag:s22] =	ssyncadd.s32 $0xFFFFC000  }
0x8f: {  	[spmem:s2] =	stream.indirect.scatter.add.f32 [tilespmem:s21], [sflag:$0x3], $0x80, s31, s20, $0xb8;
	[tilespmem:$0x1F000] =	vst v63  }
0x90: {  	_ =	swait.ge [sflag:s30], $0x4000  }
0x91: {  	[sflag:s30] =	ssyncset.done $0x0  }
0x92: {  	s29 =	simm.s32 $0x780;
	[sflag:s30] =	ssyncadd.s32 $0xFFFFC000  }
0x93: {  	[tilespmem:s23], [sflag:$0x2] =	stream.indirect.gather [hbm4b:s4+s20], $0x80, s29, s20, $0xb8;
	[tilespmem:$0x1F000] =	vst v63  }
0x94: {  	_ =	swait.ge [sflag:s24], $0x4000  }
0x95: {  	[sflag:s24] =	ssyncset.done $0x0  }
0x96: {  	s31 =	simm.s32 $0x1F80;
	[sflag:s24] =	ssyncadd.s32 $0xFFFFC000  }
0x97: {  	[spmem:s2] =	stream.indirect.scatter.add.f32 [tilespmem:s23], [sflag:$0x4], $0x80, s31, s20, $0xb8;
	[tilespmem:$0x1F000] =	vst v63  }
0x98: {  	_ =	swait.ge [sflag:s26], $0x4000  }
0x99: {  	[sflag:s26] =	ssyncset.done $0x0  }
0x9a: {  	[sflag:s26] =	ssyncadd.s32 $0xFFFFC000  }
.LBB2_12:
0x9b: {  	_ =	swait.ge [sflag:s30], $0x4000  }
0x9c: {  	s1 =	sadd.s32 $0x1, s1;
	[sflag:s30] =	ssyncset.done $0x0  }
0x9d: {  	p1 =	sne.s32 s1, s16;
	[sflag:s30] =	ssyncadd.s32 $0xFFFFC000  }
.Ltmp1:
0x9e: {  	[bflag:$0x0] =	sbarrier.arrive $0xFFFF;
	(pc) =	sbr.rel @!p1 .LBB2_13-.Ltmp1, $4  }
0x9f: {  	[hbm:s15], [sflag:s6] =	dma.local [spmem:s17], $0x2800  }
0xa0: {  	_ =	swait.ge [sflag:s18], $0x2800  }
0xa1: {  	[sflag:s18] =	ssyncset.done $0x0  }
0xa2: {  	[sflag:s18] =	ssyncadd.s32 $0xFFFFD800  }
.LBB2_1:
0xa3: {  	[spmem:s17], [sflag:s6] =	dma.local [hbm:s5], $0x2800  }
.Ltmp2:
0xa4: {  	_ =	swait.ge [sflag:s18], $0x2800;
	(pc) =	sbr.rel @p0 .LBB2_11-.Ltmp2, $3  }
0xa5: {  	[sflag:s18] =	ssyncset.done $0x0  }
0xa6: {  	[sflag:s18] =	ssyncadd.s32 $0xFFFFD800  }
0xa7: {  	[bflag:$0x0] =	sbarrier.arrive $0xFFFF;
	_ =	sdelay $0x1  }
0xa8: {  	[tilespmem:s3], [sflag:$0x5] =	stream.linear.gather [hbm4b:s7+s3], $0x1800, $0x38;
	[tilespmem:$0x1F000] =	vst v63  }
0xa9: {  	_ =	swait.ge [sflag:s18], $0x1800  }
0xaa: {  	[sflag:s18] =	ssyncset.done $0x0  }
0xab: {  	[sflag:s18] =	ssyncadd.s32 $0xFFFFE800  }
0xac: {  	[tilespmem:s19], [sflag:$0x5] =	stream.linear.gather [hbm4b:s8+s3], $0x1800, $0x38;
	[tilespmem:$0x1F000] =	vst v63  }
0xad: {  	_ =	swait.ge [sflag:s18], $0x1800  }
0xae: {  	[sflag:s18] =	ssyncset.done $0x0  }
0xaf: {  	[sflag:s18] =	ssyncadd.s32 $0xFFFFE800  }
0xb0: {  	[tilespmem:s21], [sflag:$0x1] =	stream.indirect.gather [hbm4b:s4+s20], $0x80, s3, s20, $0xb8;
	[tilespmem:$0x1F000] =	vst v63  }
0xb1: {  	_ =	swait.ge [sflag:s22], $0x4000  }
0xb2: {  	[sflag:s22] =	ssyncset.done $0x0  }
0xb3: {  	[sflag:s22] =	ssyncadd.s32 $0xFFFFC000  }
0xb4: {  	[spmem:s2] =	stream.indirect.scatter.add.f32 [tilespmem:s21], [sflag:$0x3], $0x80, s19, s20, $0xb8;
	[tilespmem:$0x1F000] =	vst v63  }
0xb5: {  	_ = 	snop  }
0xb6: {  	[tilespmem:s23], [sflag:$0x2] =	stream.indirect.gather [hbm4b:s4+s20], $0x80, s20, s20, $0xb8;
	[tilespmem:$0x1F000] =	vst v63  }
0xb7: {  	_ =	swait.ge [sflag:s24], $0x4000  }
0xb8: {  	[sflag:s24] =	ssyncset.done $0x0  }
0xb9: {  	[sflag:s24] =	ssyncadd.s32 $0xFFFFC000  }
0xba: {  	[spmem:s2] =	stream.indirect.scatter.add.f32 [tilespmem:s23], [sflag:$0x4], $0x80, s25, s20, $0xb8;
	[tilespmem:$0x1F000] =	vst v63  }
0xbb: {  	_ =	swait.ge [sflag:s26], $0x4000  }
0xbc: {  	[sflag:s26] =	ssyncset.done $0x0  }
0xbd: {  	s29 =	simm.s32 $0xFFFFA800;
	[sflag:s26] =	ssyncadd.s32 $0xFFFFC000  }
0xbe: {  	[tilespmem:s21], [sflag:$0x1] =	stream.indirect.gather [hbm4b:s4+s20], $0x80, s28, s20, $0xb8;
	[tilespmem:$0x1F000] =	vst v63  }
.LBB2_3:
0xbf: {  	_ =	swait.ge [sflag:s22], $0x4000  }
0xc0: {  	s31 =	sshra.s32 s29, $0x2;
	[sflag:s22] =	ssyncset.done $0x0  }
0xc1: {  	s0 =	sadd.s32 $0x2F00, s31;
	[sflag:s22] =	ssyncadd.s32 $0xFFFFC000  }
0xc2: {  	[spmem:s2] =	stream.indirect.scatter.add.f32 [tilespmem:s21], [sflag:$0x3], $0x80, s0, s20, $0xb8;
	[tilespmem:$0x1F000] =	vst v63  }
0xc3: {  	_ =	swait.ge [sflag:s30], $0x4000  }
0xc4: {  	[sflag:s30] =	ssyncset.done $0x0  }
0xc5: {  	s0 =	sadd.s32 $0x1780, s31;
	[sflag:s30] =	ssyncadd.s32 $0xFFFFC000  }
0xc6: {  	[tilespmem:s23], [sflag:$0x2] =	stream.indirect.gather [hbm4b:s4+s20], $0x80, s0, s20, $0xb8;
	[tilespmem:$0x1F000] =	vst v63  }
0xc7: {  	_ =	swait.ge [sflag:s24], $0x4000  }
0xc8: {  	p1 =	seq.s32 s29, $0x0;
	[sflag:s24] =	ssyncset.done $0x0  }
.Ltmp3:
0xc9: {  	s0 =	sadd.s32 $0x2F80, s31;
	[sflag:s24] =	ssyncadd.s32 $0xFFFFC000;
	(pc) =	sbr.rel @p1 .LBB2_5-.Ltmp3, $4  }
0xca: {  	[spmem:s2] =	stream.indirect.scatter.add.f32 [tilespmem:s23], [sflag:$0x4], $0x80, s0, s20, $0xb8;
	[tilespmem:$0x1F000] =	vst v63  }
0xcb: {  	_ =	swait.ge [sflag:s26], $0x4000  }
0xcc: {  	[sflag:s26] =	ssyncset.done $0x0  }
0xcd: {  	[sflag:s26] =	ssyncadd.s32 $0xFFFFC000  }
.Ltmp4:
0xce: {  	(pc) =	sbr.rel .LBB2_3-.Ltmp4, $3  }
0xcf: {  	_ =	sdelay $0x1  }
0xd0: {  	s0 =	sadd.s32 $0x1800, s31;
	s29 =	sadd.s32 $0x400, s29  }
0xd1: {  	[tilespmem:s21], [sflag:$0x1] =	stream.indirect.gather [hbm4b:s4+s20], $0x80, s0, s20, $0xb8;
	[tilespmem:$0x1F000] =	vst v63  }
.LBB2_5:
0xd2: {  	_ =	swait.ge [sflag:s30], $0x4000  }
0xd3: {  	[sflag:s30] =	ssyncset.done $0x0  }
0xd4: {  	[sflag:s30] =	ssyncadd.s32 $0xFFFFC000  }
0xd5: {  	[tilespmem:s3], [sflag:$0x5] =	stream.linear.gather [hbm4b:s9+s3], $0x1800, $0x38;
	[tilespmem:$0x1F000] =	vst v63  }
0xd6: {  	_ =	swait.ge [sflag:s18], $0x1800  }
0xd7: {  	[sflag:s18] =	ssyncset.done $0x0  }
0xd8: {  	[sflag:s18] =	ssyncadd.s32 $0xFFFFE800  }
0xd9: {  	[tilespmem:s19], [sflag:$0x5] =	stream.linear.gather [hbm4b:s10+s3], $0x1800, $0x38;
	[tilespmem:$0x1F000] =	vst v63  }
0xda: {  	_ =	swait.ge [sflag:s18], $0x1800  }
0xdb: {  	[sflag:s18] =	ssyncset.done $0x0  }
0xdc: {  	[sflag:s18] =	ssyncadd.s32 $0xFFFFE800  }
0xdd: {  	[tilespmem:s21], [sflag:$0x1] =	stream.indirect.gather [hbm4b:s4+s20], $0x80, s3, s20, $0xb8;
	[tilespmem:$0x1F000] =	vst v63  }
0xde: {  	_ =	swait.ge [sflag:s22], $0x4000  }
0xdf: {  	[sflag:s22] =	ssyncset.done $0x0  }
0xe0: {  	[sflag:s22] =	ssyncadd.s32 $0xFFFFC000  }
0xe1: {  	[spmem:s2] =	stream.indirect.scatter.add.f32 [tilespmem:s21], [sflag:$0x3], $0x80, s19, s20, $0xb8;
	[tilespmem:$0x1F000] =	vst v63  }
0xe2: {  	_ = 	snop  }
0xe3: {  	[tilespmem:s23], [sflag:$0x2] =	stream.indirect.gather [hbm4b:s4+s20], $0x80, s20, s20, $0xb8;
	[tilespmem:$0x1F000] =	vst v63  }
0xe4: {  	_ =	swait.ge [sflag:s24], $0x4000  }
0xe5: {  	[sflag:s24] =	ssyncset.done $0x0  }
0xe6: {  	[sflag:s24] =	ssyncadd.s32 $0xFFFFC000  }
0xe7: {  	[spmem:s2] =	stream.indirect.scatter.add.f32 [tilespmem:s23], [sflag:$0x4], $0x80, s25, s20, $0xb8;
	[tilespmem:$0x1F000] =	vst v63  }
0xe8: {  	_ =	swait.ge [sflag:s26], $0x4000  }
0xe9: {  	[sflag:s26] =	ssyncset.done $0x0  }
0xea: {  	s29 =	simm.s32 $0xFFFFA800;
	[sflag:s26] =	ssyncadd.s32 $0xFFFFC000  }
0xeb: {  	[tilespmem:s21], [sflag:$0x1] =	stream.indirect.gather [hbm4b:s4+s20], $0x80, s28, s20, $0xb8;
	[tilespmem:$0x1F000] =	vst v63  }
.LBB2_6:
0xec: {  	_ =	swait.ge [sflag:s22], $0x4000  }
0xed: {  	s31 =	sshra.s32 s29, $0x2;
	[sflag:s22] =	ssyncset.done $0x0  }
0xee: {  	s0 =	sadd.s32 $0x2F00, s31;
	[sflag:s22] =	ssyncadd.s32 $0xFFFFC000  }
0xef: {  	[spmem:s2] =	stream.indirect.scatter.add.f32 [tilespmem:s21], [sflag:$0x3], $0x80, s0, s20, $0xb8;
	[tilespmem:$0x1F000] =	vst v63  }
0xf0: {  	_ =	swait.ge [sflag:s30], $0x4000  }
0xf1: {  	[sflag:s30] =	ssyncset.done $0x0  }
0xf2: {  	s0 =	sadd.s32 $0x1780, s31;
	[sflag:s30] =	ssyncadd.s32 $0xFFFFC000  }
0xf3: {  	[tilespmem:s23], [sflag:$0x2] =	stream.indirect.gather [hbm4b:s4+s20], $0x80, s0, s20, $0xb8;
	[tilespmem:$0x1F000] =	vst v63  }
0xf4: {  	_ =	swait.ge [sflag:s24], $0x4000  }
0xf5: {  	p1 =	seq.s32 s29, $0x0;
	[sflag:s24] =	ssyncset.done $0x0  }
.Ltmp5:
0xf6: {  	s0 =	sadd.s32 $0x2F80, s31;
	[sflag:s24] =	ssyncadd.s32 $0xFFFFC000;
	(pc) =	sbr.rel @p1 .LBB2_8-.Ltmp5, $4  }
0xf7: {  	[spmem:s2] =	stream.indirect.scatter.add.f32 [tilespmem:s23], [sflag:$0x4], $0x80, s0, s20, $0xb8;
	[tilespmem:$0x1F000] =	vst v63  }
0xf8: {  	_ =	swait.ge [sflag:s26], $0x4000  }
0xf9: {  	[sflag:s26] =	ssyncset.done $0x0  }
0xfa: {  	[sflag:s26] =	ssyncadd.s32 $0xFFFFC000  }
.Ltmp6:
0xfb: {  	(pc) =	sbr.rel .LBB2_6-.Ltmp6, $3  }
0xfc: {  	_ =	sdelay $0x1  }
0xfd: {  	s0 =	sadd.s32 $0x1800, s31;
	s29 =	sadd.s32 $0x400, s29  }
0xfe: {  	[tilespmem:s21], [sflag:$0x1] =	stream.indirect.gather [hbm4b:s4+s20], $0x80, s0, s20, $0xb8;
	[tilespmem:$0x1F000] =	vst v63  }
.LBB2_8:
0xff: {  	_ =	swait.ge [sflag:s30], $0x4000  }
0x100: {  	[sflag:s30] =	ssyncset.done $0x0  }
0x101: {  	[sflag:s30] =	ssyncadd.s32 $0xFFFFC000  }
0x102: {  	[tilespmem:s3], [sflag:$0x5] =	stream.linear.gather [hbm4b:s11+s3], $0x1800, $0x38;
	[tilespmem:$0x1F000] =	vst v63  }
0x103: {  	_ =	swait.ge [sflag:s18], $0x1800  }
0x104: {  	[sflag:s18] =	ssyncset.done $0x0  }
0x105: {  	[sflag:s18] =	ssyncadd.s32 $0xFFFFE800  }
0x106: {  	[tilespmem:s19], [sflag:$0x5] =	stream.linear.gather [hbm4b:s12+s3], $0x1800, $0x38;
	[tilespmem:$0x1F000] =	vst v63  }
0x107: {  	_ =	swait.ge [sflag:s18], $0x1800  }
0x108: {  	[sflag:s18] =	ssyncset.done $0x0  }
0x109: {  	[sflag:s18] =	ssyncadd.s32 $0xFFFFE800  }
0x10a: {  	[tilespmem:s21], [sflag:$0x1] =	stream.indirect.gather [hbm4b:s4+s20], $0x80, s3, s20, $0xb8;
	[tilespmem:$0x1F000] =	vst v63  }
0x10b: {  	_ =	swait.ge [sflag:s22], $0x4000  }
0x10c: {  	[sflag:s22] =	ssyncset.done $0x0  }
0x10d: {  	[sflag:s22] =	ssyncadd.s32 $0xFFFFC000  }
0x10e: {  	[spmem:s2] =	stream.indirect.scatter.add.f32 [tilespmem:s21], [sflag:$0x3], $0x80, s19, s20, $0xb8;
	[tilespmem:$0x1F000] =	vst v63  }
0x10f: {  	_ = 	snop  }
0x110: {  	[tilespmem:s23], [sflag:$0x2] =	stream.indirect.gather [hbm4b:s4+s20], $0x80, s20, s20, $0xb8;
	[tilespmem:$0x1F000] =	vst v63  }
0x111: {  	_ =	swait.ge [sflag:s24], $0x4000  }
0x112: {  	[sflag:s24] =	ssyncset.done $0x0  }
0x113: {  	[sflag:s24] =	ssyncadd.s32 $0xFFFFC000  }
0x114: {  	[spmem:s2] =	stream.indirect.scatter.add.f32 [tilespmem:s23], [sflag:$0x4], $0x80, s25, s20, $0xb8;
	[tilespmem:$0x1F000] =	vst v63  }
0x115: {  	_ =	swait.ge [sflag:s26], $0x4000  }
0x116: {  	[sflag:s26] =	ssyncset.done $0x0  }
0x117: {  	s29 =	simm.s32 $0xFFFFA800;
	[sflag:s26] =	ssyncadd.s32 $0xFFFFC000  }
0x118: {  	[tilespmem:s21], [sflag:$0x1] =	stream.indirect.gather [hbm4b:s4+s20], $0x80, s28, s20, $0xb8;
	[tilespmem:$0x1F000] =	vst v63  }
.LBB2_9:
0x119: {  	_ =	swait.ge [sflag:s22], $0x4000  }
0x11a: {  	s31 =	sshra.s32 s29, $0x2;
	[sflag:s22] =	ssyncset.done $0x0  }
0x11b: {  	s0 =	sadd.s32 $0x2F00, s31;
	[sflag:s22] =	ssyncadd.s32 $0xFFFFC000  }
0x11c: {  	[spmem:s2] =	stream.indirect.scatter.add.f32 [tilespmem:s21], [sflag:$0x3], $0x80, s0, s20, $0xb8;
	[tilespmem:$0x1F000] =	vst v63  }
0x11d: {  	_ =	swait.ge [sflag:s30], $0x4000  }
0x11e: {  	[sflag:s30] =	ssyncset.done $0x0  }
0x11f: {  	s0 =	sadd.s32 $0x1780, s31;
	[sflag:s30] =	ssyncadd.s32 $0xFFFFC000  }
0x120: {  	[tilespmem:s23], [sflag:$0x2] =	stream.indirect.gather [hbm4b:s4+s20], $0x80, s0, s20, $0xb8;
	[tilespmem:$0x1F000] =	vst v63  }
0x121: {  	_ =	swait.ge [sflag:s24], $0x4000  }
0x122: {  	p1 =	seq.s32 s29, $0x0;
	[sflag:s24] =	ssyncset.done $0x0  }
.Ltmp7:
0x123: {  	s0 =	sadd.s32 $0x2F80, s31;
	[sflag:s24] =	ssyncadd.s32 $0xFFFFC000;
	(pc) =	sbr.rel @p1 .LBB2_12-.Ltmp7, $4  }
0x124: {  	[spmem:s2] =	stream.indirect.scatter.add.f32 [tilespmem:s23], [sflag:$0x4], $0x80, s0, s20, $0xb8;
	[tilespmem:$0x1F000] =	vst v63  }
0x125: {  	_ =	swait.ge [sflag:s26], $0x4000  }
0x126: {  	[sflag:s26] =	ssyncset.done $0x0  }
0x127: {  	[sflag:s26] =	ssyncadd.s32 $0xFFFFC000  }
.Ltmp8:
0x128: {  	(pc) =	sbr.rel .LBB2_9-.Ltmp8, $3  }
0x129: {  	_ =	sdelay $0x1  }
0x12a: {  	s0 =	sadd.s32 $0x1800, s31;
	s29 =	sadd.s32 $0x400, s29  }
0x12b: {  	[tilespmem:s21], [sflag:$0x1] =	stream.indirect.gather [hbm4b:s4+s20], $0x80, s0, s20, $0xb8;
	[tilespmem:$0x1F000] =	vst v63  }
.LBB2_13:
0x12c: {  	_ =	sfence.sel $0x180000  }
0x12d: {  	[bflag:$0x0] =	sbarrier.arrive $0xFFFF  }
0x12e: {  	_ =	strace $0x9000004D  }
0x12f: {  	s0 =	stileid.u32;
	[bflag:$0x2] =	sbarrier.arrive $0xFFFF  }
0x130: {  	p0 =	sne.s32 s0, $0x0;
	s0 =	rddreg [dreg:$0x2]  }
0x131: {  	s0 =	sadd.s32 @!p0 $0x100000, s0  }
0x132: {  	[sflag:s0] =	ssyncadd.tile.s32 @!p0 $0x1;
	_ =	shalt  }
.Lfunc_end2:
_tile_overlayer_lowered:
.L_overlay_start_2:
0x133: {  	(tag) =	ssettag $0x2  }
0x134: {  	s0 =	rddreg [dreg:$0x0];
	s2 =	stileid.u32  }
0x135: {  	s1 =	rddreg [dreg:$0x1];
	p0 =	sne.s32 s2, $0x0  }
0x136: {  	s3 =	rddreg [dreg:$0x2];
	[bflag:$0x3] =	sbarrier.arrive $0xFFFF;
	s2 =	simm.s32 @!p0 $0x1C05  }
0x137: {  	[timem:s3], [sflag:s2] =	dma.local @!p0 [hbm:s0], s1  }
0x138: {  	s0 =	simm.s32 @!p0 $0x5  }
0x139: {  	_ =	swait.ge @!p0 [sflag:s0], s1  }
0x13a: {  	s1 =	ssub.s32 @!p0 $0x0, s1;
	[sflag:s0] =	ssyncset.done @!p0 $0x0  }
0x13b: {  	[sflag:s0] =	ssyncadd.s32 @!p0 s1  }
0x13c: {  	[bflag:$0x3] =	sbarrier.arrive $0xFFFF  }
0x13d: {  	_ =	shalt  }

// kernel: kernel.9.cloned.1.call-start
scs
__scs_entry_jumppad:
0x0: {  	(pc) =	sbr.rel $0x88, $3  }
0x1: {  	(tag) =	ssettag $0x0;
	lr =	simm.s32 $0x1  }
0x2: {  	[smem:$0x3F9A] =	sst lr;
	_ =	strace $0xD0000000  }
0x3: {  	_ = 	snop  }
0x4: {  	_ = 	snop  }
0x5: {  	_ = 	snop  }
0x6: {  	_ = 	snop  }
0x7: {  	_ = 	snop  }
__scs_overlays_trampoline_lowered:
0x8: {  	[smem:$0x3FA9] =	sst s0  }
0x9: {  	[smem:$0x3FAA] =	sst s1  }
0xa: {  	[smem:$0x3FAB] =	sst s2  }
0xb: {  	[smem:$0x3FAC] =	sst s3  }
0xc: {  	[smem:$0x3FAD] =	sst s4  }
0xd: {  	[smem:$0x3FAE] =	sst s5  }
0xe: {  	[smem:$0x3FAF] =	sst s6  }
0xf: {  	[smem:$0x3FB0] =	sst s7  }
0x10: {  	[smem:$0x3FB1] =	sst s8  }
0x11: {  	[smem:$0x3FB2] =	sst s9;
	s0 =	simm.s32 @!p0 $0x0  }
0x12: {  	s1 =	sld [smem:$0x3F98];
	s0 =	simm.s32 @p0 $0x1  }
0x13: {  	[smem:$0x3FB3] =	sst s0;
	s0 =	simm.s32 @!p1 $0x0  }
0x14: {  	s2 =	sld [smem:$0x3F97];
	s0 =	simm.s32 @p1 $0x1  }
0x15: {  	[smem:$0x3FB4] =	sst s0;
	s0 =	simm.s32 @!p2 $0x0  }
0x16: {  	s3 =	sld [smem:$0x3FDB];
	s0 =	simm.s32 @p2 $0x1  }
0x17: {  	s4 =	simm.s32 $0x1BF5;
	[smem:$0x3FB6] =	sst s0  }
0x18: {  	s0 =	sld [smem:$0x3F99];
	_ =	swait.ge [sflag:s4], $0x0  }
0x19: {  	s7 =	sld [smem:$0x3F9A]  }
0x1a: {  	s8 =	sadd.s32 $0xFFFFE003, lr  }
0x1b: {  	s9 =	sadd.s32 $0xFFFFFEF7, lr;
	s5 =	simm.s32 $0xFFFFFFFF;
	p2 =	slt.u32 s8, $0xFFFFF086  }
0x1c: {  	p1 =	slt.u32 s9, $0xF7A;
	s5 =	simm.s32 @!p2 $0x0  }
0x1d: {  	s5 =	simm.s32 @p1 $0x1;
	p0 =	seq.s32 s7, s2  }
0x1e: {  	s7 =	smul.u32 @!p0 $0xF7A, s2;
	p2 =	seq.s32 @!p0 s5, $0x0  }
0x1f: {  	s9 =	smul.u32 $0xF7A, s1;
	s8 =	simm.s32 @!p0 $0x1BF5;
	p2 =	por !p2, p0  }
0x20: {  	[sflag:s8] =	ssyncset.s32 @!p0 $0xFFFFF086;
	s6 =	sadd.s32 @!p0 s3, s7;
	s7 =	simm.s32 @!p0 $0x108  }
0x21: {  	s3 =	sadd.s32 s3, s9;
	s6 =	sadd.s32 @!p0 $0x88, s6;
	s7 =	simm.s32 @p2 $0x1082  }
0x22: {  	[simem:s7], [sflag:s8] =	dma.local @!p0 [hbm:s6], $0xF7A  }
0x23: {  	s9 =	sor.u32 $0xD0000000, s2;
	s6 =	simm.s32 $0x108;
	_ =	swait.ge @!p0 [sflag:s8], $0x0  }
0x24: {  	s3 =	sadd.s32 $0x88, s3;
	s6 =	simm.s32 @!p1 $0x1082;
	[sflag:s4] =	ssyncset.s32 $0xFFFFF086  }
0x25: {  	[simem:s6], [sflag:s4] =	dma.local [hbm:s3], $0xF7A  }
0x26: {  	[smem:$0x3F9A] =	sst s1;
	(tag) =	ssettag s2;
	_ =	strace s9  }
0x27: {  	s1 =	sld [smem:$0x3FAA]  }
0x28: {  	s2 =	sld [smem:$0x3FAB]  }
0x29: {  	s4 =	sld [smem:$0x3FAD]  }
0x2a: {  	p0 =	seq.s32 s5, $0x0;
	s5 =	sld [smem:$0x3FAE]  }
0x2b: {  	s6 =	sld [smem:$0x3FAF]  }
0x2c: {  	s7 =	sld [smem:$0x3FB0]  }
0x2d: {  	s3 =	simm.s32 $0x108;
	s8 =	sld [smem:$0x3FB1]  }
0x2e: {  	s3 =	simm.s32 @!p0 $0x1082;
	s9 =	sld [smem:$0x3FB2]  }
0x2f: {  	lr =	sadd.s32 s0, s3;
	s0 =	sld [smem:$0x3FA9]  }
0x30: {  	s3 =	sld [smem:$0x3FAC]  }
0x31: {  	[smem:$0x3FB5] =	sst s10  }
0x32: {  	s10 =	sld [smem:$0x3FB3];
	_ =	sdelay $0x3  }
0x33: {  	p0 =	seq.s32 s10, $0x1;
	s10 =	sld [smem:$0x3FB5];
	_ =	sdelay $0x3  }
0x34: {  	[smem:$0x3FB5] =	sst s10  }
0x35: {  	s10 =	sld [smem:$0x3FB4];
	_ =	sdelay $0x3  }
0x36: {  	p1 =	seq.s32 s10, $0x1;
	s10 =	sld [smem:$0x3FB5];
	_ =	sdelay $0x3  }
0x37: {  	[smem:$0x3FB5] =	sst s10  }
0x38: {  	s10 =	sld [smem:$0x3FB6]  }
0x39: {  	_ = 	snop;
	(pc) =	sbr.ind lr, $3  }
0x3a: {  	_ = 	snop  }
0x3b: {  	_ = 	snop  }
0x3c: {  	p2 =	seq.s32 s10, $0x1;
	s10 =	sld [smem:$0x3FB5]  }
0x3d: {  	_ =	shalt  }
0x3e: {  	_ =	shalt  }
0x3f: {  	_ =	shalt  }
0x40: {  	_ =	shalt  }
0x41: {  	_ =	shalt  }
0x42: {  	_ =	shalt  }
0x43: {  	_ =	shalt  }
0x44: {  	_ =	shalt  }
0x45: {  	_ =	shalt  }
0x46: {  	_ =	shalt  }
0x47: {  	_ =	shalt  }
0x48: {  	_ =	shalt  }
0x49: {  	_ =	shalt  }
0x4a: {  	_ =	shalt  }
0x4b: {  	_ =	shalt  }
0x4c: {  	_ =	shalt  }
0x4d: {  	_ =	shalt  }
0x4e: {  	_ =	shalt  }
0x4f: {  	_ =	shalt  }
0x50: {  	_ =	shalt  }
0x51: {  	_ =	shalt  }
0x52: {  	_ =	shalt  }
0x53: {  	_ =	shalt  }
0x54: {  	_ =	shalt  }
0x55: {  	_ =	shalt  }
0x56: {  	_ =	shalt  }
0x57: {  	_ =	shalt  }
0x58: {  	_ =	shalt  }
0x59: {  	_ =	shalt  }
0x5a: {  	_ =	shalt  }
0x5b: {  	_ =	shalt  }
0x5c: {  	_ =	shalt  }
0x5d: {  	_ =	shalt  }
0x5e: {  	_ =	shalt  }
0x5f: {  	_ =	shalt  }
0x60: {  	_ =	shalt  }
0x61: {  	_ =	shalt  }
0x62: {  	_ =	shalt  }
0x63: {  	_ =	shalt  }
0x64: {  	_ =	shalt  }
0x65: {  	_ =	shalt  }
0x66: {  	_ =	shalt  }
0x67: {  	_ =	shalt  }
0x68: {  	_ =	shalt  }
0x69: {  	_ =	shalt  }
0x6a: {  	_ =	shalt  }
0x6b: {  	_ =	shalt  }
0x6c: {  	_ =	shalt  }
0x6d: {  	_ =	shalt  }
0x6e: {  	_ =	shalt  }
0x6f: {  	_ =	shalt  }
0x70: {  	_ =	shalt  }
0x71: {  	_ =	shalt  }
0x72: {  	_ =	shalt  }
0x73: {  	_ =	shalt  }
0x74: {  	_ =	shalt  }
0x75: {  	_ =	shalt  }
0x76: {  	_ =	shalt  }
0x77: {  	_ =	shalt  }
0x78: {  	_ =	shalt  }
0x79: {  	_ =	shalt  }
0x7a: {  	_ =	shalt  }
0x7b: {  	_ =	shalt  }
0x7c: {  	_ =	shalt  }
0x7d: {  	_ =	shalt  }
0x7e: {  	_ =	shalt  }
0x7f: {  	_ =	shalt  }
0x80: {  	_ =	shalt  }
0x81: {  	_ =	shalt  }
0x82: {  	_ =	shalt  }
0x83: {  	_ =	shalt  }
0x84: {  	_ =	shalt  }
0x85: {  	_ =	shalt  }
0x86: {  	_ =	shalt  }
0x87: {  	_ =	shalt  }
.Lfunc_end0:
.L_simem_size_0:
called_computation_lowered:
.L_overlay_start_0:
0x88: {  	s2 =	sld [smem:$0x3FD9]  }
0x89: {  	s3 =	sld [smem:$0x3FFE];
	_ =	sdelay $0x1  }
0x8a: {  	s1 =	srdreg.scid  }
0x8b: {  	s0 =	sand.u32 $0x1, s1  }
0x8c: {  	s16 =	sshll.u32 s0, $0xA;
	s2 =	sadd.s32 s3, s2  }
0x8d: {  	s2 =	sadd.s32 s2, s16  }
0x8e: {  	[smem:$0x3FC1] =	sst s2  }
0x8f: {  	_ = 	snop  }
0x90: {  	(tm) =	ssettm $0x1  }
0x91: {  	s17 =	sld [smem:$0x3FFB];
	_ =	sdelay $0x3  }
0x92: {  	_ =	strace s17  }
0x93: {  	s2 =	sld [smem:$0x3FFC];
	_ =	sdelay $0x3  }
0x94: {  	_ =	strace s2  }
0x95: {  	s2 =	sld [smem:$0x3FFD];
	_ =	sdelay $0x3  }
0x96: {  	_ =	strace s2  }
0x97: {  	_ =	strace $0x8FFFFFFF  }
0x98: {  	s18 =	sld [smem:$0x3FDB];
	_ =	sdelay $0x1  }
0x99: {  	s19 =	simm.s32 $_scs_section_size  }
0x9a: {  	s4 =	simm.s32 $_size__tile_overlayer_lowered;
	s5 =	simm.s32 $_tile_overlayer_lowered  }
0x9b: {  	s22 =	simm.s32 $0x1BFF;
	s21 =	sshll.u32 s5, $0x1;
	s2 =	sadd.s32 s19, s18  }
0x9c: {  	s6 =	simm.s32 $0x0;
	s20 =	sshll.u32 s4, $0x1;
	s4 =	sadd.s32 s21, s2  }
0x9d: {  	[timem:s6], [sflag:s22] =	dma.local [hbm:s4], s20  }
0x9e: {  	_ =	swait.ge [sflag:s22], s20  }
0x9f: {  	s3 =	ssub.s32 $0x0, s20;
	[sflag:s22] =	ssyncset.done $0x0  }
0xa0: {  	[sflag:s22] =	ssyncadd.s32 s3;
	_ =	sdelay $0x1  }
0xa1: {  	s23 =	simm.s32 $0x1B8B  }
0xa2: {  	_ =	swait.ge [sflag:s23], $0x1  }
0xa3: {  	[sflag:s23] =	ssyncset.done $0x0  }
0xa4: {  	s25 =	simm.s32 $0x1B8E;
	s24 =	sld [smem:$0x3FFE];
	[sflag:s23] =	ssyncadd.s32 $0xFFFFFFFF  }
0xa5: {  	s26 =	simm.s32 $execute0_lowered;
	[smem:$0x3FD2] =	sst s25  }
0xa6: {  	s4 =	sshll.u32 s26, $0x1;
	_ =	strace $0x80000046;
	[dreg:$0x1] =	wrdreg $0xFFFFFFFF  }
0xa7: {  	s28 =	simm.s32 $_size_execute0_lowered;
	s2 =	sadd.s32 s2, s4;
	[dreg:$0x0] =	wrdreg $0x0  }
0xa8: {  	s4 =	sshll.u32 s28, $0x1;
	[dreg:$0x2] =	wrdreg s2  }
0xa9: {  	[dreg:$0x3] =	wrdreg s4  }
0xaa: {  	[dreg:$0x4] =	wrdreg $0xC0  }
0xab: {  	_ =	task [dreg:s6], $0x5FFFF  }
0xac: {  	[dreg:$0x1] =	wrdreg $0xFFFFFFFF  }
0xad: {  	[dreg:$0x0] =	wrdreg $0x60  }
0xae: {  	[dreg:$0x2] =	wrdreg s24  }
0xaf: {  	[dreg:$0x3] =	wrdreg $0x68000  }
0xb0: {  	[dreg:$0x4] =	wrdreg $0x9  }
0xb1: {  	_ =	task.clear_ibuf [dreg:s6], $0x5FFFF;
	_ =	strace $0x90000046  }
0xb2: {  	s29 =	simm.s32 $0x9;
	_ =	strace $0x80000048  }
0xb3: {  	_ =	swait.ge [sflag:s29], $0x1  }
0xb4: {  	[sflag:s29] =	ssyncadd.s32 $0xFFFFFFFF  }
0xb5: {  	_ =	strace $0x90000048  }
0xb6: {  	_ =	sfence  }
0xb7: {  	s30 =	sld [smem:$0x0];
	_ =	sdelay $0x2  }
0xb8: {  	s31 =	sshll.u32 s1, $0xD;
	s1 =	sshrl.u32 s1, $0x2  }
0xb9: {  	s3 =	sand.u32 $0x4000, s31;
	s1 =	sadd.s32 s1, s30  }
0xba: {  	s0 =	sor.u32 s3, s0;
	s1 =	sshll.u32 s1, $0x11  }
0xbb: {  	s0 =	sor.u32 s1, s0  }
0xbc: {  	s0 =	sadd.s32 $0x8F2B, s0  }
0xbd: {  	[sflag:s0] =	ssyncadd.remote.s32 $0x1  }
0xbe: {  	_ =	sfence.sel $0xFFFF  }
0xbf: {  	[dreg:$0x0] =	wrdreg $0xFFFFFFFF;
	(pc) =	sbr.abs _section_cstart, $3  }
0xc0: {  	[dreg:$0x1] =	wrdreg $0xFFFFFFFF  }
0xc1: {  	_ =	task.clear_ibuf [dreg:s6], $0x2FFFF;
	_ =	strace $0x9FFFFFFF  }
0xc2: {  	(tm) =	ssettm $0x7FFFFFFF  }
0xc3: {  	_ =	shalt  }
tec
execute0_lowered:
.L_overlay_start_1:
0x0: {  	(tag) =	ssettag $0x1  }
0x1: {  	s1 =	srdreg.scid;
	s5 =	rddreg [dreg:$0x0]  }
0x2: {  	s0 =	stileid.u32;
	s2 =	rddreg [dreg:$0x1];
	s3 =	simm.s32 $0x0  }
0x3: {  	s12 =	simm.s32 $0x2800;
	s13 =	simm.s32 $0x1;
	s14 =	simm.s32 $0x0  }
0x4: {  	s4 =	sand.u32 $0x1, s1;
	s26 =	sshll.u32 s0, $0x1;
	s7 =	smul.u32 $0x14000, s0  }
0x5: {  	[smem:$0x7FF] =	sst s3;
	s28 =	smul.u32 $0x50000, s0;
	s31 =	sshll.u32 s0, $0x6  }
0x6: {  	s1 =	sor.u32 s4, s26;
	s8 =	smul.u32 $0x140000, s4;
	s4 =	ssub.s32 $0x2, s4  }
0x7: {  	s6 =	smul.u32 $0x500, s1;
	s1 =	rddreg [dreg:$0x2];
	_ =	strace $0x80000047  }
0x8: {  	s9 =	sshrl.u32 s7, $0x3;
	s29 =	sshrl.u32 s4, $0x1;
	s30 =	sshrl.u32 s28, $0x2  }
0x9: {  	s7 =	sadd.s32 s7, s8;
	s9 =	sadd.s32 s9, s5;
	s10 =	ssub.s32 s4, s29  }
0xa: {  	s11 =	sadd.s32 s30, s2;
	s6 =	sadd.s32 s6, s5;
	s7 =	sshrl.u32 s7, $0x3  }
0xb: {  	s8 =	simm.s32 $0x2;
	s7 =	sadd.s32 s7, s5;
	s4 =	sadd.s32 $0x2C00, s6  }
0xc: {  	s5 =	sadd.s32 $0xCC00, s9;
	s9 =	sor.u32 $0x1C02, s31;
	s6 =	sadd.s32 $0x34C00, s7  }
0xd: {  	v0 =	vimm.f32 $1.000000000e+00;
	s7 =	smax.u32 s10, $0x1;
	s10 =	sshrl.u32 s11, $0x3;
	s11 =	simm.s32 $0x80  }
.LBB2_1:
0xe: {  	[tilespmem:s3], [sflag:$0x2] =	stream.linear.gather [hbm4b:s4+s3], $0x2800, $0x38;
	[tilespmem:$0x1A800] =	vst v63  }
0xf: {  	_ =	swait.ge [sflag:s8], $0x2800  }
0x10: {  	[sflag:s8] =	ssyncset.done $0x0  }
0x11: {  	s15 =	simm.s32 $0x0;
	s16 =	simm.s32 $0x200;
	[sflag:s8] =	ssyncadd.s32 $0xFFFFD800  }
.LBB2_2:
0x12: {  	p0 =	sne.s32 s16, $0xFE00;
	[tilespmem:s15+$0x2870] =	vst v0  }
0x13: {  	[tilespmem:s15+$0x2800] =	vst v0  }
0x14: {  	[tilespmem:s15+$0x2810] =	vst v0  }
.Ltmp0:
0x15: {  	[tilespmem:s15+$0x2820] =	vst v0;
	(pc) =	sbr.rel @p0 .LBB2_2-.Ltmp0, $4  }
0x16: {  	[tilespmem:s15+$0x2830] =	vst v0  }
0x17: {  	[tilespmem:s15+$0x2840] =	vst v0  }
0x18: {  	[tilespmem:s15+$0x2850] =	vst v0  }
0x19: {  	[tilespmem:s15+$0x2860] =	vst v0;
	s15 =	sshra.s32 s16, $0x2;
	s16 =	sadd.s32 $0x200, s16  }
0x1a: {  	[tilespmem:s15+$0x2870] =	vst v0  }
0x1b: {  	[tilespmem:s15+$0x2800] =	vst v0  }
0x1c: {  	[tilespmem:s15+$0x2810] =	vst v0  }
0x1d: {  	[tilespmem:s15+$0x2820] =	vst v0  }
0x1e: {  	[tilespmem:s15+$0x2830] =	vst v0  }
0x1f: {  	[tilespmem:s15+$0x2840] =	vst v0  }
0x20: {  	[tilespmem:s15+$0x2850] =	vst v0  }
0x21: {  	[tilespmem:s15+$0x2860] =	vst v0  }
0x22: {  	[spmem:s10], [sflag:s9] =	dma.local [hbm:s5], $0x2800  }
0x23: {  	_ =	swait.ge [sflag:s8], $0x2800  }
0x24: {  	[sflag:s8] =	ssyncset.done $0x0  }
0x25: {  	[sflag:s8] =	ssyncadd.s32 $0xFFFFD800  }
0x26: {  	s15 =	simm.s32 $0x0;
	[bflag:$0x0] =	sbarrier.arrive $0xFFFF  }
.LBB2_4:
0x27: {  	p0 =	sne.s32 s15, $0x9E00  }
.Ltmp1:
0x28: {  	_ = 	snop;
	(pc) =	sbr.rel @p0 .LBB2_4-.Ltmp1, $3  }
0x29: {  	_ =	sdelay $0x1  }
0x2a: {  	s16 =	sshra.s32 s15, $0x2;
	s15 =	sadd.s32 $0x200, s15  }
0x2b: {  	[spmem:s2] =	stream.indirect.scatter.add.f32 [tilespmem:s12], [sflag:$0x1], $0x80, s16, s11, $0xb8;
	[tilespmem:$0x1A800] =	vst v63  }
0x2c: {  	_ =	swait.ge [sflag:s13], $0x4000  }
0x2d: {  	s15 =	simm.s32 $0x4F;
	[sflag:s13] =	ssyncset.done $0x0  }
.LBB2_6:
0x2e: {  	p0 =	sne.s32 s15, $0x1;
	s15 =	sadd.s32 $0xFFFFFFFF, s15;
	[sflag:s13] =	ssyncadd.s32 $0xFFFFC000  }
.Ltmp2:
0x2f: {  	(pc) =	sbr.rel @p0 .LBB2_6-.Ltmp2, $3  }
0x30: {  	_ =	sdelay $0x1  }
0x31: {  	_ =	swait.ge [sflag:s13], $0x4000  }
0x32: {  	[sflag:s13] =	ssyncset.done $0x0  }
0x33: {  	s14 =	sadd.s32 $0x1, s14  }
0x34: {  	[sflag:s13] =	ssyncadd.s32 $0xFFFFC000;
	p0 =	sne.s32 s14, s7  }
.Ltmp3:
0x35: {  	[bflag:$0x0] =	sbarrier.arrive $0xFFFF;
	(pc) =	sbr.rel @p0 .LBB2_1-.Ltmp3, $4  }
0x36: {  	[hbm:s6], [sflag:s9] =	dma.local [spmem:s10], $0x2800  }
0x37: {  	_ =	swait.ge [sflag:s8], $0x2800  }
0x38: {  	[sflag:s8] =	ssyncset.done $0x0  }
0x39: {  	[sflag:s8] =	ssyncadd.s32 $0xFFFFD800  }
0x3a: {  	_ =	sfence.sel $0x180000  }
0x3b: {  	[bflag:$0x0] =	sbarrier.arrive $0xFFFF  }
0x3c: {  	p0 =	sne.s32 s0, $0x0;
	_ =	strace $0x90000047  }
0x3d: {  	s0 =	sadd.s32 @!p0 $0x100000, s1;
	[bflag:$0x2] =	sbarrier.arrive $0xFFFF  }
0x3e: {  	[sflag:s0] =	ssyncadd.tile.s32 @!p0 $0x1;
	_ =	shalt  }
.Lfunc_end2:
_tile_overlayer_lowered:
.L_overlay_start_2:
0x3f: {  	(tag) =	ssettag $0x2  }
0x40: {  	s0 =	rddreg [dreg:$0x0];
	s2 =	stileid.u32  }
0x41: {  	s1 =	rddreg [dreg:$0x1];
	p0 =	sne.s32 s2, $0x0  }
0x42: {  	s3 =	rddreg [dreg:$0x2];
	[bflag:$0x3] =	sbarrier.arrive $0xFFFF;
	s2 =	simm.s32 @!p0 $0x1C02  }
0x43: {  	[timem:s3], [sflag:s2] =	dma.local @!p0 [hbm:s0], s1  }
0x44: {  	s0 =	simm.s32 @!p0 $0x2  }
0x45: {  	_ =	swait.ge @!p0 [sflag:s0], s1  }
0x46: {  	s1 =	ssub.s32 @!p0 $0x0, s1;
	[sflag:s0] =	ssyncset.done @!p0 $0x0  }
0x47: {  	[sflag:s0] =	ssyncadd.s32 @!p0 s1  }
0x48: {  	[bflag:$0x3] =	sbarrier.arrive $0xFFFF  }
0x49: {  	_ =	shalt  }

</sc_bundles>
